<compile_context>
chip_gen: v7x
topology: tpu7x:2x2x1
jax: 0.10.2.dev20260603
libtpu: 0.0.44.dev20260713+nightly
codegen_flags: <defaults>
</compile_context>

<pallas_src>
import jax
import jax.numpy as jnp
from jax import lax
from jax.experimental import pallas as pl
from jax.experimental.pallas import tpu as pltpu
from jax.experimental.pallas import tpu_sc as plsc

NC = 2
NS = 16
NW = NC * NS
LANES = 16
CH = 125


def _acc_slices(n):
  rpt = (n // (8 * NS)) * 8
  tail = n - rpt * NS
  assert tail % 8 == 0 and tail <= CH
  return rpt, tail


def _zero_rows(buf, rows, width):
  zero16 = jnp.zeros((LANES,), jnp.float32)

  def zrow(i, _):
    for k in range(width // LANES):
      buf[i, pl.ds(k * LANES, LANES)] = zero16
    return 0

  lax.fori_loop(0, rows, zrow, 0)


def _spread_zero(zbuf, sh, s, n, rpt, tail):
  base = s * rpt
  zch = (CH // 8) * 8
  full, rem = rpt // zch, rpt % zch
  for k in range(full):
    pltpu.sync_copy(zbuf.at[pl.ds(0, zch)], sh.at[pl.ds(base + k * zch, zch)])
  if rem:
    pltpu.sync_copy(zbuf.at[pl.ds(0, rem)],
                    sh.at[pl.ds(base + full * zch, rem)])
  if tail:
    @pl.when(s == NS - 1)
    def _():
      pltpu.sync_copy(zbuf.at[pl.ds(0, tail)], sh.at[pl.ds(n - tail, tail)])


def _writeback(sh, hbm, c, s, n, rpt, tail):
  base = s * rpt
  pltpu.sync_copy(sh.at[pl.ds(base, rpt)], hbm.at[c, pl.ds(base, rpt)])
  if tail:
    @pl.when(s == NS - 1)
    def _():
      pltpu.sync_copy(sh.at[pl.ds(n - tail, tail)],
                      hbm.at[c, pl.ds(n - tail, tail)])


def _make_seg_sum(n, d, steps):
  rpt, tail = _acc_slices(n)
  mesh = plsc.VectorSubcoreMesh(core_axis_name="c", subcore_axis_name="s")
  scratch = [
      pltpu.VMEM((1, CH), jnp.int32),
      pltpu.VMEM((1, CH), jnp.int32),
      pltpu.VMEM((1, CH), jnp.int32),
      pltpu.VMEM((1, CH), jnp.int32),
      pltpu.VMEM((2, CH, d), jnp.float32),
      pltpu.SemaphoreType.DMA,
      pltpu.SemaphoreType.DMA,
      pltpu.SemaphoreType.DMA,
      pltpu.SemaphoreType.DMA,
      pltpu.VMEM_SHARED((n, d), jnp.float32),
  ]

  def body(h_hbm, src_hbm, dst_hbm, p_hbm, src0, src1, dst0, dst1, rows,
           si0, si1, sg0, sg1, acc_sh):
    c = lax.axis_index("c")
    s = lax.axis_index("s")
    wid = c * NS + s
    srcs = (src0, src1)
    dsts = (dst0, dst1)
    sis = (si0, si1)
    sgs = (sg0, sg1)

    _zero_rows(rows.at[0], CH, d)
    _spread_zero(rows.at[0], acc_sh, s, n, rpt, tail)

    def start_idx(j, sl):
      pltpu.async_copy(src_hbm.at[wid, j], srcs[sl], sis[sl])
      pltpu.async_copy(dst_hbm.at[wid, j], dsts[sl], sis[sl])

    def wait_idx(sl):
      pltpu.make_async_copy(src_hbm.at[wid, 0], srcs[sl], sis[sl]).wait()
      pltpu.make_async_copy(dst_hbm.at[wid, 0], dsts[sl], sis[sl]).wait()

    def start_gather(sl):
      pltpu.async_copy(h_hbm.at[srcs[sl].at[0]], rows.at[sl], sgs[sl])

    def wait_gather(sl):
      pltpu.make_async_copy(h_hbm.at[srcs[sl].at[0]], rows.at[sl],
                            sgs[sl]).wait()

    def scatter(sl):
      pltpu.sync_copy(rows.at[sl], acc_sh.at[dsts[sl].at[0]], add=True)

    plsc.subcore_barrier()

    start_idx(0, 0)
    start_idx(1, 1)
    wait_idx(0)
    start_gather(0)

    def pair(t, _):
      j2 = 2 * t + 2
      j3 = 2 * t + 3
      wait_gather(0)
      wait_idx(1)
      start_gather(1)
      scatter(0)

      @pl.when(j2 < steps)
      def _():
        start_idx(j2, 0)
      wait_gather(1)

      @pl.when(j2 < steps)
      def _():
        wait_idx(0)
        start_gather(0)
      scatter(1)

      @pl.when(j3 < steps)
      def _():
        start_idx(j3, 1)
      return 0

    lax.fori_loop(0, steps // 2, pair, 0)
    if steps % 2:
      wait_gather(0)
      scatter(0)

    plsc.subcore_barrier()
    _writeback(acc_sh, p_hbm, c, s, n, rpt, tail)

  return pl.kernel(body, out_type=jax.ShapeDtypeStruct((NC, n, d),
                                                       jnp.float32),
                   mesh=mesh, scratch_types=scratch)


def _make_counts(n, steps):
  fr = -(-n // 128)
  fr = -(-fr // 8) * 8
  cw = 128
  mesh = plsc.VectorSubcoreMesh(core_axis_name="c", subcore_axis_name="s")
  scratch = [
      pltpu.VMEM((1, cw), jnp.int32),
      pltpu.VMEM((1, cw), jnp.int32),
      pltpu.VMEM((fr, 128), jnp.float32),
      pltpu.VMEM((1, fr), jnp.int32),
      pltpu.SemaphoreType.DMA,
      pltpu.SemaphoreType.DMA,
      pltpu.VMEM_SHARED((fr, 128), jnp.float32),
  ]

  def body(dst_hbm, cnt_hbm, dst0, dst1, loc, iota_v, si0, si1, cnt_sh):
    c = lax.axis_index("c")
    s = lax.axis_index("s")
    wid = c * NS + s
    dsts = (dst0, dst1)
    sis = (si0, si1)

    _zero_rows(loc, fr, 128)

    @pl.when(s == 0)
    def _():
      pltpu.sync_copy(loc, cnt_sh)
    iota16 = lax.iota(jnp.int32, LANES)
    for k in range(fr // LANES):
      iota_v[0, pl.ds(k * LANES, LANES)] = iota16 + (LANES * k)
    ones16 = jnp.full((LANES,), 1.0, jnp.float32)

    def start_idx(j, sl):
      pltpu.async_copy(dst_hbm.at[wid, j], dsts[sl], sis[sl])

    def wait_idx(sl):
      pltpu.make_async_copy(dst_hbm.at[wid, 0], dsts[sl], sis[sl]).wait()

    def count(sl):
      b = dsts[sl]
      for m in range(cw // LANES):
        v = b[0, pl.ds(m * LANES, LANES)]
        r = lax.shift_right_logical(v, 7)
        cc = lax.bitwise_and(v, 127)
        plsc.addupdate_scatter(loc, [r, cc], ones16)

    plsc.subcore_barrier()
    start_idx(0, 0)
    start_idx(1, 1)

    def pair(t, _):
      j2 = 2 * t + 2
      j3 = 2 * t + 3
      wait_idx(0)
      count(0)

      @pl.when(j2 < steps)
      def _():
        start_idx(j2, 0)
      wait_idx(1)
      count(1)

      @pl.when(j3 < steps)
      def _():
        start_idx(j3, 1)
      return 0

    lax.fori_loop(0, steps // 2, pair, 0)
    if steps % 2:
      wait_idx(0)
      count(0)

    pltpu.sync_copy(loc, cnt_sh.at[iota_v.at[0]], add=True)
    plsc.subcore_barrier()

    @pl.when(s == 0)
    def _():
      pltpu.sync_copy(cnt_sh, cnt_hbm.at[c])

  return pl.kernel(
      body,
      out_type=jax.ShapeDtypeStruct((NC, fr, 128), jnp.float32),
      mesh=mesh, scratch_types=scratch,
      compiler_params=pltpu.CompilerParams(needs_layout_passes=False))


def _make_inv(n):
  fr = -(-n // 128)
  fr = -(-fr // 8) * 8

  def body(cnt_ref, o_ref):
    o_ref[...] = 1.0 / jnp.maximum(cnt_ref[0] + cnt_ref[1], 1.0)

  return pl.pallas_call(
      body,
      grid=(1,),
      in_specs=[pl.BlockSpec((NC, fr, 128), lambda i: (0, 0, 0))],
      out_specs=pl.BlockSpec((fr, 128), lambda i: (0, 0)),
      out_shape=jax.ShapeDtypeStruct((fr, 128), jnp.float32),
  )


def _make_tc_layer(n, d, relu_bn, residual, blk=1000):
  grid = n // blk
  bnscale = 1.0 / float(1.0 + 1e-5) ** 0.5

  def body(*refs):
    if residual:
      p_ref, cnt_ref, h_ref, wl_ref, wr_ref, b_ref, g_ref, be_ref, r_ref, \
          o_ref = refs
    elif relu_bn:
      p_ref, cnt_ref, h_ref, wl_ref, wr_ref, b_ref, g_ref, be_ref, o_ref = \
          refs
    else:
      p_ref, cnt_ref, h_ref, wl_ref, wr_ref, b_ref, o_ref = refs
    agg = (p_ref[0] + p_ref[1]) * cnt_ref[...]
    y = (jnp.dot(agg, wl_ref[...], preferred_element_type=jnp.float32)
         + b_ref[...]
         + jnp.dot(h_ref[...], wr_ref[...],
                   preferred_element_type=jnp.float32))
    if relu_bn:
      y = jnp.maximum(y, 0.0)
      y = y * (g_ref[...] * bnscale) + be_ref[...]
    if residual:
      y = y + r_ref[...]
    o_ref[...] = y

  w_spec = pl.BlockSpec((d, d), lambda i: (0, 0))
  vec_spec = pl.BlockSpec((1, d), lambda i: (0, 0))
  in_specs = [
      pl.BlockSpec((NC, blk, d), lambda i: (0, i, 0)),
      pl.BlockSpec((blk, 1), lambda i: (i, 0)),
      pl.BlockSpec((blk, d), lambda i: (i, 0)),
      w_spec, w_spec, vec_spec,
  ]
  if relu_bn:
    in_specs += [vec_spec, vec_spec]
  if residual:
    in_specs.append(pl.BlockSpec((blk, d), lambda i: (i, 0)))

  return pl.pallas_call(
      body,
      grid=(grid,),
      in_specs=in_specs,
      out_specs=pl.BlockSpec((blk, d), lambda i: (i, 0)),
      out_shape=jax.ShapeDtypeStruct((n, d), jnp.float32),
  )


def kernel(x, edge_index, w1l, b1l, w1r, w2l, b2l, w2r, w3l, b3l, w3r,
           g1, be1, g2, be2):
  n, d = x.shape
  e = edge_index.shape[1]
  steps = e // (NW * CH)
  src3d = edge_index[0].reshape(NW, steps, 1, CH)
  dst3d = edge_index[1].reshape(NW, steps, 1, CH)

  seg = _make_seg_sum(n, d, steps)
  counts = _make_counts(n, steps)
  tc_rb = _make_tc_layer(n, d, True, False)
  tc_res = _make_tc_layer(n, d, True, True)
  tc_plain = _make_tc_layer(n, d, False, False)

  dstp = jnp.pad(dst3d, ((0, 0), (0, 0), (0, 0), (0, 128 - CH)),
                 constant_values=n)
  cntf = counts(dstp)
  inv = _make_inv(n)(cntf).reshape(-1)[:n].reshape(n, 1)
  p = seg(x, src3d, dst3d)
  x1 = tc_rb(p, inv, x, w1l.T, w1r.T, b1l.reshape(1, d),
             g1.reshape(1, d), be1.reshape(1, d))
  p = seg(x1, src3d, dst3d)
  x2 = tc_res(p, inv, x1, w2l.T, w2r.T, b2l.reshape(1, d),
              g2.reshape(1, d), be2.reshape(1, d), x1)
  p = seg(x2, src3d, dst3d)
  x3 = tc_plain(p, inv, x2, w3l.T, w3r.T, b3l.reshape(1, d))
  return x3

# --- scband reference (transcript-rebuilt; emitter-appended) ---
"""Pipeline reference for scband-improved-gnnencoder-59837484368530 (READ-ONLY COPY).

The authoritative reference and input builder live on the scoring server;
editing this copy changes nothing except your own understanding.
"""

import jax, jax.numpy as jnp
import numpy as np

N = 10000
E = 320000
D_IN = 128
D_H = 128
D_OUT = 128


def setup_inputs(seed: int = 0) -> dict:
    key = jax.random.key(seed)
    ks = jax.random.split(key, 16)
    x = jax.random.normal(ks[0], (N, D_IN), dtype=jnp.float32)
    edge_index = jax.random.randint(ks[1], (2, E), 0, N, dtype=jnp.int32)
    s_in = 1.0 / np.sqrt(D_IN)
    s_h = 1.0 / np.sqrt(D_H)
    # SAGEConv1: in -> hidden
    w1l = jax.random.normal(ks[2], (D_H, D_IN), dtype=jnp.float32) * s_in
    b1l = jnp.zeros((D_H,), dtype=jnp.float32)
    w1r = jax.random.normal(ks[3], (D_H, D_IN), dtype=jnp.float32) * s_in
    # SAGEConv2: hidden -> hidden
    w2l = jax.random.normal(ks[4], (D_H, D_H), dtype=jnp.float32) * s_h
    b2l = jnp.zeros((D_H,), dtype=jnp.float32)
    w2r = jax.random.normal(ks[5], (D_H, D_H), dtype=jnp.float32) * s_h
    # SAGEConv3: hidden -> out
    w3l = jax.random.normal(ks[6], (D_OUT, D_H), dtype=jnp.float32) * s_h
    b3l = jnp.zeros((D_OUT,), dtype=jnp.float32)
    w3r = jax.random.normal(ks[7], (D_OUT, D_H), dtype=jnp.float32) * s_h
    # BatchNorm params (eval mode: running_mean=0, running_var=1)
    g1 = jnp.ones((D_H,), dtype=jnp.float32)
    be1 = jnp.zeros((D_H,), dtype=jnp.float32)
    g2 = jnp.ones((D_H,), dtype=jnp.float32)
    be2 = jnp.zeros((D_H,), dtype=jnp.float32)
    return {"x": x, "edge_index": edge_index,
            "w1l": w1l, "b1l": b1l, "w1r": w1r,
            "w2l": w2l, "b2l": b2l, "w2r": w2r,
            "w3l": w3l, "b3l": b3l, "w3r": w3r,
            "g1": g1, "be1": be1, "g2": g2, "be2": be2}


def _sage_conv(x, src, dst, w_l, b_l, w_r, n_nodes):
    # PyG SAGEConv with mean aggregation:
    # out = lin_l(mean_j x_j) + lin_r(x)
    msgs = jnp.take(x, src, axis=0)
    agg = jax.ops.segment_sum(msgs, dst, num_segments=n_nodes)
    cnt = jax.ops.segment_sum(jnp.ones((src.shape[0],), dtype=x.dtype), dst, num_segments=n_nodes)
    agg = agg / jnp.clip(cnt, 1.0, None)[:, None]
    return agg @ w_l.T + b_l + x @ w_r.T


def _bn_eval(x, gamma, beta, eps=1e-5):
    # running_mean=0, running_var=1 (freshly initialized BN, eval mode)
    return x * (gamma / jnp.sqrt(1.0 + eps)) + beta


def reference(x, edge_index, w1l, b1l, w1r, w2l, b2l, w2r, w3l, b3l, w3r, g1, be1, g2, be2):
    n_nodes = x.shape[0]
    src = edge_index[0]
    dst = edge_index[1]
    x1 = _sage_conv(x, src, dst, w1l, b1l, w1r, n_nodes)
    x1 = jax.nn.relu(x1)
    x1 = _bn_eval(x1, g1, be1)
    # dropout: identity in eval mode
    x2 = _sage_conv(x1, src, dst, w2l, b2l, w2r, n_nodes)
    x2 = jax.nn.relu(x2)
    x2 = _bn_eval(x2, g2, be2)
    # residual connection (shapes match: hidden == hidden)
    x2 = x2 + x1
    x3 = _sage_conv(x2, src, dst, w3l, b3l, w3r, n_nodes)
    return x3

if __name__ == "__main__":
    import jax
    _d = setup_inputs()
    print(jax.jit(kernel)(*tuple(_d.values())))

</pallas_src>

<mosaic_0001>
#map = affine_map<(d0, d1) -> (0, 0, 0, 0)>
#map1 = affine_map<(d0, d1) -> (0, 0, 0)>
module attributes {stable_mosaic.version = 14 : i64} {
  func.func @body(%arg0: i32, %arg1: i32, %arg2: memref<32x80x1x128xi32, #tpu.memory_space<hbm>>, %arg3: memref<2x80x128xf32, #tpu.memory_space<hbm>>, %arg4: memref<1x128xi32, #tpu.memory_space<vmem>>, %arg5: memref<1x128xi32, #tpu.memory_space<vmem>>, %arg6: memref<80x128xf32, #tpu.memory_space<vmem>>, %arg7: memref<1x80xi32, #tpu.memory_space<vmem>>, %arg8: memref<!tpu.dma_semaphore, #tpu.memory_space<semaphore_mem>>, %arg9: memref<!tpu.dma_semaphore, #tpu.memory_space<semaphore_mem>>, %arg10: memref<80x128xf32, #tpu.memory_space<vmem_shared>>) attributes {dimension_semantics = [#tpu.dimension_semantics<core_parallel>, #tpu.dimension_semantics<subcore_parallel>], iteration_bounds = array<i64: 2, 16>, scalar_prefetch = 0 : i64, scratch_operands = 7 : i64, tpu.core_type = #tpu.core_type<sc_vector_subcore>, window_params = [{transform_indices = #map}, {transform_indices = #map1}]} {
    %mul3A = arith.constant 16 : i32
    %mul3A_0 = arith.muli %arg0, %mul3A : i32
    %add3A = arith.addi %mul3A_0, %arg1 : i32
    %broadcast_in_dim3A = arith.constant 0.000000e+00 : f32
    %broadcast_in_dim3A_1 = vector.broadcast %broadcast_in_dim3A : f32 to vector<16xf32>
    %scan3A = arith.constant 0 : i32
    %scan3A_2 = arith.constant 0 : i32
    %scan3A_3 = arith.constant 80 : i32
    %scan3A_4 = arith.addi %scan3A_2, %scan3A_3 : i32
    %scan3A_5 = arith.constant 1 : i32
    %scan3A_6 = scf.for %scan3A_76 = %scan3A_2 to %scan3A_4 step %scan3A_5 iter_args(%scan3A_77 = %scan3A) -> (i32)  : i32 {
      %swap3A_78 = arith.index_cast %scan3A_76 : i32 to index
      %swap3A_79 = arith.constant 0 : index
      %swap3A_80 = tpu.vector_load %arg6[%swap3A_78, %swap3A_79] {strides = array<i32>} : memref<80x128xf32, #tpu.memory_space<vmem>>, vector<16xf32>,
      tpu.vector_store %arg6[%swap3A_78, %swap3A_79], %broadcast_in_dim3A_1 {strides = array<i32>} : memref<80x128xf32, #tpu.memory_space<vmem>>, vector<16xf32>,
      %swap3A_81 = arith.index_cast %scan3A_76 : i32 to index
      %swap3A_82 = arith.constant 16 : index
      %swap3A_83 = tpu.vector_load %arg6[%swap3A_81, %swap3A_82] {strides = array<i32>} : memref<80x128xf32, #tpu.memory_space<vmem>>, vector<16xf32>,
      tpu.vector_store %arg6[%swap3A_81, %swap3A_82], %broadcast_in_dim3A_1 {strides = array<i32>} : memref<80x128xf32, #tpu.memory_space<vmem>>, vector<16xf32>,
      %swap3A_84 = arith.index_cast %scan3A_76 : i32 to index
      %swap3A_85 = arith.constant 32 : index
      %swap3A_86 = tpu.vector_load %arg6[%swap3A_84, %swap3A_85] {strides = array<i32>} : memref<80x128xf32, #tpu.memory_space<vmem>>, vector<16xf32>,
      tpu.vector_store %arg6[%swap3A_84, %swap3A_85], %broadcast_in_dim3A_1 {strides = array<i32>} : memref<80x128xf32, #tpu.memory_space<vmem>>, vector<16xf32>,
      %swap3A_87 = arith.index_cast %scan3A_76 : i32 to index
      %swap3A_88 = arith.constant 48 : index
      %swap3A_89 = tpu.vector_load %arg6[%swap3A_87, %swap3A_88] {strides = array<i32>} : memref<80x128xf32, #tpu.memory_space<vmem>>, vector<16xf32>,
      tpu.vector_store %arg6[%swap3A_87, %swap3A_88], %broadcast_in_dim3A_1 {strides = array<i32>} : memref<80x128xf32, #tpu.memory_space<vmem>>, vector<16xf32>,
      %swap3A_90 = arith.index_cast %scan3A_76 : i32 to index
      %swap3A_91 = arith.constant 64 : index
      %swap3A_92 = tpu.vector_load %arg6[%swap3A_90, %swap3A_91] {strides = array<i32>} : memref<80x128xf32, #tpu.memory_space<vmem>>, vector<16xf32>,
      tpu.vector_store %arg6[%swap3A_90, %swap3A_91], %broadcast_in_dim3A_1 {strides = array<i32>} : memref<80x128xf32, #tpu.memory_space<vmem>>, vector<16xf32>,
      %swap3A_93 = arith.index_cast %scan3A_76 : i32 to index
      %swap3A_94 = arith.constant 80 : index
      %swap3A_95 = tpu.vector_load %arg6[%swap3A_93, %swap3A_94] {strides = array<i32>} : memref<80x128xf32, #tpu.memory_space<vmem>>, vector<16xf32>,
      tpu.vector_store %arg6[%swap3A_93, %swap3A_94], %broadcast_in_dim3A_1 {strides = array<i32>} : memref<80x128xf32, #tpu.memory_space<vmem>>, vector<16xf32>,
      %swap3A_96 = arith.index_cast %scan3A_76 : i32 to index
      %swap3A_97 = arith.constant 96 : index
      %swap3A_98 = tpu.vector_load %arg6[%swap3A_96, %swap3A_97] {strides = array<i32>} : memref<80x128xf32, #tpu.memory_space<vmem>>, vector<16xf32>,
      tpu.vector_store %arg6[%swap3A_96, %swap3A_97], %broadcast_in_dim3A_1 {strides = array<i32>} : memref<80x128xf32, #tpu.memory_space<vmem>>, vector<16xf32>,
      %swap3A_99 = arith.index_cast %scan3A_76 : i32 to index
      %swap3A_100 = arith.constant 112 : index
      %swap3A_101 = tpu.vector_load %arg6[%swap3A_99, %swap3A_100] {strides = array<i32>} : memref<80x128xf32, #tpu.memory_space<vmem>>, vector<16xf32>,
      tpu.vector_store %arg6[%swap3A_99, %swap3A_100], %broadcast_in_dim3A_1 {strides = array<i32>} : memref<80x128xf32, #tpu.memory_space<vmem>>, vector<16xf32>,
      %scan3A_102 = arith.constant 0 : i32
      scf.yield %scan3A_102 : i32
    }
    %scan3A_7 = arith.constant 80 : i32
    %eq3A = arith.constant 0 : i32
    %eq3A_8 = arith.cmpi eq, %arg1, %eq3A : i32
    %convert_element_type3A = arith.extui %eq3A_8 : i1 to i32
    %cond3A = arith.constant 0 : i32
    %cond3A_9 = arith.cmpi ne, %convert_element_type3A, %cond3A : i32
    scf.if %cond3A_9 {
      "tpu.region"() ({
        %run_scoped3A_76 = tpu.sem_alloc : memref<!tpu.dma_semaphore, #tpu.memory_space<semaphore_mem>>
        tpu.enqueue_dma source(%arg6 : memref<80x128xf32, #tpu.memory_space<vmem>>) target(%arg10 : memref<80x128xf32, #tpu.memory_space<vmem_shared>>) target_semaphore(%run_scoped3A_76 : memref<!tpu.dma_semaphore, #tpu.memory_space<semaphore_mem>>)
        tpu.wait_dma2 semaphore(%run_scoped3A_76 : memref<!tpu.dma_semaphore, #tpu.memory_space<semaphore_mem>>) src(%arg6 : memref<80x128xf32, #tpu.memory_space<vmem>>) dst(%arg10 : memref<80x128xf32, #tpu.memory_space<vmem_shared>>)
        tpu.yield
      }) : () -> ()
    } else {
    }
    %iota3A = tpu.iota {dimensions = array<i32: 0>} : vector<16xi32>
    %add3A_10 = arith.constant 0 : i32
    %add3A_11 = vector.broadcast %add3A_10 : i32 to vector<16xi32>
    %add3A_12 = arith.addi %iota3A, %add3A_11 : vector<16xi32>
    %swap3A = arith.constant 0 : i32
    %swap3A_13 = arith.index_cast %swap3A : i32 to index
    %swap3A_14 = arith.constant 0 : index
    %swap3A_15 = tpu.vector_load %arg7[%swap3A_13, %swap3A_14] {strides = array<i32>} : memref<1x80xi32, #tpu.memory_space<vmem>>, vector<16xi32>,
    tpu.vector_store %arg7[%swap3A_13, %swap3A_14], %add3A_12 {strides = array<i32>} : memref<1x80xi32, #tpu.memory_space<vmem>>, vector<16xi32>,
    %add3A_16 = arith.constant 16 : i32
    %add3A_17 = vector.broadcast %add3A_16 : i32 to vector<16xi32>
    %add3A_18 = arith.addi %iota3A, %add3A_17 : vector<16xi32>
    %swap3A_19 = arith.constant 0 : i32
    %swap3A_20 = arith.index_cast %swap3A_19 : i32 to index
    %swap3A_21 = arith.constant 16 : index
    %swap3A_22 = tpu.vector_load %arg7[%swap3A_20, %swap3A_21] {strides = array<i32>} : memref<1x80xi32, #tpu.memory_space<vmem>>, vector<16xi32>,
    tpu.vector_store %arg7[%swap3A_20, %swap3A_21], %add3A_18 {strides = array<i32>} : memref<1x80xi32, #tpu.memory_space<vmem>>, vector<16xi32>,
    %add3A_23 = arith.constant 32 : i32
    %add3A_24 = vector.broadcast %add3A_23 : i32 to vector<16xi32>
    %add3A_25 = arith.addi %iota3A, %add3A_24 : vector<16xi32>
    %swap3A_26 = arith.constant 0 : i32
    %swap3A_27 = arith.index_cast %swap3A_26 : i32 to index
    %swap3A_28 = arith.constant 32 : index
    %swap3A_29 = tpu.vector_load %arg7[%swap3A_27, %swap3A_28] {strides = array<i32>} : memref<1x80xi32, #tpu.memory_space<vmem>>, vector<16xi32>,
    tpu.vector_store %arg7[%swap3A_27, %swap3A_28], %add3A_25 {strides = array<i32>} : memref<1x80xi32, #tpu.memory_space<vmem>>, vector<16xi32>,
    %add3A_30 = arith.constant 48 : i32
    %add3A_31 = vector.broadcast %add3A_30 : i32 to vector<16xi32>
    %add3A_32 = arith.addi %iota3A, %add3A_31 : vector<16xi32>
    %swap3A_33 = arith.constant 0 : i32
    %swap3A_34 = arith.index_cast %swap3A_33 : i32 to index
    %swap3A_35 = arith.constant 48 : index
    %swap3A_36 = tpu.vector_load %arg7[%swap3A_34, %swap3A_35] {strides = array<i32>} : memref<1x80xi32, #tpu.memory_space<vmem>>, vector<16xi32>,
    tpu.vector_store %arg7[%swap3A_34, %swap3A_35], %add3A_32 {strides = array<i32>} : memref<1x80xi32, #tpu.memory_space<vmem>>, vector<16xi32>,
    %add3A_37 = arith.constant 64 : i32
    %add3A_38 = vector.broadcast %add3A_37 : i32 to vector<16xi32>
    %add3A_39 = arith.addi %iota3A, %add3A_38 : vector<16xi32>
    %swap3A_40 = arith.constant 0 : i32
    %swap3A_41 = arith.index_cast %swap3A_40 : i32 to index
    %swap3A_42 = arith.constant 64 : index
    %swap3A_43 = tpu.vector_load %arg7[%swap3A_41, %swap3A_42] {strides = array<i32>} : memref<1x80xi32, #tpu.memory_space<vmem>>, vector<16xi32>,
    tpu.vector_store %arg7[%swap3A_41, %swap3A_42], %add3A_39 {strides = array<i32>} : memref<1x80xi32, #tpu.memory_space<vmem>>, vector<16xi32>,
    %broadcast_in_dim3A_44 = arith.constant 1.000000e+00 : f32
    %broadcast_in_dim3A_45 = vector.broadcast %broadcast_in_dim3A_44 : f32 to vector<16xf32>
    %barrier3A = arith.constant 0 : index
    tpu.barrier barrier_id(%barrier3A)
    %dma_start3A = arith.constant 0 : i32
    %dma_start3A_46 = arith.constant 0 : i32
    %dma_start3A_47 = arith.constant 0 : i32
    %dma_start3A_48 = tpu.memref_slice %arg2[%add3A, %dma_start3A, %dma_start3A_46, %dma_start3A_47] : memref<32x80x1x128xi32, #tpu.memory_space<hbm>> -> memref<1x1x1x128xi32, #tpu.memory_space<hbm>>
    %dma_start3A_49 = tpu.memref_squeeze %dma_start3A_48 : memref<1x1x1x128xi32, #tpu.memory_space<hbm>> -> memref<1x128xi32, #tpu.memory_space<hbm>>
    %dma_start3A_50 = arith.constant 0 : i32
    %dma_start3A_51 = arith.constant 0 : i32
    %dma_start3A_52 = tpu.memref_slice %arg2[%add3A, %dma_start3A, %dma_start3A_50, %dma_start3A_51] : memref<32x80x1x128xi32, #tpu.memory_space<hbm>> -> memref<1x1x1x128xi32, #tpu.memory_space<hbm>>
    %dma_start3A_53 = tpu.memref_squeeze %dma_start3A_52 : memref<1x1x1x128xi32, #tpu.memory_space<hbm>> -> memref<1x128xi32, #tpu.memory_space<hbm>>
    tpu.enqueue_dma source(%dma_start3A_53 : memref<1x128xi32, #tpu.memory_space<hbm>>) target(%arg4 : memref<1x128xi32, #tpu.memory_space<vmem>>) target_semaphore(%arg8 : memref<!tpu.dma_semaphore, #tpu.memory_space<semaphore_mem>>)
    %dma_start3A_54 = arith.constant 1 : i32
    %dma_start3A_55 = arith.constant 0 : i32
    %dma_start3A_56 = arith.constant 0 : i32
    %dma_start3A_57 = tpu.memref_slice %arg2[%add3A, %dma_start3A_54, %dma_start3A_55, %dma_start3A_56] : memref<32x80x1x128xi32, #tpu.memory_space<hbm>> -> memref<1x1x1x128xi32, #tpu.memory_space<hbm>>
    %dma_start3A_58 = tpu.memref_squeeze %dma_start3A_57 : memref<1x1x1x128xi32, #tpu.memory_space<hbm>> -> memref<1x128xi32, #tpu.memory_space<hbm>>
    %dma_start3A_59 = arith.constant 0 : i32
    %dma_start3A_60 = arith.constant 0 : i32
    %dma_start3A_61 = tpu.memref_slice %arg2[%add3A, %dma_start3A_54, %dma_start3A_59, %dma_start3A_60] : memref<32x80x1x128xi32, #tpu.memory_space<hbm>> -> memref<1x1x1x128xi32, #tpu.memory_space<hbm>>
    %dma_start3A_62 = tpu.memref_squeeze %dma_start3A_61 : memref<1x1x1x128xi32, #tpu.memory_space<hbm>> -> memref<1x128xi32, #tpu.memory_space<hbm>>
    tpu.enqueue_dma source(%dma_start3A_62 : memref<1x128xi32, #tpu.memory_space<hbm>>) target(%arg5 : memref<1x128xi32, #tpu.memory_space<vmem>>) target_semaphore(%arg9 : memref<!tpu.dma_semaphore, #tpu.memory_space<semaphore_mem>>)
    %scan3A_63 = arith.constant 0 : i32
    %scan3A_64 = arith.constant 0 : i32
    %scan3A_65 = arith.constant 40 : i32
    %scan3A_66 = arith.addi %scan3A_64, %scan3A_65 : i32
    %scan3A_67 = arith.constant 1 : i32
    %scan3A_68 = scf.for %scan3A_76 = %scan3A_64 to %scan3A_66 step %scan3A_67 iter_args(%scan3A_77 = %scan3A_63) -> (i32)  : i32 {
      %mul3A_78 = arith.constant 2 : i32
      %mul3A_79 = arith.muli %mul3A_78, %scan3A_76 : i32
      %add3A_80 = arith.constant 2 : i32
      %add3A_81 = arith.addi %mul3A_79, %add3A_80 : i32
      %mul3A_82 = arith.constant 2 : i32
      %mul3A_83 = arith.muli %mul3A_82, %scan3A_76 : i32
      %add3A_84 = arith.constant 3 : i32
      %add3A_85 = arith.addi %mul3A_83, %add3A_84 : i32
      %dma_wait3A = arith.constant 0 : i32
      %dma_wait3A_86 = arith.constant 0 : i32
      %dma_wait3A_87 = arith.constant 0 : i32
      %dma_wait3A_88 = tpu.memref_slice %arg2[%add3A, %dma_wait3A, %dma_wait3A_86, %dma_wait3A_87] : memref<32x80x1x128xi32, #tpu.memory_space<hbm>> -> memref<1x1x1x128xi32, #tpu.memory_space<hbm>>
      %dma_wait3A_89 = tpu.memref_squeeze %dma_wait3A_88 : memref<1x1x1x128xi32, #tpu.memory_space<hbm>> -> memref<1x128xi32, #tpu.memory_space<hbm>>
      %dma_wait3A_90 = arith.constant 0 : i32
      %dma_wait3A_91 = arith.constant 0 : i32
      %dma_wait3A_92 = tpu.memref_slice %arg2[%add3A, %dma_wait3A, %dma_wait3A_90, %dma_wait3A_91] : memref<32x80x1x128xi32, #tpu.memory_space<hbm>> -> memref<1x1x1x128xi32, #tpu.memory_space<hbm>>
      %dma_wait3A_93 = tpu.memref_squeeze %dma_wait3A_92 : memref<1x1x1x128xi32, #tpu.memory_space<hbm>> -> memref<1x128xi32, #tpu.memory_space<hbm>>
      tpu.wait_dma2 semaphore(%arg8 : memref<!tpu.dma_semaphore, #tpu.memory_space<semaphore_mem>>) src(%dma_wait3A_93 : memref<1x128xi32, #tpu.memory_space<hbm>>) dst(%arg4 : memref<1x128xi32, #tpu.memory_space<vmem>>)
      %get3A = arith.constant 0 : i32
      %get3A_94 = arith.index_cast %get3A : i32 to index
      %get3A_95 = arith.constant 0 : index
      %get3A_96 = tpu.vector_load %arg4[%get3A_94, %get3A_95] {strides = array<i32>} : memref<1x128xi32, #tpu.memory_space<vmem>>, vector<16xi32>,
      %shift_right_logical3A = arith.constant 7 : i32
      %shift_right_logical3A_97 = vector.broadcast %shift_right_logical3A : i32 to vector<16xi32>
      %shift_right_logical3A_98 = arith.shrui %get3A_96, %shift_right_logical3A_97 : vector<16xi32>
      %and3A = arith.constant 127 : i32
      %and3A_99 = vector.broadcast %and3A : i32 to vector<16xi32>
      %and3A_100 = arith.andi %get3A_96, %and3A_99 : vector<16xi32>
      tpu.vector_store_idx %arg6[%shift_right_logical3A_98, %and3A_100], %broadcast_in_dim3A_45 {add = true} : memref<80x128xf32, #tpu.memory_space<vmem>>[vector<16xi32>, vector<16xi32>], vector<16xf32>,
      %get3A_101 = arith.constant 0 : i32
      %get3A_102 = arith.index_cast %get3A_101 : i32 to index
      %get3A_103 = arith.constant 16 : index
      %get3A_104 = tpu.vector_load %arg4[%get3A_102, %get3A_103] {strides = array<i32>} : memref<1x128xi32, #tpu.memory_space<vmem>>, vector<16xi32>,
      %shift_right_logical3A_105 = arith.constant 7 : i32
      %shift_right_logical3A_106 = vector.broadcast %shift_right_logical3A_105 : i32 to vector<16xi32>
      %shift_right_logical3A_107 = arith.shrui %get3A_104, %shift_right_logical3A_106 : vector<16xi32>
      %and3A_108 = arith.constant 127 : i32
      %and3A_109 = vector.broadcast %and3A_108 : i32 to vector<16xi32>
      %and3A_110 = arith.andi %get3A_104, %and3A_109 : vector<16xi32>
      tpu.vector_store_idx %arg6[%shift_right_logical3A_107, %and3A_110], %broadcast_in_dim3A_45 {add = true} : memref<80x128xf32, #tpu.memory_space<vmem>>[vector<16xi32>, vector<16xi32>], vector<16xf32>,
      %get3A_111 = arith.constant 0 : i32
      %get3A_112 = arith.index_cast %get3A_111 : i32 to index
      %get3A_113 = arith.constant 32 : index
      %get3A_114 = tpu.vector_load %arg4[%get3A_112, %get3A_113] {strides = array<i32>} : memref<1x128xi32, #tpu.memory_space<vmem>>, vector<16xi32>,
      %shift_right_logical3A_115 = arith.constant 7 : i32
      %shift_right_logical3A_116 = vector.broadcast %shift_right_logical3A_115 : i32 to vector<16xi32>
      %shift_right_logical3A_117 = arith.shrui %get3A_114, %shift_right_logical3A_116 : vector<16xi32>
      %and3A_118 = arith.constant 127 : i32
      %and3A_119 = vector.broadcast %and3A_118 : i32 to vector<16xi32>
      %and3A_120 = arith.andi %get3A_114, %and3A_119 : vector<16xi32>
      tpu.vector_store_idx %arg6[%shift_right_logical3A_117, %and3A_120], %broadcast_in_dim3A_45 {add = true} : memref<80x128xf32, #tpu.memory_space<vmem>>[vector<16xi32>, vector<16xi32>], vector<16xf32>,
      %get3A_121 = arith.constant 0 : i32
      %get3A_122 = arith.index_cast %get3A_121 : i32 to index
      %get3A_123 = arith.constant 48 : index
      %get3A_124 = tpu.vector_load %arg4[%get3A_122, %get3A_123] {strides = array<i32>} : memref<1x128xi32, #tpu.memory_space<vmem>>, vector<16xi32>,
      %shift_right_logical3A_125 = arith.constant 7 : i32
      %shift_right_logical3A_126 = vector.broadcast %shift_right_logical3A_125 : i32 to vector<16xi32>
      %shift_right_logical3A_127 = arith.shrui %get3A_124, %shift_right_logical3A_126 : vector<16xi32>
      %and3A_128 = arith.constant 127 : i32
      %and3A_129 = vector.broadcast %and3A_128 : i32 to vector<16xi32>
      %and3A_130 = arith.andi %get3A_124, %and3A_129 : vector<16xi32>
      tpu.vector_store_idx %arg6[%shift_right_logical3A_127, %and3A_130], %broadcast_in_dim3A_45 {add = true} : memref<80x128xf32, #tpu.memory_space<vmem>>[vector<16xi32>, vector<16xi32>], vector<16xf32>,
      %get3A_131 = arith.constant 0 : i32
      %get3A_132 = arith.index_cast %get3A_131 : i32 to index
      %get3A_133 = arith.constant 64 : index
      %get3A_134 = tpu.vector_load %arg4[%get3A_132, %get3A_133] {strides = array<i32>} : memref<1x128xi32, #tpu.memory_space<vmem>>, vector<16xi32>,
      %shift_right_logical3A_135 = arith.constant 7 : i32
      %shift_right_logical3A_136 = vector.broadcast %shift_right_logical3A_135 : i32 to vector<16xi32>
      %shift_right_logical3A_137 = arith.shrui %get3A_134, %shift_right_logical3A_136 : vector<16xi32>
      %and3A_138 = arith.constant 127 : i32
      %and3A_139 = vector.broadcast %and3A_138 : i32 to vector<16xi32>
      %and3A_140 = arith.andi %get3A_134, %and3A_139 : vector<16xi32>
      tpu.vector_store_idx %arg6[%shift_right_logical3A_137, %and3A_140], %broadcast_in_dim3A_45 {add = true} : memref<80x128xf32, #tpu.memory_space<vmem>>[vector<16xi32>, vector<16xi32>], vector<16xf32>,
      %get3A_141 = arith.constant 0 : i32
      %get3A_142 = arith.index_cast %get3A_141 : i32 to index
      %get3A_143 = arith.constant 80 : index
      %get3A_144 = tpu.vector_load %arg4[%get3A_142, %get3A_143] {strides = array<i32>} : memref<1x128xi32, #tpu.memory_space<vmem>>, vector<16xi32>,
      %shift_right_logical3A_145 = arith.constant 7 : i32
      %shift_right_logical3A_146 = vector.broadcast %shift_right_logical3A_145 : i32 to vector<16xi32>
      %shift_right_logical3A_147 = arith.shrui %get3A_144, %shift_right_logical3A_146 : vector<16xi32>
      %and3A_148 = arith.constant 127 : i32
      %and3A_149 = vector.broadcast %and3A_148 : i32 to vector<16xi32>
      %and3A_150 = arith.andi %get3A_144, %and3A_149 : vector<16xi32>
      tpu.vector_store_idx %arg6[%shift_right_logical3A_147, %and3A_150], %broadcast_in_dim3A_45 {add = true} : memref<80x128xf32, #tpu.memory_space<vmem>>[vector<16xi32>, vector<16xi32>], vector<16xf32>,
      %get3A_151 = arith.constant 0 : i32
      %get3A_152 = arith.index_cast %get3A_151 : i32 to index
      %get3A_153 = arith.constant 96 : index
      %get3A_154 = tpu.vector_load %arg4[%get3A_152, %get3A_153] {strides = array<i32>} : memref<1x128xi32, #tpu.memory_space<vmem>>, vector<16xi32>,
      %shift_right_logical3A_155 = arith.constant 7 : i32
      %shift_right_logical3A_156 = vector.broadcast %shift_right_logical3A_155 : i32 to vector<16xi32>
      %shift_right_logical3A_157 = arith.shrui %get3A_154, %shift_right_logical3A_156 : vector<16xi32>
      %and3A_158 = arith.constant 127 : i32
      %and3A_159 = vector.broadcast %and3A_158 : i32 to vector<16xi32>
      %and3A_160 = arith.andi %get3A_154, %and3A_159 : vector<16xi32>
      tpu.vector_store_idx %arg6[%shift_right_logical3A_157, %and3A_160], %broadcast_in_dim3A_45 {add = true} : memref<80x128xf32, #tpu.memory_space<vmem>>[vector<16xi32>, vector<16xi32>], vector<16xf32>,
      %get3A_161 = arith.constant 0 : i32
      %get3A_162 = arith.index_cast %get3A_161 : i32 to index
      %get3A_163 = arith.constant 112 : index
      %get3A_164 = tpu.vector_load %arg4[%get3A_162, %get3A_163] {strides = array<i32>} : memref<1x128xi32, #tpu.memory_space<vmem>>, vector<16xi32>,
      %shift_right_logical3A_165 = arith.constant 7 : i32
      %shift_right_logical3A_166 = vector.broadcast %shift_right_logical3A_165 : i32 to vector<16xi32>
      %shift_right_logical3A_167 = arith.shrui %get3A_164, %shift_right_logical3A_166 : vector<16xi32>
      %and3A_168 = arith.constant 127 : i32
      %and3A_169 = vector.broadcast %and3A_168 : i32 to vector<16xi32>
      %and3A_170 = arith.andi %get3A_164, %and3A_169 : vector<16xi32>
      tpu.vector_store_idx %arg6[%shift_right_logical3A_167, %and3A_170], %broadcast_in_dim3A_45 {add = true} : memref<80x128xf32, #tpu.memory_space<vmem>>[vector<16xi32>, vector<16xi32>], vector<16xf32>,
      %lt3A = arith.constant 80 : i32
      %lt3A_171 = arith.cmpi slt, %add3A_81, %lt3A : i32
      %convert_element_type3A_172 = arith.extui %lt3A_171 : i1 to i32
      %cond3A_173 = arith.constant 0 : i32
      %cond3A_174 = arith.cmpi ne, %convert_element_type3A_172, %cond3A_173 : i32
      scf.if %cond3A_174 {
        %dma_start3A_270 = arith.constant 0 : i32
        %dma_start3A_271 = arith.constant 0 : i32
        %dma_start3A_272 = tpu.memref_slice %arg2[%add3A, %add3A_81, %dma_start3A_270, %dma_start3A_271] : memref<32x80x1x128xi32, #tpu.memory_space<hbm>> -> memref<1x1x1x128xi32, #tpu.memory_space<hbm>>
        %dma_start3A_273 = tpu.memref_squeeze %dma_start3A_272 : memref<1x1x1x128xi32, #tpu.memory_space<hbm>> -> memref<1x128xi32, #tpu.memory_space<hbm>>
        %dma_start3A_274 = arith.constant 0 : i32
        %dma_start3A_275 = arith.constant 0 : i32
        %dma_start3A_276 = tpu.memref_slice %arg2[%add3A, %add3A_81, %dma_start3A_274, %dma_start3A_275] : memref<32x80x1x128xi32, #tpu.memory_space<hbm>> -> memref<1x1x1x128xi32, #tpu.memory_space<hbm>>
        %dma_start3A_277 = tpu.memref_squeeze %dma_start3A_276 : memref<1x1x1x128xi32, #tpu.memory_space<hbm>> -> memref<1x128xi32, #tpu.memory_space<hbm>>
        tpu.enqueue_dma source(%dma_start3A_277 : memref<1x128xi32, #tpu.memory_space<hbm>>) target(%arg4 : memref<1x128xi32, #tpu.memory_space<vmem>>) target_semaphore(%arg8 : memref<!tpu.dma_semaphore, #tpu.memory_space<semaphore_mem>>)
      } else {
      }
      %dma_wait3A_175 = arith.constant 0 : i32
      %dma_wait3A_176 = arith.constant 0 : i32
      %dma_wait3A_177 = arith.constant 0 : i32
      %dma_wait3A_178 = tpu.memref_slice %arg2[%add3A, %dma_wait3A_175, %dma_wait3A_176, %dma_wait3A_177] : memref<32x80x1x128xi32, #tpu.memory_space<hbm>> -> memref<1x1x1x128xi32, #tpu.memory_space<hbm>>
      %dma_wait3A_179 = tpu.memref_squeeze %dma_wait3A_178 : memref<1x1x1x128xi32, #tpu.memory_space<hbm>> -> memref<1x128xi32, #tpu.memory_space<hbm>>
      %dma_wait3A_180 = arith.constant 0 : i32
      %dma_wait3A_181 = arith.constant 0 : i32
      %dma_wait3A_182 = tpu.memref_slice %arg2[%add3A, %dma_wait3A_175, %dma_wait3A_180, %dma_wait3A_181] : memref<32x80x1x128xi32, #tpu.memory_space<hbm>> -> memref<1x1x1x128xi32, #tpu.memory_space<hbm>>
      %dma_wait3A_183 = tpu.memref_squeeze %dma_wait3A_182 : memref<1x1x1x128xi32, #tpu.memory_space<hbm>> -> memref<1x128xi32, #tpu.memory_space<hbm>>
      tpu.wait_dma2 semaphore(%arg9 : memref<!tpu.dma_semaphore, #tpu.memory_space<semaphore_mem>>) src(%dma_wait3A_183 : memref<1x128xi32, #tpu.memory_space<hbm>>) dst(%arg5 : memref<1x128xi32, #tpu.memory_space<vmem>>)
      %get3A_184 = arith.constant 0 : i32
      %get3A_185 = arith.index_cast %get3A_184 : i32 to index
      %get3A_186 = arith.constant 0 : index
      %get3A_187 = tpu.vector_load %arg5[%get3A_185, %get3A_186] {strides = array<i32>} : memref<1x128xi32, #tpu.memory_space<vmem>>, vector<16xi32>,
      %shift_right_logical3A_188 = arith.constant 7 : i32
      %shift_right_logical3A_189 = vector.broadcast %shift_right_logical3A_188 : i32 to vector<16xi32>
      %shift_right_logical3A_190 = arith.shrui %get3A_187, %shift_right_logical3A_189 : vector<16xi32>
      %and3A_191 = arith.constant 127 : i32
      %and3A_192 = vector.broadcast %and3A_191 : i32 to vector<16xi32>
      %and3A_193 = arith.andi %get3A_187, %and3A_192 : vector<16xi32>
      tpu.vector_store_idx %arg6[%shift_right_logical3A_190, %and3A_193], %broadcast_in_dim3A_45 {add = true} : memref<80x128xf32, #tpu.memory_space<vmem>>[vector<16xi32>, vector<16xi32>], vector<16xf32>,
      %get3A_194 = arith.constant 0 : i32
      %get3A_195 = arith.index_cast %get3A_194 : i32 to index
      %get3A_196 = arith.constant 16 : index
      %get3A_197 = tpu.vector_load %arg5[%get3A_195, %get3A_196] {strides = array<i32>} : memref<1x128xi32, #tpu.memory_space<vmem>>, vector<16xi32>,
      %shift_right_logical3A_198 = arith.constant 7 : i32
      %shift_right_logical3A_199 = vector.broadcast %shift_right_logical3A_198 : i32 to vector<16xi32>
      %shift_right_logical3A_200 = arith.shrui %get3A_197, %shift_right_logical3A_199 : vector<16xi32>
      %and3A_201 = arith.constant 127 : i32
      %and3A_202 = vector.broadcast %and3A_201 : i32 to vector<16xi32>
      %and3A_203 = arith.andi %get3A_197, %and3A_202 : vector<16xi32>
      tpu.vector_store_idx %arg6[%shift_right_logical3A_200, %and3A_203], %broadcast_in_dim3A_45 {add = true} : memref<80x128xf32, #tpu.memory_space<vmem>>[vector<16xi32>, vector<16xi32>], vector<16xf32>,
      %get3A_204 = arith.constant 0 : i32
      %get3A_205 = arith.index_cast %get3A_204 : i32 to index
      %get3A_206 = arith.constant 32 : index
      %get3A_207 = tpu.vector_load %arg5[%get3A_205, %get3A_206] {strides = array<i32>} : memref<1x128xi32, #tpu.memory_space<vmem>>, vector<16xi32>,
      %shift_right_logical3A_208 = arith.constant 7 : i32
      %shift_right_logical3A_209 = vector.broadcast %shift_right_logical3A_208 : i32 to vector<16xi32>
      %shift_right_logical3A_210 = arith.shrui %get3A_207, %shift_right_logical3A_209 : vector<16xi32>
      %and3A_211 = arith.constant 127 : i32
      %and3A_212 = vector.broadcast %and3A_211 : i32 to vector<16xi32>
      %and3A_213 = arith.andi %get3A_207, %and3A_212 : vector<16xi32>
      tpu.vector_store_idx %arg6[%shift_right_logical3A_210, %and3A_213], %broadcast_in_dim3A_45 {add = true} : memref<80x128xf32, #tpu.memory_space<vmem>>[vector<16xi32>, vector<16xi32>], vector<16xf32>,
      %get3A_214 = arith.constant 0 : i32
      %get3A_215 = arith.index_cast %get3A_214 : i32 to index
      %get3A_216 = arith.constant 48 : index
      %get3A_217 = tpu.vector_load %arg5[%get3A_215, %get3A_216] {strides = array<i32>} : memref<1x128xi32, #tpu.memory_space<vmem>>, vector<16xi32>,
      %shift_right_logical3A_218 = arith.constant 7 : i32
      %shift_right_logical3A_219 = vector.broadcast %shift_right_logical3A_218 : i32 to vector<16xi32>
      %shift_right_logical3A_220 = arith.shrui %get3A_217, %shift_right_logical3A_219 : vector<16xi32>
      %and3A_221 = arith.constant 127 : i32
      %and3A_222 = vector.broadcast %and3A_221 : i32 to vector<16xi32>
      %and3A_223 = arith.andi %get3A_217, %and3A_222 : vector<16xi32>
      tpu.vector_store_idx %arg6[%shift_right_logical3A_220, %and3A_223], %broadcast_in_dim3A_45 {add = true} : memref<80x128xf32, #tpu.memory_space<vmem>>[vector<16xi32>, vector<16xi32>], vector<16xf32>,
      %get3A_224 = arith.constant 0 : i32
      %get3A_225 = arith.index_cast %get3A_224 : i32 to index
      %get3A_226 = arith.constant 64 : index
      %get3A_227 = tpu.vector_load %arg5[%get3A_225, %get3A_226] {strides = array<i32>} : memref<1x128xi32, #tpu.memory_space<vmem>>, vector<16xi32>,
      %shift_right_logical3A_228 = arith.constant 7 : i32
      %shift_right_logical3A_229 = vector.broadcast %shift_right_logical3A_228 : i32 to vector<16xi32>
      %shift_right_logical3A_230 = arith.shrui %get3A_227, %shift_right_logical3A_229 : vector<16xi32>
      %and3A_231 = arith.constant 127 : i32
      %and3A_232 = vector.broadcast %and3A_231 : i32 to vector<16xi32>
      %and3A_233 = arith.andi %get3A_227, %and3A_232 : vector<16xi32>
      tpu.vector_store_idx %arg6[%shift_right_logical3A_230, %and3A_233], %broadcast_in_dim3A_45 {add = true} : memref<80x128xf32, #tpu.memory_space<vmem>>[vector<16xi32>, vector<16xi32>], vector<16xf32>,
      %get3A_234 = arith.constant 0 : i32
      %get3A_235 = arith.index_cast %get3A_234 : i32 to index
      %get3A_236 = arith.constant 80 : index
      %get3A_237 = tpu.vector_load %arg5[%get3A_235, %get3A_236] {strides = array<i32>} : memref<1x128xi32, #tpu.memory_space<vmem>>, vector<16xi32>,
      %shift_right_logical3A_238 = arith.constant 7 : i32
      %shift_right_logical3A_239 = vector.broadcast %shift_right_logical3A_238 : i32 to vector<16xi32>
      %shift_right_logical3A_240 = arith.shrui %get3A_237, %shift_right_logical3A_239 : vector<16xi32>
      %and3A_241 = arith.constant 127 : i32
      %and3A_242 = vector.broadcast %and3A_241 : i32 to vector<16xi32>
      %and3A_243 = arith.andi %get3A_237, %and3A_242 : vector<16xi32>
      tpu.vector_store_idx %arg6[%shift_right_logical3A_240, %and3A_243], %broadcast_in_dim3A_45 {add = true} : memref<80x128xf32, #tpu.memory_space<vmem>>[vector<16xi32>, vector<16xi32>], vector<16xf32>,
      %get3A_244 = arith.constant 0 : i32
      %get3A_245 = arith.index_cast %get3A_244 : i32 to index
      %get3A_246 = arith.constant 96 : index
      %get3A_247 = tpu.vector_load %arg5[%get3A_245, %get3A_246] {strides = array<i32>} : memref<1x128xi32, #tpu.memory_space<vmem>>, vector<16xi32>,
      %shift_right_logical3A_248 = arith.constant 7 : i32
      %shift_right_logical3A_249 = vector.broadcast %shift_right_logical3A_248 : i32 to vector<16xi32>
      %shift_right_logical3A_250 = arith.shrui %get3A_247, %shift_right_logical3A_249 : vector<16xi32>
      %and3A_251 = arith.constant 127 : i32
      %and3A_252 = vector.broadcast %and3A_251 : i32 to vector<16xi32>
      %and3A_253 = arith.andi %get3A_247, %and3A_252 : vector<16xi32>
      tpu.vector_store_idx %arg6[%shift_right_logical3A_250, %and3A_253], %broadcast_in_dim3A_45 {add = true} : memref<80x128xf32, #tpu.memory_space<vmem>>[vector<16xi32>, vector<16xi32>], vector<16xf32>,
      %get3A_254 = arith.constant 0 : i32
      %get3A_255 = arith.index_cast %get3A_254 : i32 to index
      %get3A_256 = arith.constant 112 : index
      %get3A_257 = tpu.vector_load %arg5[%get3A_255, %get3A_256] {strides = array<i32>} : memref<1x128xi32, #tpu.memory_space<vmem>>, vector<16xi32>,
      %shift_right_logical3A_258 = arith.constant 7 : i32
      %shift_right_logical3A_259 = vector.broadcast %shift_right_logical3A_258 : i32 to vector<16xi32>
      %shift_right_logical3A_260 = arith.shrui %get3A_257, %shift_right_logical3A_259 : vector<16xi32>
      %and3A_261 = arith.constant 127 : i32
      %and3A_262 = vector.broadcast %and3A_261 : i32 to vector<16xi32>
      %and3A_263 = arith.andi %get3A_257, %and3A_262 : vector<16xi32>
      tpu.vector_store_idx %arg6[%shift_right_logical3A_260, %and3A_263], %broadcast_in_dim3A_45 {add = true} : memref<80x128xf32, #tpu.memory_space<vmem>>[vector<16xi32>, vector<16xi32>], vector<16xf32>,
      %lt3A_264 = arith.constant 80 : i32
      %lt3A_265 = arith.cmpi slt, %add3A_85, %lt3A_264 : i32
      %convert_element_type3A_266 = arith.extui %lt3A_265 : i1 to i32
      %cond3A_267 = arith.constant 0 : i32
      %cond3A_268 = arith.cmpi ne, %convert_element_type3A_266, %cond3A_267 : i32
      scf.if %cond3A_268 {
        %dma_start3A_270 = arith.constant 0 : i32
        %dma_start3A_271 = arith.constant 0 : i32
        %dma_start3A_272 = tpu.memref_slice %arg2[%add3A, %add3A_85, %dma_start3A_270, %dma_start3A_271] : memref<32x80x1x128xi32, #tpu.memory_space<hbm>> -> memref<1x1x1x128xi32, #tpu.memory_space<hbm>>
        %dma_start3A_273 = tpu.memref_squeeze %dma_start3A_272 : memref<1x1x1x128xi32, #tpu.memory_space<hbm>> -> memref<1x128xi32, #tpu.memory_space<hbm>>
        %dma_start3A_274 = arith.constant 0 : i32
        %dma_start3A_275 = arith.constant 0 : i32
        %dma_start3A_276 = tpu.memref_slice %arg2[%add3A, %add3A_85, %dma_start3A_274, %dma_start3A_275] : memref<32x80x1x128xi32, #tpu.memory_space<hbm>> -> memref<1x1x1x128xi32, #tpu.memory_space<hbm>>
        %dma_start3A_277 = tpu.memref_squeeze %dma_start3A_276 : memref<1x1x1x128xi32, #tpu.memory_space<hbm>> -> memref<1x128xi32, #tpu.memory_space<hbm>>
        tpu.enqueue_dma source(%dma_start3A_277 : memref<1x128xi32, #tpu.memory_space<hbm>>) target(%arg5 : memref<1x128xi32, #tpu.memory_space<vmem>>) target_semaphore(%arg9 : memref<!tpu.dma_semaphore, #tpu.memory_space<semaphore_mem>>)
      } else {
      }
      %scan3A_269 = arith.constant 0 : i32
      scf.yield %scan3A_269 : i32
    }
    %scan3A_69 = arith.constant 40 : i32
    %run_scoped3A = arith.constant 0 : i32
    "tpu.region"() ({
      %run_scoped3A_76 = tpu.sem_alloc : memref<!tpu.dma_semaphore, #tpu.memory_space<semaphore_mem>>
      %dma_start3A_77 = arith.constant 0 : i32
      %dma_start3A_78 = tpu.memref_slice %arg7[%run_scoped3A, %dma_start3A_77] : memref<1x80xi32, #tpu.memory_space<vmem>> -> memref<1x80xi32, #tpu.memory_space<vmem>>
      %dma_start3A_79 = tpu.memref_squeeze %dma_start3A_78 : memref<1x80xi32, #tpu.memory_space<vmem>> -> memref<80xi32, #tpu.memory_space<vmem>>
      %dma_start3A_80 = arith.constant 0 : i32
      %dma_start3A_81 = arith.constant 0 : i32
      %dma_start3A_82 = tpu.memref_slice %arg10[%dma_start3A_80, %dma_start3A_81] : memref<80x128xf32, #tpu.memory_space<vmem_shared>> -> memref<80x128xf32, #tpu.memory_space<vmem_shared>>
      tpu.enqueue_indirect_dma source(%arg6 : memref<80x128xf32, #tpu.memory_space<vmem>>) target(%dma_start3A_82 : memref<80x128xf32, #tpu.memory_space<vmem_shared>>) offsets(%dma_start3A_79 : memref<80xi32, #tpu.memory_space<vmem>>) semaphore(%run_scoped3A_76 : memref<!tpu.dma_semaphore, #tpu.memory_space<semaphore_mem>>) {add = true}
      %dma_wait3A = arith.constant 0 : i32
      %dma_wait3A_83 = tpu.memref_slice %arg7[%run_scoped3A, %dma_wait3A] : memref<1x80xi32, #tpu.memory_space<vmem>> -> memref<1x80xi32, #tpu.memory_space<vmem>>
      %dma_wait3A_84 = tpu.memref_squeeze %dma_wait3A_83 : memref<1x80xi32, #tpu.memory_space<vmem>> -> memref<80xi32, #tpu.memory_space<vmem>>
      %dma_wait3A_85 = arith.constant 0 : i32
      %dma_wait3A_86 = arith.constant 0 : i32
      %dma_wait3A_87 = tpu.memref_slice %arg10[%dma_wait3A_85, %dma_wait3A_86] : memref<80x128xf32, #tpu.memory_space<vmem_shared>> -> memref<80x128xf32, #tpu.memory_space<vmem_shared>>
      tpu.wait_indirect_dma semaphore(%run_scoped3A_76 : memref<!tpu.dma_semaphore, #tpu.memory_space<semaphore_mem>>) src(%arg6 : memref<80x128xf32, #tpu.memory_space<vmem>>) dst(%dma_wait3A_87 : memref<80x128xf32, #tpu.memory_space<vmem_shared>>)
      tpu.yield
    }) : () -> ()
    %barrier3A_70 = arith.constant 0 : index
    tpu.barrier barrier_id(%barrier3A_70)
    %eq3A_71 = arith.constant 0 : i32
    %eq3A_72 = arith.cmpi eq, %arg1, %eq3A_71 : i32
    %convert_element_type3A_73 = arith.extui %eq3A_72 : i1 to i32
    %cond3A_74 = arith.constant 0 : i32
    %cond3A_75 = arith.cmpi ne, %convert_element_type3A_73, %cond3A_74 : i32
    scf.if %cond3A_75 {
      "tpu.region"() ({
        %run_scoped3A_76 = tpu.sem_alloc : memref<!tpu.dma_semaphore, #tpu.memory_space<semaphore_mem>>
        %dma_start3A_77 = arith.constant 0 : i32
        %dma_start3A_78 = arith.constant 0 : i32
        %dma_start3A_79 = tpu.memref_slice %arg3[%arg0, %dma_start3A_77, %dma_start3A_78] : memref<2x80x128xf32, #tpu.memory_space<hbm>> -> memref<1x80x128xf32, #tpu.memory_space<hbm>>
        %dma_start3A_80 = tpu.memref_squeeze %dma_start3A_79 : memref<1x80x128xf32, #tpu.memory_space<hbm>> -> memref<80x128xf32, #tpu.memory_space<hbm>>
        tpu.enqueue_dma source(%arg10 : memref<80x128xf32, #tpu.memory_space<vmem_shared>>) target(%dma_start3A_80 : memref<80x128xf32, #tpu.memory_space<hbm>>) target_semaphore(%run_scoped3A_76 : memref<!tpu.dma_semaphore, #tpu.memory_space<semaphore_mem>>)
        %dma_wait3A = arith.constant 0 : i32
        %dma_wait3A_81 = arith.constant 0 : i32
        %dma_wait3A_82 = tpu.memref_slice %arg3[%arg0, %dma_wait3A, %dma_wait3A_81] : memref<2x80x128xf32, #tpu.memory_space<hbm>> -> memref<1x80x128xf32, #tpu.memory_space<hbm>>
        %dma_wait3A_83 = tpu.memref_squeeze %dma_wait3A_82 : memref<1x80x128xf32, #tpu.memory_space<hbm>> -> memref<80x128xf32, #tpu.memory_space<hbm>>
        tpu.wait_dma2 semaphore(%run_scoped3A_76 : memref<!tpu.dma_semaphore, #tpu.memory_space<semaphore_mem>>) src(%arg10 : memref<80x128xf32, #tpu.memory_space<vmem_shared>>) dst(%dma_wait3A_83 : memref<80x128xf32, #tpu.memory_space<hbm>>)
        tpu.yield
      }) : () -> ()
    } else {
    }
    return
  }
}

#map = affine_map<(d0, d1) -> (0, 0)>
#map1 = affine_map<(d0, d1) -> (0, 0, 0, 0)>
#map2 = affine_map<(d0, d1) -> (0, 0, 0)>
module attributes {stable_mosaic.version = 14 : i64} {
  func.func @body(%arg0: i32, %arg1: i32, %arg2: memref<10000x128xf32, #tpu.memory_space<hbm>>, %arg3: memref<32x80x1x125xi32, #tpu.memory_space<hbm>>, %arg4: memref<32x80x1x125xi32, #tpu.memory_space<hbm>>, %arg5: memref<2x10000x128xf32, #tpu.memory_space<hbm>>, %arg6: memref<1x125xi32, #tpu.memory_space<vmem>>, %arg7: memref<1x125xi32, #tpu.memory_space<vmem>>, %arg8: memref<1x125xi32, #tpu.memory_space<vmem>>, %arg9: memref<1x125xi32, #tpu.memory_space<vmem>>, %arg10: memref<2x125x128xf32, #tpu.memory_space<vmem>>, %arg11: memref<!tpu.dma_semaphore, #tpu.memory_space<semaphore_mem>>, %arg12: memref<!tpu.dma_semaphore, #tpu.memory_space<semaphore_mem>>, %arg13: memref<!tpu.dma_semaphore, #tpu.memory_space<semaphore_mem>>, %arg14: memref<!tpu.dma_semaphore, #tpu.memory_space<semaphore_mem>>, %arg15: memref<10000x128xf32, #tpu.memory_space<vmem_shared>>) attributes {dimension_semantics = [#tpu.dimension_semantics<core_parallel>, #tpu.dimension_semantics<subcore_parallel>], iteration_bounds = array<i64: 2, 16>, scalar_prefetch = 0 : i64, scratch_operands = 10 : i64, tpu.core_type = #tpu.core_type<sc_vector_subcore>, window_params = [{transform_indices = #map}, {transform_indices = #map1}, {transform_indices = #map1}, {transform_indices = #map2}]} {
    %mul3A = arith.constant 16 : i32
    %mul3A_0 = arith.muli %arg0, %mul3A : i32
    %add3A = arith.addi %mul3A_0, %arg1 : i32
    %broadcast_in_dim3A = arith.constant 0.000000e+00 : f32
    %broadcast_in_dim3A_1 = vector.broadcast %broadcast_in_dim3A : f32 to vector<16xf32>
    %scan3A = arith.constant 0 : i32
    %scan3A_2 = arith.constant 0 : i32
    %scan3A_3 = arith.constant 0 : i32
    %scan3A_4 = arith.constant 125 : i32
    %scan3A_5 = arith.addi %scan3A_3, %scan3A_4 : i32
    %scan3A_6 = arith.constant 1 : i32
    %scan3A_7 = scf.for %scan3A_110 = %scan3A_3 to %scan3A_5 step %scan3A_6 iter_args(%scan3A_111 = %scan3A_2) -> (i32)  : i32 {
      %swap3A = arith.constant 0 : i32
      %swap3A_112 = arith.constant 0 : i32
      %swap3A_113 = tpu.memref_slice %arg10[%scan3A, %swap3A, %swap3A_112] : memref<2x125x128xf32, #tpu.memory_space<vmem>> -> memref<1x125x128xf32, #tpu.memory_space<vmem>>
      %swap3A_114 = tpu.memref_squeeze %swap3A_113 : memref<1x125x128xf32, #tpu.memory_space<vmem>> -> memref<125x128xf32, #tpu.memory_space<vmem>>
      %swap3A_115 = arith.index_cast %scan3A_110 : i32 to index
      %swap3A_116 = arith.constant 0 : index
      %swap3A_117 = tpu.vector_load %swap3A_114[%swap3A_115, %swap3A_116] {strides = array<i32>} : memref<125x128xf32, #tpu.memory_space<vmem>>, vector<1x16xf32>,
      %swap3A_118 = vector.shape_cast %swap3A_117 : vector<1x16xf32> to vector<16xf32>
      %swap3A_119 = vector.shape_cast %broadcast_in_dim3A_1 : vector<16xf32> to vector<1x16xf32>
      tpu.vector_store %swap3A_114[%swap3A_115, %swap3A_116], %swap3A_119 {strides = array<i32>} : memref<125x128xf32, #tpu.memory_space<vmem>>, vector<1x16xf32>,
      %swap3A_120 = arith.constant 0 : i32
      %swap3A_121 = arith.constant 0 : i32
      %swap3A_122 = tpu.memref_slice %arg10[%scan3A, %swap3A_120, %swap3A_121] : memref<2x125x128xf32, #tpu.memory_space<vmem>> -> memref<1x125x128xf32, #tpu.memory_space<vmem>>
      %swap3A_123 = tpu.memref_squeeze %swap3A_122 : memref<1x125x128xf32, #tpu.memory_space<vmem>> -> memref<125x128xf32, #tpu.memory_space<vmem>>
      %swap3A_124 = arith.index_cast %scan3A_110 : i32 to index
      %swap3A_125 = arith.constant 16 : index
      %swap3A_126 = tpu.vector_load %swap3A_123[%swap3A_124, %swap3A_125] {strides = array<i32>} : memref<125x128xf32, #tpu.memory_space<vmem>>, vector<1x16xf32>,
      %swap3A_127 = vector.shape_cast %swap3A_126 : vector<1x16xf32> to vector<16xf32>
      %swap3A_128 = vector.shape_cast %broadcast_in_dim3A_1 : vector<16xf32> to vector<1x16xf32>
      tpu.vector_store %swap3A_123[%swap3A_124, %swap3A_125], %swap3A_128 {strides = array<i32>} : memref<125x128xf32, #tpu.memory_space<vmem>>, vector<1x16xf32>,
      %swap3A_129 = arith.constant 0 : i32
      %swap3A_130 = arith.constant 0 : i32
      %swap3A_131 = tpu.memref_slice %arg10[%scan3A, %swap3A_129, %swap3A_130] : memref<2x125x128xf32, #tpu.memory_space<vmem>> -> memref<1x125x128xf32, #tpu.memory_space<vmem>>
      %swap3A_132 = tpu.memref_squeeze %swap3A_131 : memref<1x125x128xf32, #tpu.memory_space<vmem>> -> memref<125x128xf32, #tpu.memory_space<vmem>>
      %swap3A_133 = arith.index_cast %scan3A_110 : i32 to index
      %swap3A_134 = arith.constant 32 : index
      %swap3A_135 = tpu.vector_load %swap3A_132[%swap3A_133, %swap3A_134] {strides = array<i32>} : memref<125x128xf32, #tpu.memory_space<vmem>>, vector<1x16xf32>,
      %swap3A_136 = vector.shape_cast %swap3A_135 : vector<1x16xf32> to vector<16xf32>
      %swap3A_137 = vector.shape_cast %broadcast_in_dim3A_1 : vector<16xf32> to vector<1x16xf32>
      tpu.vector_store %swap3A_132[%swap3A_133, %swap3A_134], %swap3A_137 {strides = array<i32>} : memref<125x128xf32, #tpu.memory_space<vmem>>, vector<1x16xf32>,
      %swap3A_138 = arith.constant 0 : i32
      %swap3A_139 = arith.constant 0 : i32
      %swap3A_140 = tpu.memref_slice %arg10[%scan3A, %swap3A_138, %swap3A_139] : memref<2x125x128xf32, #tpu.memory_space<vmem>> -> memref<1x125x128xf32, #tpu.memory_space<vmem>>
      %swap3A_141 = tpu.memref_squeeze %swap3A_140 : memref<1x125x128xf32, #tpu.memory_space<vmem>> -> memref<125x128xf32, #tpu.memory_space<vmem>>
      %swap3A_142 = arith.index_cast %scan3A_110 : i32 to index
      %swap3A_143 = arith.constant 48 : index
      %swap3A_144 = tpu.vector_load %swap3A_141[%swap3A_142, %swap3A_143] {strides = array<i32>} : memref<125x128xf32, #tpu.memory_space<vmem>>, vector<1x16xf32>,
      %swap3A_145 = vector.shape_cast %swap3A_144 : vector<1x16xf32> to vector<16xf32>
      %swap3A_146 = vector.shape_cast %broadcast_in_dim3A_1 : vector<16xf32> to vector<1x16xf32>
      tpu.vector_store %swap3A_141[%swap3A_142, %swap3A_143], %swap3A_146 {strides = array<i32>} : memref<125x128xf32, #tpu.memory_space<vmem>>, vector<1x16xf32>,
      %swap3A_147 = arith.constant 0 : i32
      %swap3A_148 = arith.constant 0 : i32
      %swap3A_149 = tpu.memref_slice %arg10[%scan3A, %swap3A_147, %swap3A_148] : memref<2x125x128xf32, #tpu.memory_space<vmem>> -> memref<1x125x128xf32, #tpu.memory_space<vmem>>
      %swap3A_150 = tpu.memref_squeeze %swap3A_149 : memref<1x125x128xf32, #tpu.memory_space<vmem>> -> memref<125x128xf32, #tpu.memory_space<vmem>>
      %swap3A_151 = arith.index_cast %scan3A_110 : i32 to index
      %swap3A_152 = arith.constant 64 : index
      %swap3A_153 = tpu.vector_load %swap3A_150[%swap3A_151, %swap3A_152] {strides = array<i32>} : memref<125x128xf32, #tpu.memory_space<vmem>>, vector<1x16xf32>,
      %swap3A_154 = vector.shape_cast %swap3A_153 : vector<1x16xf32> to vector<16xf32>
      %swap3A_155 = vector.shape_cast %broadcast_in_dim3A_1 : vector<16xf32> to vector<1x16xf32>
      tpu.vector_store %swap3A_150[%swap3A_151, %swap3A_152], %swap3A_155 {strides = array<i32>} : memref<125x128xf32, #tpu.memory_space<vmem>>, vector<1x16xf32>,
      %swap3A_156 = arith.constant 0 : i32
      %swap3A_157 = arith.constant 0 : i32
      %swap3A_158 = tpu.memref_slice %arg10[%scan3A, %swap3A_156, %swap3A_157] : memref<2x125x128xf32, #tpu.memory_space<vmem>> -> memref<1x125x128xf32, #tpu.memory_space<vmem>>
      %swap3A_159 = tpu.memref_squeeze %swap3A_158 : memref<1x125x128xf32, #tpu.memory_space<vmem>> -> memref<125x128xf32, #tpu.memory_space<vmem>>
      %swap3A_160 = arith.index_cast %scan3A_110 : i32 to index
      %swap3A_161 = arith.constant 80 : index
      %swap3A_162 = tpu.vector_load %swap3A_159[%swap3A_160, %swap3A_161] {strides = array<i32>} : memref<125x128xf32, #tpu.memory_space<vmem>>, vector<1x16xf32>,
      %swap3A_163 = vector.shape_cast %swap3A_162 : vector<1x16xf32> to vector<16xf32>
      %swap3A_164 = vector.shape_cast %broadcast_in_dim3A_1 : vector<16xf32> to vector<1x16xf32>
      tpu.vector_store %swap3A_159[%swap3A_160, %swap3A_161], %swap3A_164 {strides = array<i32>} : memref<125x128xf32, #tpu.memory_space<vmem>>, vector<1x16xf32>,
      %swap3A_165 = arith.constant 0 : i32
      %swap3A_166 = arith.constant 0 : i32
      %swap3A_167 = tpu.memref_slice %arg10[%scan3A, %swap3A_165, %swap3A_166] : memref<2x125x128xf32, #tpu.memory_space<vmem>> -> memref<1x125x128xf32, #tpu.memory_space<vmem>>
      %swap3A_168 = tpu.memref_squeeze %swap3A_167 : memref<1x125x128xf32, #tpu.memory_space<vmem>> -> memref<125x128xf32, #tpu.memory_space<vmem>>
      %swap3A_169 = arith.index_cast %scan3A_110 : i32 to index
      %swap3A_170 = arith.constant 96 : index
      %swap3A_171 = tpu.vector_load %swap3A_168[%swap3A_169, %swap3A_170] {strides = array<i32>} : memref<125x128xf32, #tpu.memory_space<vmem>>, vector<1x16xf32>,
      %swap3A_172 = vector.shape_cast %swap3A_171 : vector<1x16xf32> to vector<16xf32>
      %swap3A_173 = vector.shape_cast %broadcast_in_dim3A_1 : vector<16xf32> to vector<1x16xf32>
      tpu.vector_store %swap3A_168[%swap3A_169, %swap3A_170], %swap3A_173 {strides = array<i32>} : memref<125x128xf32, #tpu.memory_space<vmem>>, vector<1x16xf32>,
      %swap3A_174 = arith.constant 0 : i32
      %swap3A_175 = arith.constant 0 : i32
      %swap3A_176 = tpu.memref_slice %arg10[%scan3A, %swap3A_174, %swap3A_175] : memref<2x125x128xf32, #tpu.memory_space<vmem>> -> memref<1x125x128xf32, #tpu.memory_space<vmem>>
      %swap3A_177 = tpu.memref_squeeze %swap3A_176 : memref<1x125x128xf32, #tpu.memory_space<vmem>> -> memref<125x128xf32, #tpu.memory_space<vmem>>
      %swap3A_178 = arith.index_cast %scan3A_110 : i32 to index
      %swap3A_179 = arith.constant 112 : index
      %swap3A_180 = tpu.vector_load %swap3A_177[%swap3A_178, %swap3A_179] {strides = array<i32>} : memref<125x128xf32, #tpu.memory_space<vmem>>, vector<1x16xf32>,
      %swap3A_181 = vector.shape_cast %swap3A_180 : vector<1x16xf32> to vector<16xf32>
      %swap3A_182 = vector.shape_cast %broadcast_in_dim3A_1 : vector<16xf32> to vector<1x16xf32>
      tpu.vector_store %swap3A_177[%swap3A_178, %swap3A_179], %swap3A_182 {strides = array<i32>} : memref<125x128xf32, #tpu.memory_space<vmem>>, vector<1x16xf32>,
      %scan3A_183 = arith.constant 0 : i32
      scf.yield %scan3A_183 : i32
    }
    %scan3A_8 = arith.constant 125 : i32
    %mul3A_9 = arith.constant 624 : i32
    %mul3A_10 = arith.muli %arg1, %mul3A_9 : i32
    %add3A_11 = arith.constant 0 : i32
    %add3A_12 = arith.addi %mul3A_10, %add3A_11 : i32
    %run_scoped3A = arith.constant 0 : i32
    "tpu.region"() ({
      %run_scoped3A_110 = tpu.sem_alloc : memref<!tpu.dma_semaphore, #tpu.memory_space<semaphore_mem>>
      %dma_start3A_111 = arith.constant 0 : i32
      %dma_start3A_112 = arith.constant 0 : i32
      %dma_start3A_113 = tpu.memref_slice %arg10[%run_scoped3A, %dma_start3A_111, %dma_start3A_112] : memref<2x125x128xf32, #tpu.memory_space<vmem>> -> memref<1x125x128xf32, #tpu.memory_space<vmem>>
      %dma_start3A_114 = tpu.memref_squeeze %dma_start3A_113 : memref<1x125x128xf32, #tpu.memory_space<vmem>> -> memref<125x128xf32, #tpu.memory_space<vmem>>
      %dma_start3A_115 = arith.constant 0 : i32
      %dma_start3A_116 = arith.constant 0 : i32
      %dma_start3A_117 = tpu.memref_slice %dma_start3A_114[%dma_start3A_115, %dma_start3A_116] : memref<125x128xf32, #tpu.memory_space<vmem>> -> memref<120x128xf32, #tpu.memory_space<vmem>>
      %dma_start3A_118 = arith.constant 0 : i32
      %dma_start3A_119 = tpu.memref_slice %arg15[%add3A_12, %dma_start3A_118] : memref<10000x128xf32, #tpu.memory_space<vmem_shared>> -> memref<120x128xf32, #tpu.memory_space<vmem_shared>>
      %dma_start3A_120 = arith.constant 0 : i32
      %dma_start3A_121 = tpu.memref_slice %arg15[%add3A_12, %dma_start3A_120] : memref<10000x128xf32, #tpu.memory_space<vmem_shared>> -> memref<120x128xf32, #tpu.memory_space<vmem_shared>>
      %dma_start3A_122 = arith.constant 0 : i32
      %dma_start3A_123 = arith.constant 0 : i32
      %dma_start3A_124 = tpu.memref_slice %arg10[%run_scoped3A, %dma_start3A_122, %dma_start3A_123] : memref<2x125x128xf32, #tpu.memory_space<vmem>> -> memref<1x125x128xf32, #tpu.memory_space<vmem>>
      %dma_start3A_125 = tpu.memref_squeeze %dma_start3A_124 : memref<1x125x128xf32, #tpu.memory_space<vmem>> -> memref<125x128xf32, #tpu.memory_space<vmem>>
      %dma_start3A_126 = arith.constant 0 : i32
      %dma_start3A_127 = arith.constant 0 : i32
      %dma_start3A_128 = tpu.memref_slice %dma_start3A_125[%dma_start3A_126, %dma_start3A_127] : memref<125x128xf32, #tpu.memory_space<vmem>> -> memref<120x128xf32, #tpu.memory_space<vmem>>
      tpu.enqueue_dma source(%dma_start3A_128 : memref<120x128xf32, #tpu.memory_space<vmem>>) target(%dma_start3A_121 : memref<120x128xf32, #tpu.memory_space<vmem_shared>>) target_semaphore(%run_scoped3A_110 : memref<!tpu.dma_semaphore, #tpu.memory_space<semaphore_mem>>)
      %dma_wait3A_129 = arith.constant 0 : i32
      %dma_wait3A_130 = arith.constant 0 : i32
      %dma_wait3A_131 = tpu.memref_slice %arg10[%run_scoped3A, %dma_wait3A_129, %dma_wait3A_130] : memref<2x125x128xf32, #tpu.memory_space<vmem>> -> memref<1x125x128xf32, #tpu.memory_space<vmem>>
      %dma_wait3A_132 = tpu.memref_squeeze %dma_wait3A_131 : memref<1x125x128xf32, #tpu.memory_space<vmem>> -> memref<125x128xf32, #tpu.memory_space<vmem>>
      %dma_wait3A_133 = arith.constant 0 : i32
      %dma_wait3A_134 = arith.constant 0 : i32
      %dma_wait3A_135 = tpu.memref_slice %dma_wait3A_132[%dma_wait3A_133, %dma_wait3A_134] : memref<125x128xf32, #tpu.memory_space<vmem>> -> memref<120x128xf32, #tpu.memory_space<vmem>>
      %dma_wait3A_136 = arith.constant 0 : i32
      %dma_wait3A_137 = tpu.memref_slice %arg15[%add3A_12, %dma_wait3A_136] : memref<10000x128xf32, #tpu.memory_space<vmem_shared>> -> memref<120x128xf32, #tpu.memory_space<vmem_shared>>
      %dma_wait3A_138 = arith.constant 0 : i32
      %dma_wait3A_139 = tpu.memref_slice %arg15[%add3A_12, %dma_wait3A_138] : memref<10000x128xf32, #tpu.memory_space<vmem_shared>> -> memref<120x128xf32, #tpu.memory_space<vmem_shared>>
      %dma_wait3A_140 = arith.constant 0 : i32
      %dma_wait3A_141 = arith.constant 0 : i32
      %dma_wait3A_142 = tpu.memref_slice %arg10[%run_scoped3A, %dma_wait3A_140, %dma_wait3A_141] : memref<2x125x128xf32, #tpu.memory_space<vmem>> -> memref<1x125x128xf32, #tpu.memory_space<vmem>>
      %dma_wait3A_143 = tpu.memref_squeeze %dma_wait3A_142 : memref<1x125x128xf32, #tpu.memory_space<vmem>> -> memref<125x128xf32, #tpu.memory_space<vmem>>
      %dma_wait3A_144 = arith.constant 0 : i32
      %dma_wait3A_145 = arith.constant 0 : i32
      %dma_wait3A_146 = tpu.memref_slice %dma_wait3A_143[%dma_wait3A_144, %dma_wait3A_145] : memref<125x128xf32, #tpu.memory_space<vmem>> -> memref<120x128xf32, #tpu.memory_space<vmem>>
      tpu.wait_dma2 semaphore(%run_scoped3A_110 : memref<!tpu.dma_semaphore, #tpu.memory_space<semaphore_mem>>) src(%dma_wait3A_146 : memref<120x128xf32, #tpu.memory_space<vmem>>) dst(%dma_wait3A_139 : memref<120x128xf32, #tpu.memory_space<vmem_shared>>)
      tpu.yield
    }) : () -> ()
    %add3A_13 = arith.constant 120 : i32
    %add3A_14 = arith.addi %mul3A_10, %add3A_13 : i32
    %run_scoped3A_15 = arith.constant 0 : i32
    "tpu.region"() ({
      %run_scoped3A_110 = tpu.sem_alloc : memref<!tpu.dma_semaphore, #tpu.memory_space<semaphore_mem>>
      %dma_start3A_111 = arith.constant 0 : i32
      %dma_start3A_112 = arith.constant 0 : i32
      %dma_start3A_113 = tpu.memref_slice %arg10[%run_scoped3A_15, %dma_start3A_111, %dma_start3A_112] : memref<2x125x128xf32, #tpu.memory_space<vmem>> -> memref<1x125x128xf32, #tpu.memory_space<vmem>>
      %dma_start3A_114 = tpu.memref_squeeze %dma_start3A_113 : memref<1x125x128xf32, #tpu.memory_space<vmem>> -> memref<125x128xf32, #tpu.memory_space<vmem>>
      %dma_start3A_115 = arith.constant 0 : i32
      %dma_start3A_116 = arith.constant 0 : i32
      %dma_start3A_117 = tpu.memref_slice %dma_start3A_114[%dma_start3A_115, %dma_start3A_116] : memref<125x128xf32, #tpu.memory_space<vmem>> -> memref<120x128xf32, #tpu.memory_space<vmem>>
      %dma_start3A_118 = arith.constant 0 : i32
      %dma_start3A_119 = tpu.memref_slice %arg15[%add3A_14, %dma_start3A_118] : memref<10000x128xf32, #tpu.memory_space<vmem_shared>> -> memref<120x128xf32, #tpu.memory_space<vmem_shared>>
      %dma_start3A_120 = arith.constant 0 : i32
      %dma_start3A_121 = tpu.memref_slice %arg15[%add3A_14, %dma_start3A_120] : memref<10000x128xf32, #tpu.memory_space<vmem_shared>> -> memref<120x128xf32, #tpu.memory_space<vmem_shared>>
      %dma_start3A_122 = arith.constant 0 : i32
      %dma_start3A_123 = arith.constant 0 : i32
      %dma_start3A_124 = tpu.memref_slice %arg10[%run_scoped3A_15, %dma_start3A_122, %dma_start3A_123] : memref<2x125x128xf32, #tpu.memory_space<vmem>> -> memref<1x125x128xf32, #tpu.memory_space<vmem>>
      %dma_start3A_125 = tpu.memref_squeeze %dma_start3A_124 : memref<1x125x128xf32, #tpu.memory_space<vmem>> -> memref<125x128xf32, #tpu.memory_space<vmem>>
      %dma_start3A_126 = arith.constant 0 : i32
      %dma_start3A_127 = arith.constant 0 : i32
      %dma_start3A_128 = tpu.memref_slice %dma_start3A_125[%dma_start3A_126, %dma_start3A_127] : memref<125x128xf32, #tpu.memory_space<vmem>> -> memref<120x128xf32, #tpu.memory_space<vmem>>
      tpu.enqueue_dma source(%dma_start3A_128 : memref<120x128xf32, #tpu.memory_space<vmem>>) target(%dma_start3A_121 : memref<120x128xf32, #tpu.memory_space<vmem_shared>>) target_semaphore(%run_scoped3A_110 : memref<!tpu.dma_semaphore, #tpu.memory_space<semaphore_mem>>)
      %dma_wait3A_129 = arith.constant 0 : i32
      %dma_wait3A_130 = arith.constant 0 : i32
      %dma_wait3A_131 = tpu.memref_slice %arg10[%run_scoped3A_15, %dma_wait3A_129, %dma_wait3A_130] : memref<2x125x128xf32, #tpu.memory_space<vmem>> -> memref<1x125x128xf32, #tpu.memory_space<vmem>>
      %dma_wait3A_132 = tpu.memref_squeeze %dma_wait3A_131 : memref<1x125x128xf32, #tpu.memory_space<vmem>> -> memref<125x128xf32, #tpu.memory_space<vmem>>
      %dma_wait3A_133 = arith.constant 0 : i32
      %dma_wait3A_134 = arith.constant 0 : i32
      %dma_wait3A_135 = tpu.memref_slice %dma_wait3A_132[%dma_wait3A_133, %dma_wait3A_134] : memref<125x128xf32, #tpu.memory_space<vmem>> -> memref<120x128xf32, #tpu.memory_space<vmem>>
      %dma_wait3A_136 = arith.constant 0 : i32
      %dma_wait3A_137 = tpu.memref_slice %arg15[%add3A_14, %dma_wait3A_136] : memref<10000x128xf32, #tpu.memory_space<vmem_shared>> -> memref<120x128xf32, #tpu.memory_space<vmem_shared>>
      %dma_wait3A_138 = arith.constant 0 : i32
      %dma_wait3A_139 = tpu.memref_slice %arg15[%add3A_14, %dma_wait3A_138] : memref<10000x128xf32, #tpu.memory_space<vmem_shared>> -> memref<120x128xf32, #tpu.memory_space<vmem_shared>>
      %dma_wait3A_140 = arith.constant 0 : i32
      %dma_wait3A_141 = arith.constant 0 : i32
      %dma_wait3A_142 = tpu.memref_slice %arg10[%run_scoped3A_15, %dma_wait3A_140, %dma_wait3A_141] : memref<2x125x128xf32, #tpu.memory_space<vmem>> -> memref<1x125x128xf32, #tpu.memory_space<vmem>>
      %dma_wait3A_143 = tpu.memref_squeeze %dma_wait3A_142 : memref<1x125x128xf32, #tpu.memory_space<vmem>> -> memref<125x128xf32, #tpu.memory_space<vmem>>
      %dma_wait3A_144 = arith.constant 0 : i32
      %dma_wait3A_145 = arith.constant 0 : i32
      %dma_wait3A_146 = tpu.memref_slice %dma_wait3A_143[%dma_wait3A_144, %dma_wait3A_145] : memref<125x128xf32, #tpu.memory_space<vmem>> -> memref<120x128xf32, #tpu.memory_space<vmem>>
      tpu.wait_dma2 semaphore(%run_scoped3A_110 : memref<!tpu.dma_semaphore, #tpu.memory_space<semaphore_mem>>) src(%dma_wait3A_146 : memref<120x128xf32, #tpu.memory_space<vmem>>) dst(%dma_wait3A_139 : memref<120x128xf32, #tpu.memory_space<vmem_shared>>)
      tpu.yield
    }) : () -> ()
    %add3A_16 = arith.constant 240 : i32
    %add3A_17 = arith.addi %mul3A_10, %add3A_16 : i32
    %run_scoped3A_18 = arith.constant 0 : i32
    "tpu.region"() ({
      %run_scoped3A_110 = tpu.sem_alloc : memref<!tpu.dma_semaphore, #tpu.memory_space<semaphore_mem>>
      %dma_start3A_111 = arith.constant 0 : i32
      %dma_start3A_112 = arith.constant 0 : i32
      %dma_start3A_113 = tpu.memref_slice %arg10[%run_scoped3A_18, %dma_start3A_111, %dma_start3A_112] : memref<2x125x128xf32, #tpu.memory_space<vmem>> -> memref<1x125x128xf32, #tpu.memory_space<vmem>>
      %dma_start3A_114 = tpu.memref_squeeze %dma_start3A_113 : memref<1x125x128xf32, #tpu.memory_space<vmem>> -> memref<125x128xf32, #tpu.memory_space<vmem>>
      %dma_start3A_115 = arith.constant 0 : i32
      %dma_start3A_116 = arith.constant 0 : i32
      %dma_start3A_117 = tpu.memref_slice %dma_start3A_114[%dma_start3A_115, %dma_start3A_116] : memref<125x128xf32, #tpu.memory_space<vmem>> -> memref<120x128xf32, #tpu.memory_space<vmem>>
      %dma_start3A_118 = arith.constant 0 : i32
      %dma_start3A_119 = tpu.memref_slice %arg15[%add3A_17, %dma_start3A_118] : memref<10000x128xf32, #tpu.memory_space<vmem_shared>> -> memref<120x128xf32, #tpu.memory_space<vmem_shared>>
      %dma_start3A_120 = arith.constant 0 : i32
      %dma_start3A_121 = tpu.memref_slice %arg15[%add3A_17, %dma_start3A_120] : memref<10000x128xf32, #tpu.memory_space<vmem_shared>> -> memref<120x128xf32, #tpu.memory_space<vmem_shared>>
      %dma_start3A_122 = arith.constant 0 : i32
      %dma_start3A_123 = arith.constant 0 : i32
      %dma_start3A_124 = tpu.memref_slice %arg10[%run_scoped3A_18, %dma_start3A_122, %dma_start3A_123] : memref<2x125x128xf32, #tpu.memory_space<vmem>> -> memref<1x125x128xf32, #tpu.memory_space<vmem>>
      %dma_start3A_125 = tpu.memref_squeeze %dma_start3A_124 : memref<1x125x128xf32, #tpu.memory_space<vmem>> -> memref<125x128xf32, #tpu.memory_space<vmem>>
      %dma_start3A_126 = arith.constant 0 : i32
      %dma_start3A_127 = arith.constant 0 : i32
      %dma_start3A_128 = tpu.memref_slice %dma_start3A_125[%dma_start3A_126, %dma_start3A_127] : memref<125x128xf32, #tpu.memory_space<vmem>> -> memref<120x128xf32, #tpu.memory_space<vmem>>
      tpu.enqueue_dma source(%dma_start3A_128 : memref<120x128xf32, #tpu.memory_space<vmem>>) target(%dma_start3A_121 : memref<120x128xf32, #tpu.memory_space<vmem_shared>>) target_semaphore(%run_scoped3A_110 : memref<!tpu.dma_semaphore, #tpu.memory_space<semaphore_mem>>)
      %dma_wait3A_129 = arith.constant 0 : i32
      %dma_wait3A_130 = arith.constant 0 : i32
      %dma_wait3A_131 = tpu.memref_slice %arg10[%run_scoped3A_18, %dma_wait3A_129, %dma_wait3A_130] : memref<2x125x128xf32, #tpu.memory_space<vmem>> -> memref<1x125x128xf32, #tpu.memory_space<vmem>>
      %dma_wait3A_132 = tpu.memref_squeeze %dma_wait3A_131 : memref<1x125x128xf32, #tpu.memory_space<vmem>> -> memref<125x128xf32, #tpu.memory_space<vmem>>
      %dma_wait3A_133 = arith.constant 0 : i32
      %dma_wait3A_134 = arith.constant 0 : i32
      %dma_wait3A_135 = tpu.memref_slice %dma_wait3A_132[%dma_wait3A_133, %dma_wait3A_134] : memref<125x128xf32, #tpu.memory_space<vmem>> -> memref<120x128xf32, #tpu.memory_space<vmem>>
      %dma_wait3A_136 = arith.constant 0 : i32
      %dma_wait3A_137 = tpu.memref_slice %arg15[%add3A_17, %dma_wait3A_136] : memref<10000x128xf32, #tpu.memory_space<vmem_shared>> -> memref<120x128xf32, #tpu.memory_space<vmem_shared>>
      %dma_wait3A_138 = arith.constant 0 : i32
      %dma_wait3A_139 = tpu.memref_slice %arg15[%add3A_17, %dma_wait3A_138] : memref<10000x128xf32, #tpu.memory_space<vmem_shared>> -> memref<120x128xf32, #tpu.memory_space<vmem_shared>>
      %dma_wait3A_140 = arith.constant 0 : i32
      %dma_wait3A_141 = arith.constant 0 : i32
      %dma_wait3A_142 = tpu.memref_slice %arg10[%run_scoped3A_18, %dma_wait3A_140, %dma_wait3A_141] : memref<2x125x128xf32, #tpu.memory_space<vmem>> -> memref<1x125x128xf32, #tpu.memory_space<vmem>>
      %dma_wait3A_143 = tpu.memref_squeeze %dma_wait3A_142 : memref<1x125x128xf32, #tpu.memory_space<vmem>> -> memref<125x128xf32, #tpu.memory_space<vmem>>
      %dma_wait3A_144 = arith.constant 0 : i32
      %dma_wait3A_145 = arith.constant 0 : i32
      %dma_wait3A_146 = tpu.memref_slice %dma_wait3A_143[%dma_wait3A_144, %dma_wait3A_145] : memref<125x128xf32, #tpu.memory_space<vmem>> -> memref<120x128xf32, #tpu.memory_space<vmem>>
      tpu.wait_dma2 semaphore(%run_scoped3A_110 : memref<!tpu.dma_semaphore, #tpu.memory_space<semaphore_mem>>) src(%dma_wait3A_146 : memref<120x128xf32, #tpu.memory_space<vmem>>) dst(%dma_wait3A_139 : memref<120x128xf32, #tpu.memory_space<vmem_shared>>)
      tpu.yield
    }) : () -> ()
    %add3A_19 = arith.constant 360 : i32
    %add3A_20 = arith.addi %mul3A_10, %add3A_19 : i32
    %run_scoped3A_21 = arith.constant 0 : i32
    "tpu.region"() ({
      %run_scoped3A_110 = tpu.sem_alloc : memref<!tpu.dma_semaphore, #tpu.memory_space<semaphore_mem>>
      %dma_start3A_111 = arith.constant 0 : i32
      %dma_start3A_112 = arith.constant 0 : i32
      %dma_start3A_113 = tpu.memref_slice %arg10[%run_scoped3A_21, %dma_start3A_111, %dma_start3A_112] : memref<2x125x128xf32, #tpu.memory_space<vmem>> -> memref<1x125x128xf32, #tpu.memory_space<vmem>>
      %dma_start3A_114 = tpu.memref_squeeze %dma_start3A_113 : memref<1x125x128xf32, #tpu.memory_space<vmem>> -> memref<125x128xf32, #tpu.memory_space<vmem>>
      %dma_start3A_115 = arith.constant 0 : i32
      %dma_start3A_116 = arith.constant 0 : i32
      %dma_start3A_117 = tpu.memref_slice %dma_start3A_114[%dma_start3A_115, %dma_start3A_116] : memref<125x128xf32, #tpu.memory_space<vmem>> -> memref<120x128xf32, #tpu.memory_space<vmem>>
      %dma_start3A_118 = arith.constant 0 : i32
      %dma_start3A_119 = tpu.memref_slice %arg15[%add3A_20, %dma_start3A_118] : memref<10000x128xf32, #tpu.memory_space<vmem_shared>> -> memref<120x128xf32, #tpu.memory_space<vmem_shared>>
      %dma_start3A_120 = arith.constant 0 : i32
      %dma_start3A_121 = tpu.memref_slice %arg15[%add3A_20, %dma_start3A_120] : memref<10000x128xf32, #tpu.memory_space<vmem_shared>> -> memref<120x128xf32, #tpu.memory_space<vmem_shared>>
      %dma_start3A_122 = arith.constant 0 : i32
      %dma_start3A_123 = arith.constant 0 : i32
      %dma_start3A_124 = tpu.memref_slice %arg10[%run_scoped3A_21, %dma_start3A_122, %dma_start3A_123] : memref<2x125x128xf32, #tpu.memory_space<vmem>> -> memref<1x125x128xf32, #tpu.memory_space<vmem>>
      %dma_start3A_125 = tpu.memref_squeeze %dma_start3A_124 : memref<1x125x128xf32, #tpu.memory_space<vmem>> -> memref<125x128xf32, #tpu.memory_space<vmem>>
      %dma_start3A_126 = arith.constant 0 : i32
      %dma_start3A_127 = arith.constant 0 : i32
      %dma_start3A_128 = tpu.memref_slice %dma_start3A_125[%dma_start3A_126, %dma_start3A_127] : memref<125x128xf32, #tpu.memory_space<vmem>> -> memref<120x128xf32, #tpu.memory_space<vmem>>
      tpu.enqueue_dma source(%dma_start3A_128 : memref<120x128xf32, #tpu.memory_space<vmem>>) target(%dma_start3A_121 : memref<120x128xf32, #tpu.memory_space<vmem_shared>>) target_semaphore(%run_scoped3A_110 : memref<!tpu.dma_semaphore, #tpu.memory_space<semaphore_mem>>)
      %dma_wait3A_129 = arith.constant 0 : i32
      %dma_wait3A_130 = arith.constant 0 : i32
      %dma_wait3A_131 = tpu.memref_slice %arg10[%run_scoped3A_21, %dma_wait3A_129, %dma_wait3A_130] : memref<2x125x128xf32, #tpu.memory_space<vmem>> -> memref<1x125x128xf32, #tpu.memory_space<vmem>>
      %dma_wait3A_132 = tpu.memref_squeeze %dma_wait3A_131 : memref<1x125x128xf32, #tpu.memory_space<vmem>> -> memref<125x128xf32, #tpu.memory_space<vmem>>
      %dma_wait3A_133 = arith.constant 0 : i32
      %dma_wait3A_134 = arith.constant 0 : i32
      %dma_wait3A_135 = tpu.memref_slice %dma_wait3A_132[%dma_wait3A_133, %dma_wait3A_134] : memref<125x128xf32, #tpu.memory_space<vmem>> -> memref<120x128xf32, #tpu.memory_space<vmem>>
      %dma_wait3A_136 = arith.constant 0 : i32
      %dma_wait3A_137 = tpu.memref_slice %arg15[%add3A_20, %dma_wait3A_136] : memref<10000x128xf32, #tpu.memory_space<vmem_shared>> -> memref<120x128xf32, #tpu.memory_space<vmem_shared>>
      %dma_wait3A_138 = arith.constant 0 : i32
      %dma_wait3A_139 = tpu.memref_slice %arg15[%add3A_20, %dma_wait3A_138] : memref<10000x128xf32, #tpu.memory_space<vmem_shared>> -> memref<120x128xf32, #tpu.memory_space<vmem_shared>>
      %dma_wait3A_140 = arith.constant 0 : i32
      %dma_wait3A_141 = arith.constant 0 : i32
      %dma_wait3A_142 = tpu.memref_slice %arg10[%run_scoped3A_21, %dma_wait3A_140, %dma_wait3A_141] : memref<2x125x128xf32, #tpu.memory_space<vmem>> -> memref<1x125x128xf32, #tpu.memory_space<vmem>>
      %dma_wait3A_143 = tpu.memref_squeeze %dma_wait3A_142 : memref<1x125x128xf32, #tpu.memory_space<vmem>> -> memref<125x128xf32, #tpu.memory_space<vmem>>
      %dma_wait3A_144 = arith.constant 0 : i32
      %dma_wait3A_145 = arith.constant 0 : i32
      %dma_wait3A_146 = tpu.memref_slice %dma_wait3A_143[%dma_wait3A_144, %dma_wait3A_145] : memref<125x128xf32, #tpu.memory_space<vmem>> -> memref<120x128xf32, #tpu.memory_space<vmem>>
      tpu.wait_dma2 semaphore(%run_scoped3A_110 : memref<!tpu.dma_semaphore, #tpu.memory_space<semaphore_mem>>) src(%dma_wait3A_146 : memref<120x128xf32, #tpu.memory_space<vmem>>) dst(%dma_wait3A_139 : memref<120x128xf32, #tpu.memory_space<vmem_shared>>)
      tpu.yield
    }) : () -> ()
    %add3A_22 = arith.constant 480 : i32
    %add3A_23 = arith.addi %mul3A_10, %add3A_22 : i32
    %run_scoped3A_24 = arith.constant 0 : i32
    "tpu.region"() ({
      %run_scoped3A_110 = tpu.sem_alloc : memref<!tpu.dma_semaphore, #tpu.memory_space<semaphore_mem>>
      %dma_start3A_111 = arith.constant 0 : i32
      %dma_start3A_112 = arith.constant 0 : i32
      %dma_start3A_113 = tpu.memref_slice %arg10[%run_scoped3A_24, %dma_start3A_111, %dma_start3A_112] : memref<2x125x128xf32, #tpu.memory_space<vmem>> -> memref<1x125x128xf32, #tpu.memory_space<vmem>>
      %dma_start3A_114 = tpu.memref_squeeze %dma_start3A_113 : memref<1x125x128xf32, #tpu.memory_space<vmem>> -> memref<125x128xf32, #tpu.memory_space<vmem>>
      %dma_start3A_115 = arith.constant 0 : i32
      %dma_start3A_116 = arith.constant 0 : i32
      %dma_start3A_117 = tpu.memref_slice %dma_start3A_114[%dma_start3A_115, %dma_start3A_116] : memref<125x128xf32, #tpu.memory_space<vmem>> -> memref<120x128xf32, #tpu.memory_space<vmem>>
      %dma_start3A_118 = arith.constant 0 : i32
      %dma_start3A_119 = tpu.memref_slice %arg15[%add3A_23, %dma_start3A_118] : memref<10000x128xf32, #tpu.memory_space<vmem_shared>> -> memref<120x128xf32, #tpu.memory_space<vmem_shared>>
      %dma_start3A_120 = arith.constant 0 : i32
      %dma_start3A_121 = tpu.memref_slice %arg15[%add3A_23, %dma_start3A_120] : memref<10000x128xf32, #tpu.memory_space<vmem_shared>> -> memref<120x128xf32, #tpu.memory_space<vmem_shared>>
      %dma_start3A_122 = arith.constant 0 : i32
      %dma_start3A_123 = arith.constant 0 : i32
      %dma_start3A_124 = tpu.memref_slice %arg10[%run_scoped3A_24, %dma_start3A_122, %dma_start3A_123] : memref<2x125x128xf32, #tpu.memory_space<vmem>> -> memref<1x125x128xf32, #tpu.memory_space<vmem>>
      %dma_start3A_125 = tpu.memref_squeeze %dma_start3A_124 : memref<1x125x128xf32, #tpu.memory_space<vmem>> -> memref<125x128xf32, #tpu.memory_space<vmem>>
      %dma_start3A_126 = arith.constant 0 : i32
      %dma_start3A_127 = arith.constant 0 : i32
      %dma_start3A_128 = tpu.memref_slice %dma_start3A_125[%dma_start3A_126, %dma_start3A_127] : memref<125x128xf32, #tpu.memory_space<vmem>> -> memref<120x128xf32, #tpu.memory_space<vmem>>
      tpu.enqueue_dma source(%dma_start3A_128 : memref<120x128xf32, #tpu.memory_space<vmem>>) target(%dma_start3A_121 : memref<120x128xf32, #tpu.memory_space<vmem_shared>>) target_semaphore(%run_scoped3A_110 : memref<!tpu.dma_semaphore, #tpu.memory_space<semaphore_mem>>)
      %dma_wait3A_129 = arith.constant 0 : i32
      %dma_wait3A_130 = arith.constant 0 : i32
      %dma_wait3A_131 = tpu.memref_slice %arg10[%run_scoped3A_24, %dma_wait3A_129, %dma_wait3A_130] : memref<2x125x128xf32, #tpu.memory_space<vmem>> -> memref<1x125x128xf32, #tpu.memory_space<vmem>>
      %dma_wait3A_132 = tpu.memref_squeeze %dma_wait3A_131 : memref<1x125x128xf32, #tpu.memory_space<vmem>> -> memref<125x128xf32, #tpu.memory_space<vmem>>
      %dma_wait3A_133 = arith.constant 0 : i32
      %dma_wait3A_134 = arith.constant 0 : i32
      %dma_wait3A_135 = tpu.memref_slice %dma_wait3A_132[%dma_wait3A_133, %dma_wait3A_134] : memref<125x128xf32, #tpu.memory_space<vmem>> -> memref<120x128xf32, #tpu.memory_space<vmem>>
      %dma_wait3A_136 = arith.constant 0 : i32
      %dma_wait3A_137 = tpu.memref_slice %arg15[%add3A_23, %dma_wait3A_136] : memref<10000x128xf32, #tpu.memory_space<vmem_shared>> -> memref<120x128xf32, #tpu.memory_space<vmem_shared>>
      %dma_wait3A_138 = arith.constant 0 : i32
      %dma_wait3A_139 = tpu.memref_slice %arg15[%add3A_23, %dma_wait3A_138] : memref<10000x128xf32, #tpu.memory_space<vmem_shared>> -> memref<120x128xf32, #tpu.memory_space<vmem_shared>>
      %dma_wait3A_140 = arith.constant 0 : i32
      %dma_wait3A_141 = arith.constant 0 : i32
      %dma_wait3A_142 = tpu.memref_slice %arg10[%run_scoped3A_24, %dma_wait3A_140, %dma_wait3A_141] : memref<2x125x128xf32, #tpu.memory_space<vmem>> -> memref<1x125x128xf32, #tpu.memory_space<vmem>>
      %dma_wait3A_143 = tpu.memref_squeeze %dma_wait3A_142 : memref<1x125x128xf32, #tpu.memory_space<vmem>> -> memref<125x128xf32, #tpu.memory_space<vmem>>
      %dma_wait3A_144 = arith.constant 0 : i32
      %dma_wait3A_145 = arith.constant 0 : i32
      %dma_wait3A_146 = tpu.memref_slice %dma_wait3A_143[%dma_wait3A_144, %dma_wait3A_145] : memref<125x128xf32, #tpu.memory_space<vmem>> -> memref<120x128xf32, #tpu.memory_space<vmem>>
      tpu.wait_dma2 semaphore(%run_scoped3A_110 : memref<!tpu.dma_semaphore, #tpu.memory_space<semaphore_mem>>) src(%dma_wait3A_146 : memref<120x128xf32, #tpu.memory_space<vmem>>) dst(%dma_wait3A_139 : memref<120x128xf32, #tpu.memory_space<vmem_shared>>)
      tpu.yield
    }) : () -> ()
    %add3A_25 = arith.constant 600 : i32
    %add3A_26 = arith.addi %mul3A_10, %add3A_25 : i32
    %run_scoped3A_27 = arith.constant 0 : i32
    "tpu.region"() ({
      %run_scoped3A_110 = tpu.sem_alloc : memref<!tpu.dma_semaphore, #tpu.memory_space<semaphore_mem>>
      %dma_start3A_111 = arith.constant 0 : i32
      %dma_start3A_112 = arith.constant 0 : i32
      %dma_start3A_113 = tpu.memref_slice %arg10[%run_scoped3A_27, %dma_start3A_111, %dma_start3A_112] : memref<2x125x128xf32, #tpu.memory_space<vmem>> -> memref<1x125x128xf32, #tpu.memory_space<vmem>>
      %dma_start3A_114 = tpu.memref_squeeze %dma_start3A_113 : memref<1x125x128xf32, #tpu.memory_space<vmem>> -> memref<125x128xf32, #tpu.memory_space<vmem>>
      %dma_start3A_115 = arith.constant 0 : i32
      %dma_start3A_116 = arith.constant 0 : i32
      %dma_start3A_117 = tpu.memref_slice %dma_start3A_114[%dma_start3A_115, %dma_start3A_116] : memref<125x128xf32, #tpu.memory_space<vmem>> -> memref<24x128xf32, #tpu.memory_space<vmem>>
      %dma_start3A_118 = arith.constant 0 : i32
      %dma_start3A_119 = tpu.memref_slice %arg15[%add3A_26, %dma_start3A_118] : memref<10000x128xf32, #tpu.memory_space<vmem_shared>> -> memref<24x128xf32, #tpu.memory_space<vmem_shared>>
      %dma_start3A_120 = arith.constant 0 : i32
      %dma_start3A_121 = tpu.memref_slice %arg15[%add3A_26, %dma_start3A_120] : memref<10000x128xf32, #tpu.memory_space<vmem_shared>> -> memref<24x128xf32, #tpu.memory_space<vmem_shared>>
      %dma_start3A_122 = arith.constant 0 : i32
      %dma_start3A_123 = arith.constant 0 : i32
      %dma_start3A_124 = tpu.memref_slice %arg10[%run_scoped3A_27, %dma_start3A_122, %dma_start3A_123] : memref<2x125x128xf32, #tpu.memory_space<vmem>> -> memref<1x125x128xf32, #tpu.memory_space<vmem>>
      %dma_start3A_125 = tpu.memref_squeeze %dma_start3A_124 : memref<1x125x128xf32, #tpu.memory_space<vmem>> -> memref<125x128xf32, #tpu.memory_space<vmem>>
      %dma_start3A_126 = arith.constant 0 : i32
      %dma_start3A_127 = arith.constant 0 : i32
      %dma_start3A_128 = tpu.memref_slice %dma_start3A_125[%dma_start3A_126, %dma_start3A_127] : memref<125x128xf32, #tpu.memory_space<vmem>> -> memref<24x128xf32, #tpu.memory_space<vmem>>
      tpu.enqueue_dma source(%dma_start3A_128 : memref<24x128xf32, #tpu.memory_space<vmem>>) target(%dma_start3A_121 : memref<24x128xf32, #tpu.memory_space<vmem_shared>>) target_semaphore(%run_scoped3A_110 : memref<!tpu.dma_semaphore, #tpu.memory_space<semaphore_mem>>)
      %dma_wait3A_129 = arith.constant 0 : i32
      %dma_wait3A_130 = arith.constant 0 : i32
      %dma_wait3A_131 = tpu.memref_slice %arg10[%run_scoped3A_27, %dma_wait3A_129, %dma_wait3A_130] : memref<2x125x128xf32, #tpu.memory_space<vmem>> -> memref<1x125x128xf32, #tpu.memory_space<vmem>>
      %dma_wait3A_132 = tpu.memref_squeeze %dma_wait3A_131 : memref<1x125x128xf32, #tpu.memory_space<vmem>> -> memref<125x128xf32, #tpu.memory_space<vmem>>
      %dma_wait3A_133 = arith.constant 0 : i32
      %dma_wait3A_134 = arith.constant 0 : i32
      %dma_wait3A_135 = tpu.memref_slice %dma_wait3A_132[%dma_wait3A_133, %dma_wait3A_134] : memref<125x128xf32, #tpu.memory_space<vmem>> -> memref<24x128xf32, #tpu.memory_space<vmem>>
      %dma_wait3A_136 = arith.constant 0 : i32
      %dma_wait3A_137 = tpu.memref_slice %arg15[%add3A_26, %dma_wait3A_136] : memref<10000x128xf32, #tpu.memory_space<vmem_shared>> -> memref<24x128xf32, #tpu.memory_space<vmem_shared>>
      %dma_wait3A_138 = arith.constant 0 : i32
      %dma_wait3A_139 = tpu.memref_slice %arg15[%add3A_26, %dma_wait3A_138] : memref<10000x128xf32, #tpu.memory_space<vmem_shared>> -> memref<24x128xf32, #tpu.memory_space<vmem_shared>>
      %dma_wait3A_140 = arith.constant 0 : i32
      %dma_wait3A_141 = arith.constant 0 : i32
      %dma_wait3A_142 = tpu.memref_slice %arg10[%run_scoped3A_27, %dma_wait3A_140, %dma_wait3A_141] : memref<2x125x128xf32, #tpu.memory_space<vmem>> -> memref<1x125x128xf32, #tpu.memory_space<vmem>>
      %dma_wait3A_143 = tpu.memref_squeeze %dma_wait3A_142 : memref<1x125x128xf32, #tpu.memory_space<vmem>> -> memref<125x128xf32, #tpu.memory_space<vmem>>
      %dma_wait3A_144 = arith.constant 0 : i32
      %dma_wait3A_145 = arith.constant 0 : i32
      %dma_wait3A_146 = tpu.memref_slice %dma_wait3A_143[%dma_wait3A_144, %dma_wait3A_145] : memref<125x128xf32, #tpu.memory_space<vmem>> -> memref<24x128xf32, #tpu.memory_space<vmem>>
      tpu.wait_dma2 semaphore(%run_scoped3A_110 : memref<!tpu.dma_semaphore, #tpu.memory_space<semaphore_mem>>) src(%dma_wait3A_146 : memref<24x128xf32, #tpu.memory_space<vmem>>) dst(%dma_wait3A_139 : memref<24x128xf32, #tpu.memory_space<vmem_shared>>)
      tpu.yield
    }) : () -> ()
    %eq3A = arith.constant 15 : i32
    %eq3A_28 = arith.cmpi eq, %arg1, %eq3A : i32
    %convert_element_type3A = arith.extui %eq3A_28 : i1 to i32
    %cond3A = arith.constant 0 : i32
    %cond3A_29 = arith.constant 0 : i32
    %cond3A_30 = arith.cmpi ne, %convert_element_type3A, %cond3A_29 : i32
    scf.if %cond3A_30 {
      "tpu.region"() ({
        %run_scoped3A_110 = tpu.sem_alloc : memref<!tpu.dma_semaphore, #tpu.memory_space<semaphore_mem>>
        %dma_start3A_111 = arith.constant 0 : i32
        %dma_start3A_112 = arith.constant 0 : i32
        %dma_start3A_113 = tpu.memref_slice %arg10[%cond3A, %dma_start3A_111, %dma_start3A_112] : memref<2x125x128xf32, #tpu.memory_space<vmem>> -> memref<1x125x128xf32, #tpu.memory_space<vmem>>
        %dma_start3A_114 = tpu.memref_squeeze %dma_start3A_113 : memref<1x125x128xf32, #tpu.memory_space<vmem>> -> memref<125x128xf32, #tpu.memory_space<vmem>>
        %dma_start3A_115 = arith.constant 0 : i32
        %dma_start3A_116 = arith.constant 0 : i32
        %dma_start3A_117 = tpu.memref_slice %dma_start3A_114[%dma_start3A_115, %dma_start3A_116] : memref<125x128xf32, #tpu.memory_space<vmem>> -> memref<16x128xf32, #tpu.memory_space<vmem>>
        %dma_start3A_118 = arith.constant 9984 : i32
        %dma_start3A_119 = arith.constant 0 : i32
        %dma_start3A_120 = tpu.memref_slice %arg15[%dma_start3A_118, %dma_start3A_119] : memref<10000x128xf32, #tpu.memory_space<vmem_shared>> -> memref<16x128xf32, #tpu.memory_space<vmem_shared>>
        %dma_start3A_121 = arith.constant 9984 : i32
        %dma_start3A_122 = arith.constant 0 : i32
        %dma_start3A_123 = tpu.memref_slice %arg15[%dma_start3A_121, %dma_start3A_122] : memref<10000x128xf32, #tpu.memory_space<vmem_shared>> -> memref<16x128xf32, #tpu.memory_space<vmem_shared>>
        %dma_start3A_124 = arith.constant 0 : i32
        %dma_start3A_125 = arith.constant 0 : i32
        %dma_start3A_126 = tpu.memref_slice %arg10[%cond3A, %dma_start3A_124, %dma_start3A_125] : memref<2x125x128xf32, #tpu.memory_space<vmem>> -> memref<1x125x128xf32, #tpu.memory_space<vmem>>
        %dma_start3A_127 = tpu.memref_squeeze %dma_start3A_126 : memref<1x125x128xf32, #tpu.memory_space<vmem>> -> memref<125x128xf32, #tpu.memory_space<vmem>>
        %dma_start3A_128 = arith.constant 0 : i32
        %dma_start3A_129 = arith.constant 0 : i32
        %dma_start3A_130 = tpu.memref_slice %dma_start3A_127[%dma_start3A_128, %dma_start3A_129] : memref<125x128xf32, #tpu.memory_space<vmem>> -> memref<16x128xf32, #tpu.memory_space<vmem>>
        tpu.enqueue_dma source(%dma_start3A_130 : memref<16x128xf32, #tpu.memory_space<vmem>>) target(%dma_start3A_123 : memref<16x128xf32, #tpu.memory_space<vmem_shared>>) target_semaphore(%run_scoped3A_110 : memref<!tpu.dma_semaphore, #tpu.memory_space<semaphore_mem>>)
        %dma_wait3A_131 = arith.constant 0 : i32
        %dma_wait3A_132 = arith.constant 0 : i32
        %dma_wait3A_133 = tpu.memref_slice %arg10[%cond3A, %dma_wait3A_131, %dma_wait3A_132] : memref<2x125x128xf32, #tpu.memory_space<vmem>> -> memref<1x125x128xf32, #tpu.memory_space<vmem>>
        %dma_wait3A_134 = tpu.memref_squeeze %dma_wait3A_133 : memref<1x125x128xf32, #tpu.memory_space<vmem>> -> memref<125x128xf32, #tpu.memory_space<vmem>>
        %dma_wait3A_135 = arith.constant 0 : i32
        %dma_wait3A_136 = arith.constant 0 : i32
        %dma_wait3A_137 = tpu.memref_slice %dma_wait3A_134[%dma_wait3A_135, %dma_wait3A_136] : memref<125x128xf32, #tpu.memory_space<vmem>> -> memref<16x128xf32, #tpu.memory_space<vmem>>
        %dma_wait3A_138 = arith.constant 9984 : i32
        %dma_wait3A_139 = arith.constant 0 : i32
        %dma_wait3A_140 = tpu.memref_slice %arg15[%dma_wait3A_138, %dma_wait3A_139] : memref<10000x128xf32, #tpu.memory_space<vmem_shared>> -> memref<16x128xf32, #tpu.memory_space<vmem_shared>>
        %dma_wait3A_141 = arith.constant 9984 : i32
        %dma_wait3A_142 = arith.constant 0 : i32
        %dma_wait3A_143 = tpu.memref_slice %arg15[%dma_wait3A_141, %dma_wait3A_142] : memref<10000x128xf32, #tpu.memory_space<vmem_shared>> -> memref<16x128xf32, #tpu.memory_space<vmem_shared>>
        %dma_wait3A_144 = arith.constant 0 : i32
        %dma_wait3A_145 = arith.constant 0 : i32
        %dma_wait3A_146 = tpu.memref_slice %arg10[%cond3A, %dma_wait3A_144, %dma_wait3A_145] : memref<2x125x128xf32, #tpu.memory_space<vmem>> -> memref<1x125x128xf32, #tpu.memory_space<vmem>>
        %dma_wait3A_147 = tpu.memref_squeeze %dma_wait3A_146 : memref<1x125x128xf32, #tpu.memory_space<vmem>> -> memref<125x128xf32, #tpu.memory_space<vmem>>
        %dma_wait3A_148 = arith.constant 0 : i32
        %dma_wait3A_149 = arith.constant 0 : i32
        %dma_wait3A_150 = tpu.memref_slice %dma_wait3A_147[%dma_wait3A_148, %dma_wait3A_149] : memref<125x128xf32, #tpu.memory_space<vmem>> -> memref<16x128xf32, #tpu.memory_space<vmem>>
        tpu.wait_dma2 semaphore(%run_scoped3A_110 : memref<!tpu.dma_semaphore, #tpu.memory_space<semaphore_mem>>) src(%dma_wait3A_150 : memref<16x128xf32, #tpu.memory_space<vmem>>) dst(%dma_wait3A_143 : memref<16x128xf32, #tpu.memory_space<vmem_shared>>)
        tpu.yield
      }) : () -> ()
    } else {
    }
    %barrier3A = arith.constant 0 : index
    tpu.barrier barrier_id(%barrier3A)
    %dma_start3A = arith.constant 0 : i32
    %dma_start3A_31 = arith.constant 0 : i32
    %dma_start3A_32 = arith.constant 0 : i32
    %dma_start3A_33 = tpu.memref_slice %arg3[%add3A, %dma_start3A, %dma_start3A_31, %dma_start3A_32] : memref<32x80x1x125xi32, #tpu.memory_space<hbm>> -> memref<1x1x1x125xi32, #tpu.memory_space<hbm>>
    %dma_start3A_34 = tpu.memref_squeeze %dma_start3A_33 : memref<1x1x1x125xi32, #tpu.memory_space<hbm>> -> memref<1x125xi32, #tpu.memory_space<hbm>>
    %dma_start3A_35 = arith.constant 0 : i32
    %dma_start3A_36 = arith.constant 0 : i32
    %dma_start3A_37 = tpu.memref_slice %arg3[%add3A, %dma_start3A, %dma_start3A_35, %dma_start3A_36] : memref<32x80x1x125xi32, #tpu.memory_space<hbm>> -> memref<1x1x1x125xi32, #tpu.memory_space<hbm>>
    %dma_start3A_38 = tpu.memref_squeeze %dma_start3A_37 : memref<1x1x1x125xi32, #tpu.memory_space<hbm>> -> memref<1x125xi32, #tpu.memory_space<hbm>>
    tpu.enqueue_dma source(%dma_start3A_38 : memref<1x125xi32, #tpu.memory_space<hbm>>) target(%arg6 : memref<1x125xi32, #tpu.memory_space<vmem>>) target_semaphore(%arg11 : memref<!tpu.dma_semaphore, #tpu.memory_space<semaphore_mem>>)
    %dma_start3A_39 = arith.constant 0 : i32
    %dma_start3A_40 = arith.constant 0 : i32
    %dma_start3A_41 = arith.constant 0 : i32
    %dma_start3A_42 = tpu.memref_slice %arg4[%add3A, %dma_start3A_39, %dma_start3A_40, %dma_start3A_41] : memref<32x80x1x125xi32, #tpu.memory_space<hbm>> -> memref<1x1x1x125xi32, #tpu.memory_space<hbm>>
    %dma_start3A_43 = tpu.memref_squeeze %dma_start3A_42 : memref<1x1x1x125xi32, #tpu.memory_space<hbm>> -> memref<1x125xi32, #tpu.memory_space<hbm>>
    %dma_start3A_44 = arith.constant 0 : i32
    %dma_start3A_45 = arith.constant 0 : i32
    %dma_start3A_46 = tpu.memref_slice %arg4[%add3A, %dma_start3A_39, %dma_start3A_44, %dma_start3A_45] : memref<32x80x1x125xi32, #tpu.memory_space<hbm>> -> memref<1x1x1x125xi32, #tpu.memory_space<hbm>>
    %dma_start3A_47 = tpu.memref_squeeze %dma_start3A_46 : memref<1x1x1x125xi32, #tpu.memory_space<hbm>> -> memref<1x125xi32, #tpu.memory_space<hbm>>
    tpu.enqueue_dma source(%dma_start3A_47 : memref<1x125xi32, #tpu.memory_space<hbm>>) target(%arg8 : memref<1x125xi32, #tpu.memory_space<vmem>>) target_semaphore(%arg11 : memref<!tpu.dma_semaphore, #tpu.memory_space<semaphore_mem>>)
    %dma_start3A_48 = arith.constant 1 : i32
    %dma_start3A_49 = arith.constant 0 : i32
    %dma_start3A_50 = arith.constant 0 : i32
    %dma_start3A_51 = tpu.memref_slice %arg3[%add3A, %dma_start3A_48, %dma_start3A_49, %dma_start3A_50] : memref<32x80x1x125xi32, #tpu.memory_space<hbm>> -> memref<1x1x1x125xi32, #tpu.memory_space<hbm>>
    %dma_start3A_52 = tpu.memref_squeeze %dma_start3A_51 : memref<1x1x1x125xi32, #tpu.memory_space<hbm>> -> memref<1x125xi32, #tpu.memory_space<hbm>>
    %dma_start3A_53 = arith.constant 0 : i32
    %dma_start3A_54 = arith.constant 0 : i32
    %dma_start3A_55 = tpu.memref_slice %arg3[%add3A, %dma_start3A_48, %dma_start3A_53, %dma_start3A_54] : memref<32x80x1x125xi32, #tpu.memory_space<hbm>> -> memref<1x1x1x125xi32, #tpu.memory_space<hbm>>
    %dma_start3A_56 = tpu.memref_squeeze %dma_start3A_55 : memref<1x1x1x125xi32, #tpu.memory_space<hbm>> -> memref<1x125xi32, #tpu.memory_space<hbm>>
    tpu.enqueue_dma source(%dma_start3A_56 : memref<1x125xi32, #tpu.memory_space<hbm>>) target(%arg7 : memref<1x125xi32, #tpu.memory_space<vmem>>) target_semaphore(%arg12 : memref<!tpu.dma_semaphore, #tpu.memory_space<semaphore_mem>>)
    %dma_start3A_57 = arith.constant 1 : i32
    %dma_start3A_58 = arith.constant 0 : i32
    %dma_start3A_59 = arith.constant 0 : i32
    %dma_start3A_60 = tpu.memref_slice %arg4[%add3A, %dma_start3A_57, %dma_start3A_58, %dma_start3A_59] : memref<32x80x1x125xi32, #tpu.memory_space<hbm>> -> memref<1x1x1x125xi32, #tpu.memory_space<hbm>>
    %dma_start3A_61 = tpu.memref_squeeze %dma_start3A_60 : memref<1x1x1x125xi32, #tpu.memory_space<hbm>> -> memref<1x125xi32, #tpu.memory_space<hbm>>
    %dma_start3A_62 = arith.constant 0 : i32
    %dma_start3A_63 = arith.constant 0 : i32
    %dma_start3A_64 = tpu.memref_slice %arg4[%add3A, %dma_start3A_57, %dma_start3A_62, %dma_start3A_63] : memref<32x80x1x125xi32, #tpu.memory_space<hbm>> -> memref<1x1x1x125xi32, #tpu.memory_space<hbm>>
    %dma_start3A_65 = tpu.memref_squeeze %dma_start3A_64 : memref<1x1x1x125xi32, #tpu.memory_space<hbm>> -> memref<1x125xi32, #tpu.memory_space<hbm>>
    tpu.enqueue_dma source(%dma_start3A_65 : memref<1x125xi32, #tpu.memory_space<hbm>>) target(%arg9 : memref<1x125xi32, #tpu.memory_space<vmem>>) target_semaphore(%arg12 : memref<!tpu.dma_semaphore, #tpu.memory_space<semaphore_mem>>)
    %dma_wait3A = arith.constant 0 : i32
    %dma_wait3A_66 = arith.constant 0 : i32
    %dma_wait3A_67 = arith.constant 0 : i32
    %dma_wait3A_68 = tpu.memref_slice %arg3[%add3A, %dma_wait3A, %dma_wait3A_66, %dma_wait3A_67] : memref<32x80x1x125xi32, #tpu.memory_space<hbm>> -> memref<1x1x1x125xi32, #tpu.memory_space<hbm>>
    %dma_wait3A_69 = tpu.memref_squeeze %dma_wait3A_68 : memref<1x1x1x125xi32, #tpu.memory_space<hbm>> -> memref<1x125xi32, #tpu.memory_space<hbm>>
    %dma_wait3A_70 = arith.constant 0 : i32
    %dma_wait3A_71 = arith.constant 0 : i32
    %dma_wait3A_72 = tpu.memref_slice %arg3[%add3A, %dma_wait3A, %dma_wait3A_70, %dma_wait3A_71] : memref<32x80x1x125xi32, #tpu.memory_space<hbm>> -> memref<1x1x1x125xi32, #tpu.memory_space<hbm>>
    %dma_wait3A_73 = tpu.memref_squeeze %dma_wait3A_72 : memref<1x1x1x125xi32, #tpu.memory_space<hbm>> -> memref<1x125xi32, #tpu.memory_space<hbm>>
    tpu.wait_dma2 semaphore(%arg11 : memref<!tpu.dma_semaphore, #tpu.memory_space<semaphore_mem>>) src(%dma_wait3A_73 : memref<1x125xi32, #tpu.memory_space<hbm>>) dst(%arg6 : memref<1x125xi32, #tpu.memory_space<vmem>>)
    %dma_wait3A_74 = arith.constant 0 : i32
    %dma_wait3A_75 = arith.constant 0 : i32
    %dma_wait3A_76 = arith.constant 0 : i32
    %dma_wait3A_77 = tpu.memref_slice %arg4[%add3A, %dma_wait3A_74, %dma_wait3A_75, %dma_wait3A_76] : memref<32x80x1x125xi32, #tpu.memory_space<hbm>> -> memref<1x1x1x125xi32, #tpu.memory_space<hbm>>
    %dma_wait3A_78 = tpu.memref_squeeze %dma_wait3A_77 : memref<1x1x1x125xi32, #tpu.memory_space<hbm>> -> memref<1x125xi32, #tpu.memory_space<hbm>>
    %dma_wait3A_79 = arith.constant 0 : i32
    %dma_wait3A_80 = arith.constant 0 : i32
    %dma_wait3A_81 = tpu.memref_slice %arg4[%add3A, %dma_wait3A_74, %dma_wait3A_79, %dma_wait3A_80] : memref<32x80x1x125xi32, #tpu.memory_space<hbm>> -> memref<1x1x1x125xi32, #tpu.memory_space<hbm>>
    %dma_wait3A_82 = tpu.memref_squeeze %dma_wait3A_81 : memref<1x1x1x125xi32, #tpu.memory_space<hbm>> -> memref<1x125xi32, #tpu.memory_space<hbm>>
    tpu.wait_dma2 semaphore(%arg11 : memref<!tpu.dma_semaphore, #tpu.memory_space<semaphore_mem>>) src(%dma_wait3A_82 : memref<1x125xi32, #tpu.memory_space<hbm>>) dst(%arg8 : memref<1x125xi32, #tpu.memory_space<vmem>>)
    %dma_start3A_83 = arith.constant 0 : i32
    %dma_start3A_84 = arith.constant 0 : i32
    %dma_start3A_85 = arith.constant 0 : i32
    %dma_start3A_86 = arith.constant 0 : i32
    %dma_start3A_87 = tpu.memref_slice %arg10[%dma_start3A_84, %dma_start3A_85, %dma_start3A_86] : memref<2x125x128xf32, #tpu.memory_space<vmem>> -> memref<1x125x128xf32, #tpu.memory_space<vmem>>
    %dma_start3A_88 = tpu.memref_squeeze %dma_start3A_87 : memref<1x125x128xf32, #tpu.memory_space<vmem>> -> memref<125x128xf32, #tpu.memory_space<vmem>>
    %dma_start3A_89 = arith.constant 0 : i32
    %dma_start3A_90 = tpu.memref_slice %arg6[%dma_start3A_83, %dma_start3A_89] : memref<1x125xi32, #tpu.memory_space<vmem>> -> memref<1x125xi32, #tpu.memory_space<vmem>>
    %dma_start3A_91 = tpu.memref_squeeze %dma_start3A_90 : memref<1x125xi32, #tpu.memory_space<vmem>> -> memref<125xi32, #tpu.memory_space<vmem>>
    %dma_start3A_92 = arith.constant 0 : i32
    %dma_start3A_93 = arith.constant 0 : i32
    %dma_start3A_94 = tpu.memref_slice %arg2[%dma_start3A_92, %dma_start3A_93] : memref<10000x128xf32, #tpu.memory_space<hbm>> -> memref<10000x128xf32, #tpu.memory_space<hbm>>
    tpu.enqueue_indirect_dma source(%dma_start3A_94 : memref<10000x128xf32, #tpu.memory_space<hbm>>) target(%dma_start3A_88 : memref<125x128xf32, #tpu.memory_space<vmem>>) offsets(%dma_start3A_91 : memref<125xi32, #tpu.memory_space<vmem>>) semaphore(%arg13 : memref<!tpu.dma_semaphore, #tpu.memory_space<semaphore_mem>>)
    %scan3A_95 = arith.constant 0 : i32
    %scan3A_96 = arith.constant 0 : i32
    %scan3A_97 = arith.constant 40 : i32
    %scan3A_98 = arith.addi %scan3A_96, %scan3A_97 : i32
    %scan3A_99 = arith.constant 1 : i32
    %scan3A_100 = scf.for %scan3A_110 = %scan3A_96 to %scan3A_98 step %scan3A_99 iter_args(%scan3A_111 = %scan3A_95) -> (i32)  : i32 {
      %mul3A_112 = arith.constant 2 : i32
      %mul3A_113 = arith.muli %mul3A_112, %scan3A_110 : i32
      %add3A_114 = arith.constant 2 : i32
      %add3A_115 = arith.addi %mul3A_113, %add3A_114 : i32
      %mul3A_116 = arith.constant 2 : i32
      %mul3A_117 = arith.muli %mul3A_116, %scan3A_110 : i32
      %add3A_118 = arith.constant 3 : i32
      %add3A_119 = arith.addi %mul3A_117, %add3A_118 : i32
      %dma_wait3A_120 = arith.constant 0 : i32
      %dma_wait3A_121 = arith.constant 0 : i32
      %dma_wait3A_122 = arith.constant 0 : i32
      %dma_wait3A_123 = arith.constant 0 : i32
      %dma_wait3A_124 = tpu.memref_slice %arg10[%dma_wait3A_121, %dma_wait3A_122, %dma_wait3A_123] : memref<2x125x128xf32, #tpu.memory_space<vmem>> -> memref<1x125x128xf32, #tpu.memory_space<vmem>>
      %dma_wait3A_125 = tpu.memref_squeeze %dma_wait3A_124 : memref<1x125x128xf32, #tpu.memory_space<vmem>> -> memref<125x128xf32, #tpu.memory_space<vmem>>
      %dma_wait3A_126 = arith.constant 0 : i32
      %dma_wait3A_127 = tpu.memref_slice %arg6[%dma_wait3A_120, %dma_wait3A_126] : memref<1x125xi32, #tpu.memory_space<vmem>> -> memref<1x125xi32, #tpu.memory_space<vmem>>
      %dma_wait3A_128 = tpu.memref_squeeze %dma_wait3A_127 : memref<1x125xi32, #tpu.memory_space<vmem>> -> memref<125xi32, #tpu.memory_space<vmem>>
      %dma_wait3A_129 = arith.constant 0 : i32
      %dma_wait3A_130 = arith.constant 0 : i32
      %dma_wait3A_131 = tpu.memref_slice %arg2[%dma_wait3A_129, %dma_wait3A_130] : memref<10000x128xf32, #tpu.memory_space<hbm>> -> memref<10000x128xf32, #tpu.memory_space<hbm>>
      tpu.wait_indirect_dma semaphore(%arg13 : memref<!tpu.dma_semaphore, #tpu.memory_space<semaphore_mem>>) src(%dma_wait3A_131 : memref<10000x128xf32, #tpu.memory_space<hbm>>) dst(%dma_wait3A_125 : memref<125x128xf32, #tpu.memory_space<vmem>>)
      %dma_wait3A_132 = arith.constant 0 : i32
      %dma_wait3A_133 = arith.constant 0 : i32
      %dma_wait3A_134 = arith.constant 0 : i32
      %dma_wait3A_135 = tpu.memref_slice %arg3[%add3A, %dma_wait3A_132, %dma_wait3A_133, %dma_wait3A_134] : memref<32x80x1x125xi32, #tpu.memory_space<hbm>> -> memref<1x1x1x125xi32, #tpu.memory_space<hbm>>
      %dma_wait3A_136 = tpu.memref_squeeze %dma_wait3A_135 : memref<1x1x1x125xi32, #tpu.memory_space<hbm>> -> memref<1x125xi32, #tpu.memory_space<hbm>>
      %dma_wait3A_137 = arith.constant 0 : i32
      %dma_wait3A_138 = arith.constant 0 : i32
      %dma_wait3A_139 = tpu.memref_slice %arg3[%add3A, %dma_wait3A_132, %dma_wait3A_137, %dma_wait3A_138] : memref<32x80x1x125xi32, #tpu.memory_space<hbm>> -> memref<1x1x1x125xi32, #tpu.memory_space<hbm>>
      %dma_wait3A_140 = tpu.memref_squeeze %dma_wait3A_139 : memref<1x1x1x125xi32, #tpu.memory_space<hbm>> -> memref<1x125xi32, #tpu.memory_space<hbm>>
      tpu.wait_dma2 semaphore(%arg12 : memref<!tpu.dma_semaphore, #tpu.memory_space<semaphore_mem>>) src(%dma_wait3A_140 : memref<1x125xi32, #tpu.memory_space<hbm>>) dst(%arg7 : memref<1x125xi32, #tpu.memory_space<vmem>>)
      %dma_wait3A_141 = arith.constant 0 : i32
      %dma_wait3A_142 = arith.constant 0 : i32
      %dma_wait3A_143 = arith.constant 0 : i32
      %dma_wait3A_144 = tpu.memref_slice %arg4[%add3A, %dma_wait3A_141, %dma_wait3A_142, %dma_wait3A_143] : memref<32x80x1x125xi32, #tpu.memory_space<hbm>> -> memref<1x1x1x125xi32, #tpu.memory_space<hbm>>
      %dma_wait3A_145 = tpu.memref_squeeze %dma_wait3A_144 : memref<1x1x1x125xi32, #tpu.memory_space<hbm>> -> memref<1x125xi32, #tpu.memory_space<hbm>>
      %dma_wait3A_146 = arith.constant 0 : i32
      %dma_wait3A_147 = arith.constant 0 : i32
      %dma_wait3A_148 = tpu.memref_slice %arg4[%add3A, %dma_wait3A_141, %dma_wait3A_146, %dma_wait3A_147] : memref<32x80x1x125xi32, #tpu.memory_space<hbm>> -> memref<1x1x1x125xi32, #tpu.memory_space<hbm>>
      %dma_wait3A_149 = tpu.memref_squeeze %dma_wait3A_148 : memref<1x1x1x125xi32, #tpu.memory_space<hbm>> -> memref<1x125xi32, #tpu.memory_space<hbm>>
      tpu.wait_dma2 semaphore(%arg12 : memref<!tpu.dma_semaphore, #tpu.memory_space<semaphore_mem>>) src(%dma_wait3A_149 : memref<1x125xi32, #tpu.memory_space<hbm>>) dst(%arg9 : memref<1x125xi32, #tpu.memory_space<vmem>>)
      %dma_start3A_150 = arith.constant 0 : i32
      %dma_start3A_151 = arith.constant 1 : i32
      %dma_start3A_152 = arith.constant 0 : i32
      %dma_start3A_153 = arith.constant 0 : i32
      %dma_start3A_154 = tpu.memref_slice %arg10[%dma_start3A_151, %dma_start3A_152, %dma_start3A_153] : memref<2x125x128xf32, #tpu.memory_space<vmem>> -> memref<1x125x128xf32, #tpu.memory_space<vmem>>
      %dma_start3A_155 = tpu.memref_squeeze %dma_start3A_154 : memref<1x125x128xf32, #tpu.memory_space<vmem>> -> memref<125x128xf32, #tpu.memory_space<vmem>>
      %dma_start3A_156 = arith.constant 0 : i32
      %dma_start3A_157 = tpu.memref_slice %arg7[%dma_start3A_150, %dma_start3A_156] : memref<1x125xi32, #tpu.memory_space<vmem>> -> memref<1x125xi32, #tpu.memory_space<vmem>>
      %dma_start3A_158 = tpu.memref_squeeze %dma_start3A_157 : memref<1x125xi32, #tpu.memory_space<vmem>> -> memref<125xi32, #tpu.memory_space<vmem>>
      %dma_start3A_159 = arith.constant 0 : i32
      %dma_start3A_160 = arith.constant 0 : i32
      %dma_start3A_161 = tpu.memref_slice %arg2[%dma_start3A_159, %dma_start3A_160] : memref<10000x128xf32, #tpu.memory_space<hbm>> -> memref<10000x128xf32, #tpu.memory_space<hbm>>
      tpu.enqueue_indirect_dma source(%dma_start3A_161 : memref<10000x128xf32, #tpu.memory_space<hbm>>) target(%dma_start3A_155 : memref<125x128xf32, #tpu.memory_space<vmem>>) offsets(%dma_start3A_158 : memref<125xi32, #tpu.memory_space<vmem>>) semaphore(%arg14 : memref<!tpu.dma_semaphore, #tpu.memory_space<semaphore_mem>>)
      %run_scoped3A_162 = arith.constant 0 : i32
      %run_scoped3A_163 = arith.constant 0 : i32
      "tpu.region"() ({
        %run_scoped3A_193 = tpu.sem_alloc : memref<!tpu.dma_semaphore, #tpu.memory_space<semaphore_mem>>
        %dma_start3A_194 = arith.constant 0 : i32
        %dma_start3A_195 = arith.constant 0 : i32
        %dma_start3A_196 = tpu.memref_slice %arg10[%run_scoped3A_162, %dma_start3A_194, %dma_start3A_195] : memref<2x125x128xf32, #tpu.memory_space<vmem>> -> memref<1x125x128xf32, #tpu.memory_space<vmem>>
        %dma_start3A_197 = tpu.memref_squeeze %dma_start3A_196 : memref<1x125x128xf32, #tpu.memory_space<vmem>> -> memref<125x128xf32, #tpu.memory_space<vmem>>
        %dma_start3A_198 = arith.constant 0 : i32
        %dma_start3A_199 = tpu.memref_slice %arg8[%run_scoped3A_163, %dma_start3A_198] : memref<1x125xi32, #tpu.memory_space<vmem>> -> memref<1x125xi32, #tpu.memory_space<vmem>>
        %dma_start3A_200 = tpu.memref_squeeze %dma_start3A_199 : memref<1x125xi32, #tpu.memory_space<vmem>> -> memref<125xi32, #tpu.memory_space<vmem>>
        %dma_start3A_201 = arith.constant 0 : i32
        %dma_start3A_202 = arith.constant 0 : i32
        %dma_start3A_203 = tpu.memref_slice %arg15[%dma_start3A_201, %dma_start3A_202] : memref<10000x128xf32, #tpu.memory_space<vmem_shared>> -> memref<10000x128xf32, #tpu.memory_space<vmem_shared>>
        tpu.enqueue_indirect_dma source(%dma_start3A_197 : memref<125x128xf32, #tpu.memory_space<vmem>>) target(%dma_start3A_203 : memref<10000x128xf32, #tpu.memory_space<vmem_shared>>) offsets(%dma_start3A_200 : memref<125xi32, #tpu.memory_space<vmem>>) semaphore(%run_scoped3A_193 : memref<!tpu.dma_semaphore, #tpu.memory_space<semaphore_mem>>) {add = true}
        %dma_wait3A_204 = arith.constant 0 : i32
        %dma_wait3A_205 = arith.constant 0 : i32
        %dma_wait3A_206 = tpu.memref_slice %arg10[%run_scoped3A_162, %dma_wait3A_204, %dma_wait3A_205] : memref<2x125x128xf32, #tpu.memory_space<vmem>> -> memref<1x125x128xf32, #tpu.memory_space<vmem>>
        %dma_wait3A_207 = tpu.memref_squeeze %dma_wait3A_206 : memref<1x125x128xf32, #tpu.memory_space<vmem>> -> memref<125x128xf32, #tpu.memory_space<vmem>>
        %dma_wait3A_208 = arith.constant 0 : i32
        %dma_wait3A_209 = tpu.memref_slice %arg8[%run_scoped3A_163, %dma_wait3A_208] : memref<1x125xi32, #tpu.memory_space<vmem>> -> memref<1x125xi32, #tpu.memory_space<vmem>>
        %dma_wait3A_210 = tpu.memref_squeeze %dma_wait3A_209 : memref<1x125xi32, #tpu.memory_space<vmem>> -> memref<125xi32, #tpu.memory_space<vmem>>
        %dma_wait3A_211 = arith.constant 0 : i32
        %dma_wait3A_212 = arith.constant 0 : i32
        %dma_wait3A_213 = tpu.memref_slice %arg15[%dma_wait3A_211, %dma_wait3A_212] : memref<10000x128xf32, #tpu.memory_space<vmem_shared>> -> memref<10000x128xf32, #tpu.memory_space<vmem_shared>>
        tpu.wait_indirect_dma semaphore(%run_scoped3A_193 : memref<!tpu.dma_semaphore, #tpu.memory_space<semaphore_mem>>) src(%dma_wait3A_207 : memref<125x128xf32, #tpu.memory_space<vmem>>) dst(%dma_wait3A_213 : memref<10000x128xf32, #tpu.memory_space<vmem_shared>>)
        tpu.yield
      }) : () -> ()
      %lt3A = arith.constant 80 : i32
      %lt3A_164 = arith.cmpi slt, %add3A_115, %lt3A : i32
      %convert_element_type3A_165 = arith.extui %lt3A_164 : i1 to i32
      %cond3A_166 = arith.constant 0 : i32
      %cond3A_167 = arith.cmpi ne, %convert_element_type3A_165, %cond3A_166 : i32
      scf.if %cond3A_167 {
        %dma_start3A_193 = arith.constant 0 : i32
        %dma_start3A_194 = arith.constant 0 : i32
        %dma_start3A_195 = tpu.memref_slice %arg3[%add3A, %add3A_115, %dma_start3A_193, %dma_start3A_194] : memref<32x80x1x125xi32, #tpu.memory_space<hbm>> -> memref<1x1x1x125xi32, #tpu.memory_space<hbm>>
        %dma_start3A_196 = tpu.memref_squeeze %dma_start3A_195 : memref<1x1x1x125xi32, #tpu.memory_space<hbm>> -> memref<1x125xi32, #tpu.memory_space<hbm>>
        %dma_start3A_197 = arith.constant 0 : i32
        %dma_start3A_198 = arith.constant 0 : i32
        %dma_start3A_199 = tpu.memref_slice %arg3[%add3A, %add3A_115, %dma_start3A_197, %dma_start3A_198] : memref<32x80x1x125xi32, #tpu.memory_space<hbm>> -> memref<1x1x1x125xi32, #tpu.memory_space<hbm>>
        %dma_start3A_200 = tpu.memref_squeeze %dma_start3A_199 : memref<1x1x1x125xi32, #tpu.memory_space<hbm>> -> memref<1x125xi32, #tpu.memory_space<hbm>>
        tpu.enqueue_dma source(%dma_start3A_200 : memref<1x125xi32, #tpu.memory_space<hbm>>) target(%arg6 : memref<1x125xi32, #tpu.memory_space<vmem>>) target_semaphore(%arg11 : memref<!tpu.dma_semaphore, #tpu.memory_space<semaphore_mem>>)
        %dma_start3A_201 = arith.constant 0 : i32
        %dma_start3A_202 = arith.constant 0 : i32
        %dma_start3A_203 = tpu.memref_slice %arg4[%add3A, %add3A_115, %dma_start3A_201, %dma_start3A_202] : memref<32x80x1x125xi32, #tpu.memory_space<hbm>> -> memref<1x1x1x125xi32, #tpu.memory_space<hbm>>
        %dma_start3A_204 = tpu.memref_squeeze %dma_start3A_203 : memref<1x1x1x125xi32, #tpu.memory_space<hbm>> -> memref<1x125xi32, #tpu.memory_space<hbm>>
        %dma_start3A_205 = arith.constant 0 : i32
        %dma_start3A_206 = arith.constant 0 : i32
        %dma_start3A_207 = tpu.memref_slice %arg4[%add3A, %add3A_115, %dma_start3A_205, %dma_start3A_206] : memref<32x80x1x125xi32, #tpu.memory_space<hbm>> -> memref<1x1x1x125xi32, #tpu.memory_space<hbm>>
        %dma_start3A_208 = tpu.memref_squeeze %dma_start3A_207 : memref<1x1x1x125xi32, #tpu.memory_space<hbm>> -> memref<1x125xi32, #tpu.memory_space<hbm>>
        tpu.enqueue_dma source(%dma_start3A_208 : memref<1x125xi32, #tpu.memory_space<hbm>>) target(%arg8 : memref<1x125xi32, #tpu.memory_space<vmem>>) target_semaphore(%arg11 : memref<!tpu.dma_semaphore, #tpu.memory_space<semaphore_mem>>)
      } else {
      }
      %dma_wait3A_168 = arith.constant 0 : i32
      %dma_wait3A_169 = arith.constant 1 : i32
      %dma_wait3A_170 = arith.constant 0 : i32
      %dma_wait3A_171 = arith.constant 0 : i32
      %dma_wait3A_172 = tpu.memref_slice %arg10[%dma_wait3A_169, %dma_wait3A_170, %dma_wait3A_171] : memref<2x125x128xf32, #tpu.memory_space<vmem>> -> memref<1x125x128xf32, #tpu.memory_space<vmem>>
      %dma_wait3A_173 = tpu.memref_squeeze %dma_wait3A_172 : memref<1x125x128xf32, #tpu.memory_space<vmem>> -> memref<125x128xf32, #tpu.memory_space<vmem>>
      %dma_wait3A_174 = arith.constant 0 : i32
      %dma_wait3A_175 = tpu.memref_slice %arg7[%dma_wait3A_168, %dma_wait3A_174] : memref<1x125xi32, #tpu.memory_space<vmem>> -> memref<1x125xi32, #tpu.memory_space<vmem>>
      %dma_wait3A_176 = tpu.memref_squeeze %dma_wait3A_175 : memref<1x125xi32, #tpu.memory_space<vmem>> -> memref<125xi32, #tpu.memory_space<vmem>>
      %dma_wait3A_177 = arith.constant 0 : i32
      %dma_wait3A_178 = arith.constant 0 : i32
      %dma_wait3A_179 = tpu.memref_slice %arg2[%dma_wait3A_177, %dma_wait3A_178] : memref<10000x128xf32, #tpu.memory_space<hbm>> -> memref<10000x128xf32, #tpu.memory_space<hbm>>
      tpu.wait_indirect_dma semaphore(%arg14 : memref<!tpu.dma_semaphore, #tpu.memory_space<semaphore_mem>>) src(%dma_wait3A_179 : memref<10000x128xf32, #tpu.memory_space<hbm>>) dst(%dma_wait3A_173 : memref<125x128xf32, #tpu.memory_space<vmem>>)
      %lt3A_180 = arith.constant 80 : i32
      %lt3A_181 = arith.cmpi slt, %add3A_115, %lt3A_180 : i32
      %convert_element_type3A_182 = arith.extui %lt3A_181 : i1 to i32
      %cond3A_183 = arith.constant 0 : i32
      %cond3A_184 = arith.cmpi ne, %convert_element_type3A_182, %cond3A_183 : i32
      scf.if %cond3A_184 {
        %dma_wait3A_193 = arith.constant 0 : i32
        %dma_wait3A_194 = arith.constant 0 : i32
        %dma_wait3A_195 = arith.constant 0 : i32
        %dma_wait3A_196 = tpu.memref_slice %arg3[%add3A, %dma_wait3A_193, %dma_wait3A_194, %dma_wait3A_195] : memref<32x80x1x125xi32, #tpu.memory_space<hbm>> -> memref<1x1x1x125xi32, #tpu.memory_space<hbm>>
        %dma_wait3A_197 = tpu.memref_squeeze %dma_wait3A_196 : memref<1x1x1x125xi32, #tpu.memory_space<hbm>> -> memref<1x125xi32, #tpu.memory_space<hbm>>
        %dma_wait3A_198 = arith.constant 0 : i32
        %dma_wait3A_199 = arith.constant 0 : i32
        %dma_wait3A_200 = tpu.memref_slice %arg3[%add3A, %dma_wait3A_193, %dma_wait3A_198, %dma_wait3A_199] : memref<32x80x1x125xi32, #tpu.memory_space<hbm>> -> memref<1x1x1x125xi32, #tpu.memory_space<hbm>>
        %dma_wait3A_201 = tpu.memref_squeeze %dma_wait3A_200 : memref<1x1x1x125xi32, #tpu.memory_space<hbm>> -> memref<1x125xi32, #tpu.memory_space<hbm>>
        tpu.wait_dma2 semaphore(%arg11 : memref<!tpu.dma_semaphore, #tpu.memory_space<semaphore_mem>>) src(%dma_wait3A_201 : memref<1x125xi32, #tpu.memory_space<hbm>>) dst(%arg6 : memref<1x125xi32, #tpu.memory_space<vmem>>)
        %dma_wait3A_202 = arith.constant 0 : i32
        %dma_wait3A_203 = arith.constant 0 : i32
        %dma_wait3A_204 = arith.constant 0 : i32
        %dma_wait3A_205 = tpu.memref_slice %arg4[%add3A, %dma_wait3A_202, %dma_wait3A_203, %dma_wait3A_204] : memref<32x80x1x125xi32, #tpu.memory_space<hbm>> -> memref<1x1x1x125xi32, #tpu.memory_space<hbm>>
        %dma_wait3A_206 = tpu.memref_squeeze %dma_wait3A_205 : memref<1x1x1x125xi32, #tpu.memory_space<hbm>> -> memref<1x125xi32, #tpu.memory_space<hbm>>
        %dma_wait3A_207 = arith.constant 0 : i32
        %dma_wait3A_208 = arith.constant 0 : i32
        %dma_wait3A_209 = tpu.memref_slice %arg4[%add3A, %dma_wait3A_202, %dma_wait3A_207, %dma_wait3A_208] : memref<32x80x1x125xi32, #tpu.memory_space<hbm>> -> memref<1x1x1x125xi32, #tpu.memory_space<hbm>>
        %dma_wait3A_210 = tpu.memref_squeeze %dma_wait3A_209 : memref<1x1x1x125xi32, #tpu.memory_space<hbm>> -> memref<1x125xi32, #tpu.memory_space<hbm>>
        tpu.wait_dma2 semaphore(%arg11 : memref<!tpu.dma_semaphore, #tpu.memory_space<semaphore_mem>>) src(%dma_wait3A_210 : memref<1x125xi32, #tpu.memory_space<hbm>>) dst(%arg8 : memref<1x125xi32, #tpu.memory_space<vmem>>)
        %dma_start3A_211 = arith.constant 0 : i32
        %dma_start3A_212 = arith.constant 0 : i32
        %dma_start3A_213 = arith.constant 0 : i32
        %dma_start3A_214 = arith.constant 0 : i32
        %dma_start3A_215 = tpu.memref_slice %arg10[%dma_start3A_212, %dma_start3A_213, %dma_start3A_214] : memref<2x125x128xf32, #tpu.memory_space<vmem>> -> memref<1x125x128xf32, #tpu.memory_space<vmem>>
        %dma_start3A_216 = tpu.memref_squeeze %dma_start3A_215 : memref<1x125x128xf32, #tpu.memory_space<vmem>> -> memref<125x128xf32, #tpu.memory_space<vmem>>
        %dma_start3A_217 = arith.constant 0 : i32
        %dma_start3A_218 = tpu.memref_slice %arg6[%dma_start3A_211, %dma_start3A_217] : memref<1x125xi32, #tpu.memory_space<vmem>> -> memref<1x125xi32, #tpu.memory_space<vmem>>
        %dma_start3A_219 = tpu.memref_squeeze %dma_start3A_218 : memref<1x125xi32, #tpu.memory_space<vmem>> -> memref<125xi32, #tpu.memory_space<vmem>>
        %dma_start3A_220 = arith.constant 0 : i32
        %dma_start3A_221 = arith.constant 0 : i32
        %dma_start3A_222 = tpu.memref_slice %arg2[%dma_start3A_220, %dma_start3A_221] : memref<10000x128xf32, #tpu.memory_space<hbm>> -> memref<10000x128xf32, #tpu.memory_space<hbm>>
        tpu.enqueue_indirect_dma source(%dma_start3A_222 : memref<10000x128xf32, #tpu.memory_space<hbm>>) target(%dma_start3A_216 : memref<125x128xf32, #tpu.memory_space<vmem>>) offsets(%dma_start3A_219 : memref<125xi32, #tpu.memory_space<vmem>>) semaphore(%arg13 : memref<!tpu.dma_semaphore, #tpu.memory_space<semaphore_mem>>)
      } else {
      }
      %run_scoped3A_185 = arith.constant 1 : i32
      %run_scoped3A_186 = arith.constant 0 : i32
      "tpu.region"() ({
        %run_scoped3A_193 = tpu.sem_alloc : memref<!tpu.dma_semaphore, #tpu.memory_space<semaphore_mem>>
        %dma_start3A_194 = arith.constant 0 : i32
        %dma_start3A_195 = arith.constant 0 : i32
        %dma_start3A_196 = tpu.memref_slice %arg10[%run_scoped3A_185, %dma_start3A_194, %dma_start3A_195] : memref<2x125x128xf32, #tpu.memory_space<vmem>> -> memref<1x125x128xf32, #tpu.memory_space<vmem>>
        %dma_start3A_197 = tpu.memref_squeeze %dma_start3A_196 : memref<1x125x128xf32, #tpu.memory_space<vmem>> -> memref<125x128xf32, #tpu.memory_space<vmem>>
        %dma_start3A_198 = arith.constant 0 : i32
        %dma_start3A_199 = tpu.memref_slice %arg9[%run_scoped3A_186, %dma_start3A_198] : memref<1x125xi32, #tpu.memory_space<vmem>> -> memref<1x125xi32, #tpu.memory_space<vmem>>
        %dma_start3A_200 = tpu.memref_squeeze %dma_start3A_199 : memref<1x125xi32, #tpu.memory_space<vmem>> -> memref<125xi32, #tpu.memory_space<vmem>>
        %dma_start3A_201 = arith.constant 0 : i32
        %dma_start3A_202 = arith.constant 0 : i32
        %dma_start3A_203 = tpu.memref_slice %arg15[%dma_start3A_201, %dma_start3A_202] : memref<10000x128xf32, #tpu.memory_space<vmem_shared>> -> memref<10000x128xf32, #tpu.memory_space<vmem_shared>>
        tpu.enqueue_indirect_dma source(%dma_start3A_197 : memref<125x128xf32, #tpu.memory_space<vmem>>) target(%dma_start3A_203 : memref<10000x128xf32, #tpu.memory_space<vmem_shared>>) offsets(%dma_start3A_200 : memref<125xi32, #tpu.memory_space<vmem>>) semaphore(%run_scoped3A_193 : memref<!tpu.dma_semaphore, #tpu.memory_space<semaphore_mem>>) {add = true}
        %dma_wait3A_204 = arith.constant 0 : i32
        %dma_wait3A_205 = arith.constant 0 : i32
        %dma_wait3A_206 = tpu.memref_slice %arg10[%run_scoped3A_185, %dma_wait3A_204, %dma_wait3A_205] : memref<2x125x128xf32, #tpu.memory_space<vmem>> -> memref<1x125x128xf32, #tpu.memory_space<vmem>>
        %dma_wait3A_207 = tpu.memref_squeeze %dma_wait3A_206 : memref<1x125x128xf32, #tpu.memory_space<vmem>> -> memref<125x128xf32, #tpu.memory_space<vmem>>
        %dma_wait3A_208 = arith.constant 0 : i32
        %dma_wait3A_209 = tpu.memref_slice %arg9[%run_scoped3A_186, %dma_wait3A_208] : memref<1x125xi32, #tpu.memory_space<vmem>> -> memref<1x125xi32, #tpu.memory_space<vmem>>
        %dma_wait3A_210 = tpu.memref_squeeze %dma_wait3A_209 : memref<1x125xi32, #tpu.memory_space<vmem>> -> memref<125xi32, #tpu.memory_space<vmem>>
        %dma_wait3A_211 = arith.constant 0 : i32
        %dma_wait3A_212 = arith.constant 0 : i32
        %dma_wait3A_213 = tpu.memref_slice %arg15[%dma_wait3A_211, %dma_wait3A_212] : memref<10000x128xf32, #tpu.memory_space<vmem_shared>> -> memref<10000x128xf32, #tpu.memory_space<vmem_shared>>
        tpu.wait_indirect_dma semaphore(%run_scoped3A_193 : memref<!tpu.dma_semaphore, #tpu.memory_space<semaphore_mem>>) src(%dma_wait3A_207 : memref<125x128xf32, #tpu.memory_space<vmem>>) dst(%dma_wait3A_213 : memref<10000x128xf32, #tpu.memory_space<vmem_shared>>)
        tpu.yield
      }) : () -> ()
      %lt3A_187 = arith.constant 80 : i32
      %lt3A_188 = arith.cmpi slt, %add3A_119, %lt3A_187 : i32
      %convert_element_type3A_189 = arith.extui %lt3A_188 : i1 to i32
      %cond3A_190 = arith.constant 0 : i32
      %cond3A_191 = arith.cmpi ne, %convert_element_type3A_189, %cond3A_190 : i32
      scf.if %cond3A_191 {
        %dma_start3A_193 = arith.constant 0 : i32
        %dma_start3A_194 = arith.constant 0 : i32
        %dma_start3A_195 = tpu.memref_slice %arg3[%add3A, %add3A_119, %dma_start3A_193, %dma_start3A_194] : memref<32x80x1x125xi32, #tpu.memory_space<hbm>> -> memref<1x1x1x125xi32, #tpu.memory_space<hbm>>
        %dma_start3A_196 = tpu.memref_squeeze %dma_start3A_195 : memref<1x1x1x125xi32, #tpu.memory_space<hbm>> -> memref<1x125xi32, #tpu.memory_space<hbm>>
        %dma_start3A_197 = arith.constant 0 : i32
        %dma_start3A_198 = arith.constant 0 : i32
        %dma_start3A_199 = tpu.memref_slice %arg3[%add3A, %add3A_119, %dma_start3A_197, %dma_start3A_198] : memref<32x80x1x125xi32, #tpu.memory_space<hbm>> -> memref<1x1x1x125xi32, #tpu.memory_space<hbm>>
        %dma_start3A_200 = tpu.memref_squeeze %dma_start3A_199 : memref<1x1x1x125xi32, #tpu.memory_space<hbm>> -> memref<1x125xi32, #tpu.memory_space<hbm>>
        tpu.enqueue_dma source(%dma_start3A_200 : memref<1x125xi32, #tpu.memory_space<hbm>>) target(%arg7 : memref<1x125xi32, #tpu.memory_space<vmem>>) target_semaphore(%arg12 : memref<!tpu.dma_semaphore, #tpu.memory_space<semaphore_mem>>)
        %dma_start3A_201 = arith.constant 0 : i32
        %dma_start3A_202 = arith.constant 0 : i32
        %dma_start3A_203 = tpu.memref_slice %arg4[%add3A, %add3A_119, %dma_start3A_201, %dma_start3A_202] : memref<32x80x1x125xi32, #tpu.memory_space<hbm>> -> memref<1x1x1x125xi32, #tpu.memory_space<hbm>>
        %dma_start3A_204 = tpu.memref_squeeze %dma_start3A_203 : memref<1x1x1x125xi32, #tpu.memory_space<hbm>> -> memref<1x125xi32, #tpu.memory_space<hbm>>
        %dma_start3A_205 = arith.constant 0 : i32
        %dma_start3A_206 = arith.constant 0 : i32
        %dma_start3A_207 = tpu.memref_slice %arg4[%add3A, %add3A_119, %dma_start3A_205, %dma_start3A_206] : memref<32x80x1x125xi32, #tpu.memory_space<hbm>> -> memref<1x1x1x125xi32, #tpu.memory_space<hbm>>
        %dma_start3A_208 = tpu.memref_squeeze %dma_start3A_207 : memref<1x1x1x125xi32, #tpu.memory_space<hbm>> -> memref<1x125xi32, #tpu.memory_space<hbm>>
        tpu.enqueue_dma source(%dma_start3A_208 : memref<1x125xi32, #tpu.memory_space<hbm>>) target(%arg9 : memref<1x125xi32, #tpu.memory_space<vmem>>) target_semaphore(%arg12 : memref<!tpu.dma_semaphore, #tpu.memory_space<semaphore_mem>>)
      } else {
      }
      %scan3A_192 = arith.constant 0 : i32
      scf.yield %scan3A_192 : i32
    }
    %scan3A_101 = arith.constant 40 : i32
    %barrier3A_102 = arith.constant 0 : index
    tpu.barrier barrier_id(%barrier3A_102)
    %mul3A_103 = arith.constant 624 : i32
    %mul3A_104 = arith.muli %arg1, %mul3A_103 : i32
    "tpu.region"() ({
      %run_scoped3A_110 = tpu.sem_alloc : memref<!tpu.dma_semaphore, #tpu.memory_space<semaphore_mem>>
      %dma_start3A_111 = arith.constant 0 : i32
      %dma_start3A_112 = tpu.memref_slice %arg5[%arg0, %mul3A_104, %dma_start3A_111] : memref<2x10000x128xf32, #tpu.memory_space<hbm>> -> memref<1x624x128xf32, #tpu.memory_space<hbm>>
      %dma_start3A_113 = tpu.memref_squeeze %dma_start3A_112 : memref<1x624x128xf32, #tpu.memory_space<hbm>> -> memref<624x128xf32, #tpu.memory_space<hbm>>
      %dma_start3A_114 = arith.constant 0 : i32
      %dma_start3A_115 = tpu.memref_slice %arg15[%mul3A_104, %dma_start3A_114] : memref<10000x128xf32, #tpu.memory_space<vmem_shared>> -> memref<624x128xf32, #tpu.memory_space<vmem_shared>>
      tpu.enqueue_dma source(%dma_start3A_115 : memref<624x128xf32, #tpu.memory_space<vmem_shared>>) target(%dma_start3A_113 : memref<624x128xf32, #tpu.memory_space<hbm>>) target_semaphore(%run_scoped3A_110 : memref<!tpu.dma_semaphore, #tpu.memory_space<semaphore_mem>>)
      %dma_wait3A_116 = arith.constant 0 : i32
      %dma_wait3A_117 = tpu.memref_slice %arg5[%arg0, %mul3A_104, %dma_wait3A_116] : memref<2x10000x128xf32, #tpu.memory_space<hbm>> -> memref<1x624x128xf32, #tpu.memory_space<hbm>>
      %dma_wait3A_118 = tpu.memref_squeeze %dma_wait3A_117 : memref<1x624x128xf32, #tpu.memory_space<hbm>> -> memref<624x128xf32, #tpu.memory_space<hbm>>
      %dma_wait3A_119 = arith.constant 0 : i32
      %dma_wait3A_120 = tpu.memref_slice %arg15[%mul3A_104, %dma_wait3A_119] : memref<10000x128xf32, #tpu.memory_space<vmem_shared>> -> memref<624x128xf32, #tpu.memory_space<vmem_shared>>
      tpu.wait_dma2 semaphore(%run_scoped3A_110 : memref<!tpu.dma_semaphore, #tpu.memory_space<semaphore_mem>>) src(%dma_wait3A_120 : memref<624x128xf32, #tpu.memory_space<vmem_shared>>) dst(%dma_wait3A_118 : memref<624x128xf32, #tpu.memory_space<hbm>>)
      tpu.yield
    }) : () -> ()
    %eq3A_105 = arith.constant 15 : i32
    %eq3A_106 = arith.cmpi eq, %arg1, %eq3A_105 : i32
    %convert_element_type3A_107 = arith.extui %eq3A_106 : i1 to i32
    %cond3A_108 = arith.constant 0 : i32
    %cond3A_109 = arith.cmpi ne, %convert_element_type3A_107, %cond3A_108 : i32
    scf.if %cond3A_109 {
      "tpu.region"() ({
        %run_scoped3A_110 = tpu.sem_alloc : memref<!tpu.dma_semaphore, #tpu.memory_space<semaphore_mem>>
        %dma_start3A_111 = arith.constant 9984 : i32
        %dma_start3A_112 = arith.constant 0 : i32
        %dma_start3A_113 = tpu.memref_slice %arg5[%arg0, %dma_start3A_111, %dma_start3A_112] : memref<2x10000x128xf32, #tpu.memory_space<hbm>> -> memref<1x16x128xf32, #tpu.memory_space<hbm>>
        %dma_start3A_114 = tpu.memref_squeeze %dma_start3A_113 : memref<1x16x128xf32, #tpu.memory_space<hbm>> -> memref<16x128xf32, #tpu.memory_space<hbm>>
        %dma_start3A_115 = arith.constant 9984 : i32
        %dma_start3A_116 = arith.constant 0 : i32
        %dma_start3A_117 = tpu.memref_slice %arg15[%dma_start3A_115, %dma_start3A_116] : memref<10000x128xf32, #tpu.memory_space<vmem_shared>> -> memref<16x128xf32, #tpu.memory_space<vmem_shared>>
        tpu.enqueue_dma source(%dma_start3A_117 : memref<16x128xf32, #tpu.memory_space<vmem_shared>>) target(%dma_start3A_114 : memref<16x128xf32, #tpu.memory_space<hbm>>) target_semaphore(%run_scoped3A_110 : memref<!tpu.dma_semaphore, #tpu.memory_space<semaphore_mem>>)
        %dma_wait3A_118 = arith.constant 9984 : i32
        %dma_wait3A_119 = arith.constant 0 : i32
        %dma_wait3A_120 = tpu.memref_slice %arg5[%arg0, %dma_wait3A_118, %dma_wait3A_119] : memref<2x10000x128xf32, #tpu.memory_space<hbm>> -> memref<1x16x128xf32, #tpu.memory_space<hbm>>
        %dma_wait3A_121 = tpu.memref_squeeze %dma_wait3A_120 : memref<1x16x128xf32, #tpu.memory_space<hbm>> -> memref<16x128xf32, #tpu.memory_space<hbm>>
        %dma_wait3A_122 = arith.constant 9984 : i32
        %dma_wait3A_123 = arith.constant 0 : i32
        %dma_wait3A_124 = tpu.memref_slice %arg15[%dma_wait3A_122, %dma_wait3A_123] : memref<10000x128xf32, #tpu.memory_space<vmem_shared>> -> memref<16x128xf32, #tpu.memory_space<vmem_shared>>
        tpu.wait_dma2 semaphore(%run_scoped3A_110 : memref<!tpu.dma_semaphore, #tpu.memory_space<semaphore_mem>>) src(%dma_wait3A_124 : memref<16x128xf32, #tpu.memory_space<vmem_shared>>) dst(%dma_wait3A_121 : memref<16x128xf32, #tpu.memory_space<hbm>>)
        tpu.yield
      }) : () -> ()
    } else {
    }
    return
  }
}

#map = affine_map<(d0, d1) -> (0, 0)>
#map1 = affine_map<(d0, d1) -> (0, 0, 0, 0)>
#map2 = affine_map<(d0, d1) -> (0, 0, 0)>
module attributes {stable_mosaic.version = 14 : i64} {
  func.func @body(%arg0: i32, %arg1: i32, %arg2: memref<10000x128xf32, #tpu.memory_space<hbm>>, %arg3: memref<32x80x1x125xi32, #tpu.memory_space<hbm>>, %arg4: memref<32x80x1x125xi32, #tpu.memory_space<hbm>>, %arg5: memref<2x10000x128xf32, #tpu.memory_space<hbm>>, %arg6: memref<1x125xi32, #tpu.memory_space<vmem>>, %arg7: memref<1x125xi32, #tpu.memory_space<vmem>>, %arg8: memref<1x125xi32, #tpu.memory_space<vmem>>, %arg9: memref<1x125xi32, #tpu.memory_space<vmem>>, %arg10: memref<2x125x128xf32, #tpu.memory_space<vmem>>, %arg11: memref<!tpu.dma_semaphore, #tpu.memory_space<semaphore_mem>>, %arg12: memref<!tpu.dma_semaphore, #tpu.memory_space<semaphore_mem>>, %arg13: memref<!tpu.dma_semaphore, #tpu.memory_space<semaphore_mem>>, %arg14: memref<!tpu.dma_semaphore, #tpu.memory_space<semaphore_mem>>, %arg15: memref<10000x128xf32, #tpu.memory_space<vmem_shared>>) attributes {dimension_semantics = [#tpu.dimension_semantics<core_parallel>, #tpu.dimension_semantics<subcore_parallel>], iteration_bounds = array<i64: 2, 16>, scalar_prefetch = 0 : i64, scratch_operands = 10 : i64, tpu.core_type = #tpu.core_type<sc_vector_subcore>, window_params = [{transform_indices = #map}, {transform_indices = #map1}, {transform_indices = #map1}, {transform_indices = #map2}]} {
    %mul3A = arith.constant 16 : i32
    %mul3A_0 = arith.muli %arg0, %mul3A : i32
    %add3A = arith.addi %mul3A_0, %arg1 : i32
    %broadcast_in_dim3A = arith.constant 0.000000e+00 : f32
    %broadcast_in_dim3A_1 = vector.broadcast %broadcast_in_dim3A : f32 to vector<16xf32>
    %scan3A = arith.constant 0 : i32
    %scan3A_2 = arith.constant 0 : i32
    %scan3A_3 = arith.constant 0 : i32
    %scan3A_4 = arith.constant 125 : i32
    %scan3A_5 = arith.addi %scan3A_3, %scan3A_4 : i32
    %scan3A_6 = arith.constant 1 : i32
    %scan3A_7 = scf.for %scan3A_110 = %scan3A_3 to %scan3A_5 step %scan3A_6 iter_args(%scan3A_111 = %scan3A_2) -> (i32)  : i32 {
      %swap3A = arith.constant 0 : i32
      %swap3A_112 = arith.constant 0 : i32
      %swap3A_113 = tpu.memref_slice %arg10[%scan3A, %swap3A, %swap3A_112] : memref<2x125x128xf32, #tpu.memory_space<vmem>> -> memref<1x125x128xf32, #tpu.memory_space<vmem>>
      %swap3A_114 = tpu.memref_squeeze %swap3A_113 : memref<1x125x128xf32, #tpu.memory_space<vmem>> -> memref<125x128xf32, #tpu.memory_space<vmem>>
      %swap3A_115 = arith.index_cast %scan3A_110 : i32 to index
      %swap3A_116 = arith.constant 0 : index
      %swap3A_117 = tpu.vector_load %swap3A_114[%swap3A_115, %swap3A_116] {strides = array<i32>} : memref<125x128xf32, #tpu.memory_space<vmem>>, vector<1x16xf32>,
      %swap3A_118 = vector.shape_cast %swap3A_117 : vector<1x16xf32> to vector<16xf32>
      %swap3A_119 = vector.shape_cast %broadcast_in_dim3A_1 : vector<16xf32> to vector<1x16xf32>
      tpu.vector_store %swap3A_114[%swap3A_115, %swap3A_116], %swap3A_119 {strides = array<i32>} : memref<125x128xf32, #tpu.memory_space<vmem>>, vector<1x16xf32>,
      %swap3A_120 = arith.constant 0 : i32
      %swap3A_121 = arith.constant 0 : i32
      %swap3A_122 = tpu.memref_slice %arg10[%scan3A, %swap3A_120, %swap3A_121] : memref<2x125x128xf32, #tpu.memory_space<vmem>> -> memref<1x125x128xf32, #tpu.memory_space<vmem>>
      %swap3A_123 = tpu.memref_squeeze %swap3A_122 : memref<1x125x128xf32, #tpu.memory_space<vmem>> -> memref<125x128xf32, #tpu.memory_space<vmem>>
      %swap3A_124 = arith.index_cast %scan3A_110 : i32 to index
      %swap3A_125 = arith.constant 16 : index
      %swap3A_126 = tpu.vector_load %swap3A_123[%swap3A_124, %swap3A_125] {strides = array<i32>} : memref<125x128xf32, #tpu.memory_space<vmem>>, vector<1x16xf32>,
      %swap3A_127 = vector.shape_cast %swap3A_126 : vector<1x16xf32> to vector<16xf32>
      %swap3A_128 = vector.shape_cast %broadcast_in_dim3A_1 : vector<16xf32> to vector<1x16xf32>
      tpu.vector_store %swap3A_123[%swap3A_124, %swap3A_125], %swap3A_128 {strides = array<i32>} : memref<125x128xf32, #tpu.memory_space<vmem>>, vector<1x16xf32>,
      %swap3A_129 = arith.constant 0 : i32
      %swap3A_130 = arith.constant 0 : i32
      %swap3A_131 = tpu.memref_slice %arg10[%scan3A, %swap3A_129, %swap3A_130] : memref<2x125x128xf32, #tpu.memory_space<vmem>> -> memref<1x125x128xf32, #tpu.memory_space<vmem>>
      %swap3A_132 = tpu.memref_squeeze %swap3A_131 : memref<1x125x128xf32, #tpu.memory_space<vmem>> -> memref<125x128xf32, #tpu.memory_space<vmem>>
      %swap3A_133 = arith.index_cast %scan3A_110 : i32 to index
      %swap3A_134 = arith.constant 32 : index
      %swap3A_135 = tpu.vector_load %swap3A_132[%swap3A_133, %swap3A_134] {strides = array<i32>} : memref<125x128xf32, #tpu.memory_space<vmem>>, vector<1x16xf32>,
      %swap3A_136 = vector.shape_cast %swap3A_135 : vector<1x16xf32> to vector<16xf32>
      %swap3A_137 = vector.shape_cast %broadcast_in_dim3A_1 : vector<16xf32> to vector<1x16xf32>
      tpu.vector_store %swap3A_132[%swap3A_133, %swap3A_134], %swap3A_137 {strides = array<i32>} : memref<125x128xf32, #tpu.memory_space<vmem>>, vector<1x16xf32>,
      %swap3A_138 = arith.constant 0 : i32
      %swap3A_139 = arith.constant 0 : i32
      %swap3A_140 = tpu.memref_slice %arg10[%scan3A, %swap3A_138, %swap3A_139] : memref<2x125x128xf32, #tpu.memory_space<vmem>> -> memref<1x125x128xf32, #tpu.memory_space<vmem>>
      %swap3A_141 = tpu.memref_squeeze %swap3A_140 : memref<1x125x128xf32, #tpu.memory_space<vmem>> -> memref<125x128xf32, #tpu.memory_space<vmem>>
      %swap3A_142 = arith.index_cast %scan3A_110 : i32 to index
      %swap3A_143 = arith.constant 48 : index
      %swap3A_144 = tpu.vector_load %swap3A_141[%swap3A_142, %swap3A_143] {strides = array<i32>} : memref<125x128xf32, #tpu.memory_space<vmem>>, vector<1x16xf32>,
      %swap3A_145 = vector.shape_cast %swap3A_144 : vector<1x16xf32> to vector<16xf32>
      %swap3A_146 = vector.shape_cast %broadcast_in_dim3A_1 : vector<16xf32> to vector<1x16xf32>
      tpu.vector_store %swap3A_141[%swap3A_142, %swap3A_143], %swap3A_146 {strides = array<i32>} : memref<125x128xf32, #tpu.memory_space<vmem>>, vector<1x16xf32>,
      %swap3A_147 = arith.constant 0 : i32
      %swap3A_148 = arith.constant 0 : i32
      %swap3A_149 = tpu.memref_slice %arg10[%scan3A, %swap3A_147, %swap3A_148] : memref<2x125x128xf32, #tpu.memory_space<vmem>> -> memref<1x125x128xf32, #tpu.memory_space<vmem>>
      %swap3A_150 = tpu.memref_squeeze %swap3A_149 : memref<1x125x128xf32, #tpu.memory_space<vmem>> -> memref<125x128xf32, #tpu.memory_space<vmem>>
      %swap3A_151 = arith.index_cast %scan3A_110 : i32 to index
      %swap3A_152 = arith.constant 64 : index
      %swap3A_153 = tpu.vector_load %swap3A_150[%swap3A_151, %swap3A_152] {strides = array<i32>} : memref<125x128xf32, #tpu.memory_space<vmem>>, vector<1x16xf32>,
      %swap3A_154 = vector.shape_cast %swap3A_153 : vector<1x16xf32> to vector<16xf32>
      %swap3A_155 = vector.shape_cast %broadcast_in_dim3A_1 : vector<16xf32> to vector<1x16xf32>
      tpu.vector_store %swap3A_150[%swap3A_151, %swap3A_152], %swap3A_155 {strides = array<i32>} : memref<125x128xf32, #tpu.memory_space<vmem>>, vector<1x16xf32>,
      %swap3A_156 = arith.constant 0 : i32
      %swap3A_157 = arith.constant 0 : i32
      %swap3A_158 = tpu.memref_slice %arg10[%scan3A, %swap3A_156, %swap3A_157] : memref<2x125x128xf32, #tpu.memory_space<vmem>> -> memref<1x125x128xf32, #tpu.memory_space<vmem>>
      %swap3A_159 = tpu.memref_squeeze %swap3A_158 : memref<1x125x128xf32, #tpu.memory_space<vmem>> -> memref<125x128xf32, #tpu.memory_space<vmem>>
      %swap3A_160 = arith.index_cast %scan3A_110 : i32 to index
      %swap3A_161 = arith.constant 80 : index
      %swap3A_162 = tpu.vector_load %swap3A_159[%swap3A_160, %swap3A_161] {strides = array<i32>} : memref<125x128xf32, #tpu.memory_space<vmem>>, vector<1x16xf32>,
      %swap3A_163 = vector.shape_cast %swap3A_162 : vector<1x16xf32> to vector<16xf32>
      %swap3A_164 = vector.shape_cast %broadcast_in_dim3A_1 : vector<16xf32> to vector<1x16xf32>
      tpu.vector_store %swap3A_159[%swap3A_160, %swap3A_161], %swap3A_164 {strides = array<i32>} : memref<125x128xf32, #tpu.memory_space<vmem>>, vector<1x16xf32>,
      %swap3A_165 = arith.constant 0 : i32
      %swap3A_166 = arith.constant 0 : i32
      %swap3A_167 = tpu.memref_slice %arg10[%scan3A, %swap3A_165, %swap3A_166] : memref<2x125x128xf32, #tpu.memory_space<vmem>> -> memref<1x125x128xf32, #tpu.memory_space<vmem>>
      %swap3A_168 = tpu.memref_squeeze %swap3A_167 : memref<1x125x128xf32, #tpu.memory_space<vmem>> -> memref<125x128xf32, #tpu.memory_space<vmem>>
      %swap3A_169 = arith.index_cast %scan3A_110 : i32 to index
      %swap3A_170 = arith.constant 96 : index
      %swap3A_171 = tpu.vector_load %swap3A_168[%swap3A_169, %swap3A_170] {strides = array<i32>} : memref<125x128xf32, #tpu.memory_space<vmem>>, vector<1x16xf32>,
      %swap3A_172 = vector.shape_cast %swap3A_171 : vector<1x16xf32> to vector<16xf32>
      %swap3A_173 = vector.shape_cast %broadcast_in_dim3A_1 : vector<16xf32> to vector<1x16xf32>
      tpu.vector_store %swap3A_168[%swap3A_169, %swap3A_170], %swap3A_173 {strides = array<i32>} : memref<125x128xf32, #tpu.memory_space<vmem>>, vector<1x16xf32>,
      %swap3A_174 = arith.constant 0 : i32
      %swap3A_175 = arith.constant 0 : i32
      %swap3A_176 = tpu.memref_slice %arg10[%scan3A, %swap3A_174, %swap3A_175] : memref<2x125x128xf32, #tpu.memory_space<vmem>> -> memref<1x125x128xf32, #tpu.memory_space<vmem>>
      %swap3A_177 = tpu.memref_squeeze %swap3A_176 : memref<1x125x128xf32, #tpu.memory_space<vmem>> -> memref<125x128xf32, #tpu.memory_space<vmem>>
      %swap3A_178 = arith.index_cast %scan3A_110 : i32 to index
      %swap3A_179 = arith.constant 112 : index
      %swap3A_180 = tpu.vector_load %swap3A_177[%swap3A_178, %swap3A_179] {strides = array<i32>} : memref<125x128xf32, #tpu.memory_space<vmem>>, vector<1x16xf32>,
      %swap3A_181 = vector.shape_cast %swap3A_180 : vector<1x16xf32> to vector<16xf32>
      %swap3A_182 = vector.shape_cast %broadcast_in_dim3A_1 : vector<16xf32> to vector<1x16xf32>
      tpu.vector_store %swap3A_177[%swap3A_178, %swap3A_179], %swap3A_182 {strides = array<i32>} : memref<125x128xf32, #tpu.memory_space<vmem>>, vector<1x16xf32>,
      %scan3A_183 = arith.constant 0 : i32
      scf.yield %scan3A_183 : i32
    }
    %scan3A_8 = arith.constant 125 : i32
    %mul3A_9 = arith.constant 624 : i32
    %mul3A_10 = arith.muli %arg1, %mul3A_9 : i32
    %add3A_11 = arith.constant 0 : i32
    %add3A_12 = arith.addi %mul3A_10, %add3A_11 : i32
    %run_scoped3A = arith.constant 0 : i32
    "tpu.region"() ({
      %run_scoped3A_110 = tpu.sem_alloc : memref<!tpu.dma_semaphore, #tpu.memory_space<semaphore_mem>>
      %dma_start3A_111 = arith.constant 0 : i32
      %dma_start3A_112 = arith.constant 0 : i32
      %dma_start3A_113 = tpu.memref_slice %arg10[%run_scoped3A, %dma_start3A_111, %dma_start3A_112] : memref<2x125x128xf32, #tpu.memory_space<vmem>> -> memref<1x125x128xf32, #tpu.memory_space<vmem>>
      %dma_start3A_114 = tpu.memref_squeeze %dma_start3A_113 : memref<1x125x128xf32, #tpu.memory_space<vmem>> -> memref<125x128xf32, #tpu.memory_space<vmem>>
      %dma_start3A_115 = arith.constant 0 : i32
      %dma_start3A_116 = arith.constant 0 : i32
      %dma_start3A_117 = tpu.memref_slice %dma_start3A_114[%dma_start3A_115, %dma_start3A_116] : memref<125x128xf32, #tpu.memory_space<vmem>> -> memref<120x128xf32, #tpu.memory_space<vmem>>
      %dma_start3A_118 = arith.constant 0 : i32
      %dma_start3A_119 = tpu.memref_slice %arg15[%add3A_12, %dma_start3A_118] : memref<10000x128xf32, #tpu.memory_space<vmem_shared>> -> memref<120x128xf32, #tpu.memory_space<vmem_shared>>
      %dma_start3A_120 = arith.constant 0 : i32
      %dma_start3A_121 = tpu.memref_slice %arg15[%add3A_12, %dma_start3A_120] : memref<10000x128xf32, #tpu.memory_space<vmem_shared>> -> memref<120x128xf32, #tpu.memory_space<vmem_shared>>
      %dma_start3A_122 = arith.constant 0 : i32
      %dma_start3A_123 = arith.constant 0 : i32
      %dma_start3A_124 = tpu.memref_slice %arg10[%run_scoped3A, %dma_start3A_122, %dma_start3A_123] : memref<2x125x128xf32, #tpu.memory_space<vmem>> -> memref<1x125x128xf32, #tpu.memory_space<vmem>>
      %dma_start3A_125 = tpu.memref_squeeze %dma_start3A_124 : memref<1x125x128xf32, #tpu.memory_space<vmem>> -> memref<125x128xf32, #tpu.memory_space<vmem>>
      %dma_start3A_126 = arith.constant 0 : i32
      %dma_start3A_127 = arith.constant 0 : i32
      %dma_start3A_128 = tpu.memref_slice %dma_start3A_125[%dma_start3A_126, %dma_start3A_127] : memref<125x128xf32, #tpu.memory_space<vmem>> -> memref<120x128xf32, #tpu.memory_space<vmem>>
      tpu.enqueue_dma source(%dma_start3A_128 : memref<120x128xf32, #tpu.memory_space<vmem>>) target(%dma_start3A_121 : memref<120x128xf32, #tpu.memory_space<vmem_shared>>) target_semaphore(%run_scoped3A_110 : memref<!tpu.dma_semaphore, #tpu.memory_space<semaphore_mem>>)
      %dma_wait3A_129 = arith.constant 0 : i32
      %dma_wait3A_130 = arith.constant 0 : i32
      %dma_wait3A_131 = tpu.memref_slice %arg10[%run_scoped3A, %dma_wait3A_129, %dma_wait3A_130] : memref<2x125x128xf32, #tpu.memory_space<vmem>> -> memref<1x125x128xf32, #tpu.memory_space<vmem>>
      %dma_wait3A_132 = tpu.memref_squeeze %dma_wait3A_131 : memref<1x125x128xf32, #tpu.memory_space<vmem>> -> memref<125x128xf32, #tpu.memory_space<vmem>>
      %dma_wait3A_133 = arith.constant 0 : i32
      %dma_wait3A_134 = arith.constant 0 : i32
      %dma_wait3A_135 = tpu.memref_slice %dma_wait3A_132[%dma_wait3A_133, %dma_wait3A_134] : memref<125x128xf32, #tpu.memory_space<vmem>> -> memref<120x128xf32, #tpu.memory_space<vmem>>
      %dma_wait3A_136 = arith.constant 0 : i32
      %dma_wait3A_137 = tpu.memref_slice %arg15[%add3A_12, %dma_wait3A_136] : memref<10000x128xf32, #tpu.memory_space<vmem_shared>> -> memref<120x128xf32, #tpu.memory_space<vmem_shared>>
      %dma_wait3A_138 = arith.constant 0 : i32
      %dma_wait3A_139 = tpu.memref_slice %arg15[%add3A_12, %dma_wait3A_138] : memref<10000x128xf32, #tpu.memory_space<vmem_shared>> -> memref<120x128xf32, #tpu.memory_space<vmem_shared>>
      %dma_wait3A_140 = arith.constant 0 : i32
      %dma_wait3A_141 = arith.constant 0 : i32
      %dma_wait3A_142 = tpu.memref_slice %arg10[%run_scoped3A, %dma_wait3A_140, %dma_wait3A_141] : memref<2x125x128xf32, #tpu.memory_space<vmem>> -> memref<1x125x128xf32, #tpu.memory_space<vmem>>
      %dma_wait3A_143 = tpu.memref_squeeze %dma_wait3A_142 : memref<1x125x128xf32, #tpu.memory_space<vmem>> -> memref<125x128xf32, #tpu.memory_space<vmem>>
      %dma_wait3A_144 = arith.constant 0 : i32
      %dma_wait3A_145 = arith.constant 0 : i32
      %dma_wait3A_146 = tpu.memref_slice %dma_wait3A_143[%dma_wait3A_144, %dma_wait3A_145] : memref<125x128xf32, #tpu.memory_space<vmem>> -> memref<120x128xf32, #tpu.memory_space<vmem>>
      tpu.wait_dma2 semaphore(%run_scoped3A_110 : memref<!tpu.dma_semaphore, #tpu.memory_space<semaphore_mem>>) src(%dma_wait3A_146 : memref<120x128xf32, #tpu.memory_space<vmem>>) dst(%dma_wait3A_139 : memref<120x128xf32, #tpu.memory_space<vmem_shared>>)
      tpu.yield
    }) : () -> ()
    %add3A_13 = arith.constant 120 : i32
    %add3A_14 = arith.addi %mul3A_10, %add3A_13 : i32
    %run_scoped3A_15 = arith.constant 0 : i32
    "tpu.region"() ({
      %run_scoped3A_110 = tpu.sem_alloc : memref<!tpu.dma_semaphore, #tpu.memory_space<semaphore_mem>>
      %dma_start3A_111 = arith.constant 0 : i32
      %dma_start3A_112 = arith.constant 0 : i32
      %dma_start3A_113 = tpu.memref_slice %arg10[%run_scoped3A_15, %dma_start3A_111, %dma_start3A_112] : memref<2x125x128xf32, #tpu.memory_space<vmem>> -> memref<1x125x128xf32, #tpu.memory_space<vmem>>
      %dma_start3A_114 = tpu.memref_squeeze %dma_start3A_113 : memref<1x125x128xf32, #tpu.memory_space<vmem>> -> memref<125x128xf32, #tpu.memory_space<vmem>>
      %dma_start3A_115 = arith.constant 0 : i32
      %dma_start3A_116 = arith.constant 0 : i32
      %dma_start3A_117 = tpu.memref_slice %dma_start3A_114[%dma_start3A_115, %dma_start3A_116] : memref<125x128xf32, #tpu.memory_space<vmem>> -> memref<120x128xf32, #tpu.memory_space<vmem>>
      %dma_start3A_118 = arith.constant 0 : i32
      %dma_start3A_119 = tpu.memref_slice %arg15[%add3A_14, %dma_start3A_118] : memref<10000x128xf32, #tpu.memory_space<vmem_shared>> -> memref<120x128xf32, #tpu.memory_space<vmem_shared>>
      %dma_start3A_120 = arith.constant 0 : i32
      %dma_start3A_121 = tpu.memref_slice %arg15[%add3A_14, %dma_start3A_120] : memref<10000x128xf32, #tpu.memory_space<vmem_shared>> -> memref<120x128xf32, #tpu.memory_space<vmem_shared>>
      %dma_start3A_122 = arith.constant 0 : i32
      %dma_start3A_123 = arith.constant 0 : i32
      %dma_start3A_124 = tpu.memref_slice %arg10[%run_scoped3A_15, %dma_start3A_122, %dma_start3A_123] : memref<2x125x128xf32, #tpu.memory_space<vmem>> -> memref<1x125x128xf32, #tpu.memory_space<vmem>>
      %dma_start3A_125 = tpu.memref_squeeze %dma_start3A_124 : memref<1x125x128xf32, #tpu.memory_space<vmem>> -> memref<125x128xf32, #tpu.memory_space<vmem>>
      %dma_start3A_126 = arith.constant 0 : i32
      %dma_start3A_127 = arith.constant 0 : i32
      %dma_start3A_128 = tpu.memref_slice %dma_start3A_125[%dma_start3A_126, %dma_start3A_127] : memref<125x128xf32, #tpu.memory_space<vmem>> -> memref<120x128xf32, #tpu.memory_space<vmem>>
      tpu.enqueue_dma source(%dma_start3A_128 : memref<120x128xf32, #tpu.memory_space<vmem>>) target(%dma_start3A_121 : memref<120x128xf32, #tpu.memory_space<vmem_shared>>) target_semaphore(%run_scoped3A_110 : memref<!tpu.dma_semaphore, #tpu.memory_space<semaphore_mem>>)
      %dma_wait3A_129 = arith.constant 0 : i32
      %dma_wait3A_130 = arith.constant 0 : i32
      %dma_wait3A_131 = tpu.memref_slice %arg10[%run_scoped3A_15, %dma_wait3A_129, %dma_wait3A_130] : memref<2x125x128xf32, #tpu.memory_space<vmem>> -> memref<1x125x128xf32, #tpu.memory_space<vmem>>
      %dma_wait3A_132 = tpu.memref_squeeze %dma_wait3A_131 : memref<1x125x128xf32, #tpu.memory_space<vmem>> -> memref<125x128xf32, #tpu.memory_space<vmem>>
      %dma_wait3A_133 = arith.constant 0 : i32
      %dma_wait3A_134 = arith.constant 0 : i32
      %dma_wait3A_135 = tpu.memref_slice %dma_wait3A_132[%dma_wait3A_133, %dma_wait3A_134] : memref<125x128xf32, #tpu.memory_space<vmem>> -> memref<120x128xf32, #tpu.memory_space<vmem>>
      %dma_wait3A_136 = arith.constant 0 : i32
      %dma_wait3A_137 = tpu.memref_slice %arg15[%add3A_14, %dma_wait3A_136] : memref<10000x128xf32, #tpu.memory_space<vmem_shared>> -> memref<120x128xf32, #tpu.memory_space<vmem_shared>>
      %dma_wait3A_138 = arith.constant 0 : i32
      %dma_wait3A_139 = tpu.memref_slice %arg15[%add3A_14, %dma_wait3A_138] : memref<10000x128xf32, #tpu.memory_space<vmem_shared>> -> memref<120x128xf32, #tpu.memory_space<vmem_shared>>
      %dma_wait3A_140 = arith.constant 0 : i32
      %dma_wait3A_141 = arith.constant 0 : i32
      %dma_wait3A_142 = tpu.memref_slice %arg10[%run_scoped3A_15, %dma_wait3A_140, %dma_wait3A_141] : memref<2x125x128xf32, #tpu.memory_space<vmem>> -> memref<1x125x128xf32, #tpu.memory_space<vmem>>
      %dma_wait3A_143 = tpu.memref_squeeze %dma_wait3A_142 : memref<1x125x128xf32, #tpu.memory_space<vmem>> -> memref<125x128xf32, #tpu.memory_space<vmem>>
      %dma_wait3A_144 = arith.constant 0 : i32
      %dma_wait3A_145 = arith.constant 0 : i32
      %dma_wait3A_146 = tpu.memref_slice %dma_wait3A_143[%dma_wait3A_144, %dma_wait3A_145] : memref<125x128xf32, #tpu.memory_space<vmem>> -> memref<120x128xf32, #tpu.memory_space<vmem>>
      tpu.wait_dma2 semaphore(%run_scoped3A_110 : memref<!tpu.dma_semaphore, #tpu.memory_space<semaphore_mem>>) src(%dma_wait3A_146 : memref<120x128xf32, #tpu.memory_space<vmem>>) dst(%dma_wait3A_139 : memref<120x128xf32, #tpu.memory_space<vmem_shared>>)
      tpu.yield
    }) : () -> ()
    %add3A_16 = arith.constant 240 : i32
    %add3A_17 = arith.addi %mul3A_10, %add3A_16 : i32
    %run_scoped3A_18 = arith.constant 0 : i32
    "tpu.region"() ({
      %run_scoped3A_110 = tpu.sem_alloc : memref<!tpu.dma_semaphore, #tpu.memory_space<semaphore_mem>>
      %dma_start3A_111 = arith.constant 0 : i32
      %dma_start3A_112 = arith.constant 0 : i32
      %dma_start3A_113 = tpu.memref_slice %arg10[%run_scoped3A_18, %dma_start3A_111, %dma_start3A_112] : memref<2x125x128xf32, #tpu.memory_space<vmem>> -> memref<1x125x128xf32, #tpu.memory_space<vmem>>
      %dma_start3A_114 = tpu.memref_squeeze %dma_start3A_113 : memref<1x125x128xf32, #tpu.memory_space<vmem>> -> memref<125x128xf32, #tpu.memory_space<vmem>>
      %dma_start3A_115 = arith.constant 0 : i32
      %dma_start3A_116 = arith.constant 0 : i32
      %dma_start3A_117 = tpu.memref_slice %dma_start3A_114[%dma_start3A_115, %dma_start3A_116] : memref<125x128xf32, #tpu.memory_space<vmem>> -> memref<120x128xf32, #tpu.memory_space<vmem>>
      %dma_start3A_118 = arith.constant 0 : i32
      %dma_start3A_119 = tpu.memref_slice %arg15[%add3A_17, %dma_start3A_118] : memref<10000x128xf32, #tpu.memory_space<vmem_shared>> -> memref<120x128xf32, #tpu.memory_space<vmem_shared>>
      %dma_start3A_120 = arith.constant 0 : i32
      %dma_start3A_121 = tpu.memref_slice %arg15[%add3A_17, %dma_start3A_120] : memref<10000x128xf32, #tpu.memory_space<vmem_shared>> -> memref<120x128xf32, #tpu.memory_space<vmem_shared>>
      %dma_start3A_122 = arith.constant 0 : i32
      %dma_start3A_123 = arith.constant 0 : i32
      %dma_start3A_124 = tpu.memref_slice %arg10[%run_scoped3A_18, %dma_start3A_122, %dma_start3A_123] : memref<2x125x128xf32, #tpu.memory_space<vmem>> -> memref<1x125x128xf32, #tpu.memory_space<vmem>>
      %dma_start3A_125 = tpu.memref_squeeze %dma_start3A_124 : memref<1x125x128xf32, #tpu.memory_space<vmem>> -> memref<125x128xf32, #tpu.memory_space<vmem>>
      %dma_start3A_126 = arith.constant 0 : i32
      %dma_start3A_127 = arith.constant 0 : i32
      %dma_start3A_128 = tpu.memref_slice %dma_start3A_125[%dma_start3A_126, %dma_start3A_127] : memref<125x128xf32, #tpu.memory_space<vmem>> -> memref<120x128xf32, #tpu.memory_space<vmem>>
      tpu.enqueue_dma source(%dma_start3A_128 : memref<120x128xf32, #tpu.memory_space<vmem>>) target(%dma_start3A_121 : memref<120x128xf32, #tpu.memory_space<vmem_shared>>) target_semaphore(%run_scoped3A_110 : memref<!tpu.dma_semaphore, #tpu.memory_space<semaphore_mem>>)
      %dma_wait3A_129 = arith.constant 0 : i32
      %dma_wait3A_130 = arith.constant 0 : i32
      %dma_wait3A_131 = tpu.memref_slice %arg10[%run_scoped3A_18, %dma_wait3A_129, %dma_wait3A_130] : memref<2x125x128xf32, #tpu.memory_space<vmem>> -> memref<1x125x128xf32, #tpu.memory_space<vmem>>
      %dma_wait3A_132 = tpu.memref_squeeze %dma_wait3A_131 : memref<1x125x128xf32, #tpu.memory_space<vmem>> -> memref<125x128xf32, #tpu.memory_space<vmem>>
      %dma_wait3A_133 = arith.constant 0 : i32
      %dma_wait3A_134 = arith.constant 0 : i32
      %dma_wait3A_135 = tpu.memref_slice %dma_wait3A_132[%dma_wait3A_133, %dma_wait3A_134] : memref<125x128xf32, #tpu.memory_space<vmem>> -> memref<120x128xf32, #tpu.memory_space<vmem>>
      %dma_wait3A_136 = arith.constant 0 : i32
      %dma_wait3A_137 = tpu.memref_slice %arg15[%add3A_17, %dma_wait3A_136] : memref<10000x128xf32, #tpu.memory_space<vmem_shared>> -> memref<120x128xf32, #tpu.memory_space<vmem_shared>>
      %dma_wait3A_138 = arith.constant 0 : i32
      %dma_wait3A_139 = tpu.memref_slice %arg15[%add3A_17, %dma_wait3A_138] : memref<10000x128xf32, #tpu.memory_space<vmem_shared>> -> memref<120x128xf32, #tpu.memory_space<vmem_shared>>
      %dma_wait3A_140 = arith.constant 0 : i32
      %dma_wait3A_141 = arith.constant 0 : i32
      %dma_wait3A_142 = tpu.memref_slice %arg10[%run_scoped3A_18, %dma_wait3A_140, %dma_wait3A_141] : memref<2x125x128xf32, #tpu.memory_space<vmem>> -> memref<1x125x128xf32, #tpu.memory_space<vmem>>
      %dma_wait3A_143 = tpu.memref_squeeze %dma_wait3A_142 : memref<1x125x128xf32, #tpu.memory_space<vmem>> -> memref<125x128xf32, #tpu.memory_space<vmem>>
      %dma_wait3A_144 = arith.constant 0 : i32
      %dma_wait3A_145 = arith.constant 0 : i32
      %dma_wait3A_146 = tpu.memref_slice %dma_wait3A_143[%dma_wait3A_144, %dma_wait3A_145] : memref<125x128xf32, #tpu.memory_space<vmem>> -> memref<120x128xf32, #tpu.memory_space<vmem>>
      tpu.wait_dma2 semaphore(%run_scoped3A_110 : memref<!tpu.dma_semaphore, #tpu.memory_space<semaphore_mem>>) src(%dma_wait3A_146 : memref<120x128xf32, #tpu.memory_space<vmem>>) dst(%dma_wait3A_139 : memref<120x128xf32, #tpu.memory_space<vmem_shared>>)
      tpu.yield
    }) : () -> ()
    %add3A_19 = arith.constant 360 : i32
    %add3A_20 = arith.addi %mul3A_10, %add3A_19 : i32
    %run_scoped3A_21 = arith.constant 0 : i32
    "tpu.region"() ({
      %run_scoped3A_110 = tpu.sem_alloc : memref<!tpu.dma_semaphore, #tpu.memory_space<semaphore_mem>>
      %dma_start3A_111 = arith.constant 0 : i32
      %dma_start3A_112 = arith.constant 0 : i32
      %dma_start3A_113 = tpu.memref_slice %arg10[%run_scoped3A_21, %dma_start3A_111, %dma_start3A_112] : memref<2x125x128xf32, #tpu.memory_space<vmem>> -> memref<1x125x128xf32, #tpu.memory_space<vmem>>
      %dma_start3A_114 = tpu.memref_squeeze %dma_start3A_113 : memref<1x125x128xf32, #tpu.memory_space<vmem>> -> memref<125x128xf32, #tpu.memory_space<vmem>>
      %dma_start3A_115 = arith.constant 0 : i32
      %dma_start3A_116 = arith.constant 0 : i32
      %dma_start3A_117 = tpu.memref_slice %dma_start3A_114[%dma_start3A_115, %dma_start3A_116] : memref<125x128xf32, #tpu.memory_space<vmem>> -> memref<120x128xf32, #tpu.memory_space<vmem>>
      %dma_start3A_118 = arith.constant 0 : i32
      %dma_start3A_119 = tpu.memref_slice %arg15[%add3A_20, %dma_start3A_118] : memref<10000x128xf32, #tpu.memory_space<vmem_shared>> -> memref<120x128xf32, #tpu.memory_space<vmem_shared>>
      %dma_start3A_120 = arith.constant 0 : i32
      %dma_start3A_121 = tpu.memref_slice %arg15[%add3A_20, %dma_start3A_120] : memref<10000x128xf32, #tpu.memory_space<vmem_shared>> -> memref<120x128xf32, #tpu.memory_space<vmem_shared>>
      %dma_start3A_122 = arith.constant 0 : i32
      %dma_start3A_123 = arith.constant 0 : i32
      %dma_start3A_124 = tpu.memref_slice %arg10[%run_scoped3A_21, %dma_start3A_122, %dma_start3A_123] : memref<2x125x128xf32, #tpu.memory_space<vmem>> -> memref<1x125x128xf32, #tpu.memory_space<vmem>>
      %dma_start3A_125 = tpu.memref_squeeze %dma_start3A_124 : memref<1x125x128xf32, #tpu.memory_space<vmem>> -> memref<125x128xf32, #tpu.memory_space<vmem>>
      %dma_start3A_126 = arith.constant 0 : i32
      %dma_start3A_127 = arith.constant 0 : i32
      %dma_start3A_128 = tpu.memref_slice %dma_start3A_125[%dma_start3A_126, %dma_start3A_127] : memref<125x128xf32, #tpu.memory_space<vmem>> -> memref<120x128xf32, #tpu.memory_space<vmem>>
      tpu.enqueue_dma source(%dma_start3A_128 : memref<120x128xf32, #tpu.memory_space<vmem>>) target(%dma_start3A_121 : memref<120x128xf32, #tpu.memory_space<vmem_shared>>) target_semaphore(%run_scoped3A_110 : memref<!tpu.dma_semaphore, #tpu.memory_space<semaphore_mem>>)
      %dma_wait3A_129 = arith.constant 0 : i32
      %dma_wait3A_130 = arith.constant 0 : i32
      %dma_wait3A_131 = tpu.memref_slice %arg10[%run_scoped3A_21, %dma_wait3A_129, %dma_wait3A_130] : memref<2x125x128xf32, #tpu.memory_space<vmem>> -> memref<1x125x128xf32, #tpu.memory_space<vmem>>
      %dma_wait3A_132 = tpu.memref_squeeze %dma_wait3A_131 : memref<1x125x128xf32, #tpu.memory_space<vmem>> -> memref<125x128xf32, #tpu.memory_space<vmem>>
      %dma_wait3A_133 = arith.constant 0 : i32
      %dma_wait3A_134 = arith.constant 0 : i32
      %dma_wait3A_135 = tpu.memref_slice %dma_wait3A_132[%dma_wait3A_133, %dma_wait3A_134] : memref<125x128xf32, #tpu.memory_space<vmem>> -> memref<120x128xf32, #tpu.memory_space<vmem>>
      %dma_wait3A_136 = arith.constant 0 : i32
      %dma_wait3A_137 = tpu.memref_slice %arg15[%add3A_20, %dma_wait3A_136] : memref<10000x128xf32, #tpu.memory_space<vmem_shared>> -> memref<120x128xf32, #tpu.memory_space<vmem_shared>>
      %dma_wait3A_138 = arith.constant 0 : i32
      %dma_wait3A_139 = tpu.memref_slice %arg15[%add3A_20, %dma_wait3A_138] : memref<10000x128xf32, #tpu.memory_space<vmem_shared>> -> memref<120x128xf32, #tpu.memory_space<vmem_shared>>
      %dma_wait3A_140 = arith.constant 0 : i32
      %dma_wait3A_141 = arith.constant 0 : i32
      %dma_wait3A_142 = tpu.memref_slice %arg10[%run_scoped3A_21, %dma_wait3A_140, %dma_wait3A_141] : memref<2x125x128xf32, #tpu.memory_space<vmem>> -> memref<1x125x128xf32, #tpu.memory_space<vmem>>
      %dma_wait3A_143 = tpu.memref_squeeze %dma_wait3A_142 : memref<1x125x128xf32, #tpu.memory_space<vmem>> -> memref<125x128xf32, #tpu.memory_space<vmem>>
      %dma_wait3A_144 = arith.constant 0 : i32
      %dma_wait3A_145 = arith.constant 0 : i32
      %dma_wait3A_146 = tpu.memref_slice %dma_wait3A_143[%dma_wait3A_144, %dma_wait3A_145] : memref<125x128xf32, #tpu.memory_space<vmem>> -> memref<120x128xf32, #tpu.memory_space<vmem>>
      tpu.wait_dma2 semaphore(%run_scoped3A_110 : memref<!tpu.dma_semaphore, #tpu.memory_space<semaphore_mem>>) src(%dma_wait3A_146 : memref<120x128xf32, #tpu.memory_space<vmem>>) dst(%dma_wait3A_139 : memref<120x128xf32, #tpu.memory_space<vmem_shared>>)
      tpu.yield
    }) : () -> ()
    %add3A_22 = arith.constant 480 : i32
    %add3A_23 = arith.addi %mul3A_10, %add3A_22 : i32
    %run_scoped3A_24 = arith.constant 0 : i32
    "tpu.region"() ({
      %run_scoped3A_110 = tpu.sem_alloc : memref<!tpu.dma_semaphore, #tpu.memory_space<semaphore_mem>>
      %dma_start3A_111 = arith.constant 0 : i32
      %dma_start3A_112 = arith.constant 0 : i32
      %dma_start3A_113 = tpu.memref_slice %arg10[%run_scoped3A_24, %dma_start3A_111, %dma_start3A_112] : memref<2x125x128xf32, #tpu.memory_space<vmem>> -> memref<1x125x128xf32, #tpu.memory_space<vmem>>
      %dma_start3A_114 = tpu.memref_squeeze %dma_start3A_113 : memref<1x125x128xf32, #tpu.memory_space<vmem>> -> memref<125x128xf32, #tpu.memory_space<vmem>>
      %dma_start3A_115 = arith.constant 0 : i32
      %dma_start3A_116 = arith.constant 0 : i32
      %dma_start3A_117 = tpu.memref_slice %dma_start3A_114[%dma_start3A_115, %dma_start3A_116] : memref<125x128xf32, #tpu.memory_space<vmem>> -> memref<120x128xf32, #tpu.memory_space<vmem>>
      %dma_start3A_118 = arith.constant 0 : i32
      %dma_start3A_119 = tpu.memref_slice %arg15[%add3A_23, %dma_start3A_118] : memref<10000x128xf32, #tpu.memory_space<vmem_shared>> -> memref<120x128xf32, #tpu.memory_space<vmem_shared>>
      %dma_start3A_120 = arith.constant 0 : i32
      %dma_start3A_121 = tpu.memref_slice %arg15[%add3A_23, %dma_start3A_120] : memref<10000x128xf32, #tpu.memory_space<vmem_shared>> -> memref<120x128xf32, #tpu.memory_space<vmem_shared>>
      %dma_start3A_122 = arith.constant 0 : i32
      %dma_start3A_123 = arith.constant 0 : i32
      %dma_start3A_124 = tpu.memref_slice %arg10[%run_scoped3A_24, %dma_start3A_122, %dma_start3A_123] : memref<2x125x128xf32, #tpu.memory_space<vmem>> -> memref<1x125x128xf32, #tpu.memory_space<vmem>>
      %dma_start3A_125 = tpu.memref_squeeze %dma_start3A_124 : memref<1x125x128xf32, #tpu.memory_space<vmem>> -> memref<125x128xf32, #tpu.memory_space<vmem>>
      %dma_start3A_126 = arith.constant 0 : i32
      %dma_start3A_127 = arith.constant 0 : i32
      %dma_start3A_128 = tpu.memref_slice %dma_start3A_125[%dma_start3A_126, %dma_start3A_127] : memref<125x128xf32, #tpu.memory_space<vmem>> -> memref<120x128xf32, #tpu.memory_space<vmem>>
      tpu.enqueue_dma source(%dma_start3A_128 : memref<120x128xf32, #tpu.memory_space<vmem>>) target(%dma_start3A_121 : memref<120x128xf32, #tpu.memory_space<vmem_shared>>) target_semaphore(%run_scoped3A_110 : memref<!tpu.dma_semaphore, #tpu.memory_space<semaphore_mem>>)
      %dma_wait3A_129 = arith.constant 0 : i32
      %dma_wait3A_130 = arith.constant 0 : i32
      %dma_wait3A_131 = tpu.memref_slice %arg10[%run_scoped3A_24, %dma_wait3A_129, %dma_wait3A_130] : memref<2x125x128xf32, #tpu.memory_space<vmem>> -> memref<1x125x128xf32, #tpu.memory_space<vmem>>
      %dma_wait3A_132 = tpu.memref_squeeze %dma_wait3A_131 : memref<1x125x128xf32, #tpu.memory_space<vmem>> -> memref<125x128xf32, #tpu.memory_space<vmem>>
      %dma_wait3A_133 = arith.constant 0 : i32
      %dma_wait3A_134 = arith.constant 0 : i32
      %dma_wait3A_135 = tpu.memref_slice %dma_wait3A_132[%dma_wait3A_133, %dma_wait3A_134] : memref<125x128xf32, #tpu.memory_space<vmem>> -> memref<120x128xf32, #tpu.memory_space<vmem>>
      %dma_wait3A_136 = arith.constant 0 : i32
      %dma_wait3A_137 = tpu.memref_slice %arg15[%add3A_23, %dma_wait3A_136] : memref<10000x128xf32, #tpu.memory_space<vmem_shared>> -> memref<120x128xf32, #tpu.memory_space<vmem_shared>>
      %dma_wait3A_138 = arith.constant 0 : i32
      %dma_wait3A_139 = tpu.memref_slice %arg15[%add3A_23, %dma_wait3A_138] : memref<10000x128xf32, #tpu.memory_space<vmem_shared>> -> memref<120x128xf32, #tpu.memory_space<vmem_shared>>
      %dma_wait3A_140 = arith.constant 0 : i32
      %dma_wait3A_141 = arith.constant 0 : i32
      %dma_wait3A_142 = tpu.memref_slice %arg10[%run_scoped3A_24, %dma_wait3A_140, %dma_wait3A_141] : memref<2x125x128xf32, #tpu.memory_space<vmem>> -> memref<1x125x128xf32, #tpu.memory_space<vmem>>
      %dma_wait3A_143 = tpu.memref_squeeze %dma_wait3A_142 : memref<1x125x128xf32, #tpu.memory_space<vmem>> -> memref<125x128xf32, #tpu.memory_space<vmem>>
      %dma_wait3A_144 = arith.constant 0 : i32
      %dma_wait3A_145 = arith.constant 0 : i32
      %dma_wait3A_146 = tpu.memref_slice %dma_wait3A_143[%dma_wait3A_144, %dma_wait3A_145] : memref<125x128xf32, #tpu.memory_space<vmem>> -> memref<120x128xf32, #tpu.memory_space<vmem>>
      tpu.wait_dma2 semaphore(%run_scoped3A_110 : memref<!tpu.dma_semaphore, #tpu.memory_space<semaphore_mem>>) src(%dma_wait3A_146 : memref<120x128xf32, #tpu.memory_space<vmem>>) dst(%dma_wait3A_139 : memref<120x128xf32, #tpu.memory_space<vmem_shared>>)
      tpu.yield
    }) : () -> ()
    %add3A_25 = arith.constant 600 : i32
    %add3A_26 = arith.addi %mul3A_10, %add3A_25 : i32
    %run_scoped3A_27 = arith.constant 0 : i32
    "tpu.region"() ({
      %run_scoped3A_110 = tpu.sem_alloc : memref<!tpu.dma_semaphore, #tpu.memory_space<semaphore_mem>>
      %dma_start3A_111 = arith.constant 0 : i32
      %dma_start3A_112 = arith.constant 0 : i32
      %dma_start3A_113 = tpu.memref_slice %arg10[%run_scoped3A_27, %dma_start3A_111, %dma_start3A_112] : memref<2x125x128xf32, #tpu.memory_space<vmem>> -> memref<1x125x128xf32, #tpu.memory_space<vmem>>
      %dma_start3A_114 = tpu.memref_squeeze %dma_start3A_113 : memref<1x125x128xf32, #tpu.memory_space<vmem>> -> memref<125x128xf32, #tpu.memory_space<vmem>>
      %dma_start3A_115 = arith.constant 0 : i32
      %dma_start3A_116 = arith.constant 0 : i32
      %dma_start3A_117 = tpu.memref_slice %dma_start3A_114[%dma_start3A_115, %dma_start3A_116] : memref<125x128xf32, #tpu.memory_space<vmem>> -> memref<24x128xf32, #tpu.memory_space<vmem>>
      %dma_start3A_118 = arith.constant 0 : i32
      %dma_start3A_119 = tpu.memref_slice %arg15[%add3A_26, %dma_start3A_118] : memref<10000x128xf32, #tpu.memory_space<vmem_shared>> -> memref<24x128xf32, #tpu.memory_space<vmem_shared>>
      %dma_start3A_120 = arith.constant 0 : i32
      %dma_start3A_121 = tpu.memref_slice %arg15[%add3A_26, %dma_start3A_120] : memref<10000x128xf32, #tpu.memory_space<vmem_shared>> -> memref<24x128xf32, #tpu.memory_space<vmem_shared>>
      %dma_start3A_122 = arith.constant 0 : i32
      %dma_start3A_123 = arith.constant 0 : i32
      %dma_start3A_124 = tpu.memref_slice %arg10[%run_scoped3A_27, %dma_start3A_122, %dma_start3A_123] : memref<2x125x128xf32, #tpu.memory_space<vmem>> -> memref<1x125x128xf32, #tpu.memory_space<vmem>>
      %dma_start3A_125 = tpu.memref_squeeze %dma_start3A_124 : memref<1x125x128xf32, #tpu.memory_space<vmem>> -> memref<125x128xf32, #tpu.memory_space<vmem>>
      %dma_start3A_126 = arith.constant 0 : i32
      %dma_start3A_127 = arith.constant 0 : i32
      %dma_start3A_128 = tpu.memref_slice %dma_start3A_125[%dma_start3A_126, %dma_start3A_127] : memref<125x128xf32, #tpu.memory_space<vmem>> -> memref<24x128xf32, #tpu.memory_space<vmem>>
      tpu.enqueue_dma source(%dma_start3A_128 : memref<24x128xf32, #tpu.memory_space<vmem>>) target(%dma_start3A_121 : memref<24x128xf32, #tpu.memory_space<vmem_shared>>) target_semaphore(%run_scoped3A_110 : memref<!tpu.dma_semaphore, #tpu.memory_space<semaphore_mem>>)
      %dma_wait3A_129 = arith.constant 0 : i32
      %dma_wait3A_130 = arith.constant 0 : i32
      %dma_wait3A_131 = tpu.memref_slice %arg10[%run_scoped3A_27, %dma_wait3A_129, %dma_wait3A_130] : memref<2x125x128xf32, #tpu.memory_space<vmem>> -> memref<1x125x128xf32, #tpu.memory_space<vmem>>
      %dma_wait3A_132 = tpu.memref_squeeze %dma_wait3A_131 : memref<1x125x128xf32, #tpu.memory_space<vmem>> -> memref<125x128xf32, #tpu.memory_space<vmem>>
      %dma_wait3A_133 = arith.constant 0 : i32
      %dma_wait3A_134 = arith.constant 0 : i32
      %dma_wait3A_135 = tpu.memref_slice %dma_wait3A_132[%dma_wait3A_133, %dma_wait3A_134] : memref<125x128xf32, #tpu.memory_space<vmem>> -> memref<24x128xf32, #tpu.memory_space<vmem>>
      %dma_wait3A_136 = arith.constant 0 : i32
      %dma_wait3A_137 = tpu.memref_slice %arg15[%add3A_26, %dma_wait3A_136] : memref<10000x128xf32, #tpu.memory_space<vmem_shared>> -> memref<24x128xf32, #tpu.memory_space<vmem_shared>>
      %dma_wait3A_138 = arith.constant 0 : i32
      %dma_wait3A_139 = tpu.memref_slice %arg15[%add3A_26, %dma_wait3A_138] : memref<10000x128xf32, #tpu.memory_space<vmem_shared>> -> memref<24x128xf32, #tpu.memory_space<vmem_shared>>
      %dma_wait3A_140 = arith.constant 0 : i32
      %dma_wait3A_141 = arith.constant 0 : i32
      %dma_wait3A_142 = tpu.memref_slice %arg10[%run_scoped3A_27, %dma_wait3A_140, %dma_wait3A_141] : memref<2x125x128xf32, #tpu.memory_space<vmem>> -> memref<1x125x128xf32, #tpu.memory_space<vmem>>
      %dma_wait3A_143 = tpu.memref_squeeze %dma_wait3A_142 : memref<1x125x128xf32, #tpu.memory_space<vmem>> -> memref<125x128xf32, #tpu.memory_space<vmem>>
      %dma_wait3A_144 = arith.constant 0 : i32
      %dma_wait3A_145 = arith.constant 0 : i32
      %dma_wait3A_146 = tpu.memref_slice %dma_wait3A_143[%dma_wait3A_144, %dma_wait3A_145] : memref<125x128xf32, #tpu.memory_space<vmem>> -> memref<24x128xf32, #tpu.memory_space<vmem>>
      tpu.wait_dma2 semaphore(%run_scoped3A_110 : memref<!tpu.dma_semaphore, #tpu.memory_space<semaphore_mem>>) src(%dma_wait3A_146 : memref<24x128xf32, #tpu.memory_space<vmem>>) dst(%dma_wait3A_139 : memref<24x128xf32, #tpu.memory_space<vmem_shared>>)
      tpu.yield
    }) : () -> ()
    %eq3A = arith.constant 15 : i32
    %eq3A_28 = arith.cmpi eq, %arg1, %eq3A : i32
    %convert_element_type3A = arith.extui %eq3A_28 : i1 to i32
    %cond3A = arith.constant 0 : i32
    %cond3A_29 = arith.constant 0 : i32
    %cond3A_30 = arith.cmpi ne, %convert_element_type3A, %cond3A_29 : i32
    scf.if %cond3A_30 {
      "tpu.region"() ({
        %run_scoped3A_110 = tpu.sem_alloc : memref<!tpu.dma_semaphore, #tpu.memory_space<semaphore_mem>>
        %dma_start3A_111 = arith.constant 0 : i32
        %dma_start3A_112 = arith.constant 0 : i32
        %dma_start3A_113 = tpu.memref_slice %arg10[%cond3A, %dma_start3A_111, %dma_start3A_112] : memref<2x125x128xf32, #tpu.memory_space<vmem>> -> memref<1x125x128xf32, #tpu.memory_space<vmem>>
        %dma_start3A_114 = tpu.memref_squeeze %dma_start3A_113 : memref<1x125x128xf32, #tpu.memory_space<vmem>> -> memref<125x128xf32, #tpu.memory_space<vmem>>
        %dma_start3A_115 = arith.constant 0 : i32
        %dma_start3A_116 = arith.constant 0 : i32
        %dma_start3A_117 = tpu.memref_slice %dma_start3A_114[%dma_start3A_115, %dma_start3A_116] : memref<125x128xf32, #tpu.memory_space<vmem>> -> memref<16x128xf32, #tpu.memory_space<vmem>>
        %dma_start3A_118 = arith.constant 9984 : i32
        %dma_start3A_119 = arith.constant 0 : i32
        %dma_start3A_120 = tpu.memref_slice %arg15[%dma_start3A_118, %dma_start3A_119] : memref<10000x128xf32, #tpu.memory_space<vmem_shared>> -> memref<16x128xf32, #tpu.memory_space<vmem_shared>>
        %dma_start3A_121 = arith.constant 9984 : i32
        %dma_start3A_122 = arith.constant 0 : i32
        %dma_start3A_123 = tpu.memref_slice %arg15[%dma_start3A_121, %dma_start3A_122] : memref<10000x128xf32, #tpu.memory_space<vmem_shared>> -> memref<16x128xf32, #tpu.memory_space<vmem_shared>>
        %dma_start3A_124 = arith.constant 0 : i32
        %dma_start3A_125 = arith.constant 0 : i32
        %dma_start3A_126 = tpu.memref_slice %arg10[%cond3A, %dma_start3A_124, %dma_start3A_125] : memref<2x125x128xf32, #tpu.memory_space<vmem>> -> memref<1x125x128xf32, #tpu.memory_space<vmem>>
        %dma_start3A_127 = tpu.memref_squeeze %dma_start3A_126 : memref<1x125x128xf32, #tpu.memory_space<vmem>> -> memref<125x128xf32, #tpu.memory_space<vmem>>
        %dma_start3A_128 = arith.constant 0 : i32
        %dma_start3A_129 = arith.constant 0 : i32
        %dma_start3A_130 = tpu.memref_slice %dma_start3A_127[%dma_start3A_128, %dma_start3A_129] : memref<125x128xf32, #tpu.memory_space<vmem>> -> memref<16x128xf32, #tpu.memory_space<vmem>>
        tpu.enqueue_dma source(%dma_start3A_130 : memref<16x128xf32, #tpu.memory_space<vmem>>) target(%dma_start3A_123 : memref<16x128xf32, #tpu.memory_space<vmem_shared>>) target_semaphore(%run_scoped3A_110 : memref<!tpu.dma_semaphore, #tpu.memory_space<semaphore_mem>>)
        %dma_wait3A_131 = arith.constant 0 : i32
        %dma_wait3A_132 = arith.constant 0 : i32
        %dma_wait3A_133 = tpu.memref_slice %arg10[%cond3A, %dma_wait3A_131, %dma_wait3A_132] : memref<2x125x128xf32, #tpu.memory_space<vmem>> -> memref<1x125x128xf32, #tpu.memory_space<vmem>>
        %dma_wait3A_134 = tpu.memref_squeeze %dma_wait3A_133 : memref<1x125x128xf32, #tpu.memory_space<vmem>> -> memref<125x128xf32, #tpu.memory_space<vmem>>
        %dma_wait3A_135 = arith.constant 0 : i32
        %dma_wait3A_136 = arith.constant 0 : i32
        %dma_wait3A_137 = tpu.memref_slice %dma_wait3A_134[%dma_wait3A_135, %dma_wait3A_136] : memref<125x128xf32, #tpu.memory_space<vmem>> -> memref<16x128xf32, #tpu.memory_space<vmem>>
        %dma_wait3A_138 = arith.constant 9984 : i32
        %dma_wait3A_139 = arith.constant 0 : i32
        %dma_wait3A_140 = tpu.memref_slice %arg15[%dma_wait3A_138, %dma_wait3A_139] : memref<10000x128xf32, #tpu.memory_space<vmem_shared>> -> memref<16x128xf32, #tpu.memory_space<vmem_shared>>
        %dma_wait3A_141 = arith.constant 9984 : i32
        %dma_wait3A_142 = arith.constant 0 : i32
        %dma_wait3A_143 = tpu.memref_slice %arg15[%dma_wait3A_141, %dma_wait3A_142] : memref<10000x128xf32, #tpu.memory_space<vmem_shared>> -> memref<16x128xf32, #tpu.memory_space<vmem_shared>>
        %dma_wait3A_144 = arith.constant 0 : i32
        %dma_wait3A_145 = arith.constant 0 : i32
        %dma_wait3A_146 = tpu.memref_slice %arg10[%cond3A, %dma_wait3A_144, %dma_wait3A_145] : memref<2x125x128xf32, #tpu.memory_space<vmem>> -> memref<1x125x128xf32, #tpu.memory_space<vmem>>
        %dma_wait3A_147 = tpu.memref_squeeze %dma_wait3A_146 : memref<1x125x128xf32, #tpu.memory_space<vmem>> -> memref<125x128xf32, #tpu.memory_space<vmem>>
        %dma_wait3A_148 = arith.constant 0 : i32
        %dma_wait3A_149 = arith.constant 0 : i32
        %dma_wait3A_150 = tpu.memref_slice %dma_wait3A_147[%dma_wait3A_148, %dma_wait3A_149] : memref<125x128xf32, #tpu.memory_space<vmem>> -> memref<16x128xf32, #tpu.memory_space<vmem>>
        tpu.wait_dma2 semaphore(%run_scoped3A_110 : memref<!tpu.dma_semaphore, #tpu.memory_space<semaphore_mem>>) src(%dma_wait3A_150 : memref<16x128xf32, #tpu.memory_space<vmem>>) dst(%dma_wait3A_143 : memref<16x128xf32, #tpu.memory_space<vmem_shared>>)
        tpu.yield
      }) : () -> ()
    } else {
    }
    %barrier3A = arith.constant 0 : index
    tpu.barrier barrier_id(%barrier3A)
    %dma_start3A = arith.constant 0 : i32
    %dma_start3A_31 = arith.constant 0 : i32
    %dma_start3A_32 = arith.constant 0 : i32
    %dma_start3A_33 = tpu.memref_slice %arg3[%add3A, %dma_start3A, %dma_start3A_31, %dma_start3A_32] : memref<32x80x1x125xi32, #tpu.memory_space<hbm>> -> memref<1x1x1x125xi32, #tpu.memory_space<hbm>>
    %dma_start3A_34 = tpu.memref_squeeze %dma_start3A_33 : memref<1x1x1x125xi32, #tpu.memory_space<hbm>> -> memref<1x125xi32, #tpu.memory_space<hbm>>
    %dma_start3A_35 = arith.constant 0 : i32
    %dma_start3A_36 = arith.constant 0 : i32
    %dma_start3A_37 = tpu.memref_slice %arg3[%add3A, %dma_start3A, %dma_start3A_35, %dma_start3A_36] : memref<32x80x1x125xi32, #tpu.memory_space<hbm>> -> memref<1x1x1x125xi32, #tpu.memory_space<hbm>>
    %dma_start3A_38 = tpu.memref_squeeze %dma_start3A_37 : memref<1x1x1x125xi32, #tpu.memory_space<hbm>> -> memref<1x125xi32, #tpu.memory_space<hbm>>
    tpu.enqueue_dma source(%dma_start3A_38 : memref<1x125xi32, #tpu.memory_space<hbm>>) target(%arg6 : memref<1x125xi32, #tpu.memory_space<vmem>>) target_semaphore(%arg11 : memref<!tpu.dma_semaphore, #tpu.memory_space<semaphore_mem>>)
    %dma_start3A_39 = arith.constant 0 : i32
    %dma_start3A_40 = arith.constant 0 : i32
    %dma_start3A_41 = arith.constant 0 : i32
    %dma_start3A_42 = tpu.memref_slice %arg4[%add3A, %dma_start3A_39, %dma_start3A_40, %dma_start3A_41] : memref<32x80x1x125xi32, #tpu.memory_space<hbm>> -> memref<1x1x1x125xi32, #tpu.memory_space<hbm>>
    %dma_start3A_43 = tpu.memref_squeeze %dma_start3A_42 : memref<1x1x1x125xi32, #tpu.memory_space<hbm>> -> memref<1x125xi32, #tpu.memory_space<hbm>>
    %dma_start3A_44 = arith.constant 0 : i32
    %dma_start3A_45 = arith.constant 0 : i32
    %dma_start3A_46 = tpu.memref_slice %arg4[%add3A, %dma_start3A_39, %dma_start3A_44, %dma_start3A_45] : memref<32x80x1x125xi32, #tpu.memory_space<hbm>> -> memref<1x1x1x125xi32, #tpu.memory_space<hbm>>
    %dma_start3A_47 = tpu.memref_squeeze %dma_start3A_46 : memref<1x1x1x125xi32, #tpu.memory_space<hbm>> -> memref<1x125xi32, #tpu.memory_space<hbm>>
    tpu.enqueue_dma source(%dma_start3A_47 : memref<1x125xi32, #tpu.memory_space<hbm>>) target(%arg8 : memref<1x125xi32, #tpu.memory_space<vmem>>) target_semaphore(%arg11 : memref<!tpu.dma_semaphore, #tpu.memory_space<semaphore_mem>>)
    %dma_start3A_48 = arith.constant 1 : i32
    %dma_start3A_49 = arith.constant 0 : i32
    %dma_start3A_50 = arith.constant 0 : i32
    %dma_start3A_51 = tpu.memref_slice %arg3[%add3A, %dma_start3A_48, %dma_start3A_49, %dma_start3A_50] : memref<32x80x1x125xi32, #tpu.memory_space<hbm>> -> memref<1x1x1x125xi32, #tpu.memory_space<hbm>>
    %dma_start3A_52 = tpu.memref_squeeze %dma_start3A_51 : memref<1x1x1x125xi32, #tpu.memory_space<hbm>> -> memref<1x125xi32, #tpu.memory_space<hbm>>
    %dma_start3A_53 = arith.constant 0 : i32
    %dma_start3A_54 = arith.constant 0 : i32
    %dma_start3A_55 = tpu.memref_slice %arg3[%add3A, %dma_start3A_48, %dma_start3A_53, %dma_start3A_54] : memref<32x80x1x125xi32, #tpu.memory_space<hbm>> -> memref<1x1x1x125xi32, #tpu.memory_space<hbm>>
    %dma_start3A_56 = tpu.memref_squeeze %dma_start3A_55 : memref<1x1x1x125xi32, #tpu.memory_space<hbm>> -> memref<1x125xi32, #tpu.memory_space<hbm>>
    tpu.enqueue_dma source(%dma_start3A_56 : memref<1x125xi32, #tpu.memory_space<hbm>>) target(%arg7 : memref<1x125xi32, #tpu.memory_space<vmem>>) target_semaphore(%arg12 : memref<!tpu.dma_semaphore, #tpu.memory_space<semaphore_mem>>)
    %dma_start3A_57 = arith.constant 1 : i32
    %dma_start3A_58 = arith.constant 0 : i32
    %dma_start3A_59 = arith.constant 0 : i32
    %dma_start3A_60 = tpu.memref_slice %arg4[%add3A, %dma_start3A_57, %dma_start3A_58, %dma_start3A_59] : memref<32x80x1x125xi32, #tpu.memory_space<hbm>> -> memref<1x1x1x125xi32, #tpu.memory_space<hbm>>
    %dma_start3A_61 = tpu.memref_squeeze %dma_start3A_60 : memref<1x1x1x125xi32, #tpu.memory_space<hbm>> -> memref<1x125xi32, #tpu.memory_space<hbm>>
    %dma_start3A_62 = arith.constant 0 : i32
    %dma_start3A_63 = arith.constant 0 : i32
    %dma_start3A_64 = tpu.memref_slice %arg4[%add3A, %dma_start3A_57, %dma_start3A_62, %dma_start3A_63] : memref<32x80x1x125xi32, #tpu.memory_space<hbm>> -> memref<1x1x1x125xi32, #tpu.memory_space<hbm>>
    %dma_start3A_65 = tpu.memref_squeeze %dma_start3A_64 : memref<1x1x1x125xi32, #tpu.memory_space<hbm>> -> memref<1x125xi32, #tpu.memory_space<hbm>>
    tpu.enqueue_dma source(%dma_start3A_65 : memref<1x125xi32, #tpu.memory_space<hbm>>) target(%arg9 : memref<1x125xi32, #tpu.memory_space<vmem>>) target_semaphore(%arg12 : memref<!tpu.dma_semaphore, #tpu.memory_space<semaphore_mem>>)
    %dma_wait3A = arith.constant 0 : i32
    %dma_wait3A_66 = arith.constant 0 : i32
    %dma_wait3A_67 = arith.constant 0 : i32
    %dma_wait3A_68 = tpu.memref_slice %arg3[%add3A, %dma_wait3A, %dma_wait3A_66, %dma_wait3A_67] : memref<32x80x1x125xi32, #tpu.memory_space<hbm>> -> memref<1x1x1x125xi32, #tpu.memory_space<hbm>>
    %dma_wait3A_69 = tpu.memref_squeeze %dma_wait3A_68 : memref<1x1x1x125xi32, #tpu.memory_space<hbm>> -> memref<1x125xi32, #tpu.memory_space<hbm>>
    %dma_wait3A_70 = arith.constant 0 : i32
    %dma_wait3A_71 = arith.constant 0 : i32
    %dma_wait3A_72 = tpu.memref_slice %arg3[%add3A, %dma_wait3A, %dma_wait3A_70, %dma_wait3A_71] : memref<32x80x1x125xi32, #tpu.memory_space<hbm>> -> memref<1x1x1x125xi32, #tpu.memory_space<hbm>>
    %dma_wait3A_73 = tpu.memref_squeeze %dma_wait3A_72 : memref<1x1x1x125xi32, #tpu.memory_space<hbm>> -> memref<1x125xi32, #tpu.memory_space<hbm>>
    tpu.wait_dma2 semaphore(%arg11 : memref<!tpu.dma_semaphore, #tpu.memory_space<semaphore_mem>>) src(%dma_wait3A_73 : memref<1x125xi32, #tpu.memory_space<hbm>>) dst(%arg6 : memref<1x125xi32, #tpu.memory_space<vmem>>)
    %dma_wait3A_74 = arith.constant 0 : i32
    %dma_wait3A_75 = arith.constant 0 : i32
    %dma_wait3A_76 = arith.constant 0 : i32
    %dma_wait3A_77 = tpu.memref_slice %arg4[%add3A, %dma_wait3A_74, %dma_wait3A_75, %dma_wait3A_76] : memref<32x80x1x125xi32, #tpu.memory_space<hbm>> -> memref<1x1x1x125xi32, #tpu.memory_space<hbm>>
    %dma_wait3A_78 = tpu.memref_squeeze %dma_wait3A_77 : memref<1x1x1x125xi32, #tpu.memory_space<hbm>> -> memref<1x125xi32, #tpu.memory_space<hbm>>
    %dma_wait3A_79 = arith.constant 0 : i32
    %dma_wait3A_80 = arith.constant 0 : i32
    %dma_wait3A_81 = tpu.memref_slice %arg4[%add3A, %dma_wait3A_74, %dma_wait3A_79, %dma_wait3A_80] : memref<32x80x1x125xi32, #tpu.memory_space<hbm>> -> memref<1x1x1x125xi32, #tpu.memory_space<hbm>>
    %dma_wait3A_82 = tpu.memref_squeeze %dma_wait3A_81 : memref<1x1x1x125xi32, #tpu.memory_space<hbm>> -> memref<1x125xi32, #tpu.memory_space<hbm>>
    tpu.wait_dma2 semaphore(%arg11 : memref<!tpu.dma_semaphore, #tpu.memory_space<semaphore_mem>>) src(%dma_wait3A_82 : memref<1x125xi32, #tpu.memory_space<hbm>>) dst(%arg8 : memref<1x125xi32, #tpu.memory_space<vmem>>)
    %dma_start3A_83 = arith.constant 0 : i32
    %dma_start3A_84 = arith.constant 0 : i32
    %dma_start3A_85 = arith.constant 0 : i32
    %dma_start3A_86 = arith.constant 0 : i32
    %dma_start3A_87 = tpu.memref_slice %arg10[%dma_start3A_84, %dma_start3A_85, %dma_start3A_86] : memref<2x125x128xf32, #tpu.memory_space<vmem>> -> memref<1x125x128xf32, #tpu.memory_space<vmem>>
    %dma_start3A_88 = tpu.memref_squeeze %dma_start3A_87 : memref<1x125x128xf32, #tpu.memory_space<vmem>> -> memref<125x128xf32, #tpu.memory_space<vmem>>
    %dma_start3A_89 = arith.constant 0 : i32
    %dma_start3A_90 = tpu.memref_slice %arg6[%dma_start3A_83, %dma_start3A_89] : memref<1x125xi32, #tpu.memory_space<vmem>> -> memref<1x125xi32, #tpu.memory_space<vmem>>
    %dma_start3A_91 = tpu.memref_squeeze %dma_start3A_90 : memref<1x125xi32, #tpu.memory_space<vmem>> -> memref<125xi32, #tpu.memory_space<vmem>>
    %dma_start3A_92 = arith.constant 0 : i32
    %dma_start3A_93 = arith.constant 0 : i32
    %dma_start3A_94 = tpu.memref_slice %arg2[%dma_start3A_92, %dma_start3A_93] : memref<10000x128xf32, #tpu.memory_space<hbm>> -> memref<10000x128xf32, #tpu.memory_space<hbm>>
    tpu.enqueue_indirect_dma source(%dma_start3A_94 : memref<10000x128xf32, #tpu.memory_space<hbm>>) target(%dma_start3A_88 : memref<125x128xf32, #tpu.memory_space<vmem>>) offsets(%dma_start3A_91 : memref<125xi32, #tpu.memory_space<vmem>>) semaphore(%arg13 : memref<!tpu.dma_semaphore, #tpu.memory_space<semaphore_mem>>)
    %scan3A_95 = arith.constant 0 : i32
    %scan3A_96 = arith.constant 0 : i32
    %scan3A_97 = arith.constant 40 : i32
    %scan3A_98 = arith.addi %scan3A_96, %scan3A_97 : i32
    %scan3A_99 = arith.constant 1 : i32
    %scan3A_100 = scf.for %scan3A_110 = %scan3A_96 to %scan3A_98 step %scan3A_99 iter_args(%scan3A_111 = %scan3A_95) -> (i32)  : i32 {
      %mul3A_112 = arith.constant 2 : i32
      %mul3A_113 = arith.muli %mul3A_112, %scan3A_110 : i32
      %add3A_114 = arith.constant 2 : i32
      %add3A_115 = arith.addi %mul3A_113, %add3A_114 : i32
      %mul3A_116 = arith.constant 2 : i32
      %mul3A_117 = arith.muli %mul3A_116, %scan3A_110 : i32
      %add3A_118 = arith.constant 3 : i32
      %add3A_119 = arith.addi %mul3A_117, %add3A_118 : i32
      %dma_wait3A_120 = arith.constant 0 : i32
      %dma_wait3A_121 = arith.constant 0 : i32
      %dma_wait3A_122 = arith.constant 0 : i32
      %dma_wait3A_123 = arith.constant 0 : i32
      %dma_wait3A_124 = tpu.memref_slice %arg10[%dma_wait3A_121, %dma_wait3A_122, %dma_wait3A_123] : memref<2x125x128xf32, #tpu.memory_space<vmem>> -> memref<1x125x128xf32, #tpu.memory_space<vmem>>
      %dma_wait3A_125 = tpu.memref_squeeze %dma_wait3A_124 : memref<1x125x128xf32, #tpu.memory_space<vmem>> -> memref<125x128xf32, #tpu.memory_space<vmem>>
      %dma_wait3A_126 = arith.constant 0 : i32
      %dma_wait3A_127 = tpu.memref_slice %arg6[%dma_wait3A_120, %dma_wait3A_126] : memref<1x125xi32, #tpu.memory_space<vmem>> -> memref<1x125xi32, #tpu.memory_space<vmem>>
      %dma_wait3A_128 = tpu.memref_squeeze %dma_wait3A_127 : memref<1x125xi32, #tpu.memory_space<vmem>> -> memref<125xi32, #tpu.memory_space<vmem>>
      %dma_wait3A_129 = arith.constant 0 : i32
      %dma_wait3A_130 = arith.constant 0 : i32
      %dma_wait3A_131 = tpu.memref_slice %arg2[%dma_wait3A_129, %dma_wait3A_130] : memref<10000x128xf32, #tpu.memory_space<hbm>> -> memref<10000x128xf32, #tpu.memory_space<hbm>>
      tpu.wait_indirect_dma semaphore(%arg13 : memref<!tpu.dma_semaphore, #tpu.memory_space<semaphore_mem>>) src(%dma_wait3A_131 : memref<10000x128xf32, #tpu.memory_space<hbm>>) dst(%dma_wait3A_125 : memref<125x128xf32, #tpu.memory_space<vmem>>)
      %dma_wait3A_132 = arith.constant 0 : i32
      %dma_wait3A_133 = arith.constant 0 : i32
      %dma_wait3A_134 = arith.constant 0 : i32
      %dma_wait3A_135 = tpu.memref_slice %arg3[%add3A, %dma_wait3A_132, %dma_wait3A_133, %dma_wait3A_134] : memref<32x80x1x125xi32, #tpu.memory_space<hbm>> -> memref<1x1x1x125xi32, #tpu.memory_space<hbm>>
      %dma_wait3A_136 = tpu.memref_squeeze %dma_wait3A_135 : memref<1x1x1x125xi32, #tpu.memory_space<hbm>> -> memref<1x125xi32, #tpu.memory_space<hbm>>
      %dma_wait3A_137 = arith.constant 0 : i32
      %dma_wait3A_138 = arith.constant 0 : i32
      %dma_wait3A_139 = tpu.memref_slice %arg3[%add3A, %dma_wait3A_132, %dma_wait3A_137, %dma_wait3A_138] : memref<32x80x1x125xi32, #tpu.memory_space<hbm>> -> memref<1x1x1x125xi32, #tpu.memory_space<hbm>>
      %dma_wait3A_140 = tpu.memref_squeeze %dma_wait3A_139 : memref<1x1x1x125xi32, #tpu.memory_space<hbm>> -> memref<1x125xi32, #tpu.memory_space<hbm>>
      tpu.wait_dma2 semaphore(%arg12 : memref<!tpu.dma_semaphore, #tpu.memory_space<semaphore_mem>>) src(%dma_wait3A_140 : memref<1x125xi32, #tpu.memory_space<hbm>>) dst(%arg7 : memref<1x125xi32, #tpu.memory_space<vmem>>)
      %dma_wait3A_141 = arith.constant 0 : i32
      %dma_wait3A_142 = arith.constant 0 : i32
      %dma_wait3A_143 = arith.constant 0 : i32
      %dma_wait3A_144 = tpu.memref_slice %arg4[%add3A, %dma_wait3A_141, %dma_wait3A_142, %dma_wait3A_143] : memref<32x80x1x125xi32, #tpu.memory_space<hbm>> -> memref<1x1x1x125xi32, #tpu.memory_space<hbm>>
      %dma_wait3A_145 = tpu.memref_squeeze %dma_wait3A_144 : memref<1x1x1x125xi32, #tpu.memory_space<hbm>> -> memref<1x125xi32, #tpu.memory_space<hbm>>
      %dma_wait3A_146 = arith.constant 0 : i32
      %dma_wait3A_147 = arith.constant 0 : i32
      %dma_wait3A_148 = tpu.memref_slice %arg4[%add3A, %dma_wait3A_141, %dma_wait3A_146, %dma_wait3A_147] : memref<32x80x1x125xi32, #tpu.memory_space<hbm>> -> memref<1x1x1x125xi32, #tpu.memory_space<hbm>>
      %dma_wait3A_149 = tpu.memref_squeeze %dma_wait3A_148 : memref<1x1x1x125xi32, #tpu.memory_space<hbm>> -> memref<1x125xi32, #tpu.memory_space<hbm>>
      tpu.wait_dma2 semaphore(%arg12 : memref<!tpu.dma_semaphore, #tpu.memory_space<semaphore_mem>>) src(%dma_wait3A_149 : memref<1x125xi32, #tpu.memory_space<hbm>>) dst(%arg9 : memref<1x125xi32, #tpu.memory_space<vmem>>)
      %dma_start3A_150 = arith.constant 0 : i32
      %dma_start3A_151 = arith.constant 1 : i32
      %dma_start3A_152 = arith.constant 0 : i32
      %dma_start3A_153 = arith.constant 0 : i32
      %dma_start3A_154 = tpu.memref_slice %arg10[%dma_start3A_151, %dma_start3A_152, %dma_start3A_153] : memref<2x125x128xf32, #tpu.memory_space<vmem>> -> memref<1x125x128xf32, #tpu.memory_space<vmem>>
      %dma_start3A_155 = tpu.memref_squeeze %dma_start3A_154 : memref<1x125x128xf32, #tpu.memory_space<vmem>> -> memref<125x128xf32, #tpu.memory_space<vmem>>
      %dma_start3A_156 = arith.constant 0 : i32
      %dma_start3A_157 = tpu.memref_slice %arg7[%dma_start3A_150, %dma_start3A_156] : memref<1x125xi32, #tpu.memory_space<vmem>> -> memref<1x125xi32, #tpu.memory_space<vmem>>
      %dma_start3A_158 = tpu.memref_squeeze %dma_start3A_157 : memref<1x125xi32, #tpu.memory_space<vmem>> -> memref<125xi32, #tpu.memory_space<vmem>>
      %dma_start3A_159 = arith.constant 0 : i32
      %dma_start3A_160 = arith.constant 0 : i32
      %dma_start3A_161 = tpu.memref_slice %arg2[%dma_start3A_159, %dma_start3A_160] : memref<10000x128xf32, #tpu.memory_space<hbm>> -> memref<10000x128xf32, #tpu.memory_space<hbm>>
      tpu.enqueue_indirect_dma source(%dma_start3A_161 : memref<10000x128xf32, #tpu.memory_space<hbm>>) target(%dma_start3A_155 : memref<125x128xf32, #tpu.memory_space<vmem>>) offsets(%dma_start3A_158 : memref<125xi32, #tpu.memory_space<vmem>>) semaphore(%arg14 : memref<!tpu.dma_semaphore, #tpu.memory_space<semaphore_mem>>)
      %run_scoped3A_162 = arith.constant 0 : i32
      %run_scoped3A_163 = arith.constant 0 : i32
      "tpu.region"() ({
        %run_scoped3A_193 = tpu.sem_alloc : memref<!tpu.dma_semaphore, #tpu.memory_space<semaphore_mem>>
        %dma_start3A_194 = arith.constant 0 : i32
        %dma_start3A_195 = arith.constant 0 : i32
        %dma_start3A_196 = tpu.memref_slice %arg10[%run_scoped3A_162, %dma_start3A_194, %dma_start3A_195] : memref<2x125x128xf32, #tpu.memory_space<vmem>> -> memref<1x125x128xf32, #tpu.memory_space<vmem>>
        %dma_start3A_197 = tpu.memref_squeeze %dma_start3A_196 : memref<1x125x128xf32, #tpu.memory_space<vmem>> -> memref<125x128xf32, #tpu.memory_space<vmem>>
        %dma_start3A_198 = arith.constant 0 : i32
        %dma_start3A_199 = tpu.memref_slice %arg8[%run_scoped3A_163, %dma_start3A_198] : memref<1x125xi32, #tpu.memory_space<vmem>> -> memref<1x125xi32, #tpu.memory_space<vmem>>
        %dma_start3A_200 = tpu.memref_squeeze %dma_start3A_199 : memref<1x125xi32, #tpu.memory_space<vmem>> -> memref<125xi32, #tpu.memory_space<vmem>>
        %dma_start3A_201 = arith.constant 0 : i32
        %dma_start3A_202 = arith.constant 0 : i32
        %dma_start3A_203 = tpu.memref_slice %arg15[%dma_start3A_201, %dma_start3A_202] : memref<10000x128xf32, #tpu.memory_space<vmem_shared>> -> memref<10000x128xf32, #tpu.memory_space<vmem_shared>>
        tpu.enqueue_indirect_dma source(%dma_start3A_197 : memref<125x128xf32, #tpu.memory_space<vmem>>) target(%dma_start3A_203 : memref<10000x128xf32, #tpu.memory_space<vmem_shared>>) offsets(%dma_start3A_200 : memref<125xi32, #tpu.memory_space<vmem>>) semaphore(%run_scoped3A_193 : memref<!tpu.dma_semaphore, #tpu.memory_space<semaphore_mem>>) {add = true}
        %dma_wait3A_204 = arith.constant 0 : i32
        %dma_wait3A_205 = arith.constant 0 : i32
        %dma_wait3A_206 = tpu.memref_slice %arg10[%run_scoped3A_162, %dma_wait3A_204, %dma_wait3A_205] : memref<2x125x128xf32, #tpu.memory_space<vmem>> -> memref<1x125x128xf32, #tpu.memory_space<vmem>>
        %dma_wait3A_207 = tpu.memref_squeeze %dma_wait3A_206 : memref<1x125x128xf32, #tpu.memory_space<vmem>> -> memref<125x128xf32, #tpu.memory_space<vmem>>
        %dma_wait3A_208 = arith.constant 0 : i32
        %dma_wait3A_209 = tpu.memref_slice %arg8[%run_scoped3A_163, %dma_wait3A_208] : memref<1x125xi32, #tpu.memory_space<vmem>> -> memref<1x125xi32, #tpu.memory_space<vmem>>
        %dma_wait3A_210 = tpu.memref_squeeze %dma_wait3A_209 : memref<1x125xi32, #tpu.memory_space<vmem>> -> memref<125xi32, #tpu.memory_space<vmem>>
        %dma_wait3A_211 = arith.constant 0 : i32
        %dma_wait3A_212 = arith.constant 0 : i32
        %dma_wait3A_213 = tpu.memref_slice %arg15[%dma_wait3A_211, %dma_wait3A_212] : memref<10000x128xf32, #tpu.memory_space<vmem_shared>> -> memref<10000x128xf32, #tpu.memory_space<vmem_shared>>
        tpu.wait_indirect_dma semaphore(%run_scoped3A_193 : memref<!tpu.dma_semaphore, #tpu.memory_space<semaphore_mem>>) src(%dma_wait3A_207 : memref<125x128xf32, #tpu.memory_space<vmem>>) dst(%dma_wait3A_213 : memref<10000x128xf32, #tpu.memory_space<vmem_shared>>)
        tpu.yield
      }) : () -> ()
      %lt3A = arith.constant 80 : i32
      %lt3A_164 = arith.cmpi slt, %add3A_115, %lt3A : i32
      %convert_element_type3A_165 = arith.extui %lt3A_164 : i1 to i32
      %cond3A_166 = arith.constant 0 : i32
      %cond3A_167 = arith.cmpi ne, %convert_element_type3A_165, %cond3A_166 : i32
      scf.if %cond3A_167 {
        %dma_start3A_193 = arith.constant 0 : i32
        %dma_start3A_194 = arith.constant 0 : i32
        %dma_start3A_195 = tpu.memref_slice %arg3[%add3A, %add3A_115, %dma_start3A_193, %dma_start3A_194] : memref<32x80x1x125xi32, #tpu.memory_space<hbm>> -> memref<1x1x1x125xi32, #tpu.memory_space<hbm>>
        %dma_start3A_196 = tpu.memref_squeeze %dma_start3A_195 : memref<1x1x1x125xi32, #tpu.memory_space<hbm>> -> memref<1x125xi32, #tpu.memory_space<hbm>>
        %dma_start3A_197 = arith.constant 0 : i32
        %dma_start3A_198 = arith.constant 0 : i32
        %dma_start3A_199 = tpu.memref_slice %arg3[%add3A, %add3A_115, %dma_start3A_197, %dma_start3A_198] : memref<32x80x1x125xi32, #tpu.memory_space<hbm>> -> memref<1x1x1x125xi32, #tpu.memory_space<hbm>>
        %dma_start3A_200 = tpu.memref_squeeze %dma_start3A_199 : memref<1x1x1x125xi32, #tpu.memory_space<hbm>> -> memref<1x125xi32, #tpu.memory_space<hbm>>
        tpu.enqueue_dma source(%dma_start3A_200 : memref<1x125xi32, #tpu.memory_space<hbm>>) target(%arg6 : memref<1x125xi32, #tpu.memory_space<vmem>>) target_semaphore(%arg11 : memref<!tpu.dma_semaphore, #tpu.memory_space<semaphore_mem>>)
        %dma_start3A_201 = arith.constant 0 : i32
        %dma_start3A_202 = arith.constant 0 : i32
        %dma_start3A_203 = tpu.memref_slice %arg4[%add3A, %add3A_115, %dma_start3A_201, %dma_start3A_202] : memref<32x80x1x125xi32, #tpu.memory_space<hbm>> -> memref<1x1x1x125xi32, #tpu.memory_space<hbm>>
        %dma_start3A_204 = tpu.memref_squeeze %dma_start3A_203 : memref<1x1x1x125xi32, #tpu.memory_space<hbm>> -> memref<1x125xi32, #tpu.memory_space<hbm>>
        %dma_start3A_205 = arith.constant 0 : i32
        %dma_start3A_206 = arith.constant 0 : i32
        %dma_start3A_207 = tpu.memref_slice %arg4[%add3A, %add3A_115, %dma_start3A_205, %dma_start3A_206] : memref<32x80x1x125xi32, #tpu.memory_space<hbm>> -> memref<1x1x1x125xi32, #tpu.memory_space<hbm>>
        %dma_start3A_208 = tpu.memref_squeeze %dma_start3A_207 : memref<1x1x1x125xi32, #tpu.memory_space<hbm>> -> memref<1x125xi32, #tpu.memory_space<hbm>>
        tpu.enqueue_dma source(%dma_start3A_208 : memref<1x125xi32, #tpu.memory_space<hbm>>) target(%arg8 : memref<1x125xi32, #tpu.memory_space<vmem>>) target_semaphore(%arg11 : memref<!tpu.dma_semaphore, #tpu.memory_space<semaphore_mem>>)
      } else {
      }
      %dma_wait3A_168 = arith.constant 0 : i32
      %dma_wait3A_169 = arith.constant 1 : i32
      %dma_wait3A_170 = arith.constant 0 : i32
      %dma_wait3A_171 = arith.constant 0 : i32
      %dma_wait3A_172 = tpu.memref_slice %arg10[%dma_wait3A_169, %dma_wait3A_170, %dma_wait3A_171] : memref<2x125x128xf32, #tpu.memory_space<vmem>> -> memref<1x125x128xf32, #tpu.memory_space<vmem>>
      %dma_wait3A_173 = tpu.memref_squeeze %dma_wait3A_172 : memref<1x125x128xf32, #tpu.memory_space<vmem>> -> memref<125x128xf32, #tpu.memory_space<vmem>>
      %dma_wait3A_174 = arith.constant 0 : i32
      %dma_wait3A_175 = tpu.memref_slice %arg7[%dma_wait3A_168, %dma_wait3A_174] : memref<1x125xi32, #tpu.memory_space<vmem>> -> memref<1x125xi32, #tpu.memory_space<vmem>>
      %dma_wait3A_176 = tpu.memref_squeeze %dma_wait3A_175 : memref<1x125xi32, #tpu.memory_space<vmem>> -> memref<125xi32, #tpu.memory_space<vmem>>
      %dma_wait3A_177 = arith.constant 0 : i32
      %dma_wait3A_178 = arith.constant 0 : i32
      %dma_wait3A_179 = tpu.memref_slice %arg2[%dma_wait3A_177, %dma_wait3A_178] : memref<10000x128xf32, #tpu.memory_space<hbm>> -> memref<10000x128xf32, #tpu.memory_space<hbm>>
      tpu.wait_indirect_dma semaphore(%arg14 : memref<!tpu.dma_semaphore, #tpu.memory_space<semaphore_mem>>) src(%dma_wait3A_179 : memref<10000x128xf32, #tpu.memory_space<hbm>>) dst(%dma_wait3A_173 : memref<125x128xf32, #tpu.memory_space<vmem>>)
      %lt3A_180 = arith.constant 80 : i32
      %lt3A_181 = arith.cmpi slt, %add3A_115, %lt3A_180 : i32
      %convert_element_type3A_182 = arith.extui %lt3A_181 : i1 to i32
      %cond3A_183 = arith.constant 0 : i32
      %cond3A_184 = arith.cmpi ne, %convert_element_type3A_182, %cond3A_183 : i32
      scf.if %cond3A_184 {
        %dma_wait3A_193 = arith.constant 0 : i32
        %dma_wait3A_194 = arith.constant 0 : i32
        %dma_wait3A_195 = arith.constant 0 : i32
        %dma_wait3A_196 = tpu.memref_slice %arg3[%add3A, %dma_wait3A_193, %dma_wait3A_194, %dma_wait3A_195] : memref<32x80x1x125xi32, #tpu.memory_space<hbm>> -> memref<1x1x1x125xi32, #tpu.memory_space<hbm>>
        %dma_wait3A_197 = tpu.memref_squeeze %dma_wait3A_196 : memref<1x1x1x125xi32, #tpu.memory_space<hbm>> -> memref<1x125xi32, #tpu.memory_space<hbm>>
        %dma_wait3A_198 = arith.constant 0 : i32
        %dma_wait3A_199 = arith.constant 0 : i32
        %dma_wait3A_200 = tpu.memref_slice %arg3[%add3A, %dma_wait3A_193, %dma_wait3A_198, %dma_wait3A_199] : memref<32x80x1x125xi32, #tpu.memory_space<hbm>> -> memref<1x1x1x125xi32, #tpu.memory_space<hbm>>
        %dma_wait3A_201 = tpu.memref_squeeze %dma_wait3A_200 : memref<1x1x1x125xi32, #tpu.memory_space<hbm>> -> memref<1x125xi32, #tpu.memory_space<hbm>>
        tpu.wait_dma2 semaphore(%arg11 : memref<!tpu.dma_semaphore, #tpu.memory_space<semaphore_mem>>) src(%dma_wait3A_201 : memref<1x125xi32, #tpu.memory_space<hbm>>) dst(%arg6 : memref<1x125xi32, #tpu.memory_space<vmem>>)
        %dma_wait3A_202 = arith.constant 0 : i32
        %dma_wait3A_203 = arith.constant 0 : i32
        %dma_wait3A_204 = arith.constant 0 : i32
        %dma_wait3A_205 = tpu.memref_slice %arg4[%add3A, %dma_wait3A_202, %dma_wait3A_203, %dma_wait3A_204] : memref<32x80x1x125xi32, #tpu.memory_space<hbm>> -> memref<1x1x1x125xi32, #tpu.memory_space<hbm>>
        %dma_wait3A_206 = tpu.memref_squeeze %dma_wait3A_205 : memref<1x1x1x125xi32, #tpu.memory_space<hbm>> -> memref<1x125xi32, #tpu.memory_space<hbm>>
        %dma_wait3A_207 = arith.constant 0 : i32
        %dma_wait3A_208 = arith.constant 0 : i32
        %dma_wait3A_209 = tpu.memref_slice %arg4[%add3A, %dma_wait3A_202, %dma_wait3A_207, %dma_wait3A_208] : memref<32x80x1x125xi32, #tpu.memory_space<hbm>> -> memref<1x1x1x125xi32, #tpu.memory_space<hbm>>
        %dma_wait3A_210 = tpu.memref_squeeze %dma_wait3A_209 : memref<1x1x1x125xi32, #tpu.memory_space<hbm>> -> memref<1x125xi32, #tpu.memory_space<hbm>>
        tpu.wait_dma2 semaphore(%arg11 : memref<!tpu.dma_semaphore, #tpu.memory_space<semaphore_mem>>) src(%dma_wait3A_210 : memref<1x125xi32, #tpu.memory_space<hbm>>) dst(%arg8 : memref<1x125xi32, #tpu.memory_space<vmem>>)
        %dma_start3A_211 = arith.constant 0 : i32
        %dma_start3A_212 = arith.constant 0 : i32
        %dma_start3A_213 = arith.constant 0 : i32
        %dma_start3A_214 = arith.constant 0 : i32
        %dma_start3A_215 = tpu.memref_slice %arg10[%dma_start3A_212, %dma_start3A_213, %dma_start3A_214] : memref<2x125x128xf32, #tpu.memory_space<vmem>> -> memref<1x125x128xf32, #tpu.memory_space<vmem>>
        %dma_start3A_216 = tpu.memref_squeeze %dma_start3A_215 : memref<1x125x128xf32, #tpu.memory_space<vmem>> -> memref<125x128xf32, #tpu.memory_space<vmem>>
        %dma_start3A_217 = arith.constant 0 : i32
        %dma_start3A_218 = tpu.memref_slice %arg6[%dma_start3A_211, %dma_start3A_217] : memref<1x125xi32, #tpu.memory_space<vmem>> -> memref<1x125xi32, #tpu.memory_space<vmem>>
        %dma_start3A_219 = tpu.memref_squeeze %dma_start3A_218 : memref<1x125xi32, #tpu.memory_space<vmem>> -> memref<125xi32, #tpu.memory_space<vmem>>
        %dma_start3A_220 = arith.constant 0 : i32
        %dma_start3A_221 = arith.constant 0 : i32
        %dma_start3A_222 = tpu.memref_slice %arg2[%dma_start3A_220, %dma_start3A_221] : memref<10000x128xf32, #tpu.memory_space<hbm>> -> memref<10000x128xf32, #tpu.memory_space<hbm>>
        tpu.enqueue_indirect_dma source(%dma_start3A_222 : memref<10000x128xf32, #tpu.memory_space<hbm>>) target(%dma_start3A_216 : memref<125x128xf32, #tpu.memory_space<vmem>>) offsets(%dma_start3A_219 : memref<125xi32, #tpu.memory_space<vmem>>) semaphore(%arg13 : memref<!tpu.dma_semaphore, #tpu.memory_space<semaphore_mem>>)
      } else {
      }
      %run_scoped3A_185 = arith.constant 1 : i32
      %run_scoped3A_186 = arith.constant 0 : i32
      "tpu.region"() ({
        %run_scoped3A_193 = tpu.sem_alloc : memref<!tpu.dma_semaphore, #tpu.memory_space<semaphore_mem>>
        %dma_start3A_194 = arith.constant 0 : i32
        %dma_start3A_195 = arith.constant 0 : i32
        %dma_start3A_196 = tpu.memref_slice %arg10[%run_scoped3A_185, %dma_start3A_194, %dma_start3A_195] : memref<2x125x128xf32, #tpu.memory_space<vmem>> -> memref<1x125x128xf32, #tpu.memory_space<vmem>>
        %dma_start3A_197 = tpu.memref_squeeze %dma_start3A_196 : memref<1x125x128xf32, #tpu.memory_space<vmem>> -> memref<125x128xf32, #tpu.memory_space<vmem>>
        %dma_start3A_198 = arith.constant 0 : i32
        %dma_start3A_199 = tpu.memref_slice %arg9[%run_scoped3A_186, %dma_start3A_198] : memref<1x125xi32, #tpu.memory_space<vmem>> -> memref<1x125xi32, #tpu.memory_space<vmem>>
        %dma_start3A_200 = tpu.memref_squeeze %dma_start3A_199 : memref<1x125xi32, #tpu.memory_space<vmem>> -> memref<125xi32, #tpu.memory_space<vmem>>
        %dma_start3A_201 = arith.constant 0 : i32
        %dma_start3A_202 = arith.constant 0 : i32
        %dma_start3A_203 = tpu.memref_slice %arg15[%dma_start3A_201, %dma_start3A_202] : memref<10000x128xf32, #tpu.memory_space<vmem_shared>> -> memref<10000x128xf32, #tpu.memory_space<vmem_shared>>
        tpu.enqueue_indirect_dma source(%dma_start3A_197 : memref<125x128xf32, #tpu.memory_space<vmem>>) target(%dma_start3A_203 : memref<10000x128xf32, #tpu.memory_space<vmem_shared>>) offsets(%dma_start3A_200 : memref<125xi32, #tpu.memory_space<vmem>>) semaphore(%run_scoped3A_193 : memref<!tpu.dma_semaphore, #tpu.memory_space<semaphore_mem>>) {add = true}
        %dma_wait3A_204 = arith.constant 0 : i32
        %dma_wait3A_205 = arith.constant 0 : i32
        %dma_wait3A_206 = tpu.memref_slice %arg10[%run_scoped3A_185, %dma_wait3A_204, %dma_wait3A_205] : memref<2x125x128xf32, #tpu.memory_space<vmem>> -> memref<1x125x128xf32, #tpu.memory_space<vmem>>
        %dma_wait3A_207 = tpu.memref_squeeze %dma_wait3A_206 : memref<1x125x128xf32, #tpu.memory_space<vmem>> -> memref<125x128xf32, #tpu.memory_space<vmem>>
        %dma_wait3A_208 = arith.constant 0 : i32
        %dma_wait3A_209 = tpu.memref_slice %arg9[%run_scoped3A_186, %dma_wait3A_208] : memref<1x125xi32, #tpu.memory_space<vmem>> -> memref<1x125xi32, #tpu.memory_space<vmem>>
        %dma_wait3A_210 = tpu.memref_squeeze %dma_wait3A_209 : memref<1x125xi32, #tpu.memory_space<vmem>> -> memref<125xi32, #tpu.memory_space<vmem>>
        %dma_wait3A_211 = arith.constant 0 : i32
        %dma_wait3A_212 = arith.constant 0 : i32
        %dma_wait3A_213 = tpu.memref_slice %arg15[%dma_wait3A_211, %dma_wait3A_212] : memref<10000x128xf32, #tpu.memory_space<vmem_shared>> -> memref<10000x128xf32, #tpu.memory_space<vmem_shared>>
        tpu.wait_indirect_dma semaphore(%run_scoped3A_193 : memref<!tpu.dma_semaphore, #tpu.memory_space<semaphore_mem>>) src(%dma_wait3A_207 : memref<125x128xf32, #tpu.memory_space<vmem>>) dst(%dma_wait3A_213 : memref<10000x128xf32, #tpu.memory_space<vmem_shared>>)
        tpu.yield
      }) : () -> ()
      %lt3A_187 = arith.constant 80 : i32
      %lt3A_188 = arith.cmpi slt, %add3A_119, %lt3A_187 : i32
      %convert_element_type3A_189 = arith.extui %lt3A_188 : i1 to i32
      %cond3A_190 = arith.constant 0 : i32
      %cond3A_191 = arith.cmpi ne, %convert_element_type3A_189, %cond3A_190 : i32
      scf.if %cond3A_191 {
        %dma_start3A_193 = arith.constant 0 : i32
        %dma_start3A_194 = arith.constant 0 : i32
        %dma_start3A_195 = tpu.memref_slice %arg3[%add3A, %add3A_119, %dma_start3A_193, %dma_start3A_194] : memref<32x80x1x125xi32, #tpu.memory_space<hbm>> -> memref<1x1x1x125xi32, #tpu.memory_space<hbm>>
        %dma_start3A_196 = tpu.memref_squeeze %dma_start3A_195 : memref<1x1x1x125xi32, #tpu.memory_space<hbm>> -> memref<1x125xi32, #tpu.memory_space<hbm>>
        %dma_start3A_197 = arith.constant 0 : i32
        %dma_start3A_198 = arith.constant 0 : i32
        %dma_start3A_199 = tpu.memref_slice %arg3[%add3A, %add3A_119, %dma_start3A_197, %dma_start3A_198] : memref<32x80x1x125xi32, #tpu.memory_space<hbm>> -> memref<1x1x1x125xi32, #tpu.memory_space<hbm>>
        %dma_start3A_200 = tpu.memref_squeeze %dma_start3A_199 : memref<1x1x1x125xi32, #tpu.memory_space<hbm>> -> memref<1x125xi32, #tpu.memory_space<hbm>>
        tpu.enqueue_dma source(%dma_start3A_200 : memref<1x125xi32, #tpu.memory_space<hbm>>) target(%arg7 : memref<1x125xi32, #tpu.memory_space<vmem>>) target_semaphore(%arg12 : memref<!tpu.dma_semaphore, #tpu.memory_space<semaphore_mem>>)
        %dma_start3A_201 = arith.constant 0 : i32
        %dma_start3A_202 = arith.constant 0 : i32
        %dma_start3A_203 = tpu.memref_slice %arg4[%add3A, %add3A_119, %dma_start3A_201, %dma_start3A_202] : memref<32x80x1x125xi32, #tpu.memory_space<hbm>> -> memref<1x1x1x125xi32, #tpu.memory_space<hbm>>
        %dma_start3A_204 = tpu.memref_squeeze %dma_start3A_203 : memref<1x1x1x125xi32, #tpu.memory_space<hbm>> -> memref<1x125xi32, #tpu.memory_space<hbm>>
        %dma_start3A_205 = arith.constant 0 : i32
        %dma_start3A_206 = arith.constant 0 : i32
        %dma_start3A_207 = tpu.memref_slice %arg4[%add3A, %add3A_119, %dma_start3A_205, %dma_start3A_206] : memref<32x80x1x125xi32, #tpu.memory_space<hbm>> -> memref<1x1x1x125xi32, #tpu.memory_space<hbm>>
        %dma_start3A_208 = tpu.memref_squeeze %dma_start3A_207 : memref<1x1x1x125xi32, #tpu.memory_space<hbm>> -> memref<1x125xi32, #tpu.memory_space<hbm>>
        tpu.enqueue_dma source(%dma_start3A_208 : memref<1x125xi32, #tpu.memory_space<hbm>>) target(%arg9 : memref<1x125xi32, #tpu.memory_space<vmem>>) target_semaphore(%arg12 : memref<!tpu.dma_semaphore, #tpu.memory_space<semaphore_mem>>)
      } else {
      }
      %scan3A_192 = arith.constant 0 : i32
      scf.yield %scan3A_192 : i32
    }
    %scan3A_101 = arith.constant 40 : i32
    %barrier3A_102 = arith.constant 0 : index
    tpu.barrier barrier_id(%barrier3A_102)
    %mul3A_103 = arith.constant 624 : i32
    %mul3A_104 = arith.muli %arg1, %mul3A_103 : i32
    "tpu.region"() ({
      %run_scoped3A_110 = tpu.sem_alloc : memref<!tpu.dma_semaphore, #tpu.memory_space<semaphore_mem>>
      %dma_start3A_111 = arith.constant 0 : i32
      %dma_start3A_112 = tpu.memref_slice %arg5[%arg0, %mul3A_104, %dma_start3A_111] : memref<2x10000x128xf32, #tpu.memory_space<hbm>> -> memref<1x624x128xf32, #tpu.memory_space<hbm>>
      %dma_start3A_113 = tpu.memref_squeeze %dma_start3A_112 : memref<1x624x128xf32, #tpu.memory_space<hbm>> -> memref<624x128xf32, #tpu.memory_space<hbm>>
      %dma_start3A_114 = arith.constant 0 : i32
      %dma_start3A_115 = tpu.memref_slice %arg15[%mul3A_104, %dma_start3A_114] : memref<10000x128xf32, #tpu.memory_space<vmem_shared>> -> memref<624x128xf32, #tpu.memory_space<vmem_shared>>
      tpu.enqueue_dma source(%dma_start3A_115 : memref<624x128xf32, #tpu.memory_space<vmem_shared>>) target(%dma_start3A_113 : memref<624x128xf32, #tpu.memory_space<hbm>>) target_semaphore(%run_scoped3A_110 : memref<!tpu.dma_semaphore, #tpu.memory_space<semaphore_mem>>)
      %dma_wait3A_116 = arith.constant 0 : i32
      %dma_wait3A_117 = tpu.memref_slice %arg5[%arg0, %mul3A_104, %dma_wait3A_116] : memref<2x10000x128xf32, #tpu.memory_space<hbm>> -> memref<1x624x128xf32, #tpu.memory_space<hbm>>
      %dma_wait3A_118 = tpu.memref_squeeze %dma_wait3A_117 : memref<1x624x128xf32, #tpu.memory_space<hbm>> -> memref<624x128xf32, #tpu.memory_space<hbm>>
      %dma_wait3A_119 = arith.constant 0 : i32
      %dma_wait3A_120 = tpu.memref_slice %arg15[%mul3A_104, %dma_wait3A_119] : memref<10000x128xf32, #tpu.memory_space<vmem_shared>> -> memref<624x128xf32, #tpu.memory_space<vmem_shared>>
      tpu.wait_dma2 semaphore(%run_scoped3A_110 : memref<!tpu.dma_semaphore, #tpu.memory_space<semaphore_mem>>) src(%dma_wait3A_120 : memref<624x128xf32, #tpu.memory_space<vmem_shared>>) dst(%dma_wait3A_118 : memref<624x128xf32, #tpu.memory_space<hbm>>)
      tpu.yield
    }) : () -> ()
    %eq3A_105 = arith.constant 15 : i32
    %eq3A_106 = arith.cmpi eq, %arg1, %eq3A_105 : i32
    %convert_element_type3A_107 = arith.extui %eq3A_106 : i1 to i32
    %cond3A_108 = arith.constant 0 : i32
    %cond3A_109 = arith.cmpi ne, %convert_element_type3A_107, %cond3A_108 : i32
    scf.if %cond3A_109 {
      "tpu.region"() ({
        %run_scoped3A_110 = tpu.sem_alloc : memref<!tpu.dma_semaphore, #tpu.memory_space<semaphore_mem>>
        %dma_start3A_111 = arith.constant 9984 : i32
        %dma_start3A_112 = arith.constant 0 : i32
        %dma_start3A_113 = tpu.memref_slice %arg5[%arg0, %dma_start3A_111, %dma_start3A_112] : memref<2x10000x128xf32, #tpu.memory_space<hbm>> -> memref<1x16x128xf32, #tpu.memory_space<hbm>>
        %dma_start3A_114 = tpu.memref_squeeze %dma_start3A_113 : memref<1x16x128xf32, #tpu.memory_space<hbm>> -> memref<16x128xf32, #tpu.memory_space<hbm>>
        %dma_start3A_115 = arith.constant 9984 : i32
        %dma_start3A_116 = arith.constant 0 : i32
        %dma_start3A_117 = tpu.memref_slice %arg15[%dma_start3A_115, %dma_start3A_116] : memref<10000x128xf32, #tpu.memory_space<vmem_shared>> -> memref<16x128xf32, #tpu.memory_space<vmem_shared>>
        tpu.enqueue_dma source(%dma_start3A_117 : memref<16x128xf32, #tpu.memory_space<vmem_shared>>) target(%dma_start3A_114 : memref<16x128xf32, #tpu.memory_space<hbm>>) target_semaphore(%run_scoped3A_110 : memref<!tpu.dma_semaphore, #tpu.memory_space<semaphore_mem>>)
        %dma_wait3A_118 = arith.constant 9984 : i32
        %dma_wait3A_119 = arith.constant 0 : i32
        %dma_wait3A_120 = tpu.memref_slice %arg5[%arg0, %dma_wait3A_118, %dma_wait3A_119] : memref<2x10000x128xf32, #tpu.memory_space<hbm>> -> memref<1x16x128xf32, #tpu.memory_space<hbm>>
        %dma_wait3A_121 = tpu.memref_squeeze %dma_wait3A_120 : memref<1x16x128xf32, #tpu.memory_space<hbm>> -> memref<16x128xf32, #tpu.memory_space<hbm>>
        %dma_wait3A_122 = arith.constant 9984 : i32
        %dma_wait3A_123 = arith.constant 0 : i32
        %dma_wait3A_124 = tpu.memref_slice %arg15[%dma_wait3A_122, %dma_wait3A_123] : memref<10000x128xf32, #tpu.memory_space<vmem_shared>> -> memref<16x128xf32, #tpu.memory_space<vmem_shared>>
        tpu.wait_dma2 semaphore(%run_scoped3A_110 : memref<!tpu.dma_semaphore, #tpu.memory_space<semaphore_mem>>) src(%dma_wait3A_124 : memref<16x128xf32, #tpu.memory_space<vmem_shared>>) dst(%dma_wait3A_121 : memref<16x128xf32, #tpu.memory_space<hbm>>)
        tpu.yield
      }) : () -> ()
    } else {
    }
    return
  }
}

#map = affine_map<(d0, d1) -> (0, 0)>
#map1 = affine_map<(d0, d1) -> (0, 0, 0, 0)>
#map2 = affine_map<(d0, d1) -> (0, 0, 0)>
module attributes {stable_mosaic.version = 14 : i64} {
  func.func @body(%arg0: i32, %arg1: i32, %arg2: memref<10000x128xf32, #tpu.memory_space<hbm>>, %arg3: memref<32x80x1x125xi32, #tpu.memory_space<hbm>>, %arg4: memref<32x80x1x125xi32, #tpu.memory_space<hbm>>, %arg5: memref<2x10000x128xf32, #tpu.memory_space<hbm>>, %arg6: memref<1x125xi32, #tpu.memory_space<vmem>>, %arg7: memref<1x125xi32, #tpu.memory_space<vmem>>, %arg8: memref<1x125xi32, #tpu.memory_space<vmem>>, %arg9: memref<1x125xi32, #tpu.memory_space<vmem>>, %arg10: memref<2x125x128xf32, #tpu.memory_space<vmem>>, %arg11: memref<!tpu.dma_semaphore, #tpu.memory_space<semaphore_mem>>, %arg12: memref<!tpu.dma_semaphore, #tpu.memory_space<semaphore_mem>>, %arg13: memref<!tpu.dma_semaphore, #tpu.memory_space<semaphore_mem>>, %arg14: memref<!tpu.dma_semaphore, #tpu.memory_space<semaphore_mem>>, %arg15: memref<10000x128xf32, #tpu.memory_space<vmem_shared>>) attributes {dimension_semantics = [#tpu.dimension_semantics<core_parallel>, #tpu.dimension_semantics<subcore_parallel>], iteration_bounds = array<i64: 2, 16>, scalar_prefetch = 0 : i64, scratch_operands = 10 : i64, tpu.core_type = #tpu.core_type<sc_vector_subcore>, window_params = [{transform_indices = #map}, {transform_indices = #map1}, {transform_indices = #map1}, {transform_indices = #map2}]} {
    %mul3A = arith.constant 16 : i32
    %mul3A_0 = arith.muli %arg0, %mul3A : i32
    %add3A = arith.addi %mul3A_0, %arg1 : i32
    %broadcast_in_dim3A = arith.constant 0.000000e+00 : f32
    %broadcast_in_dim3A_1 = vector.broadcast %broadcast_in_dim3A : f32 to vector<16xf32>
    %scan3A = arith.constant 0 : i32
    %scan3A_2 = arith.constant 0 : i32
    %scan3A_3 = arith.constant 0 : i32
    %scan3A_4 = arith.constant 125 : i32
    %scan3A_5 = arith.addi %scan3A_3, %scan3A_4 : i32
    %scan3A_6 = arith.constant 1 : i32
    %scan3A_7 = scf.for %scan3A_110 = %scan3A_3 to %scan3A_5 step %scan3A_6 iter_args(%scan3A_111 = %scan3A_2) -> (i32)  : i32 {
      %swap3A = arith.constant 0 : i32
      %swap3A_112 = arith.constant 0 : i32
      %swap3A_113 = tpu.memref_slice %arg10[%scan3A, %swap3A, %swap3A_112] : memref<2x125x128xf32, #tpu.memory_space<vmem>> -> memref<1x125x128xf32, #tpu.memory_space<vmem>>
      %swap3A_114 = tpu.memref_squeeze %swap3A_113 : memref<1x125x128xf32, #tpu.memory_space<vmem>> -> memref<125x128xf32, #tpu.memory_space<vmem>>
      %swap3A_115 = arith.index_cast %scan3A_110 : i32 to index
      %swap3A_116 = arith.constant 0 : index
      %swap3A_117 = tpu.vector_load %swap3A_114[%swap3A_115, %swap3A_116] {strides = array<i32>} : memref<125x128xf32, #tpu.memory_space<vmem>>, vector<1x16xf32>,
      %swap3A_118 = vector.shape_cast %swap3A_117 : vector<1x16xf32> to vector<16xf32>
      %swap3A_119 = vector.shape_cast %broadcast_in_dim3A_1 : vector<16xf32> to vector<1x16xf32>
      tpu.vector_store %swap3A_114[%swap3A_115, %swap3A_116], %swap3A_119 {strides = array<i32>} : memref<125x128xf32, #tpu.memory_space<vmem>>, vector<1x16xf32>,
      %swap3A_120 = arith.constant 0 : i32
      %swap3A_121 = arith.constant 0 : i32
      %swap3A_122 = tpu.memref_slice %arg10[%scan3A, %swap3A_120, %swap3A_121] : memref<2x125x128xf32, #tpu.memory_space<vmem>> -> memref<1x125x128xf32, #tpu.memory_space<vmem>>
      %swap3A_123 = tpu.memref_squeeze %swap3A_122 : memref<1x125x128xf32, #tpu.memory_space<vmem>> -> memref<125x128xf32, #tpu.memory_space<vmem>>
      %swap3A_124 = arith.index_cast %scan3A_110 : i32 to index
      %swap3A_125 = arith.constant 16 : index
      %swap3A_126 = tpu.vector_load %swap3A_123[%swap3A_124, %swap3A_125] {strides = array<i32>} : memref<125x128xf32, #tpu.memory_space<vmem>>, vector<1x16xf32>,
      %swap3A_127 = vector.shape_cast %swap3A_126 : vector<1x16xf32> to vector<16xf32>
      %swap3A_128 = vector.shape_cast %broadcast_in_dim3A_1 : vector<16xf32> to vector<1x16xf32>
      tpu.vector_store %swap3A_123[%swap3A_124, %swap3A_125], %swap3A_128 {strides = array<i32>} : memref<125x128xf32, #tpu.memory_space<vmem>>, vector<1x16xf32>,
      %swap3A_129 = arith.constant 0 : i32
      %swap3A_130 = arith.constant 0 : i32
      %swap3A_131 = tpu.memref_slice %arg10[%scan3A, %swap3A_129, %swap3A_130] : memref<2x125x128xf32, #tpu.memory_space<vmem>> -> memref<1x125x128xf32, #tpu.memory_space<vmem>>
      %swap3A_132 = tpu.memref_squeeze %swap3A_131 : memref<1x125x128xf32, #tpu.memory_space<vmem>> -> memref<125x128xf32, #tpu.memory_space<vmem>>
      %swap3A_133 = arith.index_cast %scan3A_110 : i32 to index
      %swap3A_134 = arith.constant 32 : index
      %swap3A_135 = tpu.vector_load %swap3A_132[%swap3A_133, %swap3A_134] {strides = array<i32>} : memref<125x128xf32, #tpu.memory_space<vmem>>, vector<1x16xf32>,
      %swap3A_136 = vector.shape_cast %swap3A_135 : vector<1x16xf32> to vector<16xf32>
      %swap3A_137 = vector.shape_cast %broadcast_in_dim3A_1 : vector<16xf32> to vector<1x16xf32>
      tpu.vector_store %swap3A_132[%swap3A_133, %swap3A_134], %swap3A_137 {strides = array<i32>} : memref<125x128xf32, #tpu.memory_space<vmem>>, vector<1x16xf32>,
      %swap3A_138 = arith.constant 0 : i32
      %swap3A_139 = arith.constant 0 : i32
      %swap3A_140 = tpu.memref_slice %arg10[%scan3A, %swap3A_138, %swap3A_139] : memref<2x125x128xf32, #tpu.memory_space<vmem>> -> memref<1x125x128xf32, #tpu.memory_space<vmem>>
      %swap3A_141 = tpu.memref_squeeze %swap3A_140 : memref<1x125x128xf32, #tpu.memory_space<vmem>> -> memref<125x128xf32, #tpu.memory_space<vmem>>
      %swap3A_142 = arith.index_cast %scan3A_110 : i32 to index
      %swap3A_143 = arith.constant 48 : index
      %swap3A_144 = tpu.vector_load %swap3A_141[%swap3A_142, %swap3A_143] {strides = array<i32>} : memref<125x128xf32, #tpu.memory_space<vmem>>, vector<1x16xf32>,
      %swap3A_145 = vector.shape_cast %swap3A_144 : vector<1x16xf32> to vector<16xf32>
      %swap3A_146 = vector.shape_cast %broadcast_in_dim3A_1 : vector<16xf32> to vector<1x16xf32>
      tpu.vector_store %swap3A_141[%swap3A_142, %swap3A_143], %swap3A_146 {strides = array<i32>} : memref<125x128xf32, #tpu.memory_space<vmem>>, vector<1x16xf32>,
      %swap3A_147 = arith.constant 0 : i32
      %swap3A_148 = arith.constant 0 : i32
      %swap3A_149 = tpu.memref_slice %arg10[%scan3A, %swap3A_147, %swap3A_148] : memref<2x125x128xf32, #tpu.memory_space<vmem>> -> memref<1x125x128xf32, #tpu.memory_space<vmem>>
      %swap3A_150 = tpu.memref_squeeze %swap3A_149 : memref<1x125x128xf32, #tpu.memory_space<vmem>> -> memref<125x128xf32, #tpu.memory_space<vmem>>
      %swap3A_151 = arith.index_cast %scan3A_110 : i32 to index
      %swap3A_152 = arith.constant 64 : index
      %swap3A_153 = tpu.vector_load %swap3A_150[%swap3A_151, %swap3A_152] {strides = array<i32>} : memref<125x128xf32, #tpu.memory_space<vmem>>, vector<1x16xf32>,
      %swap3A_154 = vector.shape_cast %swap3A_153 : vector<1x16xf32> to vector<16xf32>
      %swap3A_155 = vector.shape_cast %broadcast_in_dim3A_1 : vector<16xf32> to vector<1x16xf32>
      tpu.vector_store %swap3A_150[%swap3A_151, %swap3A_152], %swap3A_155 {strides = array<i32>} : memref<125x128xf32, #tpu.memory_space<vmem>>, vector<1x16xf32>,
      %swap3A_156 = arith.constant 0 : i32
      %swap3A_157 = arith.constant 0 : i32
      %swap3A_158 = tpu.memref_slice %arg10[%scan3A, %swap3A_156, %swap3A_157] : memref<2x125x128xf32, #tpu.memory_space<vmem>> -> memref<1x125x128xf32, #tpu.memory_space<vmem>>
      %swap3A_159 = tpu.memref_squeeze %swap3A_158 : memref<1x125x128xf32, #tpu.memory_space<vmem>> -> memref<125x128xf32, #tpu.memory_space<vmem>>
      %swap3A_160 = arith.index_cast %scan3A_110 : i32 to index
      %swap3A_161 = arith.constant 80 : index
      %swap3A_162 = tpu.vector_load %swap3A_159[%swap3A_160, %swap3A_161] {strides = array<i32>} : memref<125x128xf32, #tpu.memory_space<vmem>>, vector<1x16xf32>,
      %swap3A_163 = vector.shape_cast %swap3A_162 : vector<1x16xf32> to vector<16xf32>
      %swap3A_164 = vector.shape_cast %broadcast_in_dim3A_1 : vector<16xf32> to vector<1x16xf32>
      tpu.vector_store %swap3A_159[%swap3A_160, %swap3A_161], %swap3A_164 {strides = array<i32>} : memref<125x128xf32, #tpu.memory_space<vmem>>, vector<1x16xf32>,
      %swap3A_165 = arith.constant 0 : i32
      %swap3A_166 = arith.constant 0 : i32
      %swap3A_167 = tpu.memref_slice %arg10[%scan3A, %swap3A_165, %swap3A_166] : memref<2x125x128xf32, #tpu.memory_space<vmem>> -> memref<1x125x128xf32, #tpu.memory_space<vmem>>
      %swap3A_168 = tpu.memref_squeeze %swap3A_167 : memref<1x125x128xf32, #tpu.memory_space<vmem>> -> memref<125x128xf32, #tpu.memory_space<vmem>>
      %swap3A_169 = arith.index_cast %scan3A_110 : i32 to index
      %swap3A_170 = arith.constant 96 : index
      %swap3A_171 = tpu.vector_load %swap3A_168[%swap3A_169, %swap3A_170] {strides = array<i32>} : memref<125x128xf32, #tpu.memory_space<vmem>>, vector<1x16xf32>,
      %swap3A_172 = vector.shape_cast %swap3A_171 : vector<1x16xf32> to vector<16xf32>
      %swap3A_173 = vector.shape_cast %broadcast_in_dim3A_1 : vector<16xf32> to vector<1x16xf32>
      tpu.vector_store %swap3A_168[%swap3A_169, %swap3A_170], %swap3A_173 {strides = array<i32>} : memref<125x128xf32, #tpu.memory_space<vmem>>, vector<1x16xf32>,
      %swap3A_174 = arith.constant 0 : i32
      %swap3A_175 = arith.constant 0 : i32
      %swap3A_176 = tpu.memref_slice %arg10[%scan3A, %swap3A_174, %swap3A_175] : memref<2x125x128xf32, #tpu.memory_space<vmem>> -> memref<1x125x128xf32, #tpu.memory_space<vmem>>
      %swap3A_177 = tpu.memref_squeeze %swap3A_176 : memref<1x125x128xf32, #tpu.memory_space<vmem>> -> memref<125x128xf32, #tpu.memory_space<vmem>>
      %swap3A_178 = arith.index_cast %scan3A_110 : i32 to index
      %swap3A_179 = arith.constant 112 : index
      %swap3A_180 = tpu.vector_load %swap3A_177[%swap3A_178, %swap3A_179] {strides = array<i32>} : memref<125x128xf32, #tpu.memory_space<vmem>>, vector<1x16xf32>,
      %swap3A_181 = vector.shape_cast %swap3A_180 : vector<1x16xf32> to vector<16xf32>
      %swap3A_182 = vector.shape_cast %broadcast_in_dim3A_1 : vector<16xf32> to vector<1x16xf32>
      tpu.vector_store %swap3A_177[%swap3A_178, %swap3A_179], %swap3A_182 {strides = array<i32>} : memref<125x128xf32, #tpu.memory_space<vmem>>, vector<1x16xf32>,
      %scan3A_183 = arith.constant 0 : i32
      scf.yield %scan3A_183 : i32
    }
    %scan3A_8 = arith.constant 125 : i32
    %mul3A_9 = arith.constant 624 : i32
    %mul3A_10 = arith.muli %arg1, %mul3A_9 : i32
    %add3A_11 = arith.constant 0 : i32
    %add3A_12 = arith.addi %mul3A_10, %add3A_11 : i32
    %run_scoped3A = arith.constant 0 : i32
    "tpu.region"() ({
      %run_scoped3A_110 = tpu.sem_alloc : memref<!tpu.dma_semaphore, #tpu.memory_space<semaphore_mem>>
      %dma_start3A_111 = arith.constant 0 : i32
      %dma_start3A_112 = arith.constant 0 : i32
      %dma_start3A_113 = tpu.memref_slice %arg10[%run_scoped3A, %dma_start3A_111, %dma_start3A_112] : memref<2x125x128xf32, #tpu.memory_space<vmem>> -> memref<1x125x128xf32, #tpu.memory_space<vmem>>
      %dma_start3A_114 = tpu.memref_squeeze %dma_start3A_113 : memref<1x125x128xf32, #tpu.memory_space<vmem>> -> memref<125x128xf32, #tpu.memory_space<vmem>>
      %dma_start3A_115 = arith.constant 0 : i32
      %dma_start3A_116 = arith.constant 0 : i32
      %dma_start3A_117 = tpu.memref_slice %dma_start3A_114[%dma_start3A_115, %dma_start3A_116] : memref<125x128xf32, #tpu.memory_space<vmem>> -> memref<120x128xf32, #tpu.memory_space<vmem>>
      %dma_start3A_118 = arith.constant 0 : i32
      %dma_start3A_119 = tpu.memref_slice %arg15[%add3A_12, %dma_start3A_118] : memref<10000x128xf32, #tpu.memory_space<vmem_shared>> -> memref<120x128xf32, #tpu.memory_space<vmem_shared>>
      %dma_start3A_120 = arith.constant 0 : i32
      %dma_start3A_121 = tpu.memref_slice %arg15[%add3A_12, %dma_start3A_120] : memref<10000x128xf32, #tpu.memory_space<vmem_shared>> -> memref<120x128xf32, #tpu.memory_space<vmem_shared>>
      %dma_start3A_122 = arith.constant 0 : i32
      %dma_start3A_123 = arith.constant 0 : i32
      %dma_start3A_124 = tpu.memref_slice %arg10[%run_scoped3A, %dma_start3A_122, %dma_start3A_123] : memref<2x125x128xf32, #tpu.memory_space<vmem>> -> memref<1x125x128xf32, #tpu.memory_space<vmem>>
      %dma_start3A_125 = tpu.memref_squeeze %dma_start3A_124 : memref<1x125x128xf32, #tpu.memory_space<vmem>> -> memref<125x128xf32, #tpu.memory_space<vmem>>
      %dma_start3A_126 = arith.constant 0 : i32
      %dma_start3A_127 = arith.constant 0 : i32
      %dma_start3A_128 = tpu.memref_slice %dma_start3A_125[%dma_start3A_126, %dma_start3A_127] : memref<125x128xf32, #tpu.memory_space<vmem>> -> memref<120x128xf32, #tpu.memory_space<vmem>>
      tpu.enqueue_dma source(%dma_start3A_128 : memref<120x128xf32, #tpu.memory_space<vmem>>) target(%dma_start3A_121 : memref<120x128xf32, #tpu.memory_space<vmem_shared>>) target_semaphore(%run_scoped3A_110 : memref<!tpu.dma_semaphore, #tpu.memory_space<semaphore_mem>>)
      %dma_wait3A_129 = arith.constant 0 : i32
      %dma_wait3A_130 = arith.constant 0 : i32
      %dma_wait3A_131 = tpu.memref_slice %arg10[%run_scoped3A, %dma_wait3A_129, %dma_wait3A_130] : memref<2x125x128xf32, #tpu.memory_space<vmem>> -> memref<1x125x128xf32, #tpu.memory_space<vmem>>
      %dma_wait3A_132 = tpu.memref_squeeze %dma_wait3A_131 : memref<1x125x128xf32, #tpu.memory_space<vmem>> -> memref<125x128xf32, #tpu.memory_space<vmem>>
      %dma_wait3A_133 = arith.constant 0 : i32
      %dma_wait3A_134 = arith.constant 0 : i32
      %dma_wait3A_135 = tpu.memref_slice %dma_wait3A_132[%dma_wait3A_133, %dma_wait3A_134] : memref<125x128xf32, #tpu.memory_space<vmem>> -> memref<120x128xf32, #tpu.memory_space<vmem>>
      %dma_wait3A_136 = arith.constant 0 : i32
      %dma_wait3A_137 = tpu.memref_slice %arg15[%add3A_12, %dma_wait3A_136] : memref<10000x128xf32, #tpu.memory_space<vmem_shared>> -> memref<120x128xf32, #tpu.memory_space<vmem_shared>>
      %dma_wait3A_138 = arith.constant 0 : i32
      %dma_wait3A_139 = tpu.memref_slice %arg15[%add3A_12, %dma_wait3A_138] : memref<10000x128xf32, #tpu.memory_space<vmem_shared>> -> memref<120x128xf32, #tpu.memory_space<vmem_shared>>
      %dma_wait3A_140 = arith.constant 0 : i32
      %dma_wait3A_141 = arith.constant 0 : i32
      %dma_wait3A_142 = tpu.memref_slice %arg10[%run_scoped3A, %dma_wait3A_140, %dma_wait3A_141] : memref<2x125x128xf32, #tpu.memory_space<vmem>> -> memref<1x125x128xf32, #tpu.memory_space<vmem>>
      %dma_wait3A_143 = tpu.memref_squeeze %dma_wait3A_142 : memref<1x125x128xf32, #tpu.memory_space<vmem>> -> memref<125x128xf32, #tpu.memory_space<vmem>>
      %dma_wait3A_144 = arith.constant 0 : i32
      %dma_wait3A_145 = arith.constant 0 : i32
      %dma_wait3A_146 = tpu.memref_slice %dma_wait3A_143[%dma_wait3A_144, %dma_wait3A_145] : memref<125x128xf32, #tpu.memory_space<vmem>> -> memref<120x128xf32, #tpu.memory_space<vmem>>
      tpu.wait_dma2 semaphore(%run_scoped3A_110 : memref<!tpu.dma_semaphore, #tpu.memory_space<semaphore_mem>>) src(%dma_wait3A_146 : memref<120x128xf32, #tpu.memory_space<vmem>>) dst(%dma_wait3A_139 : memref<120x128xf32, #tpu.memory_space<vmem_shared>>)
      tpu.yield
    }) : () -> ()
    %add3A_13 = arith.constant 120 : i32
    %add3A_14 = arith.addi %mul3A_10, %add3A_13 : i32
    %run_scoped3A_15 = arith.constant 0 : i32
    "tpu.region"() ({
      %run_scoped3A_110 = tpu.sem_alloc : memref<!tpu.dma_semaphore, #tpu.memory_space<semaphore_mem>>
      %dma_start3A_111 = arith.constant 0 : i32
      %dma_start3A_112 = arith.constant 0 : i32
      %dma_start3A_113 = tpu.memref_slice %arg10[%run_scoped3A_15, %dma_start3A_111, %dma_start3A_112] : memref<2x125x128xf32, #tpu.memory_space<vmem>> -> memref<1x125x128xf32, #tpu.memory_space<vmem>>
      %dma_start3A_114 = tpu.memref_squeeze %dma_start3A_113 : memref<1x125x128xf32, #tpu.memory_space<vmem>> -> memref<125x128xf32, #tpu.memory_space<vmem>>
      %dma_start3A_115 = arith.constant 0 : i32
      %dma_start3A_116 = arith.constant 0 : i32
      %dma_start3A_117 = tpu.memref_slice %dma_start3A_114[%dma_start3A_115, %dma_start3A_116] : memref<125x128xf32, #tpu.memory_space<vmem>> -> memref<120x128xf32, #tpu.memory_space<vmem>>
      %dma_start3A_118 = arith.constant 0 : i32
      %dma_start3A_119 = tpu.memref_slice %arg15[%add3A_14, %dma_start3A_118] : memref<10000x128xf32, #tpu.memory_space<vmem_shared>> -> memref<120x128xf32, #tpu.memory_space<vmem_shared>>
      %dma_start3A_120 = arith.constant 0 : i32
      %dma_start3A_121 = tpu.memref_slice %arg15[%add3A_14, %dma_start3A_120] : memref<10000x128xf32, #tpu.memory_space<vmem_shared>> -> memref<120x128xf32, #tpu.memory_space<vmem_shared>>
      %dma_start3A_122 = arith.constant 0 : i32
      %dma_start3A_123 = arith.constant 0 : i32
      %dma_start3A_124 = tpu.memref_slice %arg10[%run_scoped3A_15, %dma_start3A_122, %dma_start3A_123] : memref<2x125x128xf32, #tpu.memory_space<vmem>> -> memref<1x125x128xf32, #tpu.memory_space<vmem>>
      %dma_start3A_125 = tpu.memref_squeeze %dma_start3A_124 : memref<1x125x128xf32, #tpu.memory_space<vmem>> -> memref<125x128xf32, #tpu.memory_space<vmem>>
      %dma_start3A_126 = arith.constant 0 : i32
      %dma_start3A_127 = arith.constant 0 : i32
      %dma_start3A_128 = tpu.memref_slice %dma_start3A_125[%dma_start3A_126, %dma_start3A_127] : memref<125x128xf32, #tpu.memory_space<vmem>> -> memref<120x128xf32, #tpu.memory_space<vmem>>
      tpu.enqueue_dma source(%dma_start3A_128 : memref<120x128xf32, #tpu.memory_space<vmem>>) target(%dma_start3A_121 : memref<120x128xf32, #tpu.memory_space<vmem_shared>>) target_semaphore(%run_scoped3A_110 : memref<!tpu.dma_semaphore, #tpu.memory_space<semaphore_mem>>)
      %dma_wait3A_129 = arith.constant 0 : i32
      %dma_wait3A_130 = arith.constant 0 : i32
      %dma_wait3A_131 = tpu.memref_slice %arg10[%run_scoped3A_15, %dma_wait3A_129, %dma_wait3A_130] : memref<2x125x128xf32, #tpu.memory_space<vmem>> -> memref<1x125x128xf32, #tpu.memory_space<vmem>>
      %dma_wait3A_132 = tpu.memref_squeeze %dma_wait3A_131 : memref<1x125x128xf32, #tpu.memory_space<vmem>> -> memref<125x128xf32, #tpu.memory_space<vmem>>
      %dma_wait3A_133 = arith.constant 0 : i32
      %dma_wait3A_134 = arith.constant 0 : i32
      %dma_wait3A_135 = tpu.memref_slice %dma_wait3A_132[%dma_wait3A_133, %dma_wait3A_134] : memref<125x128xf32, #tpu.memory_space<vmem>> -> memref<120x128xf32, #tpu.memory_space<vmem>>
      %dma_wait3A_136 = arith.constant 0 : i32
      %dma_wait3A_137 = tpu.memref_slice %arg15[%add3A_14, %dma_wait3A_136] : memref<10000x128xf32, #tpu.memory_space<vmem_shared>> -> memref<120x128xf32, #tpu.memory_space<vmem_shared>>
      %dma_wait3A_138 = arith.constant 0 : i32
      %dma_wait3A_139 = tpu.memref_slice %arg15[%add3A_14, %dma_wait3A_138] : memref<10000x128xf32, #tpu.memory_space<vmem_shared>> -> memref<120x128xf32, #tpu.memory_space<vmem_shared>>
      %dma_wait3A_140 = arith.constant 0 : i32
      %dma_wait3A_141 = arith.constant 0 : i32
      %dma_wait3A_142 = tpu.memref_slice %arg10[%run_scoped3A_15, %dma_wait3A_140, %dma_wait3A_141] : memref<2x125x128xf32, #tpu.memory_space<vmem>> -> memref<1x125x128xf32, #tpu.memory_space<vmem>>
      %dma_wait3A_143 = tpu.memref_squeeze %dma_wait3A_142 : memref<1x125x128xf32, #tpu.memory_space<vmem>> -> memref<125x128xf32, #tpu.memory_space<vmem>>
      %dma_wait3A_144 = arith.constant 0 : i32
      %dma_wait3A_145 = arith.constant 0 : i32
      %dma_wait3A_146 = tpu.memref_slice %dma_wait3A_143[%dma_wait3A_144, %dma_wait3A_145] : memref<125x128xf32, #tpu.memory_space<vmem>> -> memref<120x128xf32, #tpu.memory_space<vmem>>
      tpu.wait_dma2 semaphore(%run_scoped3A_110 : memref<!tpu.dma_semaphore, #tpu.memory_space<semaphore_mem>>) src(%dma_wait3A_146 : memref<120x128xf32, #tpu.memory_space<vmem>>) dst(%dma_wait3A_139 : memref<120x128xf32, #tpu.memory_space<vmem_shared>>)
      tpu.yield
    }) : () -> ()
    %add3A_16 = arith.constant 240 : i32
    %add3A_17 = arith.addi %mul3A_10, %add3A_16 : i32
    %run_scoped3A_18 = arith.constant 0 : i32
    "tpu.region"() ({
      %run_scoped3A_110 = tpu.sem_alloc : memref<!tpu.dma_semaphore, #tpu.memory_space<semaphore_mem>>
      %dma_start3A_111 = arith.constant 0 : i32
      %dma_start3A_112 = arith.constant 0 : i32
      %dma_start3A_113 = tpu.memref_slice %arg10[%run_scoped3A_18, %dma_start3A_111, %dma_start3A_112] : memref<2x125x128xf32, #tpu.memory_space<vmem>> -> memref<1x125x128xf32, #tpu.memory_space<vmem>>
      %dma_start3A_114 = tpu.memref_squeeze %dma_start3A_113 : memref<1x125x128xf32, #tpu.memory_space<vmem>> -> memref<125x128xf32, #tpu.memory_space<vmem>>
      %dma_start3A_115 = arith.constant 0 : i32
      %dma_start3A_116 = arith.constant 0 : i32
      %dma_start3A_117 = tpu.memref_slice %dma_start3A_114[%dma_start3A_115, %dma_start3A_116] : memref<125x128xf32, #tpu.memory_space<vmem>> -> memref<120x128xf32, #tpu.memory_space<vmem>>
      %dma_start3A_118 = arith.constant 0 : i32
      %dma_start3A_119 = tpu.memref_slice %arg15[%add3A_17, %dma_start3A_118] : memref<10000x128xf32, #tpu.memory_space<vmem_shared>> -> memref<120x128xf32, #tpu.memory_space<vmem_shared>>
      %dma_start3A_120 = arith.constant 0 : i32
      %dma_start3A_121 = tpu.memref_slice %arg15[%add3A_17, %dma_start3A_120] : memref<10000x128xf32, #tpu.memory_space<vmem_shared>> -> memref<120x128xf32, #tpu.memory_space<vmem_shared>>
      %dma_start3A_122 = arith.constant 0 : i32
      %dma_start3A_123 = arith.constant 0 : i32
      %dma_start3A_124 = tpu.memref_slice %arg10[%run_scoped3A_18, %dma_start3A_122, %dma_start3A_123] : memref<2x125x128xf32, #tpu.memory_space<vmem>> -> memref<1x125x128xf32, #tpu.memory_space<vmem>>
      %dma_start3A_125 = tpu.memref_squeeze %dma_start3A_124 : memref<1x125x128xf32, #tpu.memory_space<vmem>> -> memref<125x128xf32, #tpu.memory_space<vmem>>
      %dma_start3A_126 = arith.constant 0 : i32
      %dma_start3A_127 = arith.constant 0 : i32
      %dma_start3A_128 = tpu.memref_slice %dma_start3A_125[%dma_start3A_126, %dma_start3A_127] : memref<125x128xf32, #tpu.memory_space<vmem>> -> memref<120x128xf32, #tpu.memory_space<vmem>>
      tpu.enqueue_dma source(%dma_start3A_128 : memref<120x128xf32, #tpu.memory_space<vmem>>) target(%dma_start3A_121 : memref<120x128xf32, #tpu.memory_space<vmem_shared>>) target_semaphore(%run_scoped3A_110 : memref<!tpu.dma_semaphore, #tpu.memory_space<semaphore_mem>>)
      %dma_wait3A_129 = arith.constant 0 : i32
      %dma_wait3A_130 = arith.constant 0 : i32
      %dma_wait3A_131 = tpu.memref_slice %arg10[%run_scoped3A_18, %dma_wait3A_129, %dma_wait3A_130] : memref<2x125x128xf32, #tpu.memory_space<vmem>> -> memref<1x125x128xf32, #tpu.memory_space<vmem>>
      %dma_wait3A_132 = tpu.memref_squeeze %dma_wait3A_131 : memref<1x125x128xf32, #tpu.memory_space<vmem>> -> memref<125x128xf32, #tpu.memory_space<vmem>>
      %dma_wait3A_133 = arith.constant 0 : i32
      %dma_wait3A_134 = arith.constant 0 : i32
      %dma_wait3A_135 = tpu.memref_slice %dma_wait3A_132[%dma_wait3A_133, %dma_wait3A_134] : memref<125x128xf32, #tpu.memory_space<vmem>> -> memref<120x128xf32, #tpu.memory_space<vmem>>
      %dma_wait3A_136 = arith.constant 0 : i32
      %dma_wait3A_137 = tpu.memref_slice %arg15[%add3A_17, %dma_wait3A_136] : memref<10000x128xf32, #tpu.memory_space<vmem_shared>> -> memref<120x128xf32, #tpu.memory_space<vmem_shared>>
      %dma_wait3A_138 = arith.constant 0 : i32
      %dma_wait3A_139 = tpu.memref_slice %arg15[%add3A_17, %dma_wait3A_138] : memref<10000x128xf32, #tpu.memory_space<vmem_shared>> -> memref<120x128xf32, #tpu.memory_space<vmem_shared>>
      %dma_wait3A_140 = arith.constant 0 : i32
      %dma_wait3A_141 = arith.constant 0 : i32
      %dma_wait3A_142 = tpu.memref_slice %arg10[%run_scoped3A_18, %dma_wait3A_140, %dma_wait3A_141] : memref<2x125x128xf32, #tpu.memory_space<vmem>> -> memref<1x125x128xf32, #tpu.memory_space<vmem>>
      %dma_wait3A_143 = tpu.memref_squeeze %dma_wait3A_142 : memref<1x125x128xf32, #tpu.memory_space<vmem>> -> memref<125x128xf32, #tpu.memory_space<vmem>>
      %dma_wait3A_144 = arith.constant 0 : i32
      %dma_wait3A_145 = arith.constant 0 : i32
      %dma_wait3A_146 = tpu.memref_slice %dma_wait3A_143[%dma_wait3A_144, %dma_wait3A_145] : memref<125x128xf32, #tpu.memory_space<vmem>> -> memref<120x128xf32, #tpu.memory_space<vmem>>
      tpu.wait_dma2 semaphore(%run_scoped3A_110 : memref<!tpu.dma_semaphore, #tpu.memory_space<semaphore_mem>>) src(%dma_wait3A_146 : memref<120x128xf32, #tpu.memory_space<vmem>>) dst(%dma_wait3A_139 : memref<120x128xf32, #tpu.memory_space<vmem_shared>>)
      tpu.yield
    }) : () -> ()
    %add3A_19 = arith.constant 360 : i32
    %add3A_20 = arith.addi %mul3A_10, %add3A_19 : i32
    %run_scoped3A_21 = arith.constant 0 : i32
    "tpu.region"() ({
      %run_scoped3A_110 = tpu.sem_alloc : memref<!tpu.dma_semaphore, #tpu.memory_space<semaphore_mem>>
      %dma_start3A_111 = arith.constant 0 : i32
      %dma_start3A_112 = arith.constant 0 : i32
      %dma_start3A_113 = tpu.memref_slice %arg10[%run_scoped3A_21, %dma_start3A_111, %dma_start3A_112] : memref<2x125x128xf32, #tpu.memory_space<vmem>> -> memref<1x125x128xf32, #tpu.memory_space<vmem>>
      %dma_start3A_114 = tpu.memref_squeeze %dma_start3A_113 : memref<1x125x128xf32, #tpu.memory_space<vmem>> -> memref<125x128xf32, #tpu.memory_space<vmem>>
      %dma_start3A_115 = arith.constant 0 : i32
      %dma_start3A_116 = arith.constant 0 : i32
      %dma_start3A_117 = tpu.memref_slice %dma_start3A_114[%dma_start3A_115, %dma_start3A_116] : memref<125x128xf32, #tpu.memory_space<vmem>> -> memref<120x128xf32, #tpu.memory_space<vmem>>
      %dma_start3A_118 = arith.constant 0 : i32
      %dma_start3A_119 = tpu.memref_slice %arg15[%add3A_20, %dma_start3A_118] : memref<10000x128xf32, #tpu.memory_space<vmem_shared>> -> memref<120x128xf32, #tpu.memory_space<vmem_shared>>
      %dma_start3A_120 = arith.constant 0 : i32
      %dma_start3A_121 = tpu.memref_slice %arg15[%add3A_20, %dma_start3A_120] : memref<10000x128xf32, #tpu.memory_space<vmem_shared>> -> memref<120x128xf32, #tpu.memory_space<vmem_shared>>
      %dma_start3A_122 = arith.constant 0 : i32
      %dma_start3A_123 = arith.constant 0 : i32
      %dma_start3A_124 = tpu.memref_slice %arg10[%run_scoped3A_21, %dma_start3A_122, %dma_start3A_123] : memref<2x125x128xf32, #tpu.memory_space<vmem>> -> memref<1x125x128xf32, #tpu.memory_space<vmem>>
      %dma_start3A_125 = tpu.memref_squeeze %dma_start3A_124 : memref<1x125x128xf32, #tpu.memory_space<vmem>> -> memref<125x128xf32, #tpu.memory_space<vmem>>
      %dma_start3A_126 = arith.constant 0 : i32
      %dma_start3A_127 = arith.constant 0 : i32
      %dma_start3A_128 = tpu.memref_slice %dma_start3A_125[%dma_start3A_126, %dma_start3A_127] : memref<125x128xf32, #tpu.memory_space<vmem>> -> memref<120x128xf32, #tpu.memory_space<vmem>>
      tpu.enqueue_dma source(%dma_start3A_128 : memref<120x128xf32, #tpu.memory_space<vmem>>) target(%dma_start3A_121 : memref<120x128xf32, #tpu.memory_space<vmem_shared>>) target_semaphore(%run_scoped3A_110 : memref<!tpu.dma_semaphore, #tpu.memory_space<semaphore_mem>>)
      %dma_wait3A_129 = arith.constant 0 : i32
      %dma_wait3A_130 = arith.constant 0 : i32
      %dma_wait3A_131 = tpu.memref_slice %arg10[%run_scoped3A_21, %dma_wait3A_129, %dma_wait3A_130] : memref<2x125x128xf32, #tpu.memory_space<vmem>> -> memref<1x125x128xf32, #tpu.memory_space<vmem>>
      %dma_wait3A_132 = tpu.memref_squeeze %dma_wait3A_131 : memref<1x125x128xf32, #tpu.memory_space<vmem>> -> memref<125x128xf32, #tpu.memory_space<vmem>>
      %dma_wait3A_133 = arith.constant 0 : i32
      %dma_wait3A_134 = arith.constant 0 : i32
      %dma_wait3A_135 = tpu.memref_slice %dma_wait3A_132[%dma_wait3A_133, %dma_wait3A_134] : memref<125x128xf32, #tpu.memory_space<vmem>> -> memref<120x128xf32, #tpu.memory_space<vmem>>
      %dma_wait3A_136 = arith.constant 0 : i32
      %dma_wait3A_137 = tpu.memref_slice %arg15[%add3A_20, %dma_wait3A_136] : memref<10000x128xf32, #tpu.memory_space<vmem_shared>> -> memref<120x128xf32, #tpu.memory_space<vmem_shared>>
      %dma_wait3A_138 = arith.constant 0 : i32
      %dma_wait3A_139 = tpu.memref_slice %arg15[%add3A_20, %dma_wait3A_138] : memref<10000x128xf32, #tpu.memory_space<vmem_shared>> -> memref<120x128xf32, #tpu.memory_space<vmem_shared>>
      %dma_wait3A_140 = arith.constant 0 : i32
      %dma_wait3A_141 = arith.constant 0 : i32
      %dma_wait3A_142 = tpu.memref_slice %arg10[%run_scoped3A_21, %dma_wait3A_140, %dma_wait3A_141] : memref<2x125x128xf32, #tpu.memory_space<vmem>> -> memref<1x125x128xf32, #tpu.memory_space<vmem>>
      %dma_wait3A_143 = tpu.memref_squeeze %dma_wait3A_142 : memref<1x125x128xf32, #tpu.memory_space<vmem>> -> memref<125x128xf32, #tpu.memory_space<vmem>>
      %dma_wait3A_144 = arith.constant 0 : i32
      %dma_wait3A_145 = arith.constant 0 : i32
      %dma_wait3A_146 = tpu.memref_slice %dma_wait3A_143[%dma_wait3A_144, %dma_wait3A_145] : memref<125x128xf32, #tpu.memory_space<vmem>> -> memref<120x128xf32, #tpu.memory_space<vmem>>
      tpu.wait_dma2 semaphore(%run_scoped3A_110 : memref<!tpu.dma_semaphore, #tpu.memory_space<semaphore_mem>>) src(%dma_wait3A_146 : memref<120x128xf32, #tpu.memory_space<vmem>>) dst(%dma_wait3A_139 : memref<120x128xf32, #tpu.memory_space<vmem_shared>>)
      tpu.yield
    }) : () -> ()
    %add3A_22 = arith.constant 480 : i32
    %add3A_23 = arith.addi %mul3A_10, %add3A_22 : i32
    %run_scoped3A_24 = arith.constant 0 : i32
    "tpu.region"() ({
      %run_scoped3A_110 = tpu.sem_alloc : memref<!tpu.dma_semaphore, #tpu.memory_space<semaphore_mem>>
      %dma_start3A_111 = arith.constant 0 : i32
      %dma_start3A_112 = arith.constant 0 : i32
      %dma_start3A_113 = tpu.memref_slice %arg10[%run_scoped3A_24, %dma_start3A_111, %dma_start3A_112] : memref<2x125x128xf32, #tpu.memory_space<vmem>> -> memref<1x125x128xf32, #tpu.memory_space<vmem>>
      %dma_start3A_114 = tpu.memref_squeeze %dma_start3A_113 : memref<1x125x128xf32, #tpu.memory_space<vmem>> -> memref<125x128xf32, #tpu.memory_space<vmem>>
      %dma_start3A_115 = arith.constant 0 : i32
      %dma_start3A_116 = arith.constant 0 : i32
      %dma_start3A_117 = tpu.memref_slice %dma_start3A_114[%dma_start3A_115, %dma_start3A_116] : memref<125x128xf32, #tpu.memory_space<vmem>> -> memref<120x128xf32, #tpu.memory_space<vmem>>
      %dma_start3A_118 = arith.constant 0 : i32
      %dma_start3A_119 = tpu.memref_slice %arg15[%add3A_23, %dma_start3A_118] : memref<10000x128xf32, #tpu.memory_space<vmem_shared>> -> memref<120x128xf32, #tpu.memory_space<vmem_shared>>
      %dma_start3A_120 = arith.constant 0 : i32
      %dma_start3A_121 = tpu.memref_slice %arg15[%add3A_23, %dma_start3A_120] : memref<10000x128xf32, #tpu.memory_space<vmem_shared>> -> memref<120x128xf32, #tpu.memory_space<vmem_shared>>
      %dma_start3A_122 = arith.constant 0 : i32
      %dma_start3A_123 = arith.constant 0 : i32
      %dma_start3A_124 = tpu.memref_slice %arg10[%run_scoped3A_24, %dma_start3A_122, %dma_start3A_123] : memref<2x125x128xf32, #tpu.memory_space<vmem>> -> memref<1x125x128xf32, #tpu.memory_space<vmem>>
      %dma_start3A_125 = tpu.memref_squeeze %dma_start3A_124 : memref<1x125x128xf32, #tpu.memory_space<vmem>> -> memref<125x128xf32, #tpu.memory_space<vmem>>
      %dma_start3A_126 = arith.constant 0 : i32
      %dma_start3A_127 = arith.constant 0 : i32
      %dma_start3A_128 = tpu.memref_slice %dma_start3A_125[%dma_start3A_126, %dma_start3A_127] : memref<125x128xf32, #tpu.memory_space<vmem>> -> memref<120x128xf32, #tpu.memory_space<vmem>>
      tpu.enqueue_dma source(%dma_start3A_128 : memref<120x128xf32, #tpu.memory_space<vmem>>) target(%dma_start3A_121 : memref<120x128xf32, #tpu.memory_space<vmem_shared>>) target_semaphore(%run_scoped3A_110 : memref<!tpu.dma_semaphore, #tpu.memory_space<semaphore_mem>>)
      %dma_wait3A_129 = arith.constant 0 : i32
      %dma_wait3A_130 = arith.constant 0 : i32
      %dma_wait3A_131 = tpu.memref_slice %arg10[%run_scoped3A_24, %dma_wait3A_129, %dma_wait3A_130] : memref<2x125x128xf32, #tpu.memory_space<vmem>> -> memref<1x125x128xf32, #tpu.memory_space<vmem>>
      %dma_wait3A_132 = tpu.memref_squeeze %dma_wait3A_131 : memref<1x125x128xf32, #tpu.memory_space<vmem>> -> memref<125x128xf32, #tpu.memory_space<vmem>>
      %dma_wait3A_133 = arith.constant 0 : i32
      %dma_wait3A_134 = arith.constant 0 : i32
      %dma_wait3A_135 = tpu.memref_slice %dma_wait3A_132[%dma_wait3A_133, %dma_wait3A_134] : memref<125x128xf32, #tpu.memory_space<vmem>> -> memref<120x128xf32, #tpu.memory_space<vmem>>
      %dma_wait3A_136 = arith.constant 0 : i32
      %dma_wait3A_137 = tpu.memref_slice %arg15[%add3A_23, %dma_wait3A_136] : memref<10000x128xf32, #tpu.memory_space<vmem_shared>> -> memref<120x128xf32, #tpu.memory_space<vmem_shared>>
      %dma_wait3A_138 = arith.constant 0 : i32
      %dma_wait3A_139 = tpu.memref_slice %arg15[%add3A_23, %dma_wait3A_138] : memref<10000x128xf32, #tpu.memory_space<vmem_shared>> -> memref<120x128xf32, #tpu.memory_space<vmem_shared>>
      %dma_wait3A_140 = arith.constant 0 : i32
      %dma_wait3A_141 = arith.constant 0 : i32
      %dma_wait3A_142 = tpu.memref_slice %arg10[%run_scoped3A_24, %dma_wait3A_140, %dma_wait3A_141] : memref<2x125x128xf32, #tpu.memory_space<vmem>> -> memref<1x125x128xf32, #tpu.memory_space<vmem>>
      %dma_wait3A_143 = tpu.memref_squeeze %dma_wait3A_142 : memref<1x125x128xf32, #tpu.memory_space<vmem>> -> memref<125x128xf32, #tpu.memory_space<vmem>>
      %dma_wait3A_144 = arith.constant 0 : i32
      %dma_wait3A_145 = arith.constant 0 : i32
      %dma_wait3A_146 = tpu.memref_slice %dma_wait3A_143[%dma_wait3A_144, %dma_wait3A_145] : memref<125x128xf32, #tpu.memory_space<vmem>> -> memref<120x128xf32, #tpu.memory_space<vmem>>
      tpu.wait_dma2 semaphore(%run_scoped3A_110 : memref<!tpu.dma_semaphore, #tpu.memory_space<semaphore_mem>>) src(%dma_wait3A_146 : memref<120x128xf32, #tpu.memory_space<vmem>>) dst(%dma_wait3A_139 : memref<120x128xf32, #tpu.memory_space<vmem_shared>>)
      tpu.yield
    }) : () -> ()
    %add3A_25 = arith.constant 600 : i32
    %add3A_26 = arith.addi %mul3A_10, %add3A_25 : i32
    %run_scoped3A_27 = arith.constant 0 : i32
    "tpu.region"() ({
      %run_scoped3A_110 = tpu.sem_alloc : memref<!tpu.dma_semaphore, #tpu.memory_space<semaphore_mem>>
      %dma_start3A_111 = arith.constant 0 : i32
      %dma_start3A_112 = arith.constant 0 : i32
      %dma_start3A_113 = tpu.memref_slice %arg10[%run_scoped3A_27, %dma_start3A_111, %dma_start3A_112] : memref<2x125x128xf32, #tpu.memory_space<vmem>> -> memref<1x125x128xf32, #tpu.memory_space<vmem>>
      %dma_start3A_114 = tpu.memref_squeeze %dma_start3A_113 : memref<1x125x128xf32, #tpu.memory_space<vmem>> -> memref<125x128xf32, #tpu.memory_space<vmem>>
      %dma_start3A_115 = arith.constant 0 : i32
      %dma_start3A_116 = arith.constant 0 : i32
      %dma_start3A_117 = tpu.memref_slice %dma_start3A_114[%dma_start3A_115, %dma_start3A_116] : memref<125x128xf32, #tpu.memory_space<vmem>> -> memref<24x128xf32, #tpu.memory_space<vmem>>
      %dma_start3A_118 = arith.constant 0 : i32
      %dma_start3A_119 = tpu.memref_slice %arg15[%add3A_26, %dma_start3A_118] : memref<10000x128xf32, #tpu.memory_space<vmem_shared>> -> memref<24x128xf32, #tpu.memory_space<vmem_shared>>
      %dma_start3A_120 = arith.constant 0 : i32
      %dma_start3A_121 = tpu.memref_slice %arg15[%add3A_26, %dma_start3A_120] : memref<10000x128xf32, #tpu.memory_space<vmem_shared>> -> memref<24x128xf32, #tpu.memory_space<vmem_shared>>
      %dma_start3A_122 = arith.constant 0 : i32
      %dma_start3A_123 = arith.constant 0 : i32
      %dma_start3A_124 = tpu.memref_slice %arg10[%run_scoped3A_27, %dma_start3A_122, %dma_start3A_123] : memref<2x125x128xf32, #tpu.memory_space<vmem>> -> memref<1x125x128xf32, #tpu.memory_space<vmem>>
      %dma_start3A_125 = tpu.memref_squeeze %dma_start3A_124 : memref<1x125x128xf32, #tpu.memory_space<vmem>> -> memref<125x128xf32, #tpu.memory_space<vmem>>
      %dma_start3A_126 = arith.constant 0 : i32
      %dma_start3A_127 = arith.constant 0 : i32
      %dma_start3A_128 = tpu.memref_slice %dma_start3A_125[%dma_start3A_126, %dma_start3A_127] : memref<125x128xf32, #tpu.memory_space<vmem>> -> memref<24x128xf32, #tpu.memory_space<vmem>>
      tpu.enqueue_dma source(%dma_start3A_128 : memref<24x128xf32, #tpu.memory_space<vmem>>) target(%dma_start3A_121 : memref<24x128xf32, #tpu.memory_space<vmem_shared>>) target_semaphore(%run_scoped3A_110 : memref<!tpu.dma_semaphore, #tpu.memory_space<semaphore_mem>>)
      %dma_wait3A_129 = arith.constant 0 : i32
      %dma_wait3A_130 = arith.constant 0 : i32
      %dma_wait3A_131 = tpu.memref_slice %arg10[%run_scoped3A_27, %dma_wait3A_129, %dma_wait3A_130] : memref<2x125x128xf32, #tpu.memory_space<vmem>> -> memref<1x125x128xf32, #tpu.memory_space<vmem>>
      %dma_wait3A_132 = tpu.memref_squeeze %dma_wait3A_131 : memref<1x125x128xf32, #tpu.memory_space<vmem>> -> memref<125x128xf32, #tpu.memory_space<vmem>>
      %dma_wait3A_133 = arith.constant 0 : i32
      %dma_wait3A_134 = arith.constant 0 : i32
      %dma_wait3A_135 = tpu.memref_slice %dma_wait3A_132[%dma_wait3A_133, %dma_wait3A_134] : memref<125x128xf32, #tpu.memory_space<vmem>> -> memref<24x128xf32, #tpu.memory_space<vmem>>
      %dma_wait3A_136 = arith.constant 0 : i32
      %dma_wait3A_137 = tpu.memref_slice %arg15[%add3A_26, %dma_wait3A_136] : memref<10000x128xf32, #tpu.memory_space<vmem_shared>> -> memref<24x128xf32, #tpu.memory_space<vmem_shared>>
      %dma_wait3A_138 = arith.constant 0 : i32
      %dma_wait3A_139 = tpu.memref_slice %arg15[%add3A_26, %dma_wait3A_138] : memref<10000x128xf32, #tpu.memory_space<vmem_shared>> -> memref<24x128xf32, #tpu.memory_space<vmem_shared>>
      %dma_wait3A_140 = arith.constant 0 : i32
      %dma_wait3A_141 = arith.constant 0 : i32
      %dma_wait3A_142 = tpu.memref_slice %arg10[%run_scoped3A_27, %dma_wait3A_140, %dma_wait3A_141] : memref<2x125x128xf32, #tpu.memory_space<vmem>> -> memref<1x125x128xf32, #tpu.memory_space<vmem>>
      %dma_wait3A_143 = tpu.memref_squeeze %dma_wait3A_142 : memref<1x125x128xf32, #tpu.memory_space<vmem>> -> memref<125x128xf32, #tpu.memory_space<vmem>>
      %dma_wait3A_144 = arith.constant 0 : i32
      %dma_wait3A_145 = arith.constant 0 : i32
      %dma_wait3A_146 = tpu.memref_slice %dma_wait3A_143[%dma_wait3A_144, %dma_wait3A_145] : memref<125x128xf32, #tpu.memory_space<vmem>> -> memref<24x128xf32, #tpu.memory_space<vmem>>
      tpu.wait_dma2 semaphore(%run_scoped3A_110 : memref<!tpu.dma_semaphore, #tpu.memory_space<semaphore_mem>>) src(%dma_wait3A_146 : memref<24x128xf32, #tpu.memory_space<vmem>>) dst(%dma_wait3A_139 : memref<24x128xf32, #tpu.memory_space<vmem_shared>>)
      tpu.yield
    }) : () -> ()
    %eq3A = arith.constant 15 : i32
    %eq3A_28 = arith.cmpi eq, %arg1, %eq3A : i32
    %convert_element_type3A = arith.extui %eq3A_28 : i1 to i32
    %cond3A = arith.constant 0 : i32
    %cond3A_29 = arith.constant 0 : i32
    %cond3A_30 = arith.cmpi ne, %convert_element_type3A, %cond3A_29 : i32
    scf.if %cond3A_30 {
      "tpu.region"() ({
        %run_scoped3A_110 = tpu.sem_alloc : memref<!tpu.dma_semaphore, #tpu.memory_space<semaphore_mem>>
        %dma_start3A_111 = arith.constant 0 : i32
        %dma_start3A_112 = arith.constant 0 : i32
        %dma_start3A_113 = tpu.memref_slice %arg10[%cond3A, %dma_start3A_111, %dma_start3A_112] : memref<2x125x128xf32, #tpu.memory_space<vmem>> -> memref<1x125x128xf32, #tpu.memory_space<vmem>>
        %dma_start3A_114 = tpu.memref_squeeze %dma_start3A_113 : memref<1x125x128xf32, #tpu.memory_space<vmem>> -> memref<125x128xf32, #tpu.memory_space<vmem>>
        %dma_start3A_115 = arith.constant 0 : i32
        %dma_start3A_116 = arith.constant 0 : i32
        %dma_start3A_117 = tpu.memref_slice %dma_start3A_114[%dma_start3A_115, %dma_start3A_116] : memref<125x128xf32, #tpu.memory_space<vmem>> -> memref<16x128xf32, #tpu.memory_space<vmem>>
        %dma_start3A_118 = arith.constant 9984 : i32
        %dma_start3A_119 = arith.constant 0 : i32
        %dma_start3A_120 = tpu.memref_slice %arg15[%dma_start3A_118, %dma_start3A_119] : memref<10000x128xf32, #tpu.memory_space<vmem_shared>> -> memref<16x128xf32, #tpu.memory_space<vmem_shared>>
        %dma_start3A_121 = arith.constant 9984 : i32
        %dma_start3A_122 = arith.constant 0 : i32
        %dma_start3A_123 = tpu.memref_slice %arg15[%dma_start3A_121, %dma_start3A_122] : memref<10000x128xf32, #tpu.memory_space<vmem_shared>> -> memref<16x128xf32, #tpu.memory_space<vmem_shared>>
        %dma_start3A_124 = arith.constant 0 : i32
        %dma_start3A_125 = arith.constant 0 : i32
        %dma_start3A_126 = tpu.memref_slice %arg10[%cond3A, %dma_start3A_124, %dma_start3A_125] : memref<2x125x128xf32, #tpu.memory_space<vmem>> -> memref<1x125x128xf32, #tpu.memory_space<vmem>>
        %dma_start3A_127 = tpu.memref_squeeze %dma_start3A_126 : memref<1x125x128xf32, #tpu.memory_space<vmem>> -> memref<125x128xf32, #tpu.memory_space<vmem>>
        %dma_start3A_128 = arith.constant 0 : i32
        %dma_start3A_129 = arith.constant 0 : i32
        %dma_start3A_130 = tpu.memref_slice %dma_start3A_127[%dma_start3A_128, %dma_start3A_129] : memref<125x128xf32, #tpu.memory_space<vmem>> -> memref<16x128xf32, #tpu.memory_space<vmem>>
        tpu.enqueue_dma source(%dma_start3A_130 : memref<16x128xf32, #tpu.memory_space<vmem>>) target(%dma_start3A_123 : memref<16x128xf32, #tpu.memory_space<vmem_shared>>) target_semaphore(%run_scoped3A_110 : memref<!tpu.dma_semaphore, #tpu.memory_space<semaphore_mem>>)
        %dma_wait3A_131 = arith.constant 0 : i32
        %dma_wait3A_132 = arith.constant 0 : i32
        %dma_wait3A_133 = tpu.memref_slice %arg10[%cond3A, %dma_wait3A_131, %dma_wait3A_132] : memref<2x125x128xf32, #tpu.memory_space<vmem>> -> memref<1x125x128xf32, #tpu.memory_space<vmem>>
        %dma_wait3A_134 = tpu.memref_squeeze %dma_wait3A_133 : memref<1x125x128xf32, #tpu.memory_space<vmem>> -> memref<125x128xf32, #tpu.memory_space<vmem>>
        %dma_wait3A_135 = arith.constant 0 : i32
        %dma_wait3A_136 = arith.constant 0 : i32
        %dma_wait3A_137 = tpu.memref_slice %dma_wait3A_134[%dma_wait3A_135, %dma_wait3A_136] : memref<125x128xf32, #tpu.memory_space<vmem>> -> memref<16x128xf32, #tpu.memory_space<vmem>>
        %dma_wait3A_138 = arith.constant 9984 : i32
        %dma_wait3A_139 = arith.constant 0 : i32
        %dma_wait3A_140 = tpu.memref_slice %arg15[%dma_wait3A_138, %dma_wait3A_139] : memref<10000x128xf32, #tpu.memory_space<vmem_shared>> -> memref<16x128xf32, #tpu.memory_space<vmem_shared>>
        %dma_wait3A_141 = arith.constant 9984 : i32
        %dma_wait3A_142 = arith.constant 0 : i32
        %dma_wait3A_143 = tpu.memref_slice %arg15[%dma_wait3A_141, %dma_wait3A_142] : memref<10000x128xf32, #tpu.memory_space<vmem_shared>> -> memref<16x128xf32, #tpu.memory_space<vmem_shared>>
        %dma_wait3A_144 = arith.constant 0 : i32
        %dma_wait3A_145 = arith.constant 0 : i32
        %dma_wait3A_146 = tpu.memref_slice %arg10[%cond3A, %dma_wait3A_144, %dma_wait3A_145] : memref<2x125x128xf32, #tpu.memory_space<vmem>> -> memref<1x125x128xf32, #tpu.memory_space<vmem>>
        %dma_wait3A_147 = tpu.memref_squeeze %dma_wait3A_146 : memref<1x125x128xf32, #tpu.memory_space<vmem>> -> memref<125x128xf32, #tpu.memory_space<vmem>>
        %dma_wait3A_148 = arith.constant 0 : i32
        %dma_wait3A_149 = arith.constant 0 : i32
        %dma_wait3A_150 = tpu.memref_slice %dma_wait3A_147[%dma_wait3A_148, %dma_wait3A_149] : memref<125x128xf32, #tpu.memory_space<vmem>> -> memref<16x128xf32, #tpu.memory_space<vmem>>
        tpu.wait_dma2 semaphore(%run_scoped3A_110 : memref<!tpu.dma_semaphore, #tpu.memory_space<semaphore_mem>>) src(%dma_wait3A_150 : memref<16x128xf32, #tpu.memory_space<vmem>>) dst(%dma_wait3A_143 : memref<16x128xf32, #tpu.memory_space<vmem_shared>>)
        tpu.yield
      }) : () -> ()
    } else {
    }
    %barrier3A = arith.constant 0 : index
    tpu.barrier barrier_id(%barrier3A)
    %dma_start3A = arith.constant 0 : i32
    %dma_start3A_31 = arith.constant 0 : i32
    %dma_start3A_32 = arith.constant 0 : i32
    %dma_start3A_33 = tpu.memref_slice %arg3[%add3A, %dma_start3A, %dma_start3A_31, %dma_start3A_32] : memref<32x80x1x125xi32, #tpu.memory_space<hbm>> -> memref<1x1x1x125xi32, #tpu.memory_space<hbm>>
    %dma_start3A_34 = tpu.memref_squeeze %dma_start3A_33 : memref<1x1x1x125xi32, #tpu.memory_space<hbm>> -> memref<1x125xi32, #tpu.memory_space<hbm>>
    %dma_start3A_35 = arith.constant 0 : i32
    %dma_start3A_36 = arith.constant 0 : i32
    %dma_start3A_37 = tpu.memref_slice %arg3[%add3A, %dma_start3A, %dma_start3A_35, %dma_start3A_36] : memref<32x80x1x125xi32, #tpu.memory_space<hbm>> -> memref<1x1x1x125xi32, #tpu.memory_space<hbm>>
    %dma_start3A_38 = tpu.memref_squeeze %dma_start3A_37 : memref<1x1x1x125xi32, #tpu.memory_space<hbm>> -> memref<1x125xi32, #tpu.memory_space<hbm>>
    tpu.enqueue_dma source(%dma_start3A_38 : memref<1x125xi32, #tpu.memory_space<hbm>>) target(%arg6 : memref<1x125xi32, #tpu.memory_space<vmem>>) target_semaphore(%arg11 : memref<!tpu.dma_semaphore, #tpu.memory_space<semaphore_mem>>)
    %dma_start3A_39 = arith.constant 0 : i32
    %dma_start3A_40 = arith.constant 0 : i32
    %dma_start3A_41 = arith.constant 0 : i32
    %dma_start3A_42 = tpu.memref_slice %arg4[%add3A, %dma_start3A_39, %dma_start3A_40, %dma_start3A_41] : memref<32x80x1x125xi32, #tpu.memory_space<hbm>> -> memref<1x1x1x125xi32, #tpu.memory_space<hbm>>
    %dma_start3A_43 = tpu.memref_squeeze %dma_start3A_42 : memref<1x1x1x125xi32, #tpu.memory_space<hbm>> -> memref<1x125xi32, #tpu.memory_space<hbm>>
    %dma_start3A_44 = arith.constant 0 : i32
    %dma_start3A_45 = arith.constant 0 : i32
    %dma_start3A_46 = tpu.memref_slice %arg4[%add3A, %dma_start3A_39, %dma_start3A_44, %dma_start3A_45] : memref<32x80x1x125xi32, #tpu.memory_space<hbm>> -> memref<1x1x1x125xi32, #tpu.memory_space<hbm>>
    %dma_start3A_47 = tpu.memref_squeeze %dma_start3A_46 : memref<1x1x1x125xi32, #tpu.memory_space<hbm>> -> memref<1x125xi32, #tpu.memory_space<hbm>>
    tpu.enqueue_dma source(%dma_start3A_47 : memref<1x125xi32, #tpu.memory_space<hbm>>) target(%arg8 : memref<1x125xi32, #tpu.memory_space<vmem>>) target_semaphore(%arg11 : memref<!tpu.dma_semaphore, #tpu.memory_space<semaphore_mem>>)
    %dma_start3A_48 = arith.constant 1 : i32
    %dma_start3A_49 = arith.constant 0 : i32
    %dma_start3A_50 = arith.constant 0 : i32
    %dma_start3A_51 = tpu.memref_slice %arg3[%add3A, %dma_start3A_48, %dma_start3A_49, %dma_start3A_50] : memref<32x80x1x125xi32, #tpu.memory_space<hbm>> -> memref<1x1x1x125xi32, #tpu.memory_space<hbm>>
    %dma_start3A_52 = tpu.memref_squeeze %dma_start3A_51 : memref<1x1x1x125xi32, #tpu.memory_space<hbm>> -> memref<1x125xi32, #tpu.memory_space<hbm>>
    %dma_start3A_53 = arith.constant 0 : i32
    %dma_start3A_54 = arith.constant 0 : i32
    %dma_start3A_55 = tpu.memref_slice %arg3[%add3A, %dma_start3A_48, %dma_start3A_53, %dma_start3A_54] : memref<32x80x1x125xi32, #tpu.memory_space<hbm>> -> memref<1x1x1x125xi32, #tpu.memory_space<hbm>>
    %dma_start3A_56 = tpu.memref_squeeze %dma_start3A_55 : memref<1x1x1x125xi32, #tpu.memory_space<hbm>> -> memref<1x125xi32, #tpu.memory_space<hbm>>
    tpu.enqueue_dma source(%dma_start3A_56 : memref<1x125xi32, #tpu.memory_space<hbm>>) target(%arg7 : memref<1x125xi32, #tpu.memory_space<vmem>>) target_semaphore(%arg12 : memref<!tpu.dma_semaphore, #tpu.memory_space<semaphore_mem>>)
    %dma_start3A_57 = arith.constant 1 : i32
    %dma_start3A_58 = arith.constant 0 : i32
    %dma_start3A_59 = arith.constant 0 : i32
    %dma_start3A_60 = tpu.memref_slice %arg4[%add3A, %dma_start3A_57, %dma_start3A_58, %dma_start3A_59] : memref<32x80x1x125xi32, #tpu.memory_space<hbm>> -> memref<1x1x1x125xi32, #tpu.memory_space<hbm>>
    %dma_start3A_61 = tpu.memref_squeeze %dma_start3A_60 : memref<1x1x1x125xi32, #tpu.memory_space<hbm>> -> memref<1x125xi32, #tpu.memory_space<hbm>>
    %dma_start3A_62 = arith.constant 0 : i32
    %dma_start3A_63 = arith.constant 0 : i32
    %dma_start3A_64 = tpu.memref_slice %arg4[%add3A, %dma_start3A_57, %dma_start3A_62, %dma_start3A_63] : memref<32x80x1x125xi32, #tpu.memory_space<hbm>> -> memref<1x1x1x125xi32, #tpu.memory_space<hbm>>
    %dma_start3A_65 = tpu.memref_squeeze %dma_start3A_64 : memref<1x1x1x125xi32, #tpu.memory_space<hbm>> -> memref<1x125xi32, #tpu.memory_space<hbm>>
    tpu.enqueue_dma source(%dma_start3A_65 : memref<1x125xi32, #tpu.memory_space<hbm>>) target(%arg9 : memref<1x125xi32, #tpu.memory_space<vmem>>) target_semaphore(%arg12 : memref<!tpu.dma_semaphore, #tpu.memory_space<semaphore_mem>>)
    %dma_wait3A = arith.constant 0 : i32
    %dma_wait3A_66 = arith.constant 0 : i32
    %dma_wait3A_67 = arith.constant 0 : i32
    %dma_wait3A_68 = tpu.memref_slice %arg3[%add3A, %dma_wait3A, %dma_wait3A_66, %dma_wait3A_67] : memref<32x80x1x125xi32, #tpu.memory_space<hbm>> -> memref<1x1x1x125xi32, #tpu.memory_space<hbm>>
    %dma_wait3A_69 = tpu.memref_squeeze %dma_wait3A_68 : memref<1x1x1x125xi32, #tpu.memory_space<hbm>> -> memref<1x125xi32, #tpu.memory_space<hbm>>
    %dma_wait3A_70 = arith.constant 0 : i32
    %dma_wait3A_71 = arith.constant 0 : i32
    %dma_wait3A_72 = tpu.memref_slice %arg3[%add3A, %dma_wait3A, %dma_wait3A_70, %dma_wait3A_71] : memref<32x80x1x125xi32, #tpu.memory_space<hbm>> -> memref<1x1x1x125xi32, #tpu.memory_space<hbm>>
    %dma_wait3A_73 = tpu.memref_squeeze %dma_wait3A_72 : memref<1x1x1x125xi32, #tpu.memory_space<hbm>> -> memref<1x125xi32, #tpu.memory_space<hbm>>
    tpu.wait_dma2 semaphore(%arg11 : memref<!tpu.dma_semaphore, #tpu.memory_space<semaphore_mem>>) src(%dma_wait3A_73 : memref<1x125xi32, #tpu.memory_space<hbm>>) dst(%arg6 : memref<1x125xi32, #tpu.memory_space<vmem>>)
    %dma_wait3A_74 = arith.constant 0 : i32
    %dma_wait3A_75 = arith.constant 0 : i32
    %dma_wait3A_76 = arith.constant 0 : i32
    %dma_wait3A_77 = tpu.memref_slice %arg4[%add3A, %dma_wait3A_74, %dma_wait3A_75, %dma_wait3A_76] : memref<32x80x1x125xi32, #tpu.memory_space<hbm>> -> memref<1x1x1x125xi32, #tpu.memory_space<hbm>>
    %dma_wait3A_78 = tpu.memref_squeeze %dma_wait3A_77 : memref<1x1x1x125xi32, #tpu.memory_space<hbm>> -> memref<1x125xi32, #tpu.memory_space<hbm>>
    %dma_wait3A_79 = arith.constant 0 : i32
    %dma_wait3A_80 = arith.constant 0 : i32
    %dma_wait3A_81 = tpu.memref_slice %arg4[%add3A, %dma_wait3A_74, %dma_wait3A_79, %dma_wait3A_80] : memref<32x80x1x125xi32, #tpu.memory_space<hbm>> -> memref<1x1x1x125xi32, #tpu.memory_space<hbm>>
    %dma_wait3A_82 = tpu.memref_squeeze %dma_wait3A_81 : memref<1x1x1x125xi32, #tpu.memory_space<hbm>> -> memref<1x125xi32, #tpu.memory_space<hbm>>
    tpu.wait_dma2 semaphore(%arg11 : memref<!tpu.dma_semaphore, #tpu.memory_space<semaphore_mem>>) src(%dma_wait3A_82 : memref<1x125xi32, #tpu.memory_space<hbm>>) dst(%arg8 : memref<1x125xi32, #tpu.memory_space<vmem>>)
    %dma_start3A_83 = arith.constant 0 : i32
    %dma_start3A_84 = arith.constant 0 : i32
    %dma_start3A_85 = arith.constant 0 : i32
    %dma_start3A_86 = arith.constant 0 : i32
    %dma_start3A_87 = tpu.memref_slice %arg10[%dma_start3A_84, %dma_start3A_85, %dma_start3A_86] : memref<2x125x128xf32, #tpu.memory_space<vmem>> -> memref<1x125x128xf32, #tpu.memory_space<vmem>>
    %dma_start3A_88 = tpu.memref_squeeze %dma_start3A_87 : memref<1x125x128xf32, #tpu.memory_space<vmem>> -> memref<125x128xf32, #tpu.memory_space<vmem>>
    %dma_start3A_89 = arith.constant 0 : i32
    %dma_start3A_90 = tpu.memref_slice %arg6[%dma_start3A_83, %dma_start3A_89] : memref<1x125xi32, #tpu.memory_space<vmem>> -> memref<1x125xi32, #tpu.memory_space<vmem>>
    %dma_start3A_91 = tpu.memref_squeeze %dma_start3A_90 : memref<1x125xi32, #tpu.memory_space<vmem>> -> memref<125xi32, #tpu.memory_space<vmem>>
    %dma_start3A_92 = arith.constant 0 : i32
    %dma_start3A_93 = arith.constant 0 : i32
    %dma_start3A_94 = tpu.memref_slice %arg2[%dma_start3A_92, %dma_start3A_93] : memref<10000x128xf32, #tpu.memory_space<hbm>> -> memref<10000x128xf32, #tpu.memory_space<hbm>>
    tpu.enqueue_indirect_dma source(%dma_start3A_94 : memref<10000x128xf32, #tpu.memory_space<hbm>>) target(%dma_start3A_88 : memref<125x128xf32, #tpu.memory_space<vmem>>) offsets(%dma_start3A_91 : memref<125xi32, #tpu.memory_space<vmem>>) semaphore(%arg13 : memref<!tpu.dma_semaphore, #tpu.memory_space<semaphore_mem>>)
    %scan3A_95 = arith.constant 0 : i32
    %scan3A_96 = arith.constant 0 : i32
    %scan3A_97 = arith.constant 40 : i32
    %scan3A_98 = arith.addi %scan3A_96, %scan3A_97 : i32
    %scan3A_99 = arith.constant 1 : i32
    %scan3A_100 = scf.for %scan3A_110 = %scan3A_96 to %scan3A_98 step %scan3A_99 iter_args(%scan3A_111 = %scan3A_95) -> (i32)  : i32 {
      %mul3A_112 = arith.constant 2 : i32
      %mul3A_113 = arith.muli %mul3A_112, %scan3A_110 : i32
      %add3A_114 = arith.constant 2 : i32
      %add3A_115 = arith.addi %mul3A_113, %add3A_114 : i32
      %mul3A_116 = arith.constant 2 : i32
      %mul3A_117 = arith.muli %mul3A_116, %scan3A_110 : i32
      %add3A_118 = arith.constant 3 : i32
      %add3A_119 = arith.addi %mul3A_117, %add3A_118 : i32
      %dma_wait3A_120 = arith.constant 0 : i32
      %dma_wait3A_121 = arith.constant 0 : i32
      %dma_wait3A_122 = arith.constant 0 : i32
      %dma_wait3A_123 = arith.constant 0 : i32
      %dma_wait3A_124 = tpu.memref_slice %arg10[%dma_wait3A_121, %dma_wait3A_122, %dma_wait3A_123] : memref<2x125x128xf32, #tpu.memory_space<vmem>> -> memref<1x125x128xf32, #tpu.memory_space<vmem>>
      %dma_wait3A_125 = tpu.memref_squeeze %dma_wait3A_124 : memref<1x125x128xf32, #tpu.memory_space<vmem>> -> memref<125x128xf32, #tpu.memory_space<vmem>>
      %dma_wait3A_126 = arith.constant 0 : i32
      %dma_wait3A_127 = tpu.memref_slice %arg6[%dma_wait3A_120, %dma_wait3A_126] : memref<1x125xi32, #tpu.memory_space<vmem>> -> memref<1x125xi32, #tpu.memory_space<vmem>>
      %dma_wait3A_128 = tpu.memref_squeeze %dma_wait3A_127 : memref<1x125xi32, #tpu.memory_space<vmem>> -> memref<125xi32, #tpu.memory_space<vmem>>
      %dma_wait3A_129 = arith.constant 0 : i32
      %dma_wait3A_130 = arith.constant 0 : i32
      %dma_wait3A_131 = tpu.memref_slice %arg2[%dma_wait3A_129, %dma_wait3A_130] : memref<10000x128xf32, #tpu.memory_space<hbm>> -> memref<10000x128xf32, #tpu.memory_space<hbm>>
      tpu.wait_indirect_dma semaphore(%arg13 : memref<!tpu.dma_semaphore, #tpu.memory_space<semaphore_mem>>) src(%dma_wait3A_131 : memref<10000x128xf32, #tpu.memory_space<hbm>>) dst(%dma_wait3A_125 : memref<125x128xf32, #tpu.memory_space<vmem>>)
      %dma_wait3A_132 = arith.constant 0 : i32
      %dma_wait3A_133 = arith.constant 0 : i32
      %dma_wait3A_134 = arith.constant 0 : i32
      %dma_wait3A_135 = tpu.memref_slice %arg3[%add3A, %dma_wait3A_132, %dma_wait3A_133, %dma_wait3A_134] : memref<32x80x1x125xi32, #tpu.memory_space<hbm>> -> memref<1x1x1x125xi32, #tpu.memory_space<hbm>>
      %dma_wait3A_136 = tpu.memref_squeeze %dma_wait3A_135 : memref<1x1x1x125xi32, #tpu.memory_space<hbm>> -> memref<1x125xi32, #tpu.memory_space<hbm>>
      %dma_wait3A_137 = arith.constant 0 : i32
      %dma_wait3A_138 = arith.constant 0 : i32
      %dma_wait3A_139 = tpu.memref_slice %arg3[%add3A, %dma_wait3A_132, %dma_wait3A_137, %dma_wait3A_138] : memref<32x80x1x125xi32, #tpu.memory_space<hbm>> -> memref<1x1x1x125xi32, #tpu.memory_space<hbm>>
      %dma_wait3A_140 = tpu.memref_squeeze %dma_wait3A_139 : memref<1x1x1x125xi32, #tpu.memory_space<hbm>> -> memref<1x125xi32, #tpu.memory_space<hbm>>
      tpu.wait_dma2 semaphore(%arg12 : memref<!tpu.dma_semaphore, #tpu.memory_space<semaphore_mem>>) src(%dma_wait3A_140 : memref<1x125xi32, #tpu.memory_space<hbm>>) dst(%arg7 : memref<1x125xi32, #tpu.memory_space<vmem>>)
      %dma_wait3A_141 = arith.constant 0 : i32
      %dma_wait3A_142 = arith.constant 0 : i32
      %dma_wait3A_143 = arith.constant 0 : i32
      %dma_wait3A_144 = tpu.memref_slice %arg4[%add3A, %dma_wait3A_141, %dma_wait3A_142, %dma_wait3A_143] : memref<32x80x1x125xi32, #tpu.memory_space<hbm>> -> memref<1x1x1x125xi32, #tpu.memory_space<hbm>>
      %dma_wait3A_145 = tpu.memref_squeeze %dma_wait3A_144 : memref<1x1x1x125xi32, #tpu.memory_space<hbm>> -> memref<1x125xi32, #tpu.memory_space<hbm>>
      %dma_wait3A_146 = arith.constant 0 : i32
      %dma_wait3A_147 = arith.constant 0 : i32
      %dma_wait3A_148 = tpu.memref_slice %arg4[%add3A, %dma_wait3A_141, %dma_wait3A_146, %dma_wait3A_147] : memref<32x80x1x125xi32, #tpu.memory_space<hbm>> -> memref<1x1x1x125xi32, #tpu.memory_space<hbm>>
      %dma_wait3A_149 = tpu.memref_squeeze %dma_wait3A_148 : memref<1x1x1x125xi32, #tpu.memory_space<hbm>> -> memref<1x125xi32, #tpu.memory_space<hbm>>
      tpu.wait_dma2 semaphore(%arg12 : memref<!tpu.dma_semaphore, #tpu.memory_space<semaphore_mem>>) src(%dma_wait3A_149 : memref<1x125xi32, #tpu.memory_space<hbm>>) dst(%arg9 : memref<1x125xi32, #tpu.memory_space<vmem>>)
      %dma_start3A_150 = arith.constant 0 : i32
      %dma_start3A_151 = arith.constant 1 : i32
      %dma_start3A_152 = arith.constant 0 : i32
      %dma_start3A_153 = arith.constant 0 : i32
      %dma_start3A_154 = tpu.memref_slice %arg10[%dma_start3A_151, %dma_start3A_152, %dma_start3A_153] : memref<2x125x128xf32, #tpu.memory_space<vmem>> -> memref<1x125x128xf32, #tpu.memory_space<vmem>>
      %dma_start3A_155 = tpu.memref_squeeze %dma_start3A_154 : memref<1x125x128xf32, #tpu.memory_space<vmem>> -> memref<125x128xf32, #tpu.memory_space<vmem>>
      %dma_start3A_156 = arith.constant 0 : i32
      %dma_start3A_157 = tpu.memref_slice %arg7[%dma_start3A_150, %dma_start3A_156] : memref<1x125xi32, #tpu.memory_space<vmem>> -> memref<1x125xi32, #tpu.memory_space<vmem>>
      %dma_start3A_158 = tpu.memref_squeeze %dma_start3A_157 : memref<1x125xi32, #tpu.memory_space<vmem>> -> memref<125xi32, #tpu.memory_space<vmem>>
      %dma_start3A_159 = arith.constant 0 : i32
      %dma_start3A_160 = arith.constant 0 : i32
      %dma_start3A_161 = tpu.memref_slice %arg2[%dma_start3A_159, %dma_start3A_160] : memref<10000x128xf32, #tpu.memory_space<hbm>> -> memref<10000x128xf32, #tpu.memory_space<hbm>>
      tpu.enqueue_indirect_dma source(%dma_start3A_161 : memref<10000x128xf32, #tpu.memory_space<hbm>>) target(%dma_start3A_155 : memref<125x128xf32, #tpu.memory_space<vmem>>) offsets(%dma_start3A_158 : memref<125xi32, #tpu.memory_space<vmem>>) semaphore(%arg14 : memref<!tpu.dma_semaphore, #tpu.memory_space<semaphore_mem>>)
      %run_scoped3A_162 = arith.constant 0 : i32
      %run_scoped3A_163 = arith.constant 0 : i32
      "tpu.region"() ({
        %run_scoped3A_193 = tpu.sem_alloc : memref<!tpu.dma_semaphore, #tpu.memory_space<semaphore_mem>>
        %dma_start3A_194 = arith.constant 0 : i32
        %dma_start3A_195 = arith.constant 0 : i32
        %dma_start3A_196 = tpu.memref_slice %arg10[%run_scoped3A_162, %dma_start3A_194, %dma_start3A_195] : memref<2x125x128xf32, #tpu.memory_space<vmem>> -> memref<1x125x128xf32, #tpu.memory_space<vmem>>
        %dma_start3A_197 = tpu.memref_squeeze %dma_start3A_196 : memref<1x125x128xf32, #tpu.memory_space<vmem>> -> memref<125x128xf32, #tpu.memory_space<vmem>>
        %dma_start3A_198 = arith.constant 0 : i32
        %dma_start3A_199 = tpu.memref_slice %arg8[%run_scoped3A_163, %dma_start3A_198] : memref<1x125xi32, #tpu.memory_space<vmem>> -> memref<1x125xi32, #tpu.memory_space<vmem>>
        %dma_start3A_200 = tpu.memref_squeeze %dma_start3A_199 : memref<1x125xi32, #tpu.memory_space<vmem>> -> memref<125xi32, #tpu.memory_space<vmem>>
        %dma_start3A_201 = arith.constant 0 : i32
        %dma_start3A_202 = arith.constant 0 : i32
        %dma_start3A_203 = tpu.memref_slice %arg15[%dma_start3A_201, %dma_start3A_202] : memref<10000x128xf32, #tpu.memory_space<vmem_shared>> -> memref<10000x128xf32, #tpu.memory_space<vmem_shared>>
        tpu.enqueue_indirect_dma source(%dma_start3A_197 : memref<125x128xf32, #tpu.memory_space<vmem>>) target(%dma_start3A_203 : memref<10000x128xf32, #tpu.memory_space<vmem_shared>>) offsets(%dma_start3A_200 : memref<125xi32, #tpu.memory_space<vmem>>) semaphore(%run_scoped3A_193 : memref<!tpu.dma_semaphore, #tpu.memory_space<semaphore_mem>>) {add = true}
        %dma_wait3A_204 = arith.constant 0 : i32
        %dma_wait3A_205 = arith.constant 0 : i32
        %dma_wait3A_206 = tpu.memref_slice %arg10[%run_scoped3A_162, %dma_wait3A_204, %dma_wait3A_205] : memref<2x125x128xf32, #tpu.memory_space<vmem>> -> memref<1x125x128xf32, #tpu.memory_space<vmem>>
        %dma_wait3A_207 = tpu.memref_squeeze %dma_wait3A_206 : memref<1x125x128xf32, #tpu.memory_space<vmem>> -> memref<125x128xf32, #tpu.memory_space<vmem>>
        %dma_wait3A_208 = arith.constant 0 : i32
        %dma_wait3A_209 = tpu.memref_slice %arg8[%run_scoped3A_163, %dma_wait3A_208] : memref<1x125xi32, #tpu.memory_space<vmem>> -> memref<1x125xi32, #tpu.memory_space<vmem>>
        %dma_wait3A_210 = tpu.memref_squeeze %dma_wait3A_209 : memref<1x125xi32, #tpu.memory_space<vmem>> -> memref<125xi32, #tpu.memory_space<vmem>>
        %dma_wait3A_211 = arith.constant 0 : i32
        %dma_wait3A_212 = arith.constant 0 : i32
        %dma_wait3A_213 = tpu.memref_slice %arg15[%dma_wait3A_211, %dma_wait3A_212] : memref<10000x128xf32, #tpu.memory_space<vmem_shared>> -> memref<10000x128xf32, #tpu.memory_space<vmem_shared>>
        tpu.wait_indirect_dma semaphore(%run_scoped3A_193 : memref<!tpu.dma_semaphore, #tpu.memory_space<semaphore_mem>>) src(%dma_wait3A_207 : memref<125x128xf32, #tpu.memory_space<vmem>>) dst(%dma_wait3A_213 : memref<10000x128xf32, #tpu.memory_space<vmem_shared>>)
        tpu.yield
      }) : () -> ()
      %lt3A = arith.constant 80 : i32
      %lt3A_164 = arith.cmpi slt, %add3A_115, %lt3A : i32
      %convert_element_type3A_165 = arith.extui %lt3A_164 : i1 to i32
      %cond3A_166 = arith.constant 0 : i32
      %cond3A_167 = arith.cmpi ne, %convert_element_type3A_165, %cond3A_166 : i32
      scf.if %cond3A_167 {
        %dma_start3A_193 = arith.constant 0 : i32
        %dma_start3A_194 = arith.constant 0 : i32
        %dma_start3A_195 = tpu.memref_slice %arg3[%add3A, %add3A_115, %dma_start3A_193, %dma_start3A_194] : memref<32x80x1x125xi32, #tpu.memory_space<hbm>> -> memref<1x1x1x125xi32, #tpu.memory_space<hbm>>
        %dma_start3A_196 = tpu.memref_squeeze %dma_start3A_195 : memref<1x1x1x125xi32, #tpu.memory_space<hbm>> -> memref<1x125xi32, #tpu.memory_space<hbm>>
        %dma_start3A_197 = arith.constant 0 : i32
        %dma_start3A_198 = arith.constant 0 : i32
        %dma_start3A_199 = tpu.memref_slice %arg3[%add3A, %add3A_115, %dma_start3A_197, %dma_start3A_198] : memref<32x80x1x125xi32, #tpu.memory_space<hbm>> -> memref<1x1x1x125xi32, #tpu.memory_space<hbm>>
        %dma_start3A_200 = tpu.memref_squeeze %dma_start3A_199 : memref<1x1x1x125xi32, #tpu.memory_space<hbm>> -> memref<1x125xi32, #tpu.memory_space<hbm>>
        tpu.enqueue_dma source(%dma_start3A_200 : memref<1x125xi32, #tpu.memory_space<hbm>>) target(%arg6 : memref<1x125xi32, #tpu.memory_space<vmem>>) target_semaphore(%arg11 : memref<!tpu.dma_semaphore, #tpu.memory_space<semaphore_mem>>)
        %dma_start3A_201 = arith.constant 0 : i32
        %dma_start3A_202 = arith.constant 0 : i32
        %dma_start3A_203 = tpu.memref_slice %arg4[%add3A, %add3A_115, %dma_start3A_201, %dma_start3A_202] : memref<32x80x1x125xi32, #tpu.memory_space<hbm>> -> memref<1x1x1x125xi32, #tpu.memory_space<hbm>>
        %dma_start3A_204 = tpu.memref_squeeze %dma_start3A_203 : memref<1x1x1x125xi32, #tpu.memory_space<hbm>> -> memref<1x125xi32, #tpu.memory_space<hbm>>
        %dma_start3A_205 = arith.constant 0 : i32
        %dma_start3A_206 = arith.constant 0 : i32
        %dma_start3A_207 = tpu.memref_slice %arg4[%add3A, %add3A_115, %dma_start3A_205, %dma_start3A_206] : memref<32x80x1x125xi32, #tpu.memory_space<hbm>> -> memref<1x1x1x125xi32, #tpu.memory_space<hbm>>
        %dma_start3A_208 = tpu.memref_squeeze %dma_start3A_207 : memref<1x1x1x125xi32, #tpu.memory_space<hbm>> -> memref<1x125xi32, #tpu.memory_space<hbm>>
        tpu.enqueue_dma source(%dma_start3A_208 : memref<1x125xi32, #tpu.memory_space<hbm>>) target(%arg8 : memref<1x125xi32, #tpu.memory_space<vmem>>) target_semaphore(%arg11 : memref<!tpu.dma_semaphore, #tpu.memory_space<semaphore_mem>>)
      } else {
      }
      %dma_wait3A_168 = arith.constant 0 : i32
      %dma_wait3A_169 = arith.constant 1 : i32
      %dma_wait3A_170 = arith.constant 0 : i32
      %dma_wait3A_171 = arith.constant 0 : i32
      %dma_wait3A_172 = tpu.memref_slice %arg10[%dma_wait3A_169, %dma_wait3A_170, %dma_wait3A_171] : memref<2x125x128xf32, #tpu.memory_space<vmem>> -> memref<1x125x128xf32, #tpu.memory_space<vmem>>
      %dma_wait3A_173 = tpu.memref_squeeze %dma_wait3A_172 : memref<1x125x128xf32, #tpu.memory_space<vmem>> -> memref<125x128xf32, #tpu.memory_space<vmem>>
      %dma_wait3A_174 = arith.constant 0 : i32
      %dma_wait3A_175 = tpu.memref_slice %arg7[%dma_wait3A_168, %dma_wait3A_174] : memref<1x125xi32, #tpu.memory_space<vmem>> -> memref<1x125xi32, #tpu.memory_space<vmem>>
      %dma_wait3A_176 = tpu.memref_squeeze %dma_wait3A_175 : memref<1x125xi32, #tpu.memory_space<vmem>> -> memref<125xi32, #tpu.memory_space<vmem>>
      %dma_wait3A_177 = arith.constant 0 : i32
      %dma_wait3A_178 = arith.constant 0 : i32
      %dma_wait3A_179 = tpu.memref_slice %arg2[%dma_wait3A_177, %dma_wait3A_178] : memref<10000x128xf32, #tpu.memory_space<hbm>> -> memref<10000x128xf32, #tpu.memory_space<hbm>>
      tpu.wait_indirect_dma semaphore(%arg14 : memref<!tpu.dma_semaphore, #tpu.memory_space<semaphore_mem>>) src(%dma_wait3A_179 : memref<10000x128xf32, #tpu.memory_space<hbm>>) dst(%dma_wait3A_173 : memref<125x128xf32, #tpu.memory_space<vmem>>)
      %lt3A_180 = arith.constant 80 : i32
      %lt3A_181 = arith.cmpi slt, %add3A_115, %lt3A_180 : i32
      %convert_element_type3A_182 = arith.extui %lt3A_181 : i1 to i32
      %cond3A_183 = arith.constant 0 : i32
      %cond3A_184 = arith.cmpi ne, %convert_element_type3A_182, %cond3A_183 : i32
      scf.if %cond3A_184 {
        %dma_wait3A_193 = arith.constant 0 : i32
        %dma_wait3A_194 = arith.constant 0 : i32
        %dma_wait3A_195 = arith.constant 0 : i32
        %dma_wait3A_196 = tpu.memref_slice %arg3[%add3A, %dma_wait3A_193, %dma_wait3A_194, %dma_wait3A_195] : memref<32x80x1x125xi32, #tpu.memory_space<hbm>> -> memref<1x1x1x125xi32, #tpu.memory_space<hbm>>
        %dma_wait3A_197 = tpu.memref_squeeze %dma_wait3A_196 : memref<1x1x1x125xi32, #tpu.memory_space<hbm>> -> memref<1x125xi32, #tpu.memory_space<hbm>>
        %dma_wait3A_198 = arith.constant 0 : i32
        %dma_wait3A_199 = arith.constant 0 : i32
        %dma_wait3A_200 = tpu.memref_slice %arg3[%add3A, %dma_wait3A_193, %dma_wait3A_198, %dma_wait3A_199] : memref<32x80x1x125xi32, #tpu.memory_space<hbm>> -> memref<1x1x1x125xi32, #tpu.memory_space<hbm>>
        %dma_wait3A_201 = tpu.memref_squeeze %dma_wait3A_200 : memref<1x1x1x125xi32, #tpu.memory_space<hbm>> -> memref<1x125xi32, #tpu.memory_space<hbm>>
        tpu.wait_dma2 semaphore(%arg11 : memref<!tpu.dma_semaphore, #tpu.memory_space<semaphore_mem>>) src(%dma_wait3A_201 : memref<1x125xi32, #tpu.memory_space<hbm>>) dst(%arg6 : memref<1x125xi32, #tpu.memory_space<vmem>>)
        %dma_wait3A_202 = arith.constant 0 : i32
        %dma_wait3A_203 = arith.constant 0 : i32
        %dma_wait3A_204 = arith.constant 0 : i32
        %dma_wait3A_205 = tpu.memref_slice %arg4[%add3A, %dma_wait3A_202, %dma_wait3A_203, %dma_wait3A_204] : memref<32x80x1x125xi32, #tpu.memory_space<hbm>> -> memref<1x1x1x125xi32, #tpu.memory_space<hbm>>
        %dma_wait3A_206 = tpu.memref_squeeze %dma_wait3A_205 : memref<1x1x1x125xi32, #tpu.memory_space<hbm>> -> memref<1x125xi32, #tpu.memory_space<hbm>>
        %dma_wait3A_207 = arith.constant 0 : i32
        %dma_wait3A_208 = arith.constant 0 : i32
        %dma_wait3A_209 = tpu.memref_slice %arg4[%add3A, %dma_wait3A_202, %dma_wait3A_207, %dma_wait3A_208] : memref<32x80x1x125xi32, #tpu.memory_space<hbm>> -> memref<1x1x1x125xi32, #tpu.memory_space<hbm>>
        %dma_wait3A_210 = tpu.memref_squeeze %dma_wait3A_209 : memref<1x1x1x125xi32, #tpu.memory_space<hbm>> -> memref<1x125xi32, #tpu.memory_space<hbm>>
        tpu.wait_dma2 semaphore(%arg11 : memref<!tpu.dma_semaphore, #tpu.memory_space<semaphore_mem>>) src(%dma_wait3A_210 : memref<1x125xi32, #tpu.memory_space<hbm>>) dst(%arg8 : memref<1x125xi32, #tpu.memory_space<vmem>>)
        %dma_start3A_211 = arith.constant 0 : i32
        %dma_start3A_212 = arith.constant 0 : i32
        %dma_start3A_213 = arith.constant 0 : i32
        %dma_start3A_214 = arith.constant 0 : i32
        %dma_start3A_215 = tpu.memref_slice %arg10[%dma_start3A_212, %dma_start3A_213, %dma_start3A_214] : memref<2x125x128xf32, #tpu.memory_space<vmem>> -> memref<1x125x128xf32, #tpu.memory_space<vmem>>
        %dma_start3A_216 = tpu.memref_squeeze %dma_start3A_215 : memref<1x125x128xf32, #tpu.memory_space<vmem>> -> memref<125x128xf32, #tpu.memory_space<vmem>>
        %dma_start3A_217 = arith.constant 0 : i32
        %dma_start3A_218 = tpu.memref_slice %arg6[%dma_start3A_211, %dma_start3A_217] : memref<1x125xi32, #tpu.memory_space<vmem>> -> memref<1x125xi32, #tpu.memory_space<vmem>>
        %dma_start3A_219 = tpu.memref_squeeze %dma_start3A_218 : memref<1x125xi32, #tpu.memory_space<vmem>> -> memref<125xi32, #tpu.memory_space<vmem>>
        %dma_start3A_220 = arith.constant 0 : i32
        %dma_start3A_221 = arith.constant 0 : i32
        %dma_start3A_222 = tpu.memref_slice %arg2[%dma_start3A_220, %dma_start3A_221] : memref<10000x128xf32, #tpu.memory_space<hbm>> -> memref<10000x128xf32, #tpu.memory_space<hbm>>
        tpu.enqueue_indirect_dma source(%dma_start3A_222 : memref<10000x128xf32, #tpu.memory_space<hbm>>) target(%dma_start3A_216 : memref<125x128xf32, #tpu.memory_space<vmem>>) offsets(%dma_start3A_219 : memref<125xi32, #tpu.memory_space<vmem>>) semaphore(%arg13 : memref<!tpu.dma_semaphore, #tpu.memory_space<semaphore_mem>>)
      } else {
      }
      %run_scoped3A_185 = arith.constant 1 : i32
      %run_scoped3A_186 = arith.constant 0 : i32
      "tpu.region"() ({
        %run_scoped3A_193 = tpu.sem_alloc : memref<!tpu.dma_semaphore, #tpu.memory_space<semaphore_mem>>
        %dma_start3A_194 = arith.constant 0 : i32
        %dma_start3A_195 = arith.constant 0 : i32
        %dma_start3A_196 = tpu.memref_slice %arg10[%run_scoped3A_185, %dma_start3A_194, %dma_start3A_195] : memref<2x125x128xf32, #tpu.memory_space<vmem>> -> memref<1x125x128xf32, #tpu.memory_space<vmem>>
        %dma_start3A_197 = tpu.memref_squeeze %dma_start3A_196 : memref<1x125x128xf32, #tpu.memory_space<vmem>> -> memref<125x128xf32, #tpu.memory_space<vmem>>
        %dma_start3A_198 = arith.constant 0 : i32
        %dma_start3A_199 = tpu.memref_slice %arg9[%run_scoped3A_186, %dma_start3A_198] : memref<1x125xi32, #tpu.memory_space<vmem>> -> memref<1x125xi32, #tpu.memory_space<vmem>>
        %dma_start3A_200 = tpu.memref_squeeze %dma_start3A_199 : memref<1x125xi32, #tpu.memory_space<vmem>> -> memref<125xi32, #tpu.memory_space<vmem>>
        %dma_start3A_201 = arith.constant 0 : i32
        %dma_start3A_202 = arith.constant 0 : i32
        %dma_start3A_203 = tpu.memref_slice %arg15[%dma_start3A_201, %dma_start3A_202] : memref<10000x128xf32, #tpu.memory_space<vmem_shared>> -> memref<10000x128xf32, #tpu.memory_space<vmem_shared>>
        tpu.enqueue_indirect_dma source(%dma_start3A_197 : memref<125x128xf32, #tpu.memory_space<vmem>>) target(%dma_start3A_203 : memref<10000x128xf32, #tpu.memory_space<vmem_shared>>) offsets(%dma_start3A_200 : memref<125xi32, #tpu.memory_space<vmem>>) semaphore(%run_scoped3A_193 : memref<!tpu.dma_semaphore, #tpu.memory_space<semaphore_mem>>) {add = true}
        %dma_wait3A_204 = arith.constant 0 : i32
        %dma_wait3A_205 = arith.constant 0 : i32
        %dma_wait3A_206 = tpu.memref_slice %arg10[%run_scoped3A_185, %dma_wait3A_204, %dma_wait3A_205] : memref<2x125x128xf32, #tpu.memory_space<vmem>> -> memref<1x125x128xf32, #tpu.memory_space<vmem>>
        %dma_wait3A_207 = tpu.memref_squeeze %dma_wait3A_206 : memref<1x125x128xf32, #tpu.memory_space<vmem>> -> memref<125x128xf32, #tpu.memory_space<vmem>>
        %dma_wait3A_208 = arith.constant 0 : i32
        %dma_wait3A_209 = tpu.memref_slice %arg9[%run_scoped3A_186, %dma_wait3A_208] : memref<1x125xi32, #tpu.memory_space<vmem>> -> memref<1x125xi32, #tpu.memory_space<vmem>>
        %dma_wait3A_210 = tpu.memref_squeeze %dma_wait3A_209 : memref<1x125xi32, #tpu.memory_space<vmem>> -> memref<125xi32, #tpu.memory_space<vmem>>
        %dma_wait3A_211 = arith.constant 0 : i32
        %dma_wait3A_212 = arith.constant 0 : i32
        %dma_wait3A_213 = tpu.memref_slice %arg15[%dma_wait3A_211, %dma_wait3A_212] : memref<10000x128xf32, #tpu.memory_space<vmem_shared>> -> memref<10000x128xf32, #tpu.memory_space<vmem_shared>>
        tpu.wait_indirect_dma semaphore(%run_scoped3A_193 : memref<!tpu.dma_semaphore, #tpu.memory_space<semaphore_mem>>) src(%dma_wait3A_207 : memref<125x128xf32, #tpu.memory_space<vmem>>) dst(%dma_wait3A_213 : memref<10000x128xf32, #tpu.memory_space<vmem_shared>>)
        tpu.yield
      }) : () -> ()
      %lt3A_187 = arith.constant 80 : i32
      %lt3A_188 = arith.cmpi slt, %add3A_119, %lt3A_187 : i32
      %convert_element_type3A_189 = arith.extui %lt3A_188 : i1 to i32
      %cond3A_190 = arith.constant 0 : i32
      %cond3A_191 = arith.cmpi ne, %convert_element_type3A_189, %cond3A_190 : i32
      scf.if %cond3A_191 {
        %dma_start3A_193 = arith.constant 0 : i32
        %dma_start3A_194 = arith.constant 0 : i32
        %dma_start3A_195 = tpu.memref_slice %arg3[%add3A, %add3A_119, %dma_start3A_193, %dma_start3A_194] : memref<32x80x1x125xi32, #tpu.memory_space<hbm>> -> memref<1x1x1x125xi32, #tpu.memory_space<hbm>>
        %dma_start3A_196 = tpu.memref_squeeze %dma_start3A_195 : memref<1x1x1x125xi32, #tpu.memory_space<hbm>> -> memref<1x125xi32, #tpu.memory_space<hbm>>
        %dma_start3A_197 = arith.constant 0 : i32
        %dma_start3A_198 = arith.constant 0 : i32
        %dma_start3A_199 = tpu.memref_slice %arg3[%add3A, %add3A_119, %dma_start3A_197, %dma_start3A_198] : memref<32x80x1x125xi32, #tpu.memory_space<hbm>> -> memref<1x1x1x125xi32, #tpu.memory_space<hbm>>
        %dma_start3A_200 = tpu.memref_squeeze %dma_start3A_199 : memref<1x1x1x125xi32, #tpu.memory_space<hbm>> -> memref<1x125xi32, #tpu.memory_space<hbm>>
        tpu.enqueue_dma source(%dma_start3A_200 : memref<1x125xi32, #tpu.memory_space<hbm>>) target(%arg7 : memref<1x125xi32, #tpu.memory_space<vmem>>) target_semaphore(%arg12 : memref<!tpu.dma_semaphore, #tpu.memory_space<semaphore_mem>>)
        %dma_start3A_201 = arith.constant 0 : i32
        %dma_start3A_202 = arith.constant 0 : i32
        %dma_start3A_203 = tpu.memref_slice %arg4[%add3A, %add3A_119, %dma_start3A_201, %dma_start3A_202] : memref<32x80x1x125xi32, #tpu.memory_space<hbm>> -> memref<1x1x1x125xi32, #tpu.memory_space<hbm>>
        %dma_start3A_204 = tpu.memref_squeeze %dma_start3A_203 : memref<1x1x1x125xi32, #tpu.memory_space<hbm>> -> memref<1x125xi32, #tpu.memory_space<hbm>>
        %dma_start3A_205 = arith.constant 0 : i32
        %dma_start3A_206 = arith.constant 0 : i32
        %dma_start3A_207 = tpu.memref_slice %arg4[%add3A, %add3A_119, %dma_start3A_205, %dma_start3A_206] : memref<32x80x1x125xi32, #tpu.memory_space<hbm>> -> memref<1x1x1x125xi32, #tpu.memory_space<hbm>>
        %dma_start3A_208 = tpu.memref_squeeze %dma_start3A_207 : memref<1x1x1x125xi32, #tpu.memory_space<hbm>> -> memref<1x125xi32, #tpu.memory_space<hbm>>
        tpu.enqueue_dma source(%dma_start3A_208 : memref<1x125xi32, #tpu.memory_space<hbm>>) target(%arg9 : memref<1x125xi32, #tpu.memory_space<vmem>>) target_semaphore(%arg12 : memref<!tpu.dma_semaphore, #tpu.memory_space<semaphore_mem>>)
      } else {
      }
      %scan3A_192 = arith.constant 0 : i32
      scf.yield %scan3A_192 : i32
    }
    %scan3A_101 = arith.constant 40 : i32
    %barrier3A_102 = arith.constant 0 : index
    tpu.barrier barrier_id(%barrier3A_102)
    %mul3A_103 = arith.constant 624 : i32
    %mul3A_104 = arith.muli %arg1, %mul3A_103 : i32
    "tpu.region"() ({
      %run_scoped3A_110 = tpu.sem_alloc : memref<!tpu.dma_semaphore, #tpu.memory_space<semaphore_mem>>
      %dma_start3A_111 = arith.constant 0 : i32
      %dma_start3A_112 = tpu.memref_slice %arg5[%arg0, %mul3A_104, %dma_start3A_111] : memref<2x10000x128xf32, #tpu.memory_space<hbm>> -> memref<1x624x128xf32, #tpu.memory_space<hbm>>
      %dma_start3A_113 = tpu.memref_squeeze %dma_start3A_112 : memref<1x624x128xf32, #tpu.memory_space<hbm>> -> memref<624x128xf32, #tpu.memory_space<hbm>>
      %dma_start3A_114 = arith.constant 0 : i32
      %dma_start3A_115 = tpu.memref_slice %arg15[%mul3A_104, %dma_start3A_114] : memref<10000x128xf32, #tpu.memory_space<vmem_shared>> -> memref<624x128xf32, #tpu.memory_space<vmem_shared>>
      tpu.enqueue_dma source(%dma_start3A_115 : memref<624x128xf32, #tpu.memory_space<vmem_shared>>) target(%dma_start3A_113 : memref<624x128xf32, #tpu.memory_space<hbm>>) target_semaphore(%run_scoped3A_110 : memref<!tpu.dma_semaphore, #tpu.memory_space<semaphore_mem>>)
      %dma_wait3A_116 = arith.constant 0 : i32
      %dma_wait3A_117 = tpu.memref_slice %arg5[%arg0, %mul3A_104, %dma_wait3A_116] : memref<2x10000x128xf32, #tpu.memory_space<hbm>> -> memref<1x624x128xf32, #tpu.memory_space<hbm>>
      %dma_wait3A_118 = tpu.memref_squeeze %dma_wait3A_117 : memref<1x624x128xf32, #tpu.memory_space<hbm>> -> memref<624x128xf32, #tpu.memory_space<hbm>>
      %dma_wait3A_119 = arith.constant 0 : i32
      %dma_wait3A_120 = tpu.memref_slice %arg15[%mul3A_104, %dma_wait3A_119] : memref<10000x128xf32, #tpu.memory_space<vmem_shared>> -> memref<624x128xf32, #tpu.memory_space<vmem_shared>>
      tpu.wait_dma2 semaphore(%run_scoped3A_110 : memref<!tpu.dma_semaphore, #tpu.memory_space<semaphore_mem>>) src(%dma_wait3A_120 : memref<624x128xf32, #tpu.memory_space<vmem_shared>>) dst(%dma_wait3A_118 : memref<624x128xf32, #tpu.memory_space<hbm>>)
      tpu.yield
    }) : () -> ()
    %eq3A_105 = arith.constant 15 : i32
    %eq3A_106 = arith.cmpi eq, %arg1, %eq3A_105 : i32
    %convert_element_type3A_107 = arith.extui %eq3A_106 : i1 to i32
    %cond3A_108 = arith.constant 0 : i32
    %cond3A_109 = arith.cmpi ne, %convert_element_type3A_107, %cond3A_108 : i32
    scf.if %cond3A_109 {
      "tpu.region"() ({
        %run_scoped3A_110 = tpu.sem_alloc : memref<!tpu.dma_semaphore, #tpu.memory_space<semaphore_mem>>
        %dma_start3A_111 = arith.constant 9984 : i32
        %dma_start3A_112 = arith.constant 0 : i32
        %dma_start3A_113 = tpu.memref_slice %arg5[%arg0, %dma_start3A_111, %dma_start3A_112] : memref<2x10000x128xf32, #tpu.memory_space<hbm>> -> memref<1x16x128xf32, #tpu.memory_space<hbm>>
        %dma_start3A_114 = tpu.memref_squeeze %dma_start3A_113 : memref<1x16x128xf32, #tpu.memory_space<hbm>> -> memref<16x128xf32, #tpu.memory_space<hbm>>
        %dma_start3A_115 = arith.constant 9984 : i32
        %dma_start3A_116 = arith.constant 0 : i32
        %dma_start3A_117 = tpu.memref_slice %arg15[%dma_start3A_115, %dma_start3A_116] : memref<10000x128xf32, #tpu.memory_space<vmem_shared>> -> memref<16x128xf32, #tpu.memory_space<vmem_shared>>
        tpu.enqueue_dma source(%dma_start3A_117 : memref<16x128xf32, #tpu.memory_space<vmem_shared>>) target(%dma_start3A_114 : memref<16x128xf32, #tpu.memory_space<hbm>>) target_semaphore(%run_scoped3A_110 : memref<!tpu.dma_semaphore, #tpu.memory_space<semaphore_mem>>)
        %dma_wait3A_118 = arith.constant 9984 : i32
        %dma_wait3A_119 = arith.constant 0 : i32
        %dma_wait3A_120 = tpu.memref_slice %arg5[%arg0, %dma_wait3A_118, %dma_wait3A_119] : memref<2x10000x128xf32, #tpu.memory_space<hbm>> -> memref<1x16x128xf32, #tpu.memory_space<hbm>>
        %dma_wait3A_121 = tpu.memref_squeeze %dma_wait3A_120 : memref<1x16x128xf32, #tpu.memory_space<hbm>> -> memref<16x128xf32, #tpu.memory_space<hbm>>
        %dma_wait3A_122 = arith.constant 9984 : i32
        %dma_wait3A_123 = arith.constant 0 : i32
        %dma_wait3A_124 = tpu.memref_slice %arg15[%dma_wait3A_122, %dma_wait3A_123] : memref<10000x128xf32, #tpu.memory_space<vmem_shared>> -> memref<16x128xf32, #tpu.memory_space<vmem_shared>>
        tpu.wait_dma2 semaphore(%run_scoped3A_110 : memref<!tpu.dma_semaphore, #tpu.memory_space<semaphore_mem>>) src(%dma_wait3A_124 : memref<16x128xf32, #tpu.memory_space<vmem_shared>>) dst(%dma_wait3A_121 : memref<16x128xf32, #tpu.memory_space<hbm>>)
        tpu.yield
      }) : () -> ()
    } else {
    }
    return
  }
}

module attributes {stable_mosaic.version = 14 : i64} {
  func.func @body(%arg0: i32, %arg1: memref<2x80x128xf32, #tpu.memory_space<vmem>>, %arg2: memref<80x128xf32, #tpu.memory_space<vmem>>) attributes {dimension_semantics = [#tpu.dimension_semantics<arbitrary>], iteration_bounds = array<i64: 1>, scalar_prefetch = 0 : i64, scratch_operands = 0 : i64, tpu.core_type = #tpu.core_type<tc>, window_params = [{pipeline_mode = #tpu.pipeline_mode<synchronous>, transform_indices = @transform_0, window_bounds = array<i64: 2, 80, 128>}, {pipeline_mode = #tpu.pipeline_mode<synchronous>, transform_indices = @transform_1, window_bounds = array<i64: 80, 128>}]} {
    %get3A = arith.constant 0 : index
    %get3A_0 = arith.constant 0 : index
    %get3A_1 = arith.constant 0 : index
    %get3A_2 = vector.load %arg1[%get3A, %get3A_0, %get3A_1] : memref<2x80x128xf32, #tpu.memory_space<vmem>>, vector<1x80x128xf32>
    %get3A_3 = vector.shape_cast %get3A_2 : vector<1x80x128xf32> to vector<80x128xf32>
    %get3A_4 = arith.constant 1 : index
    %get3A_5 = arith.constant 0 : index
    %get3A_6 = arith.constant 0 : index
    %get3A_7 = vector.load %arg1[%get3A_4, %get3A_5, %get3A_6] : memref<2x80x128xf32, #tpu.memory_space<vmem>>, vector<1x80x128xf32>
    %get3A_8 = vector.shape_cast %get3A_7 : vector<1x80x128xf32> to vector<80x128xf32>
    %add3A = arith.addf %get3A_3, %get3A_8 : vector<80x128xf32>
    %max3A = arith.constant 1.000000e+00 : f32
    %max3A_9 = vector.broadcast %max3A : f32 to vector<80x128xf32>
    %max3A_10 = arith.maximumf %add3A, %max3A_9 : vector<80x128xf32>
    %div3A = arith.constant 1.000000e+00 : f32
    %div3A_11 = vector.broadcast %div3A : f32 to vector<80x128xf32>
    %div3A_12 = arith.divf %div3A_11, %max3A_10 : vector<80x128xf32>
    %swap3A = arith.constant 0 : index
    %swap3A_13 = arith.constant 0 : index
    %swap3A_14 = vector.load %arg2[%swap3A, %swap3A_13] : memref<80x128xf32, #tpu.memory_space<vmem>>, vector<80x128xf32>
    tpu.vector_store %arg2[%swap3A, %swap3A_13], %div3A_12 {strides = array<i32>} : memref<80x128xf32, #tpu.memory_space<vmem>>, vector<80x128xf32>,
    return
  }
  func.func @transform_0(%arg0: i32) -> (i32, i32, i32) {
    %c0_i32 = arith.constant 0 : i32
    %c0_i32_0 = arith.constant 0 : i32
    %c0_i32_1 = arith.constant 0 : i32
    %c0_i32_2 = arith.constant 0 : i32
    return %c0_i32, %c0_i32_0, %c0_i32_1 : i32, i32, i32
  }
  func.func @transform_1(%arg0: i32) -> (i32, i32) {
    %c0_i32 = arith.constant 0 : i32
    %c0_i32_0 = arith.constant 0 : i32
    %c0_i32_1 = arith.constant 0 : i32
    return %c0_i32, %c0_i32_0 : i32, i32
  }
}

module attributes {stable_mosaic.version = 14 : i64} {
  func.func @body(%arg0: i32, %arg1: memref<2x1000x128xf32, #tpu.memory_space<vmem>>, %arg2: memref<1000x1xf32, #tpu.memory_space<vmem>>, %arg3: memref<1000x128xf32, #tpu.memory_space<vmem>>, %arg4: memref<128x128xf32, #tpu.memory_space<vmem>>, %arg5: memref<128x128xf32, #tpu.memory_space<vmem>>, %arg6: memref<1x128xf32, #tpu.memory_space<vmem>>, %arg7: memref<1x128xf32, #tpu.memory_space<vmem>>, %arg8: memref<1x128xf32, #tpu.memory_space<vmem>>, %arg9: memref<1000x128xf32, #tpu.memory_space<vmem>>) attributes {dimension_semantics = [#tpu.dimension_semantics<arbitrary>], iteration_bounds = array<i64: 10>, scalar_prefetch = 0 : i64, scratch_operands = 0 : i64, tpu.core_type = #tpu.core_type<tc>, window_params = [{transform_indices = @transform_0, window_bounds = array<i64: 2, 1000, 128>}, {transform_indices = @transform_1, window_bounds = array<i64: 1000, 1>}, {transform_indices = @transform_2, window_bounds = array<i64: 1000, 128>}, {pipeline_mode = #tpu.pipeline_mode<synchronous>, transform_indices = @transform_3, window_bounds = array<i64: 128, 128>}, {pipeline_mode = #tpu.pipeline_mode<synchronous>, transform_indices = @transform_4, window_bounds = array<i64: 128, 128>}, {pipeline_mode = #tpu.pipeline_mode<synchronous>, transform_indices = @transform_5, window_bounds = array<i64: 1, 128>}, {pipeline_mode = #tpu.pipeline_mode<synchronous>, transform_indices = @transform_6, window_bounds = array<i64: 1, 128>}, {pipeline_mode = #tpu.pipeline_mode<synchronous>, transform_indices = @transform_7, window_bounds = array<i64: 1, 128>}, {transform_indices = @transform_8, window_bounds = array<i64: 1000, 128>}]} {
    %get3A = arith.constant 0 : index
    %get3A_0 = arith.constant 0 : index
    %get3A_1 = arith.constant 0 : index
    %get3A_2 = vector.load %arg1[%get3A, %get3A_0, %get3A_1] : memref<2x1000x128xf32, #tpu.memory_space<vmem>>, vector<1x1000x128xf32>
    %get3A_3 = vector.shape_cast %get3A_2 : vector<1x1000x128xf32> to vector<1000x128xf32>
    %get3A_4 = arith.constant 1 : index
    %get3A_5 = arith.constant 0 : index
    %get3A_6 = arith.constant 0 : index
    %get3A_7 = vector.load %arg1[%get3A_4, %get3A_5, %get3A_6] : memref<2x1000x128xf32, #tpu.memory_space<vmem>>, vector<1x1000x128xf32>
    %get3A_8 = vector.shape_cast %get3A_7 : vector<1x1000x128xf32> to vector<1000x128xf32>
    %add3A = arith.addf %get3A_3, %get3A_8 : vector<1000x128xf32>
    %get3A_9 = arith.constant 0 : index
    %get3A_10 = arith.constant 0 : index
    %get3A_11 = vector.load %arg2[%get3A_9, %get3A_10] : memref<1000x1xf32, #tpu.memory_space<vmem>>, vector<1000x1xf32>
    %mul3A = vector.broadcast %get3A_11 : vector<1000x1xf32> to vector<1000x128xf32>
    %mul3A_12 = arith.mulf %add3A, %mul3A : vector<1000x128xf32>
    %get3A_13 = arith.constant 0 : index
    %get3A_14 = arith.constant 0 : index
    %get3A_15 = vector.load %arg4[%get3A_13, %get3A_14] : memref<128x128xf32, #tpu.memory_space<vmem>>, vector<128x128xf32>
    %dot_general3A = arith.constant dense<0.000000e+00> : vector<1000x128xf32>
    %dot_general3A_16 = tpu.matmul %mul3A_12, %get3A_15, %dot_general3A {dimension_numbers = #tpu.dot_dimension_numbers<[1], [0], [0], [1], [0, 0, 1, 1], [], []>, transpose_lhs_hint = false} : vector<1000x128xf32>, vector<128x128xf32>, vector<1000x128xf32> -> vector<1000x128xf32>
    %get3A_17 = arith.constant 0 : index
    %get3A_18 = arith.constant 0 : index
    %get3A_19 = vector.load %arg6[%get3A_17, %get3A_18] : memref<1x128xf32, #tpu.memory_space<vmem>>, vector<1x128xf32>
    %add3A_20 = vector.broadcast %get3A_19 : vector<1x128xf32> to vector<1000x128xf32>
    %add3A_21 = arith.addf %dot_general3A_16, %add3A_20 : vector<1000x128xf32>
    %get3A_22 = arith.constant 0 : index
    %get3A_23 = arith.constant 0 : index
    %get3A_24 = vector.load %arg3[%get3A_22, %get3A_23] : memref<1000x128xf32, #tpu.memory_space<vmem>>, vector<1000x128xf32>
    %get3A_25 = arith.constant 0 : index
    %get3A_26 = arith.constant 0 : index
    %get3A_27 = vector.load %arg5[%get3A_25, %get3A_26] : memref<128x128xf32, #tpu.memory_space<vmem>>, vector<128x128xf32>
    %dot_general3A_28 = arith.constant dense<0.000000e+00> : vector<1000x128xf32>
    %dot_general3A_29 = tpu.matmul %get3A_24, %get3A_27, %dot_general3A_28 {dimension_numbers = #tpu.dot_dimension_numbers<[1], [0], [0], [1], [0, 0, 1, 1], [], []>, transpose_lhs_hint = false} : vector<1000x128xf32>, vector<128x128xf32>, vector<1000x128xf32> -> vector<1000x128xf32>
    %add3A_30 = arith.addf %add3A_21, %dot_general3A_29 : vector<1000x128xf32>
    %max3A = arith.constant 0.000000e+00 : f32
    %max3A_31 = vector.broadcast %max3A : f32 to vector<1000x128xf32>
    %max3A_32 = arith.maximumf %add3A_30, %max3A_31 : vector<1000x128xf32>
    %get3A_33 = arith.constant 0 : index
    %get3A_34 = arith.constant 0 : index
    %get3A_35 = vector.load %arg7[%get3A_33, %get3A_34] : memref<1x128xf32, #tpu.memory_space<vmem>>, vector<1x128xf32>
    %mul3A_36 = arith.constant 0.999994993 : f32
    %mul3A_37 = vector.broadcast %mul3A_36 : f32 to vector<1x128xf32>
    %mul3A_38 = arith.mulf %get3A_35, %mul3A_37 : vector<1x128xf32>
    %mul3A_39 = vector.broadcast %mul3A_38 : vector<1x128xf32> to vector<1000x128xf32>
    %mul3A_40 = arith.mulf %max3A_32, %mul3A_39 : vector<1000x128xf32>
    %get3A_41 = arith.constant 0 : index
    %get3A_42 = arith.constant 0 : index
    %get3A_43 = vector.load %arg8[%get3A_41, %get3A_42] : memref<1x128xf32, #tpu.memory_space<vmem>>, vector<1x128xf32>
    %add3A_44 = vector.broadcast %get3A_43 : vector<1x128xf32> to vector<1000x128xf32>
    %add3A_45 = arith.addf %mul3A_40, %add3A_44 : vector<1000x128xf32>
    %swap3A = arith.constant 0 : index
    %swap3A_46 = arith.constant 0 : index
    %swap3A_47 = vector.load %arg9[%swap3A, %swap3A_46] : memref<1000x128xf32, #tpu.memory_space<vmem>>, vector<1000x128xf32>
    tpu.vector_store %arg9[%swap3A, %swap3A_46], %add3A_45 {strides = array<i32>} : memref<1000x128xf32, #tpu.memory_space<vmem>>, vector<1000x128xf32>,
    return
  }
  func.func @transform_0(%arg0: i32) -> (i32, i32, i32) {
    %c0_i32 = arith.constant 0 : i32
    %c0_i32_0 = arith.constant 0 : i32
    %c0_i32_1 = arith.constant 0 : i32
    return %c0_i32, %arg0, %c0_i32_0 : i32, i32, i32
  }
  func.func @transform_1(%arg0: i32) -> (i32, i32) {
    %c0_i32 = arith.constant 0 : i32
    %c0_i32_0 = arith.constant 0 : i32
    return %arg0, %c0_i32 : i32, i32
  }
  func.func @transform_2(%arg0: i32) -> (i32, i32) {
    %c0_i32 = arith.constant 0 : i32
    %c0_i32_0 = arith.constant 0 : i32
    return %arg0, %c0_i32 : i32, i32
  }
  func.func @transform_3(%arg0: i32) -> (i32, i32) {
    %c0_i32 = arith.constant 0 : i32
    %c0_i32_0 = arith.constant 0 : i32
    %c0_i32_1 = arith.constant 0 : i32
    return %c0_i32, %c0_i32_0 : i32, i32
  }
  func.func @transform_4(%arg0: i32) -> (i32, i32) {
    %c0_i32 = arith.constant 0 : i32
    %c0_i32_0 = arith.constant 0 : i32
    %c0_i32_1 = arith.constant 0 : i32
    return %c0_i32, %c0_i32_0 : i32, i32
  }
  func.func @transform_5(%arg0: i32) -> (i32, i32) {
    %c0_i32 = arith.constant 0 : i32
    %c0_i32_0 = arith.constant 0 : i32
    %c0_i32_1 = arith.constant 0 : i32
    return %c0_i32, %c0_i32_0 : i32, i32
  }
  func.func @transform_6(%arg0: i32) -> (i32, i32) {
    %c0_i32 = arith.constant 0 : i32
    %c0_i32_0 = arith.constant 0 : i32
    %c0_i32_1 = arith.constant 0 : i32
    return %c0_i32, %c0_i32_0 : i32, i32
  }
  func.func @transform_7(%arg0: i32) -> (i32, i32) {
    %c0_i32 = arith.constant 0 : i32
    %c0_i32_0 = arith.constant 0 : i32
    %c0_i32_1 = arith.constant 0 : i32
    return %c0_i32, %c0_i32_0 : i32, i32
  }
  func.func @transform_8(%arg0: i32) -> (i32, i32) {
    %c0_i32 = arith.constant 0 : i32
    %c0_i32_0 = arith.constant 0 : i32
    return %arg0, %c0_i32 : i32, i32
  }
}

module attributes {stable_mosaic.version = 14 : i64} {
  func.func @body(%arg0: i32, %arg1: memref<2x1000x128xf32, #tpu.memory_space<vmem>>, %arg2: memref<1000x1xf32, #tpu.memory_space<vmem>>, %arg3: memref<1000x128xf32, #tpu.memory_space<vmem>>, %arg4: memref<128x128xf32, #tpu.memory_space<vmem>>, %arg5: memref<128x128xf32, #tpu.memory_space<vmem>>, %arg6: memref<1x128xf32, #tpu.memory_space<vmem>>, %arg7: memref<1x128xf32, #tpu.memory_space<vmem>>, %arg8: memref<1x128xf32, #tpu.memory_space<vmem>>, %arg9: memref<1000x128xf32, #tpu.memory_space<vmem>>, %arg10: memref<1000x128xf32, #tpu.memory_space<vmem>>) attributes {dimension_semantics = [#tpu.dimension_semantics<arbitrary>], iteration_bounds = array<i64: 10>, scalar_prefetch = 0 : i64, scratch_operands = 0 : i64, tpu.core_type = #tpu.core_type<tc>, window_params = [{transform_indices = @transform_0, window_bounds = array<i64: 2, 1000, 128>}, {transform_indices = @transform_1, window_bounds = array<i64: 1000, 1>}, {transform_indices = @transform_2, window_bounds = array<i64: 1000, 128>}, {pipeline_mode = #tpu.pipeline_mode<synchronous>, transform_indices = @transform_3, window_bounds = array<i64: 128, 128>}, {pipeline_mode = #tpu.pipeline_mode<synchronous>, transform_indices = @transform_4, window_bounds = array<i64: 128, 128>}, {pipeline_mode = #tpu.pipeline_mode<synchronous>, transform_indices = @transform_5, window_bounds = array<i64: 1, 128>}, {pipeline_mode = #tpu.pipeline_mode<synchronous>, transform_indices = @transform_6, window_bounds = array<i64: 1, 128>}, {pipeline_mode = #tpu.pipeline_mode<synchronous>, transform_indices = @transform_7, window_bounds = array<i64: 1, 128>}, {transform_indices = @transform_8, window_bounds = array<i64: 1000, 128>}, {transform_indices = @transform_9, window_bounds = array<i64: 1000, 128>}]} {
    %get3A = arith.constant 0 : index
    %get3A_0 = arith.constant 0 : index
    %get3A_1 = arith.constant 0 : index
    %get3A_2 = vector.load %arg1[%get3A, %get3A_0, %get3A_1] : memref<2x1000x128xf32, #tpu.memory_space<vmem>>, vector<1x1000x128xf32>
    %get3A_3 = vector.shape_cast %get3A_2 : vector<1x1000x128xf32> to vector<1000x128xf32>
    %get3A_4 = arith.constant 1 : index
    %get3A_5 = arith.constant 0 : index
    %get3A_6 = arith.constant 0 : index
    %get3A_7 = vector.load %arg1[%get3A_4, %get3A_5, %get3A_6] : memref<2x1000x128xf32, #tpu.memory_space<vmem>>, vector<1x1000x128xf32>
    %get3A_8 = vector.shape_cast %get3A_7 : vector<1x1000x128xf32> to vector<1000x128xf32>
    %add3A = arith.addf %get3A_3, %get3A_8 : vector<1000x128xf32>
    %get3A_9 = arith.constant 0 : index
    %get3A_10 = arith.constant 0 : index
    %get3A_11 = vector.load %arg2[%get3A_9, %get3A_10] : memref<1000x1xf32, #tpu.memory_space<vmem>>, vector<1000x1xf32>
    %mul3A = vector.broadcast %get3A_11 : vector<1000x1xf32> to vector<1000x128xf32>
    %mul3A_12 = arith.mulf %add3A, %mul3A : vector<1000x128xf32>
    %get3A_13 = arith.constant 0 : index
    %get3A_14 = arith.constant 0 : index
    %get3A_15 = vector.load %arg4[%get3A_13, %get3A_14] : memref<128x128xf32, #tpu.memory_space<vmem>>, vector<128x128xf32>
    %dot_general3A = arith.constant dense<0.000000e+00> : vector<1000x128xf32>
    %dot_general3A_16 = tpu.matmul %mul3A_12, %get3A_15, %dot_general3A {dimension_numbers = #tpu.dot_dimension_numbers<[1], [0], [0], [1], [0, 0, 1, 1], [], []>, transpose_lhs_hint = false} : vector<1000x128xf32>, vector<128x128xf32>, vector<1000x128xf32> -> vector<1000x128xf32>
    %get3A_17 = arith.constant 0 : index
    %get3A_18 = arith.constant 0 : index
    %get3A_19 = vector.load %arg6[%get3A_17, %get3A_18] : memref<1x128xf32, #tpu.memory_space<vmem>>, vector<1x128xf32>
    %add3A_20 = vector.broadcast %get3A_19 : vector<1x128xf32> to vector<1000x128xf32>
    %add3A_21 = arith.addf %dot_general3A_16, %add3A_20 : vector<1000x128xf32>
    %get3A_22 = arith.constant 0 : index
    %get3A_23 = arith.constant 0 : index
    %get3A_24 = vector.load %arg3[%get3A_22, %get3A_23] : memref<1000x128xf32, #tpu.memory_space<vmem>>, vector<1000x128xf32>
    %get3A_25 = arith.constant 0 : index
    %get3A_26 = arith.constant 0 : index
    %get3A_27 = vector.load %arg5[%get3A_25, %get3A_26] : memref<128x128xf32, #tpu.memory_space<vmem>>, vector<128x128xf32>
    %dot_general3A_28 = arith.constant dense<0.000000e+00> : vector<1000x128xf32>
    %dot_general3A_29 = tpu.matmul %get3A_24, %get3A_27, %dot_general3A_28 {dimension_numbers = #tpu.dot_dimension_numbers<[1], [0], [0], [1], [0, 0, 1, 1], [], []>, transpose_lhs_hint = false} : vector<1000x128xf32>, vector<128x128xf32>, vector<1000x128xf32> -> vector<1000x128xf32>
    %add3A_30 = arith.addf %add3A_21, %dot_general3A_29 : vector<1000x128xf32>
    %max3A = arith.constant 0.000000e+00 : f32
    %max3A_31 = vector.broadcast %max3A : f32 to vector<1000x128xf32>
    %max3A_32 = arith.maximumf %add3A_30, %max3A_31 : vector<1000x128xf32>
    %get3A_33 = arith.constant 0 : index
    %get3A_34 = arith.constant 0 : index
    %get3A_35 = vector.load %arg7[%get3A_33, %get3A_34] : memref<1x128xf32, #tpu.memory_space<vmem>>, vector<1x128xf32>
    %mul3A_36 = arith.constant 0.999994993 : f32
    %mul3A_37 = vector.broadcast %mul3A_36 : f32 to vector<1x128xf32>
    %mul3A_38 = arith.mulf %get3A_35, %mul3A_37 : vector<1x128xf32>
    %mul3A_39 = vector.broadcast %mul3A_38 : vector<1x128xf32> to vector<1000x128xf32>
    %mul3A_40 = arith.mulf %max3A_32, %mul3A_39 : vector<1000x128xf32>
    %get3A_41 = arith.constant 0 : index
    %get3A_42 = arith.constant 0 : index
    %get3A_43 = vector.load %arg8[%get3A_41, %get3A_42] : memref<1x128xf32, #tpu.memory_space<vmem>>, vector<1x128xf32>
    %add3A_44 = vector.broadcast %get3A_43 : vector<1x128xf32> to vector<1000x128xf32>
    %add3A_45 = arith.addf %mul3A_40, %add3A_44 : vector<1000x128xf32>
    %get3A_46 = arith.constant 0 : index
    %get3A_47 = arith.constant 0 : index
    %get3A_48 = vector.load %arg9[%get3A_46, %get3A_47] : memref<1000x128xf32, #tpu.memory_space<vmem>>, vector<1000x128xf32>
    %add3A_49 = arith.addf %add3A_45, %get3A_48 : vector<1000x128xf32>
    %swap3A = arith.constant 0 : index
    %swap3A_50 = arith.constant 0 : index
    %swap3A_51 = vector.load %arg10[%swap3A, %swap3A_50] : memref<1000x128xf32, #tpu.memory_space<vmem>>, vector<1000x128xf32>
    tpu.vector_store %arg10[%swap3A, %swap3A_50], %add3A_49 {strides = array<i32>} : memref<1000x128xf32, #tpu.memory_space<vmem>>, vector<1000x128xf32>,
    return
  }
  func.func @transform_0(%arg0: i32) -> (i32, i32, i32) {
    %c0_i32 = arith.constant 0 : i32
    %c0_i32_0 = arith.constant 0 : i32
    %c0_i32_1 = arith.constant 0 : i32
    return %c0_i32, %arg0, %c0_i32_0 : i32, i32, i32
  }
  func.func @transform_1(%arg0: i32) -> (i32, i32) {
    %c0_i32 = arith.constant 0 : i32
    %c0_i32_0 = arith.constant 0 : i32
    return %arg0, %c0_i32 : i32, i32
  }
  func.func @transform_2(%arg0: i32) -> (i32, i32) {
    %c0_i32 = arith.constant 0 : i32
    %c0_i32_0 = arith.constant 0 : i32
    return %arg0, %c0_i32 : i32, i32
  }
  func.func @transform_3(%arg0: i32) -> (i32, i32) {
    %c0_i32 = arith.constant 0 : i32
    %c0_i32_0 = arith.constant 0 : i32
    %c0_i32_1 = arith.constant 0 : i32
    return %c0_i32, %c0_i32_0 : i32, i32
  }
  func.func @transform_4(%arg0: i32) -> (i32, i32) {
    %c0_i32 = arith.constant 0 : i32
    %c0_i32_0 = arith.constant 0 : i32
    %c0_i32_1 = arith.constant 0 : i32
    return %c0_i32, %c0_i32_0 : i32, i32
  }
  func.func @transform_5(%arg0: i32) -> (i32, i32) {
    %c0_i32 = arith.constant 0 : i32
    %c0_i32_0 = arith.constant 0 : i32
    %c0_i32_1 = arith.constant 0 : i32
    return %c0_i32, %c0_i32_0 : i32, i32
  }
  func.func @transform_6(%arg0: i32) -> (i32, i32) {
    %c0_i32 = arith.constant 0 : i32
    %c0_i32_0 = arith.constant 0 : i32
    %c0_i32_1 = arith.constant 0 : i32
    return %c0_i32, %c0_i32_0 : i32, i32
  }
  func.func @transform_7(%arg0: i32) -> (i32, i32) {
    %c0_i32 = arith.constant 0 : i32
    %c0_i32_0 = arith.constant 0 : i32
    %c0_i32_1 = arith.constant 0 : i32
    return %c0_i32, %c0_i32_0 : i32, i32
  }
  func.func @transform_8(%arg0: i32) -> (i32, i32) {
    %c0_i32 = arith.constant 0 : i32
    %c0_i32_0 = arith.constant 0 : i32
    return %arg0, %c0_i32 : i32, i32
  }
  func.func @transform_9(%arg0: i32) -> (i32, i32) {
    %c0_i32 = arith.constant 0 : i32
    %c0_i32_0 = arith.constant 0 : i32
    return %arg0, %c0_i32 : i32, i32
  }
}

module attributes {stable_mosaic.version = 14 : i64} {
  func.func @body(%arg0: i32, %arg1: memref<2x1000x128xf32, #tpu.memory_space<vmem>>, %arg2: memref<1000x1xf32, #tpu.memory_space<vmem>>, %arg3: memref<1000x128xf32, #tpu.memory_space<vmem>>, %arg4: memref<128x128xf32, #tpu.memory_space<vmem>>, %arg5: memref<128x128xf32, #tpu.memory_space<vmem>>, %arg6: memref<1x128xf32, #tpu.memory_space<vmem>>, %arg7: memref<1000x128xf32, #tpu.memory_space<vmem>>) attributes {dimension_semantics = [#tpu.dimension_semantics<arbitrary>], iteration_bounds = array<i64: 10>, scalar_prefetch = 0 : i64, scratch_operands = 0 : i64, tpu.core_type = #tpu.core_type<tc>, window_params = [{transform_indices = @transform_0, window_bounds = array<i64: 2, 1000, 128>}, {transform_indices = @transform_1, window_bounds = array<i64: 1000, 1>}, {transform_indices = @transform_2, window_bounds = array<i64: 1000, 128>}, {pipeline_mode = #tpu.pipeline_mode<synchronous>, transform_indices = @transform_3, window_bounds = array<i64: 128, 128>}, {pipeline_mode = #tpu.pipeline_mode<synchronous>, transform_indices = @transform_4, window_bounds = array<i64: 128, 128>}, {pipeline_mode = #tpu.pipeline_mode<synchronous>, transform_indices = @transform_5, window_bounds = array<i64: 1, 128>}, {transform_indices = @transform_6, window_bounds = array<i64: 1000, 128>}]} {
    %get3A = arith.constant 0 : index
    %get3A_0 = arith.constant 0 : index
    %get3A_1 = arith.constant 0 : index
    %get3A_2 = vector.load %arg1[%get3A, %get3A_0, %get3A_1] : memref<2x1000x128xf32, #tpu.memory_space<vmem>>, vector<1x1000x128xf32>
    %get3A_3 = vector.shape_cast %get3A_2 : vector<1x1000x128xf32> to vector<1000x128xf32>
    %get3A_4 = arith.constant 1 : index
    %get3A_5 = arith.constant 0 : index
    %get3A_6 = arith.constant 0 : index
    %get3A_7 = vector.load %arg1[%get3A_4, %get3A_5, %get3A_6] : memref<2x1000x128xf32, #tpu.memory_space<vmem>>, vector<1x1000x128xf32>
    %get3A_8 = vector.shape_cast %get3A_7 : vector<1x1000x128xf32> to vector<1000x128xf32>
    %add3A = arith.addf %get3A_3, %get3A_8 : vector<1000x128xf32>
    %get3A_9 = arith.constant 0 : index
    %get3A_10 = arith.constant 0 : index
    %get3A_11 = vector.load %arg2[%get3A_9, %get3A_10] : memref<1000x1xf32, #tpu.memory_space<vmem>>, vector<1000x1xf32>
    %mul3A = vector.broadcast %get3A_11 : vector<1000x1xf32> to vector<1000x128xf32>
    %mul3A_12 = arith.mulf %add3A, %mul3A : vector<1000x128xf32>
    %get3A_13 = arith.constant 0 : index
    %get3A_14 = arith.constant 0 : index
    %get3A_15 = vector.load %arg4[%get3A_13, %get3A_14] : memref<128x128xf32, #tpu.memory_space<vmem>>, vector<128x128xf32>
    %dot_general3A = arith.constant dense<0.000000e+00> : vector<1000x128xf32>
    %dot_general3A_16 = tpu.matmul %mul3A_12, %get3A_15, %dot_general3A {dimension_numbers = #tpu.dot_dimension_numbers<[1], [0], [0], [1], [0, 0, 1, 1], [], []>, transpose_lhs_hint = false} : vector<1000x128xf32>, vector<128x128xf32>, vector<1000x128xf32> -> vector<1000x128xf32>
    %get3A_17 = arith.constant 0 : index
    %get3A_18 = arith.constant 0 : index
    %get3A_19 = vector.load %arg6[%get3A_17, %get3A_18] : memref<1x128xf32, #tpu.memory_space<vmem>>, vector<1x128xf32>
    %add3A_20 = vector.broadcast %get3A_19 : vector<1x128xf32> to vector<1000x128xf32>
    %add3A_21 = arith.addf %dot_general3A_16, %add3A_20 : vector<1000x128xf32>
    %get3A_22 = arith.constant 0 : index
    %get3A_23 = arith.constant 0 : index
    %get3A_24 = vector.load %arg3[%get3A_22, %get3A_23] : memref<1000x128xf32, #tpu.memory_space<vmem>>, vector<1000x128xf32>
    %get3A_25 = arith.constant 0 : index
    %get3A_26 = arith.constant 0 : index
    %get3A_27 = vector.load %arg5[%get3A_25, %get3A_26] : memref<128x128xf32, #tpu.memory_space<vmem>>, vector<128x128xf32>
    %dot_general3A_28 = arith.constant dense<0.000000e+00> : vector<1000x128xf32>
    %dot_general3A_29 = tpu.matmul %get3A_24, %get3A_27, %dot_general3A_28 {dimension_numbers = #tpu.dot_dimension_numbers<[1], [0], [0], [1], [0, 0, 1, 1], [], []>, transpose_lhs_hint = false} : vector<1000x128xf32>, vector<128x128xf32>, vector<1000x128xf32> -> vector<1000x128xf32>
    %add3A_30 = arith.addf %add3A_21, %dot_general3A_29 : vector<1000x128xf32>
    %swap3A = arith.constant 0 : index
    %swap3A_31 = arith.constant 0 : index
    %swap3A_32 = vector.load %arg7[%swap3A, %swap3A_31] : memref<1000x128xf32, #tpu.memory_space<vmem>>, vector<1000x128xf32>
    tpu.vector_store %arg7[%swap3A, %swap3A_31], %add3A_30 {strides = array<i32>} : memref<1000x128xf32, #tpu.memory_space<vmem>>, vector<1000x128xf32>,
    return
  }
  func.func @transform_0(%arg0: i32) -> (i32, i32, i32) {
    %c0_i32 = arith.constant 0 : i32
    %c0_i32_0 = arith.constant 0 : i32
    %c0_i32_1 = arith.constant 0 : i32
    return %c0_i32, %arg0, %c0_i32_0 : i32, i32, i32
  }
  func.func @transform_1(%arg0: i32) -> (i32, i32) {
    %c0_i32 = arith.constant 0 : i32
    %c0_i32_0 = arith.constant 0 : i32
    return %arg0, %c0_i32 : i32, i32
  }
  func.func @transform_2(%arg0: i32) -> (i32, i32) {
    %c0_i32 = arith.constant 0 : i32
    %c0_i32_0 = arith.constant 0 : i32
    return %arg0, %c0_i32 : i32, i32
  }
  func.func @transform_3(%arg0: i32) -> (i32, i32) {
    %c0_i32 = arith.constant 0 : i32
    %c0_i32_0 = arith.constant 0 : i32
    %c0_i32_1 = arith.constant 0 : i32
    return %c0_i32, %c0_i32_0 : i32, i32
  }
  func.func @transform_4(%arg0: i32) -> (i32, i32) {
    %c0_i32 = arith.constant 0 : i32
    %c0_i32_0 = arith.constant 0 : i32
    %c0_i32_1 = arith.constant 0 : i32
    return %c0_i32, %c0_i32_0 : i32, i32
  }
  func.func @transform_5(%arg0: i32) -> (i32, i32) {
    %c0_i32 = arith.constant 0 : i32
    %c0_i32_0 = arith.constant 0 : i32
    %c0_i32_1 = arith.constant 0 : i32
    return %c0_i32, %c0_i32_0 : i32, i32
  }
  func.func @transform_6(%arg0: i32) -> (i32, i32) {
    %c0_i32 = arith.constant 0 : i32
    %c0_i32_0 = arith.constant 0 : i32
    return %arg0, %c0_i32 : i32, i32
  }
}

</mosaic_0001>

<sc_bundles>
// kernel: kernel.10.cloned.1.call-start
scs
__scs_entry_jumppad:
0x0: {  	(pc) =	sbr.rel $0x88, $3  }
0x1: {  	(tag) =	ssettag $0x0;
	lr =	simm.s32 $0x1  }
0x2: {  	[smem:$0x3F92] =	sst lr;
	_ =	strace $0xD0000000  }
0x3: {  	_ = 	snop  }
0x4: {  	_ = 	snop  }
0x5: {  	_ = 	snop  }
0x6: {  	_ = 	snop  }
0x7: {  	_ = 	snop  }
__scs_overlays_trampoline_lowered:
0x8: {  	[smem:$0x3FA1] =	sst s0  }
0x9: {  	[smem:$0x3FA2] =	sst s1  }
0xa: {  	[smem:$0x3FA3] =	sst s2  }
0xb: {  	[smem:$0x3FA4] =	sst s3  }
0xc: {  	[smem:$0x3FA5] =	sst s4  }
0xd: {  	[smem:$0x3FA6] =	sst s5  }
0xe: {  	[smem:$0x3FA7] =	sst s6  }
0xf: {  	[smem:$0x3FA8] =	sst s7  }
0x10: {  	[smem:$0x3FA9] =	sst s8  }
0x11: {  	[smem:$0x3FAA] =	sst s9;
	s0 =	simm.s32 @!p0 $0x0  }
0x12: {  	s1 =	sld [smem:$0x3F90];
	s0 =	simm.s32 @p0 $0x1  }
0x13: {  	[smem:$0x3FAB] =	sst s0;
	s0 =	simm.s32 @!p1 $0x0  }
0x14: {  	s2 =	sld [smem:$0x3F8F];
	s0 =	simm.s32 @p1 $0x1  }
0x15: {  	[smem:$0x3FAC] =	sst s0;
	s0 =	simm.s32 @!p2 $0x0  }
0x16: {  	s3 =	sld [smem:$0x3FDB];
	s0 =	simm.s32 @p2 $0x1  }
0x17: {  	s4 =	simm.s32 $0x1BF5;
	[smem:$0x3FAE] =	sst s0  }
0x18: {  	s0 =	sld [smem:$0x3F91];
	_ =	swait.ge [sflag:s4], $0x0  }
0x19: {  	s7 =	sld [smem:$0x3F92]  }
0x1a: {  	s8 =	sadd.s32 $0xFFFFE003, lr  }
0x1b: {  	s9 =	sadd.s32 $0xFFFFFEF7, lr;
	s5 =	simm.s32 $0xFFFFFFFF;
	p2 =	slt.u32 s8, $0xFFFFF086  }
0x1c: {  	p1 =	slt.u32 s9, $0xF7A;
	s5 =	simm.s32 @!p2 $0x0  }
0x1d: {  	s5 =	simm.s32 @p1 $0x1;
	p0 =	seq.s32 s7, s2  }
0x1e: {  	s7 =	smul.u32 @!p0 $0xF7A, s2;
	p2 =	seq.s32 @!p0 s5, $0x0  }
0x1f: {  	s9 =	smul.u32 $0xF7A, s1;
	s8 =	simm.s32 @!p0 $0x1BF5;
	p2 =	por !p2, p0  }
0x20: {  	[sflag:s8] =	ssyncset.s32 @!p0 $0xFFFFF086;
	s6 =	sadd.s32 @!p0 s3, s7;
	s7 =	simm.s32 @!p0 $0x108  }
0x21: {  	s3 =	sadd.s32 s3, s9;
	s6 =	sadd.s32 @!p0 $0x88, s6;
	s7 =	simm.s32 @p2 $0x1082  }
0x22: {  	[simem:s7], [sflag:s8] =	dma.local @!p0 [hbm:s6], $0xF7A  }
0x23: {  	s9 =	sor.u32 $0xD0000000, s2;
	s6 =	simm.s32 $0x108;
	_ =	swait.ge @!p0 [sflag:s8], $0x0  }
0x24: {  	s3 =	sadd.s32 $0x88, s3;
	s6 =	simm.s32 @!p1 $0x1082;
	[sflag:s4] =	ssyncset.s32 $0xFFFFF086  }
0x25: {  	[simem:s6], [sflag:s4] =	dma.local [hbm:s3], $0xF7A  }
0x26: {  	[smem:$0x3F92] =	sst s1;
	(tag) =	ssettag s2;
	_ =	strace s9  }
0x27: {  	s1 =	sld [smem:$0x3FA2]  }
0x28: {  	s2 =	sld [smem:$0x3FA3]  }
0x29: {  	s4 =	sld [smem:$0x3FA5]  }
0x2a: {  	p0 =	seq.s32 s5, $0x0;
	s5 =	sld [smem:$0x3FA6]  }
0x2b: {  	s6 =	sld [smem:$0x3FA7]  }
0x2c: {  	s7 =	sld [smem:$0x3FA8]  }
0x2d: {  	s3 =	simm.s32 $0x108;
	s8 =	sld [smem:$0x3FA9]  }
0x2e: {  	s3 =	simm.s32 @!p0 $0x1082;
	s9 =	sld [smem:$0x3FAA]  }
0x2f: {  	lr =	sadd.s32 s0, s3;
	s0 =	sld [smem:$0x3FA1]  }
0x30: {  	s3 =	sld [smem:$0x3FA4]  }
0x31: {  	[smem:$0x3FAD] =	sst s10  }
0x32: {  	s10 =	sld [smem:$0x3FAB];
	_ =	sdelay $0x3  }
0x33: {  	p0 =	seq.s32 s10, $0x1;
	s10 =	sld [smem:$0x3FAD];
	_ =	sdelay $0x3  }
0x34: {  	[smem:$0x3FAD] =	sst s10  }
0x35: {  	s10 =	sld [smem:$0x3FAC];
	_ =	sdelay $0x3  }
0x36: {  	p1 =	seq.s32 s10, $0x1;
	s10 =	sld [smem:$0x3FAD];
	_ =	sdelay $0x3  }
0x37: {  	[smem:$0x3FAD] =	sst s10  }
0x38: {  	s10 =	sld [smem:$0x3FAE]  }
0x39: {  	_ = 	snop;
	(pc) =	sbr.ind lr, $3  }
0x3a: {  	_ = 	snop  }
0x3b: {  	_ = 	snop  }
0x3c: {  	p2 =	seq.s32 s10, $0x1;
	s10 =	sld [smem:$0x3FAD]  }
0x3d: {  	_ =	shalt  }
0x3e: {  	_ =	shalt  }
0x3f: {  	_ =	shalt  }
0x40: {  	_ =	shalt  }
0x41: {  	_ =	shalt  }
0x42: {  	_ =	shalt  }
0x43: {  	_ =	shalt  }
0x44: {  	_ =	shalt  }
0x45: {  	_ =	shalt  }
0x46: {  	_ =	shalt  }
0x47: {  	_ =	shalt  }
0x48: {  	_ =	shalt  }
0x49: {  	_ =	shalt  }
0x4a: {  	_ =	shalt  }
0x4b: {  	_ =	shalt  }
0x4c: {  	_ =	shalt  }
0x4d: {  	_ =	shalt  }
0x4e: {  	_ =	shalt  }
0x4f: {  	_ =	shalt  }
0x50: {  	_ =	shalt  }
0x51: {  	_ =	shalt  }
0x52: {  	_ =	shalt  }
0x53: {  	_ =	shalt  }
0x54: {  	_ =	shalt  }
0x55: {  	_ =	shalt  }
0x56: {  	_ =	shalt  }
0x57: {  	_ =	shalt  }
0x58: {  	_ =	shalt  }
0x59: {  	_ =	shalt  }
0x5a: {  	_ =	shalt  }
0x5b: {  	_ =	shalt  }
0x5c: {  	_ =	shalt  }
0x5d: {  	_ =	shalt  }
0x5e: {  	_ =	shalt  }
0x5f: {  	_ =	shalt  }
0x60: {  	_ =	shalt  }
0x61: {  	_ =	shalt  }
0x62: {  	_ =	shalt  }
0x63: {  	_ =	shalt  }
0x64: {  	_ =	shalt  }
0x65: {  	_ =	shalt  }
0x66: {  	_ =	shalt  }
0x67: {  	_ =	shalt  }
0x68: {  	_ =	shalt  }
0x69: {  	_ =	shalt  }
0x6a: {  	_ =	shalt  }
0x6b: {  	_ =	shalt  }
0x6c: {  	_ =	shalt  }
0x6d: {  	_ =	shalt  }
0x6e: {  	_ =	shalt  }
0x6f: {  	_ =	shalt  }
0x70: {  	_ =	shalt  }
0x71: {  	_ =	shalt  }
0x72: {  	_ =	shalt  }
0x73: {  	_ =	shalt  }
0x74: {  	_ =	shalt  }
0x75: {  	_ =	shalt  }
0x76: {  	_ =	shalt  }
0x77: {  	_ =	shalt  }
0x78: {  	_ =	shalt  }
0x79: {  	_ =	shalt  }
0x7a: {  	_ =	shalt  }
0x7b: {  	_ =	shalt  }
0x7c: {  	_ =	shalt  }
0x7d: {  	_ =	shalt  }
0x7e: {  	_ =	shalt  }
0x7f: {  	_ =	shalt  }
0x80: {  	_ =	shalt  }
0x81: {  	_ =	shalt  }
0x82: {  	_ =	shalt  }
0x83: {  	_ =	shalt  }
0x84: {  	_ =	shalt  }
0x85: {  	_ =	shalt  }
0x86: {  	_ =	shalt  }
0x87: {  	_ =	shalt  }
.Lfunc_end0:
.L_simem_size_0:
called_computation_lowered:
.L_overlay_start_0:
0x88: {  	s2 =	sld [smem:$0x3FD9]  }
0x89: {  	s3 =	sld [smem:$0x3FFE];
	_ =	sdelay $0x1  }
0x8a: {  	s1 =	srdreg.scid  }
0x8b: {  	s0 =	sand.u32 $0x1, s1  }
0x8c: {  	s17 =	sshll.u32 s0, $0xA;
	s2 =	sadd.s32 s3, s2  }
0x8d: {  	s2 =	sadd.s32 s2, s17  }
0x8e: {  	[smem:$0x3FB9] =	sst s2  }
0x8f: {  	_ = 	snop  }
0x90: {  	s2 =	sld [smem:$0x3FD0];
	(tm) =	ssettm $0x1  }
0x91: {  	s18 =	sld [smem:$0x3FFB];
	_ =	sdelay $0x3  }
0x92: {  	_ =	strace s18  }
0x93: {  	s3 =	sld [smem:$0x3FFC];
	_ =	sdelay $0x3  }
0x94: {  	_ =	strace s3  }
0x95: {  	s3 =	sld [smem:$0x3FFD];
	_ =	sdelay $0x3  }
0x96: {  	_ =	strace s3  }
0x97: {  	_ =	strace $0x8FFFFFFF  }
0x98: {  	s19 =	sld [smem:$0x3FDB];
	_ =	sdelay $0x1  }
0x99: {  	s4 =	simm.s32 $_scs_section_size  }
0x9a: {  	s5 =	simm.s32 $_size__tile_overlayer_lowered;
	s6 =	simm.s32 $_tile_overlayer_lowered  }
0x9b: {  	s22 =	simm.s32 $0x1BFF;
	s21 =	sshll.u32 s6, $0x1;
	s3 =	sadd.s32 s4, s19  }
0x9c: {  	s7 =	simm.s32 $0x0;
	s20 =	sshll.u32 s5, $0x1;
	s5 =	sadd.s32 s21, s3  }
0x9d: {  	[timem:s7], [sflag:s22] =	dma.local [hbm:s5], s20  }
0x9e: {  	_ =	swait.ge [sflag:s22], s20  }
0x9f: {  	s4 =	ssub.s32 $0x0, s20;
	[sflag:s22] =	ssyncset.done $0x0  }
0xa0: {  	[sflag:s22] =	ssyncadd.s32 s4;
	_ =	sdelay $0x1  }
0xa1: {  	s23 =	simm.s32 $0x1B8B  }
0xa2: {  	_ =	swait.ge [sflag:s23], $0x1  }
0xa3: {  	[sflag:s23] =	ssyncset.done $0x0  }
0xa4: {  	s25 =	simm.s32 $0x1B8E;
	s24 =	sld [smem:$0x3FFE];
	[sflag:s23] =	ssyncadd.s32 $0xFFFFFFFF  }
0xa5: {  	s26 =	simm.s32 $execute0_lowered;
	[smem:$0x3FD2] =	sst s25  }
0xa6: {  	s5 =	sshll.u32 s26, $0x1;
	_ =	strace $0x80000046;
	[dreg:$0x1] =	wrdreg $0xFFFFFFFF  }
0xa7: {  	s28 =	simm.s32 $_size_execute0_lowered;
	s3 =	sadd.s32 s3, s5;
	[dreg:$0x0] =	wrdreg $0x0  }
0xa8: {  	s5 =	sshll.u32 s28, $0x1;
	[dreg:$0x2] =	wrdreg s3  }
0xa9: {  	[dreg:$0x3] =	wrdreg s5  }
0xaa: {  	[dreg:$0x4] =	wrdreg $0xC0  }
0xab: {  	_ =	task [dreg:s7], $0x5FFFF  }
0xac: {  	[dreg:$0x1] =	wrdreg $0xFFFFFFFF  }
0xad: {  	[dreg:$0x0] =	wrdreg $0x60  }
0xae: {  	[dreg:$0x2] =	wrdreg s2  }
0xaf: {  	[dreg:$0x3] =	wrdreg s24  }
0xb0: {  	[dreg:$0x4] =	wrdreg $0x29800  }
0xb1: {  	[dreg:$0x5] =	wrdreg $0x9  }
0xb2: {  	_ =	task.clear_ibuf [dreg:s7], $0x6FFFF;
	_ =	strace $0x90000046  }
0xb3: {  	s29 =	simm.s32 $0x9;
	_ =	strace $0x80000048  }
0xb4: {  	_ =	swait.ge [sflag:s29], $0x1  }
0xb5: {  	[sflag:s29] =	ssyncadd.s32 $0xFFFFFFFF  }
0xb6: {  	_ =	strace $0x90000048  }
0xb7: {  	_ =	sfence  }
0xb8: {  	s30 =	sld [smem:$0x0];
	_ =	sdelay $0x2  }
0xb9: {  	s31 =	sshll.u32 s1, $0xD;
	s1 =	sshrl.u32 s1, $0x2  }
0xba: {  	s3 =	sand.u32 $0x4000, s31;
	s1 =	sadd.s32 s1, s30  }
0xbb: {  	s0 =	sor.u32 s3, s0;
	s1 =	sshll.u32 s1, $0x11  }
0xbc: {  	s0 =	sor.u32 s1, s0  }
0xbd: {  	s0 =	sadd.s32 $0x8F2B, s0  }
0xbe: {  	[sflag:s0] =	ssyncadd.remote.s32 $0x1  }
0xbf: {  	_ =	sfence.sel $0xFFFF  }
0xc0: {  	[dreg:$0x0] =	wrdreg $0xFFFFFFFF;
	(pc) =	sbr.abs _section_cstart, $3  }
0xc1: {  	[dreg:$0x1] =	wrdreg $0xFFFFFFFF  }
0xc2: {  	_ =	task.clear_ibuf [dreg:s7], $0x2FFFF;
	_ =	strace $0x9FFFFFFF  }
0xc3: {  	(tm) =	ssettm $0x7FFFFFFF  }
tec
execute0_lowered:
.L_overlay_start_1:
0x0: {  	(tag) =	ssettag $0x1  }
0x1: {  	s8 =	rddreg [dreg:$0x0]  }
0x2: {  	s3 =	rddreg [dreg:$0x1];
	s0 =	srdreg.scid  }
0x3: {  	s1 =	rddreg [dreg:$0x2];
	s9 =	stileid.u32;
	s2 =	simm.s32 $0x0  }
0x4: {  	s12 =	simm.s32 $0x2;
	s13 =	simm.s32 $0x50;
	s14 =	simm.s32 $0x2900  }
0x5: {  	s15 =	simm.s32 $0x3;
	s4 =	sand.u32 $0x1, s0;
	s0 =	rddreg [dreg:$0x3]  }
0x6: {  	s17 =	simm.s32 $0x0;
	[smem:$0x7FF] =	sst s2;
	s10 =	smul.u32 $0x2800, s9  }
0x7: {  	p0 =	sne.s32 s9, $0x0;
	s5 =	sshll.u32 s4, $0x4;
	s6 =	smul.u32 $0x500, s4  }
0x8: {  	_ =	strace $0x80000047;
	s7 =	smul.u32 $0x28000, s4;
	s4 =	ssub.s32 $0x2, s4  }
0x9: {  	s16 =	sshrl.u32 @!p0 s1, $0x3;
	s5 =	sor.u32 s9, s5;
	s11 =	sshrl.u32 s4, $0x1  }
0xa: {  	s9 =	simm.s32 $0x80;
	s5 =	smul.u32 $0x2800, s5;
	s7 =	sadd.s32 s10, s7  }
0xb: {  	s6 =	sadd.s32 s6, s3;
	s11 =	ssub.s32 s4, s11;
	s10 =	sor.u32 $0x180, s7  }
0xc: {  	s7 =	sor.u32 $0x100, s7;
	s5 =	sshrl.u32 s5, $0x3;
	s10 =	sshrl.u32 s10, $0x3  }
0xd: {  	v0 =	vlaneseq.u32;
	s31 =	sshrl.u32 s7, $0x3;
	s3 =	sadd.s32 s8, s5;
	s5 =	sadd.s32 $0xD800, s6  }
0xe: {  	v1 =	vimm.f32 $0.0e+00;
	v6 =	vimm.f32 $1.000000000e+00;
	v2 =	vor.u32 $0x10, v0;
	s6 =	smax.u32 s11, $0x1;
	s7 =	sadd.s32 s10, s8;
	s8 =	sadd.s32 s31, s8  }
0xf: {  	v3 =	vor.u32 $0x20, v0;
	v4 =	vor.u32 $0x30, v0;
	v5 =	vor.u32 $0x40, v0;
	s10 =	simm.s32 $0x1;
	s11 =	simm.s32 $0x100;
	s4 =	sadd.s32 $0x10, s3  }
.LBB2_1:
0x10: {  	s18 =	simm.s32 $0x0;
	s19 =	simm.s32 $0x200  }
.LBB2_2:
0x11: {  	p1 =	sne.s32 s19, $0x9E00;
	[tilespmem:s18+$0x170] =	vst v1  }
0x12: {  	[tilespmem:s18+$0x100] =	vst v1  }
0x13: {  	[tilespmem:s18+$0x110] =	vst v1  }
.Ltmp0:
0x14: {  	[tilespmem:s18+$0x120] =	vst v1;
	(pc) =	sbr.rel @p1 .LBB2_2-.Ltmp0, $4  }
0x15: {  	[tilespmem:s18+$0x130] =	vst v1  }
0x16: {  	[tilespmem:s18+$0x140] =	vst v1  }
0x17: {  	[tilespmem:s18+$0x150] =	vst v1  }
0x18: {  	[tilespmem:s18+$0x160] =	vst v1;
	s18 =	sshra.s32 s19, $0x2;
	s19 =	sadd.s32 $0x200, s19  }
0x19: {  	[tilespmem:s18+$0x170] =	vst v1  }
0x1a: {  	[tilespmem:s18+$0x100] =	vst v1  }
0x1b: {  	[tilespmem:s18+$0x110] =	vst v1  }
0x1c: {  	[tilespmem:s18+$0x120] =	vst v1  }
0x1d: {  	[tilespmem:s18+$0x130] =	vst v1  }
0x1e: {  	[tilespmem:s18+$0x140] =	vst v1  }
0x1f: {  	[tilespmem:s18+$0x150] =	vst v1  }
0x20: {  	[tilespmem:s18+$0x160] =	vst v1;
	s18 =	simm.s32 @!p0 $0x100  }
0x21: {  	[spmem:s1] =	stream.linear.scatter @!p0 [tilespmem:s18], [sflag:$0x3], $0x2800, $0x38;
	[tilespmem:$0x2C00] =	vst v63  }
0x22: {  	s18 =	simm.s32 @!p0 $0x3  }
0x23: {  	_ =	swait.ge @!p0 [sflag:s18], $0x2800  }
0x24: {  	[sflag:s18] =	ssyncset.done @!p0 $0x0  }
0x25: {  	[sflag:s18] =	ssyncadd.s32 @!p0 $0xFFFFD800  }
0x26: {  	[tilespmem:$0x2900] =	vst v0  }
0x27: {  	[tilespmem:$0x2910] =	vst v2  }
0x28: {  	[tilespmem:$0x2920] =	vst v3  }
0x29: {  	[tilespmem:$0x2930] =	vst v4  }
0x2a: {  	[tilespmem:$0x2940] =	vst v5  }
0x2b: {  	s18 =	simm.s32 $0x0;
	[bflag:$0x0] =	sbarrier.arrive $0xFFFF  }
0x2c: {  	[tilespmem:s18], [sflag:$0x1] =	stream.linear.gather [hbm4b:s3+s18], $0x80, $0x38;
	[tilespmem:$0x2C00] =	vst v63  }
0x2d: {  	_ = 	snop  }
0x2e: {  	[tilespmem:s9], [sflag:$0x2] =	stream.linear.gather [hbm4b:s4+s18], $0x80, $0x38;
	[tilespmem:$0x2C00] =	vst v63  }
.LBB2_4:
0x2f: {  	_ =	swait.ge [sflag:s10], $0x80  }
0x30: {  	[sflag:s10] =	ssyncset.done $0x0  }
0x31: {  	[sflag:s10] =	ssyncadd.s32 $0xFFFFFF80  }
0x32: {  	v7 =	vld [tilespmem:$0x0];
	_ =	sdelay $0x7  }
0x33: {  	[tilespmem:v7+s11+$0x0] =	vst.idx.add.f32.msk $0xffff, v6  }
0x34: {  	v7 =	vld [tilespmem:$0x10];
	_ =	sdelay $0x7  }
0x35: {  	[tilespmem:v7+s11+$0x0] =	vst.idx.add.f32.msk $0xffff, v6  }
0x36: {  	v7 =	vld [tilespmem:$0x20];
	_ =	sdelay $0x7  }
0x37: {  	[tilespmem:v7+s11+$0x0] =	vst.idx.add.f32.msk $0xffff, v6  }
0x38: {  	v7 =	vld [tilespmem:$0x30];
	_ =	sdelay $0x7  }
0x39: {  	[tilespmem:v7+s11+$0x0] =	vst.idx.add.f32.msk $0xffff, v6  }
0x3a: {  	v7 =	vld [tilespmem:$0x40];
	_ =	sdelay $0x7  }
0x3b: {  	[tilespmem:v7+s11+$0x0] =	vst.idx.add.f32.msk $0xffff, v6  }
0x3c: {  	v7 =	vld [tilespmem:$0x50];
	_ =	sdelay $0x7  }
0x3d: {  	[tilespmem:v7+s11+$0x0] =	vst.idx.add.f32.msk $0xffff, v6  }
0x3e: {  	v7 =	vld [tilespmem:$0x60];
	_ =	sdelay $0x7  }
0x3f: {  	[tilespmem:v7+s11+$0x0] =	vst.idx.add.f32.msk $0xffff, v6  }
0x40: {  	v7 =	vld [tilespmem:$0x70];
	_ =	sdelay $0x7  }
0x41: {  	s19 =	sadd.s32 s18, s8;
	[tilespmem:v7+s11+$0x0] =	vst.idx.add.f32.msk $0xffff, v6  }
0x42: {  	[tilespmem:s2], [sflag:$0x1] =	stream.linear.gather [hbm4b:s19+s2], $0x80, $0x38;
	[tilespmem:$0x2C00] =	vst v63  }
0x43: {  	_ =	swait.ge [sflag:s12], $0x80  }
0x44: {  	[sflag:s12] =	ssyncset.done $0x0  }
0x45: {  	[sflag:s12] =	ssyncadd.s32 $0xFFFFFF80  }
0x46: {  	v7 =	vld [tilespmem:$0x80];
	_ =	sdelay $0x7  }
0x47: {  	[tilespmem:v7+s11+$0x0] =	vst.idx.add.f32.msk $0xffff, v6  }
0x48: {  	v7 =	vld [tilespmem:$0x90];
	_ =	sdelay $0x7  }
0x49: {  	[tilespmem:v7+s11+$0x0] =	vst.idx.add.f32.msk $0xffff, v6  }
0x4a: {  	v7 =	vld [tilespmem:$0xA0];
	_ =	sdelay $0x7  }
0x4b: {  	[tilespmem:v7+s11+$0x0] =	vst.idx.add.f32.msk $0xffff, v6  }
0x4c: {  	v7 =	vld [tilespmem:$0xB0];
	_ =	sdelay $0x7  }
0x4d: {  	[tilespmem:v7+s11+$0x0] =	vst.idx.add.f32.msk $0xffff, v6  }
0x4e: {  	v7 =	vld [tilespmem:$0xC0];
	_ =	sdelay $0x7  }
0x4f: {  	[tilespmem:v7+s11+$0x0] =	vst.idx.add.f32.msk $0xffff, v6  }
0x50: {  	v7 =	vld [tilespmem:$0xD0];
	_ =	sdelay $0x7  }
0x51: {  	[tilespmem:v7+s11+$0x0] =	vst.idx.add.f32.msk $0xffff, v6  }
0x52: {  	v7 =	vld [tilespmem:$0xE0];
	_ =	sdelay $0x7  }
0x53: {  	[tilespmem:v7+s11+$0x0] =	vst.idx.add.f32.msk $0xffff, v6  }
0x54: {  	v7 =	vld [tilespmem:$0xF0];
	_ =	sdelay $0x3  }
0x55: {  	p1 =	sne.s32 s18, $0x4C0  }
.Ltmp1:
0x56: {  	_ = 	snop;
	(pc) =	sbr.rel @p1 .LBB2_4-.Ltmp1, $3  }
0x57: {  	_ =	sdelay $0x1  }
0x58: {  	s31 =	sadd.s32 s18, s7;
	s18 =	sadd.s32 $0x20, s18;
	[tilespmem:v7+s11+$0x0] =	vst.idx.add.f32.msk $0xffff, v6  }
0x59: {  	[tilespmem:s9], [sflag:$0x2] =	stream.linear.gather [hbm4b:s31+s2], $0x80, $0x38;
	[tilespmem:$0x2C00] =	vst v63  }
0x5a: {  	_ =	swait.ge [sflag:s10], $0x80  }
0x5b: {  	[sflag:s10] =	ssyncset.done $0x0  }
0x5c: {  	[sflag:s10] =	ssyncadd.s32 $0xFFFFFF80  }
0x5d: {  	v7 =	vld [tilespmem:$0x0];
	_ =	sdelay $0x7  }
0x5e: {  	[tilespmem:v7+s11+$0x0] =	vst.idx.add.f32.msk $0xffff, v6  }
0x5f: {  	v7 =	vld [tilespmem:$0x10];
	_ =	sdelay $0x7  }
0x60: {  	[tilespmem:v7+s11+$0x0] =	vst.idx.add.f32.msk $0xffff, v6  }
0x61: {  	v7 =	vld [tilespmem:$0x20];
	_ =	sdelay $0x7  }
0x62: {  	[tilespmem:v7+s11+$0x0] =	vst.idx.add.f32.msk $0xffff, v6  }
0x63: {  	v7 =	vld [tilespmem:$0x30];
	_ =	sdelay $0x7  }
0x64: {  	[tilespmem:v7+s11+$0x0] =	vst.idx.add.f32.msk $0xffff, v6  }
0x65: {  	v7 =	vld [tilespmem:$0x40];
	_ =	sdelay $0x7  }
0x66: {  	[tilespmem:v7+s11+$0x0] =	vst.idx.add.f32.msk $0xffff, v6  }
0x67: {  	v7 =	vld [tilespmem:$0x50];
	_ =	sdelay $0x7  }
0x68: {  	[tilespmem:v7+s11+$0x0] =	vst.idx.add.f32.msk $0xffff, v6  }
0x69: {  	v7 =	vld [tilespmem:$0x60];
	_ =	sdelay $0x7  }
0x6a: {  	[tilespmem:v7+s11+$0x0] =	vst.idx.add.f32.msk $0xffff, v6  }
0x6b: {  	v7 =	vld [tilespmem:$0x70];
	_ =	sdelay $0x7  }
0x6c: {  	[tilespmem:v7+s11+$0x0] =	vst.idx.add.f32.msk $0xffff, v6  }
0x6d: {  	_ =	swait.ge [sflag:s12], $0x80  }
0x6e: {  	[sflag:s12] =	ssyncset.done $0x0  }
0x6f: {  	[sflag:s12] =	ssyncadd.s32 $0xFFFFFF80  }
0x70: {  	v7 =	vld [tilespmem:$0x80];
	_ =	sdelay $0x7  }
0x71: {  	[tilespmem:v7+s11+$0x0] =	vst.idx.add.f32.msk $0xffff, v6  }
0x72: {  	v7 =	vld [tilespmem:$0x90];
	_ =	sdelay $0x7  }
0x73: {  	[tilespmem:v7+s11+$0x0] =	vst.idx.add.f32.msk $0xffff, v6  }
0x74: {  	v7 =	vld [tilespmem:$0xA0];
	_ =	sdelay $0x7  }
0x75: {  	[tilespmem:v7+s11+$0x0] =	vst.idx.add.f32.msk $0xffff, v6  }
0x76: {  	v7 =	vld [tilespmem:$0xB0];
	_ =	sdelay $0x7  }
0x77: {  	[tilespmem:v7+s11+$0x0] =	vst.idx.add.f32.msk $0xffff, v6  }
0x78: {  	v7 =	vld [tilespmem:$0xC0];
	_ =	sdelay $0x7  }
0x79: {  	[tilespmem:v7+s11+$0x0] =	vst.idx.add.f32.msk $0xffff, v6  }
0x7a: {  	v7 =	vld [tilespmem:$0xD0];
	_ =	sdelay $0x7  }
0x7b: {  	[tilespmem:v7+s11+$0x0] =	vst.idx.add.f32.msk $0xffff, v6  }
0x7c: {  	v7 =	vld [tilespmem:$0xE0];
	_ =	sdelay $0x7  }
0x7d: {  	[tilespmem:v7+s11+$0x0] =	vst.idx.add.f32.msk $0xffff, v6  }
0x7e: {  	v7 =	vld [tilespmem:$0xF0];
	_ =	sdelay $0x7  }
0x7f: {  	[tilespmem:v7+s11+$0x0] =	vst.idx.add.f32.msk $0xffff, v6  }
0x80: {  	[spmem:s1] =	stream.indirect.scatter.add.f32 [tilespmem:s11], [sflag:$0x3], $0x80, s14, s13, $0xb8;
	[tilespmem:$0x2C00] =	vst v63  }
0x81: {  	_ =	swait.ge [sflag:s15], $0x2800  }
0x82: {  	[sflag:s15] =	ssyncset.done $0x0  }
0x83: {  	s17 =	sadd.s32 $0x1, s17;
	[sflag:s15] =	ssyncadd.s32 $0xFFFFD800  }
0x84: {  	s18 =	simm.s32 @!p0 $0x1C03;
	p1 =	sne.s32 s17, s6;
	[bflag:$0x0] =	sbarrier.arrive $0xFFFF  }
0x85: {  	[hbm:s5], [sflag:s18] =	dma.local @!p0 [spmem:s16], $0x500  }
.Ltmp2:
0x86: {  	_ = 	snop;
	(pc) =	sbr.rel @p1 .LBB2_1-.Ltmp2, $4  }
0x87: {  	s18 =	simm.s32 @!p0 $0x3  }
0x88: {  	_ =	swait.ge @!p0 [sflag:s18], $0x500  }
0x89: {  	[sflag:s18] =	ssyncset.done @!p0 $0x0  }
0x8a: {  	[sflag:s18] =	ssyncadd.s32 @!p0 $0xFFFFFB00  }
0x8b: {  	_ =	sfence.sel $0x180000  }
0x8c: {  	[bflag:$0x0] =	sbarrier.arrive $0xFFFF  }
0x8d: {  	_ =	strace $0x90000047  }
0x8e: {  	s0 =	sadd.s32 @!p0 $0x100000, s0;
	[bflag:$0x2] =	sbarrier.arrive $0xFFFF  }
0x8f: {  	[sflag:s0] =	ssyncadd.tile.s32 @!p0 $0x1;
	_ =	shalt  }
.Lfunc_end2:
_tile_overlayer_lowered:
.L_overlay_start_2:
0x90: {  	(tag) =	ssettag $0x2  }
0x91: {  	s0 =	rddreg [dreg:$0x0];
	s2 =	stileid.u32  }
0x92: {  	s1 =	rddreg [dreg:$0x1];
	p0 =	sne.s32 s2, $0x0  }
0x93: {  	s3 =	rddreg [dreg:$0x2];
	[bflag:$0x3] =	sbarrier.arrive $0xFFFF;
	s2 =	simm.s32 @!p0 $0x1C03  }
0x94: {  	[timem:s3], [sflag:s2] =	dma.local @!p0 [hbm:s0], s1  }
0x95: {  	s0 =	simm.s32 @!p0 $0x3  }
0x96: {  	_ =	swait.ge @!p0 [sflag:s0], s1  }
0x97: {  	s1 =	ssub.s32 @!p0 $0x0, s1;
	[sflag:s0] =	ssyncset.done @!p0 $0x0  }
0x98: {  	[sflag:s0] =	ssyncadd.s32 @!p0 s1  }
0x99: {  	[bflag:$0x3] =	sbarrier.arrive $0xFFFF  }
0x9a: {  	_ =	shalt  }

// kernel: kernel.13.cloned.1.call-start
scs
__scs_entry_jumppad:
0x0: {  	(pc) =	sbr.rel $0x88, $3  }
0x1: {  	(tag) =	ssettag $0x0;
	lr =	simm.s32 $0x1  }
0x2: {  	[smem:$0x3F92] =	sst lr;
	_ =	strace $0xD0000000  }
0x3: {  	_ = 	snop  }
0x4: {  	_ = 	snop  }
0x5: {  	_ = 	snop  }
0x6: {  	_ = 	snop  }
0x7: {  	_ = 	snop  }
__scs_overlays_trampoline_lowered:
0x8: {  	[smem:$0x3FA1] =	sst s0  }
0x9: {  	[smem:$0x3FA2] =	sst s1  }
0xa: {  	[smem:$0x3FA3] =	sst s2  }
0xb: {  	[smem:$0x3FA4] =	sst s3  }
0xc: {  	[smem:$0x3FA5] =	sst s4  }
0xd: {  	[smem:$0x3FA6] =	sst s5  }
0xe: {  	[smem:$0x3FA7] =	sst s6  }
0xf: {  	[smem:$0x3FA8] =	sst s7  }
0x10: {  	[smem:$0x3FA9] =	sst s8  }
0x11: {  	[smem:$0x3FAA] =	sst s9;
	s0 =	simm.s32 @!p0 $0x0  }
0x12: {  	s1 =	sld [smem:$0x3F90];
	s0 =	simm.s32 @p0 $0x1  }
0x13: {  	[smem:$0x3FAB] =	sst s0;
	s0 =	simm.s32 @!p1 $0x0  }
0x14: {  	s2 =	sld [smem:$0x3F8F];
	s0 =	simm.s32 @p1 $0x1  }
0x15: {  	[smem:$0x3FAC] =	sst s0;
	s0 =	simm.s32 @!p2 $0x0  }
0x16: {  	s3 =	sld [smem:$0x3FDB];
	s0 =	simm.s32 @p2 $0x1  }
0x17: {  	s4 =	simm.s32 $0x1BF5;
	[smem:$0x3FAE] =	sst s0  }
0x18: {  	s0 =	sld [smem:$0x3F91];
	_ =	swait.ge [sflag:s4], $0x0  }
0x19: {  	s7 =	sld [smem:$0x3F92]  }
0x1a: {  	s8 =	sadd.s32 $0xFFFFE003, lr  }
0x1b: {  	s9 =	sadd.s32 $0xFFFFFEF7, lr;
	s5 =	simm.s32 $0xFFFFFFFF;
	p2 =	slt.u32 s8, $0xFFFFF086  }
0x1c: {  	p1 =	slt.u32 s9, $0xF7A;
	s5 =	simm.s32 @!p2 $0x0  }
0x1d: {  	s5 =	simm.s32 @p1 $0x1;
	p0 =	seq.s32 s7, s2  }
0x1e: {  	s7 =	smul.u32 @!p0 $0xF7A, s2;
	p2 =	seq.s32 @!p0 s5, $0x0  }
0x1f: {  	s9 =	smul.u32 $0xF7A, s1;
	s8 =	simm.s32 @!p0 $0x1BF5;
	p2 =	por !p2, p0  }
0x20: {  	[sflag:s8] =	ssyncset.s32 @!p0 $0xFFFFF086;
	s6 =	sadd.s32 @!p0 s3, s7;
	s7 =	simm.s32 @!p0 $0x108  }
0x21: {  	s3 =	sadd.s32 s3, s9;
	s6 =	sadd.s32 @!p0 $0x88, s6;
	s7 =	simm.s32 @p2 $0x1082  }
0x22: {  	[simem:s7], [sflag:s8] =	dma.local @!p0 [hbm:s6], $0xF7A  }
0x23: {  	s9 =	sor.u32 $0xD0000000, s2;
	s6 =	simm.s32 $0x108;
	_ =	swait.ge @!p0 [sflag:s8], $0x0  }
0x24: {  	s3 =	sadd.s32 $0x88, s3;
	s6 =	simm.s32 @!p1 $0x1082;
	[sflag:s4] =	ssyncset.s32 $0xFFFFF086  }
0x25: {  	[simem:s6], [sflag:s4] =	dma.local [hbm:s3], $0xF7A  }
0x26: {  	[smem:$0x3F92] =	sst s1;
	(tag) =	ssettag s2;
	_ =	strace s9  }
0x27: {  	s1 =	sld [smem:$0x3FA2]  }
0x28: {  	s2 =	sld [smem:$0x3FA3]  }
0x29: {  	s4 =	sld [smem:$0x3FA5]  }
0x2a: {  	p0 =	seq.s32 s5, $0x0;
	s5 =	sld [smem:$0x3FA6]  }
0x2b: {  	s6 =	sld [smem:$0x3FA7]  }
0x2c: {  	s7 =	sld [smem:$0x3FA8]  }
0x2d: {  	s3 =	simm.s32 $0x108;
	s8 =	sld [smem:$0x3FA9]  }
0x2e: {  	s3 =	simm.s32 @!p0 $0x1082;
	s9 =	sld [smem:$0x3FAA]  }
0x2f: {  	lr =	sadd.s32 s0, s3;
	s0 =	sld [smem:$0x3FA1]  }
0x30: {  	s3 =	sld [smem:$0x3FA4]  }
0x31: {  	[smem:$0x3FAD] =	sst s10  }
0x32: {  	s10 =	sld [smem:$0x3FAB];
	_ =	sdelay $0x3  }
0x33: {  	p0 =	seq.s32 s10, $0x1;
	s10 =	sld [smem:$0x3FAD];
	_ =	sdelay $0x3  }
0x34: {  	[smem:$0x3FAD] =	sst s10  }
0x35: {  	s10 =	sld [smem:$0x3FAC];
	_ =	sdelay $0x3  }
0x36: {  	p1 =	seq.s32 s10, $0x1;
	s10 =	sld [smem:$0x3FAD];
	_ =	sdelay $0x3  }
0x37: {  	[smem:$0x3FAD] =	sst s10  }
0x38: {  	s10 =	sld [smem:$0x3FAE]  }
0x39: {  	_ = 	snop;
	(pc) =	sbr.ind lr, $3  }
0x3a: {  	_ = 	snop  }
0x3b: {  	_ = 	snop  }
0x3c: {  	p2 =	seq.s32 s10, $0x1;
	s10 =	sld [smem:$0x3FAD]  }
0x3d: {  	_ =	shalt  }
0x3e: {  	_ =	shalt  }
0x3f: {  	_ =	shalt  }
0x40: {  	_ =	shalt  }
0x41: {  	_ =	shalt  }
0x42: {  	_ =	shalt  }
0x43: {  	_ =	shalt  }
0x44: {  	_ =	shalt  }
0x45: {  	_ =	shalt  }
0x46: {  	_ =	shalt  }
0x47: {  	_ =	shalt  }
0x48: {  	_ =	shalt  }
0x49: {  	_ =	shalt  }
0x4a: {  	_ =	shalt  }
0x4b: {  	_ =	shalt  }
0x4c: {  	_ =	shalt  }
0x4d: {  	_ =	shalt  }
0x4e: {  	_ =	shalt  }
0x4f: {  	_ =	shalt  }
0x50: {  	_ =	shalt  }
0x51: {  	_ =	shalt  }
0x52: {  	_ =	shalt  }
0x53: {  	_ =	shalt  }
0x54: {  	_ =	shalt  }
0x55: {  	_ =	shalt  }
0x56: {  	_ =	shalt  }
0x57: {  	_ =	shalt  }
0x58: {  	_ =	shalt  }
0x59: {  	_ =	shalt  }
0x5a: {  	_ =	shalt  }
0x5b: {  	_ =	shalt  }
0x5c: {  	_ =	shalt  }
0x5d: {  	_ =	shalt  }
0x5e: {  	_ =	shalt  }
0x5f: {  	_ =	shalt  }
0x60: {  	_ =	shalt  }
0x61: {  	_ =	shalt  }
0x62: {  	_ =	shalt  }
0x63: {  	_ =	shalt  }
0x64: {  	_ =	shalt  }
0x65: {  	_ =	shalt  }
0x66: {  	_ =	shalt  }
0x67: {  	_ =	shalt  }
0x68: {  	_ =	shalt  }
0x69: {  	_ =	shalt  }
0x6a: {  	_ =	shalt  }
0x6b: {  	_ =	shalt  }
0x6c: {  	_ =	shalt  }
0x6d: {  	_ =	shalt  }
0x6e: {  	_ =	shalt  }
0x6f: {  	_ =	shalt  }
0x70: {  	_ =	shalt  }
0x71: {  	_ =	shalt  }
0x72: {  	_ =	shalt  }
0x73: {  	_ =	shalt  }
0x74: {  	_ =	shalt  }
0x75: {  	_ =	shalt  }
0x76: {  	_ =	shalt  }
0x77: {  	_ =	shalt  }
0x78: {  	_ =	shalt  }
0x79: {  	_ =	shalt  }
0x7a: {  	_ =	shalt  }
0x7b: {  	_ =	shalt  }
0x7c: {  	_ =	shalt  }
0x7d: {  	_ =	shalt  }
0x7e: {  	_ =	shalt  }
0x7f: {  	_ =	shalt  }
0x80: {  	_ =	shalt  }
0x81: {  	_ =	shalt  }
0x82: {  	_ =	shalt  }
0x83: {  	_ =	shalt  }
0x84: {  	_ =	shalt  }
0x85: {  	_ =	shalt  }
0x86: {  	_ =	shalt  }
0x87: {  	_ =	shalt  }
.Lfunc_end0:
.L_simem_size_0:
called_computation.1_lowered:
.L_overlay_start_0:
0x88: {  	s2 =	sld [smem:$0x3FD9]  }
0x89: {  	s3 =	sld [smem:$0x3FFE];
	_ =	sdelay $0x1  }
0x8a: {  	s1 =	srdreg.scid  }
0x8b: {  	s0 =	sand.u32 $0x1, s1  }
0x8c: {  	s17 =	sshll.u32 s0, $0xA;
	s2 =	sadd.s32 s3, s2  }
0x8d: {  	s2 =	sadd.s32 s2, s17  }
0x8e: {  	[smem:$0x3FB9] =	sst s2  }
0x8f: {  	_ = 	snop  }
0x90: {  	s18 =	sld [smem:$0x3FC9];
	(tm) =	ssettm $0x1  }
0x91: {  	s19 =	sld [smem:$0x3FFB];
	_ =	sdelay $0x3  }
0x92: {  	_ =	strace s19  }
0x93: {  	s2 =	sld [smem:$0x3FFC];
	_ =	sdelay $0x3  }
0x94: {  	_ =	strace s2  }
0x95: {  	s2 =	sld [smem:$0x3FFD];
	_ =	sdelay $0x3  }
0x96: {  	_ =	strace s2  }
0x97: {  	_ =	strace $0x8FFFFFFF  }
0x98: {  	s20 =	sld [smem:$0x3FDB];
	_ =	sdelay $0x1  }
0x99: {  	s4 =	simm.s32 $_scs_section_size  }
0x9a: {  	s5 =	simm.s32 $_size__tile_overlayer_lowered;
	s6 =	simm.s32 $_tile_overlayer_lowered  }
0x9b: {  	s7 =	simm.s32 $0x1BFF;
	s21 =	sshll.u32 s6, $0x1;
	s4 =	sadd.s32 s4, s20  }
0x9c: {  	s22 =	simm.s32 $0x0;
	s5 =	sshll.u32 s5, $0x1;
	s6 =	sadd.s32 s21, s4  }
0x9d: {  	[timem:s22], [sflag:s7] =	dma.local [hbm:s6], s5  }
0x9e: {  	_ =	swait.ge [sflag:s7], s5  }
0x9f: {  	s5 =	ssub.s32 $0x0, s5;
	[sflag:s7] =	ssyncset.done $0x0  }
0xa0: {  	[sflag:s7] =	ssyncadd.s32 s5;
	_ =	sdelay $0x1  }
0xa1: {  	s23 =	simm.s32 $0x1B8B  }
0xa2: {  	_ =	swait.ge [sflag:s23], $0x1  }
0xa3: {  	[sflag:s23] =	ssyncset.done $0x0  }
0xa4: {  	[sflag:s23] =	ssyncadd.s32 $0xFFFFFFFF  }
0xa5: {  	s5 =	sld [smem:$0x0]  }
0xa6: {  	s6 =	sand.u32 $0xFFFFFFFE, s1  }
0xa7: {  	p0 =	sne.s32 s1, s6  }
0xa8: {  	s6 =	sshll.u32 @p0 s6, $0xE  }
0xa9: {  	s6 =	sadd.s32 @p0 $0x11B8D, s6;
	s7 =	sshll.u32 @p0 s5, $0x11  }
0xaa: {  	s6 =	sor.u32 @p0 s7, s6  }
0xab: {  	[sflag:s6] =	ssyncadd.remote.s32 @p0 $0x1;
	_ =	sdelay $0x1  }
0xac: {  	s6 =	simm.s32 @p0 $0x1B8D  }
0xad: {  	_ =	swait.eq @p0 [sflag:s6], $0x1  }
0xae: {  	[sflag:s6] =	ssyncadd.s32 @p0 $0xFFFFFFFF  }
0xaf: {  	s7 =	sshll.u32 @!p0 s1, $0xE  }
0xb0: {  	s7 =	sor.u32 @!p0 $0x4000, s7;
	s6 =	simm.s32 @!p0 $0x1B8D  }
0xb1: {  	s5 =	sshll.u32 @!p0 s5, $0x11;
	s7 =	sadd.s32 @!p0 $0x11B8D, s7;
	_ =	swait.eq @!p0 [sflag:s6], $0x1  }
0xb2: {  	s5 =	sor.u32 @!p0 s5, s7;
	[sflag:s6] =	ssyncadd.s32 @!p0 $0xFFFFFFFF  }
0xb3: {  	s25 =	simm.s32 $0x1B8E;
	s24 =	sld [smem:$0x3FFE];
	[sflag:s5] =	ssyncadd.remote.s32 @!p0 $0x1  }
0xb4: {  	s26 =	simm.s32 $execute0_lowered;
	[smem:$0x3FD2] =	sst s25  }
0xb5: {  	s6 =	sshll.u32 s26, $0x1;
	_ =	strace $0x80000049;
	[dreg:$0x1] =	wrdreg $0xFFFFFFFF  }
0xb6: {  	s28 =	simm.s32 $_size_execute0_lowered;
	s4 =	sadd.s32 s4, s6;
	[dreg:$0x0] =	wrdreg $0x0  }
0xb7: {  	s6 =	sshll.u32 s28, $0x1;
	[dreg:$0x2] =	wrdreg s4  }
0xb8: {  	[dreg:$0x3] =	wrdreg s6  }
0xb9: {  	[dreg:$0x4] =	wrdreg $0xC0  }
0xba: {  	_ =	task [dreg:s22], $0x5FFFF  }
0xbb: {  	[dreg:$0x1] =	wrdreg $0xFFFFFFFF  }
0xbc: {  	[dreg:$0x0] =	wrdreg $0x60  }
0xbd: {  	[dreg:$0x2] =	wrdreg s18  }
0xbe: {  	[dreg:$0x3] =	wrdreg s24  }
0xbf: {  	[dreg:$0x4] =	wrdreg $0x82000  }
0xc0: {  	[dreg:$0x5] =	wrdreg $0xA  }
0xc1: {  	_ =	task.clear_ibuf [dreg:s22], $0x6FFFF;
	_ =	strace $0x90000049  }
0xc2: {  	s29 =	simm.s32 $0xA;
	_ =	strace $0x8000004B  }
0xc3: {  	_ =	swait.ge [sflag:s29], $0x1  }
0xc4: {  	[sflag:s29] =	ssyncadd.s32 $0xFFFFFFFF  }
0xc5: {  	_ =	strace $0x9000004B  }
0xc6: {  	_ =	sfence  }
0xc7: {  	s30 =	sld [smem:$0x0];
	_ =	sdelay $0x2  }
0xc8: {  	s31 =	sshll.u32 s1, $0xD;
	s1 =	sshrl.u32 s1, $0x2  }
0xc9: {  	s4 =	sand.u32 $0x4000, s31;
	s1 =	sadd.s32 s1, s30  }
0xca: {  	s0 =	sor.u32 s4, s0;
	s1 =	sshll.u32 s1, $0x11  }
0xcb: {  	s0 =	sor.u32 s1, s0  }
0xcc: {  	s0 =	sadd.s32 $0x8F2B, s0  }
0xcd: {  	[sflag:s0] =	ssyncadd.remote.s32 $0x1  }
0xce: {  	_ =	sfence.sel $0xFFFF  }
0xcf: {  	[dreg:$0x0] =	wrdreg $0xFFFFFFFF;
	(pc) =	sbr.abs _section_cstart, $3  }
0xd0: {  	[dreg:$0x1] =	wrdreg $0xFFFFFFFF  }
0xd1: {  	_ =	task.clear_ibuf [dreg:s22], $0x2FFFF;
	_ =	strace $0x9FFFFFFF  }
0xd2: {  	(tm) =	ssettm $0x7FFFFFFF  }
0xd3: {  	_ =	shalt  }
tec
execute0_lowered:
.L_overlay_start_1:
0x0: {  	(tag) =	ssettag $0x1  }
0x1: {  	s1 =	rddreg [dreg:$0x0]  }
0x2: {  	s0 =	rddreg [dreg:$0x1]  }
0x3: {  	s3 =	rddreg [dreg:$0x2];
	s4 =	simm.s32 $0x0;
	s23 =	stileid.u32  }
0x4: {  	s2 =	srdreg.scid;
	s28 =	simm.s32 $0x180;
	s29 =	simm.s32 $0x1  }
0x5: {  	s30 =	simm.s32 $0x7D;
	s31 =	simm.s32 $0x3;
	[smem:$0x7FF] =	sst s4  }
0x6: {  	s5 =	smul.u32 $0x4E000, s23;
	s6 =	sadd.s32 $0xE200, s0;
	s7 =	sadd.s32 $0x3800, s0  }
0x7: {  	s2 =	sand.u32 $0x1, s2;
	s0 =	sadd.s32 $0x18200, s0;
	s24 =	smul.u32 $0x2800, s23  }
0x8: {  	s11 =	sadd.s32 $0x138000, s3;
	p0 =	sne.s32 s23, $0xF;
	s16 =	smul.u32 $0x138800, s2  }
0x9: {  	s8 =	ssub.s32 $0x2, s2;
	s10 =	sshll.u32 s2, $0x4;
	s2 =	smul.u32 $0x28000, s2  }
0xa: {  	s5 =	sshrl.u32 s5, $0x2;
	s9 =	sshrl.u32 s8, $0x1;
	s17 =	sor.u32 s23, s10  }
0xb: {  	s5 =	sadd.s32 s5, s3;
	s8 =	ssub.s32 s8, s9;
	s9 =	smul.u32 $0x2800, s17  }
0xc: {  	_ =	strace $0x8000004A;
	s17 =	smul.u32 $0x13800, s23;
	s18 =	sadd.s32 $0x3C00, s5  }
0xd: {  	s2 =	sadd.s32 s24, s2;
	s19 =	sadd.s32 $0x7800, s5;
	[dreg:$0x4] =	wrdreg s18  }
0xe: {  	s23 =	simm.s32 $0x200;
	s20 =	sadd.s32 $0xB400, s5;
	[dreg:$0x5] =	wrdreg s19  }
0xf: {  	s24 =	simm.s32 $0x5;
	s21 =	sadd.s32 $0xF000, s5;
	[dreg:$0x6] =	wrdreg s20  }
0x10: {  	s22 =	sadd.s32 $0x12C00, s5;
	s25 =	sor.u32 $0x180, s2;
	[dreg:$0x7] =	wrdreg s21  }
0x11: {  	s2 =	sor.u32 $0x100, s2;
	[dreg:$0x8] =	wrdreg s22;
	s9 =	sshrl.u32 s9, $0x3  }
0x12: {  	s17 =	sadd.s32 s17, s16;
	s16 =	sshrl.u32 s16, $0x3;
	s26 =	sshrl.u32 s2, $0x3  }
0x13: {  	s2 =	simm.s32 $0x4200;
	s12 =	sadd.s32 s6, s9;
	s15 =	sor.u32 $0x10, s9  }
0x14: {  	s13 =	sadd.s32 s7, s9;
	s17 =	sshrl.u32 s17, $0x3;
	s18 =	sadd.s32 s0, s16  }
0x15: {  	s21 =	sadd.s32 s26, s7;
	s22 =	sadd.s32 s26, s6;
	s26 =	simm.s32 $0x80  }
0x16: {  	s14 =	sadd.s32 s6, s15;
	s15 =	sadd.s32 s7, s15;
	s16 =	sadd.s32 s0, s17  }
0x17: {  	s17 =	sadd.s32 $0x27000, s18;
	s18 =	smax.u32 s8, $0x1;
	s0 =	sshrl.u32 s25, $0x3  }
0x18: {  	s25 =	simm.s32 $0x100;
	s19 =	sadd.s32 s0, s7;
	s20 =	sadd.s32 s0, s6  }
0x19: {  	v0 =	vimm.f32 $0.0e+00;
	s0 =	simm.s32 $0x2;
	s6 =	simm.s32 $0x4;
	s7 =	simm.s32 $0x0  }
.LBB2_1:
0x1a: {  	s8 =	simm.s32 $0x0;
	s9 =	simm.s32 $0x200  }
.LBB2_2:
0x1b: {  	p1 =	sne.s32 s9, $0xF800;
	[tilespmem:s8+$0x270] =	vst v0  }
0x1c: {  	[tilespmem:s8+$0x200] =	vst v0  }
0x1d: {  	[tilespmem:s8+$0x210] =	vst v0  }
.Ltmp0:
0x1e: {  	[tilespmem:s8+$0x220] =	vst v0;
	(pc) =	sbr.rel @p1 .LBB2_2-.Ltmp0, $4  }
0x1f: {  	[tilespmem:s8+$0x230] =	vst v0  }
0x20: {  	[tilespmem:s8+$0x240] =	vst v0  }
0x21: {  	[tilespmem:s8+$0x250] =	vst v0  }
0x22: {  	[tilespmem:s8+$0x260] =	vst v0;
	s8 =	sshra.s32 s9, $0x2;
	s9 =	sadd.s32 $0x200, s9  }
0x23: {  	[tilespmem:s8+$0x270] =	vst v0  }
0x24: {  	[tilespmem:s8+$0x200] =	vst v0  }
0x25: {  	[tilespmem:s8+$0x210] =	vst v0  }
0x26: {  	[tilespmem:s8+$0x220] =	vst v0  }
0x27: {  	[tilespmem:s8+$0x230] =	vst v0  }
0x28: {  	[tilespmem:s8+$0x240] =	vst v0  }
0x29: {  	[tilespmem:s8+$0x250] =	vst v0  }
0x2a: {  	[tilespmem:s8+$0x260] =	vst v0  }
0x2b: {  	[spmem:s5] =	stream.linear.scatter [tilespmem:s23], [sflag:$0x5], $0x3C00, $0x38;
	[tilespmem:$0x1BA80] =	vst v63  }
0x2c: {  	_ =	swait.ge [sflag:s24], $0x3C00  }
0x2d: {  	[sflag:s24] =	ssyncset.done $0x0  }
0x2e: {  	s10 =	rddreg [dreg:$0x4];
	[sflag:s24] =	ssyncadd.s32 $0xFFFFC400  }
0x2f: {  	[spmem:s10] =	stream.linear.scatter [tilespmem:s23], [sflag:$0x5], $0x3C00, $0x38;
	[tilespmem:$0x1BA80] =	vst v63  }
0x30: {  	_ =	swait.ge [sflag:s24], $0x3C00  }
0x31: {  	[sflag:s24] =	ssyncset.done $0x0  }
0x32: {  	s9 =	rddreg [dreg:$0x5];
	[sflag:s24] =	ssyncadd.s32 $0xFFFFC400  }
0x33: {  	[spmem:s9] =	stream.linear.scatter [tilespmem:s23], [sflag:$0x5], $0x3C00, $0x38;
	[tilespmem:$0x1BA80] =	vst v63  }
0x34: {  	_ =	swait.ge [sflag:s24], $0x3C00  }
0x35: {  	[sflag:s24] =	ssyncset.done $0x0  }
0x36: {  	s10 =	rddreg [dreg:$0x6];
	[sflag:s24] =	ssyncadd.s32 $0xFFFFC400  }
0x37: {  	[spmem:s10] =	stream.linear.scatter [tilespmem:s23], [sflag:$0x5], $0x3C00, $0x38;
	[tilespmem:$0x1BA80] =	vst v63  }
0x38: {  	_ =	swait.ge [sflag:s24], $0x3C00  }
0x39: {  	[sflag:s24] =	ssyncset.done $0x0  }
0x3a: {  	s9 =	rddreg [dreg:$0x7];
	[sflag:s24] =	ssyncadd.s32 $0xFFFFC400  }
0x3b: {  	[spmem:s9] =	stream.linear.scatter [tilespmem:s23], [sflag:$0x5], $0x3C00, $0x38;
	[tilespmem:$0x1BA80] =	vst v63  }
0x3c: {  	_ =	swait.ge [sflag:s24], $0x3C00  }
0x3d: {  	[sflag:s24] =	ssyncset.done $0x0  }
0x3e: {  	s10 =	rddreg [dreg:$0x8];
	[sflag:s24] =	ssyncadd.s32 $0xFFFFC400  }
0x3f: {  	[spmem:s10] =	stream.linear.scatter [tilespmem:s23], [sflag:$0x5], $0xC00, $0x38;
	[tilespmem:$0x1BA80] =	vst v63  }
0x40: {  	_ =	swait.ge [sflag:s24], $0xC00  }
0x41: {  	[sflag:s24] =	ssyncset.done $0x0  }
0x42: {  	s8 =	simm.s32 @!p0 $0x200;
	[sflag:s24] =	ssyncadd.s32 $0xFFFFF400  }
0x43: {  	[spmem:s11] =	stream.linear.scatter @!p0 [tilespmem:s8], [sflag:$0x5], $0x800, $0x38;
	[tilespmem:$0x1BA80] =	vst v63  }
0x44: {  	s8 =	simm.s32 @!p0 $0x5  }
0x45: {  	_ =	swait.ge @!p0 [sflag:s8], $0x800  }
0x46: {  	[sflag:s8] =	ssyncset.done @!p0 $0x0  }
0x47: {  	[sflag:s8] =	ssyncadd.s32 @!p0 $0xFFFFF800  }
0x48: {  	s9 =	simm.s32 $0x0;
	[bflag:$0x0] =	sbarrier.arrive $0xFFFF  }
0x49: {  	[tilespmem:s9], [sflag:$0x1] =	stream.linear.gather [hbm4b:s12+s9], $0x80, $0x38;
	[tilespmem:$0x1BA80] =	vst v63  }
0x4a: {  	_ = 	snop  }
0x4b: {  	[tilespmem:s25], [sflag:$0x1] =	stream.linear.gather [hbm4b:s13+s9], $0x80, $0x38;
	[tilespmem:$0x1BA80] =	vst v63  }
0x4c: {  	_ = 	snop  }
0x4d: {  	[tilespmem:s26], [sflag:$0x2] =	stream.linear.gather [hbm4b:s14+s9], $0x80, $0x38;
	[tilespmem:$0x1BA80] =	vst v63  }
0x4e: {  	_ = 	snop  }
0x4f: {  	[tilespmem:s28], [sflag:$0x2] =	stream.linear.gather [hbm4b:s15+s9], $0x80, $0x38;
	[tilespmem:$0x1BA80] =	vst v63  }
0x50: {  	_ =	swait.ge [sflag:s29], $0x80  }
0x51: {  	[sflag:s29] =	ssyncset.done $0x0  }
0x52: {  	[sflag:s29] =	ssyncadd.s32 $0xFFFFFF80  }
0x53: {  	_ =	swait.ge [sflag:s29], $0x80  }
0x54: {  	[sflag:s29] =	ssyncset.done $0x0  }
0x55: {  	[sflag:s29] =	ssyncadd.s32 $0xFFFFFF80  }
0x56: {  	[tilespmem:s23], [sflag:$0x3] =	stream.indirect.gather [hbm4b:s1+s30], $0x80, s9, s30, $0xb8;
	[tilespmem:$0x1BA80] =	vst v63  }
0x57: {  	_ =	swait.ge [sflag:s31], $0x3E80  }
0x58: {  	[sflag:s31] =	ssyncset.done $0x0  }
0x59: {  	[sflag:s31] =	ssyncadd.s32 $0xFFFFC180  }
0x5a: {  	_ =	swait.ge [sflag:s0], $0x80  }
0x5b: {  	[sflag:s0] =	ssyncset.done $0x0  }
0x5c: {  	[sflag:s0] =	ssyncadd.s32 $0xFFFFFF80  }
0x5d: {  	_ =	swait.ge [sflag:s0], $0x80  }
0x5e: {  	[sflag:s0] =	ssyncset.done $0x0  }
0x5f: {  	[sflag:s0] =	ssyncadd.s32 $0xFFFFFF80  }
0x60: {  	[tilespmem:s2], [sflag:$0x4] =	stream.indirect.gather [hbm4b:s1+s30], $0x80, s26, s30, $0xb8;
	[tilespmem:$0x1BA80] =	vst v63  }
0x61: {  	_ = 	snop  }
0x62: {  	[spmem:s3] =	stream.indirect.scatter.add.f32 [tilespmem:s23], [sflag:$0x5], $0x80, s25, s30, $0xb8;
	[tilespmem:$0x1BA80] =	vst v63  }
0x63: {  	_ =	swait.ge [sflag:s24], $0x3E80  }
0x64: {  	[sflag:s24] =	ssyncset.done $0x0  }
0x65: {  	s10 =	sadd.s32 $0x0, s22;
	[sflag:s24] =	ssyncadd.s32 $0xFFFFC180  }
0x66: {  	[tilespmem:s4], [sflag:$0x1] =	stream.linear.gather [hbm4b:s10+s4], $0x80, $0x38;
	[tilespmem:$0x1BA80] =	vst v63  }
0x67: {  	s9 =	sadd.s32 $0x0, s21  }
0x68: {  	[tilespmem:s25], [sflag:$0x1] =	stream.linear.gather [hbm4b:s9+s4], $0x80, $0x38;
	[tilespmem:$0x1BA80] =	vst v63  }
0x69: {  	_ =	swait.ge [sflag:s6], $0x3E80  }
0x6a: {  	[sflag:s6] =	ssyncset.done $0x0  }
0x6b: {  	[sflag:s6] =	ssyncadd.s32 $0xFFFFC180  }
0x6c: {  	_ =	swait.ge [sflag:s29], $0x80  }
0x6d: {  	[sflag:s29] =	ssyncset.done $0x0  }
0x6e: {  	[sflag:s29] =	ssyncadd.s32 $0xFFFFFF80  }
0x6f: {  	_ =	swait.ge [sflag:s29], $0x80  }
0x70: {  	[sflag:s29] =	ssyncset.done $0x0  }
0x71: {  	[sflag:s29] =	ssyncadd.s32 $0xFFFFFF80  }
0x72: {  	[tilespmem:s23], [sflag:$0x3] =	stream.indirect.gather [hbm4b:s1+s30], $0x80, s4, s30, $0xb8;
	[tilespmem:$0x1BA80] =	vst v63  }
0x73: {  	_ = 	snop  }
0x74: {  	[spmem:s3] =	stream.indirect.scatter.add.f32 [tilespmem:s2], [sflag:$0x5], $0x80, s28, s30, $0xb8;
	[tilespmem:$0x1BA80] =	vst v63  }
0x75: {  	_ =	swait.ge [sflag:s24], $0x3E80  }
0x76: {  	s8 =	simm.s32 $0x20;
	[sflag:s24] =	ssyncset.done $0x0  }
0x77: {  	s10 =	sadd.s32 $0x0, s20;
	s9 =	sadd.s32 $0x0, s19;
	[sflag:s24] =	ssyncadd.s32 $0xFFFFC180  }
0x78: {  	[tilespmem:s26], [sflag:$0x2] =	stream.linear.gather [hbm4b:s10+s4], $0x80, $0x38;
	[tilespmem:$0x1BA80] =	vst v63  }
.LBB2_4:
0x79: {  	[tilespmem:s28], [sflag:$0x2] =	stream.linear.gather [hbm4b:s9+s4], $0x80, $0x38;
	[tilespmem:$0x1BA80] =	vst v63  }
0x7a: {  	s9 =	smov.u32 s8  }
0x7b: {  	p1 =	sne.s32 s8, $0x4C0;
	s8 =	sadd.s32 $0x20, s8;
	_ =	swait.ge [sflag:s31], $0x3E80  }
0x7c: {  	[sflag:s31] =	ssyncset.done $0x0  }
0x7d: {  	[sflag:s31] =	ssyncadd.s32 $0xFFFFC180  }
0x7e: {  	_ =	swait.ge [sflag:s0], $0x80  }
0x7f: {  	[sflag:s0] =	ssyncset.done $0x0  }
0x80: {  	[sflag:s0] =	ssyncadd.s32 $0xFFFFFF80  }
0x81: {  	_ =	swait.ge [sflag:s0], $0x80  }
0x82: {  	[sflag:s0] =	ssyncset.done $0x0  }
0x83: {  	[sflag:s0] =	ssyncadd.s32 $0xFFFFFF80  }
0x84: {  	[tilespmem:s2], [sflag:$0x4] =	stream.indirect.gather [hbm4b:s1+s30], $0x80, s26, s30, $0xb8;
	[tilespmem:$0x1BA80] =	vst v63  }
0x85: {  	_ = 	snop  }
0x86: {  	[spmem:s3] =	stream.indirect.scatter.add.f32 [tilespmem:s23], [sflag:$0x5], $0x80, s25, s30, $0xb8;
	[tilespmem:$0x1BA80] =	vst v63  }
0x87: {  	_ =	swait.ge [sflag:s24], $0x3E80  }
0x88: {  	[sflag:s24] =	ssyncset.done $0x0  }
0x89: {  	s10 =	sadd.s32 s9, s22;
	[sflag:s24] =	ssyncadd.s32 $0xFFFFC180  }
0x8a: {  	[tilespmem:s4], [sflag:$0x1] =	stream.linear.gather [hbm4b:s10+s4], $0x80, $0x38;
	[tilespmem:$0x1BA80] =	vst v63  }
0x8b: {  	s10 =	sadd.s32 s9, s21  }
0x8c: {  	[tilespmem:s25], [sflag:$0x1] =	stream.linear.gather [hbm4b:s10+s4], $0x80, $0x38;
	[tilespmem:$0x1BA80] =	vst v63  }
0x8d: {  	_ =	swait.ge [sflag:s6], $0x3E80  }
0x8e: {  	[sflag:s6] =	ssyncset.done $0x0  }
0x8f: {  	[sflag:s6] =	ssyncadd.s32 $0xFFFFC180  }
0x90: {  	_ =	swait.ge [sflag:s29], $0x80  }
0x91: {  	[sflag:s29] =	ssyncset.done $0x0  }
0x92: {  	[sflag:s29] =	ssyncadd.s32 $0xFFFFFF80  }
0x93: {  	_ =	swait.ge [sflag:s29], $0x80  }
0x94: {  	[sflag:s29] =	ssyncset.done $0x0  }
0x95: {  	[sflag:s29] =	ssyncadd.s32 $0xFFFFFF80  }
0x96: {  	[tilespmem:s23], [sflag:$0x3] =	stream.indirect.gather [hbm4b:s1+s30], $0x80, s4, s30, $0xb8;
	[tilespmem:$0x1BA80] =	vst v63  }
0x97: {  	_ = 	snop  }
0x98: {  	[spmem:s3] =	stream.indirect.scatter.add.f32 [tilespmem:s2], [sflag:$0x5], $0x80, s28, s30, $0xb8;
	[tilespmem:$0x1BA80] =	vst v63  }
.Ltmp1:
0x99: {  	_ =	swait.ge [sflag:s24], $0x3E80;
	(pc) =	sbr.rel @p1 .LBB2_4-.Ltmp1, $4  }
0x9a: {  	[sflag:s24] =	ssyncset.done $0x0  }
0x9b: {  	s10 =	sadd.s32 s9, s20;
	[sflag:s24] =	ssyncadd.s32 $0xFFFFC180  }
0x9c: {  	[tilespmem:s26], [sflag:$0x2] =	stream.linear.gather [hbm4b:s10+s4], $0x80, $0x38;
	[tilespmem:$0x1BA80] =	vst v63  }
0x9d: {  	s9 =	sadd.s32 s9, s19  }
0x9e: {  	[tilespmem:s28], [sflag:$0x2] =	stream.linear.gather [hbm4b:s9+s4], $0x80, $0x38;
	[tilespmem:$0x1BA80] =	vst v63  }
0x9f: {  	_ =	swait.ge [sflag:s31], $0x3E80  }
0xa0: {  	[sflag:s31] =	ssyncset.done $0x0  }
0xa1: {  	[sflag:s31] =	ssyncadd.s32 $0xFFFFC180  }
0xa2: {  	_ =	swait.ge [sflag:s0], $0x80  }
0xa3: {  	[sflag:s0] =	ssyncset.done $0x0  }
0xa4: {  	[sflag:s0] =	ssyncadd.s32 $0xFFFFFF80  }
0xa5: {  	_ =	swait.ge [sflag:s0], $0x80  }
0xa6: {  	[sflag:s0] =	ssyncset.done $0x0  }
0xa7: {  	[sflag:s0] =	ssyncadd.s32 $0xFFFFFF80  }
0xa8: {  	[tilespmem:s2], [sflag:$0x4] =	stream.indirect.gather [hbm4b:s1+s30], $0x80, s26, s30, $0xb8;
	[tilespmem:$0x1BA80] =	vst v63  }
0xa9: {  	_ = 	snop  }
0xaa: {  	[spmem:s3] =	stream.indirect.scatter.add.f32 [tilespmem:s23], [sflag:$0x5], $0x80, s25, s30, $0xb8;
	[tilespmem:$0x1BA80] =	vst v63  }
0xab: {  	_ =	swait.ge [sflag:s24], $0x3E80  }
0xac: {  	[sflag:s24] =	ssyncset.done $0x0  }
0xad: {  	[sflag:s24] =	ssyncadd.s32 $0xFFFFC180  }
0xae: {  	_ =	swait.ge [sflag:s6], $0x3E80  }
0xaf: {  	[sflag:s6] =	ssyncset.done $0x0  }
0xb0: {  	[sflag:s6] =	ssyncadd.s32 $0xFFFFC180  }
0xb1: {  	[spmem:s3] =	stream.indirect.scatter.add.f32 [tilespmem:s2], [sflag:$0x5], $0x80, s28, s30, $0xb8;
	[tilespmem:$0x1BA80] =	vst v63  }
0xb2: {  	_ =	swait.ge [sflag:s24], $0x3E80  }
0xb3: {  	s8 =	stileid.u32;
	[sflag:s24] =	ssyncset.done $0x0  }
0xb4: {  	s8 =	sshll.u32 s8, $0x6;
	[sflag:s24] =	ssyncadd.s32 $0xFFFFC180  }
0xb5: {  	s10 =	sshrl.u32 s5, $0x3;
	s8 =	sor.u32 $0x1C05, s8;
	[bflag:$0x0] =	sbarrier.arrive $0xFFFF  }
0xb6: {  	[hbm:s16], [sflag:s8] =	dma.local [spmem:s10], $0x2700  }
0xb7: {  	_ =	swait.ge [sflag:s24], $0x2700  }
0xb8: {  	s7 =	sadd.s32 $0x1, s7;
	[sflag:s24] =	ssyncset.done $0x0  }
0xb9: {  	s9 =	sshrl.u32 @!p0 s11, $0x3;
	p1 =	sne.s32 s7, s18;
	[sflag:s24] =	ssyncadd.s32 $0xFFFFD900  }
0xba: {  	[hbm:s17], [sflag:s8] =	dma.local @!p0 [spmem:s9], $0x100  }
.Ltmp2:
0xbb: {  	_ = 	snop;
	(pc) =	sbr.rel @p1 .LBB2_1-.Ltmp2, $4  }
0xbc: {  	s8 =	simm.s32 @!p0 $0x5  }
0xbd: {  	_ =	swait.ge @!p0 [sflag:s8], $0x100  }
0xbe: {  	[sflag:s8] =	ssyncset.done @!p0 $0x0  }
0xbf: {  	[sflag:s8] =	ssyncadd.s32 @!p0 $0xFFFFFF00  }
0xc0: {  	_ =	sfence.sel $0x180000  }
0xc1: {  	[bflag:$0x0] =	sbarrier.arrive $0xFFFF  }
0xc2: {  	_ =	strace $0x9000004A  }
0xc3: {  	s0 =	stileid.u32;
	[bflag:$0x2] =	sbarrier.arrive $0xFFFF  }
0xc4: {  	p0 =	sne.s32 s0, $0x0;
	s0 =	rddreg [dreg:$0x3]  }
0xc5: {  	s0 =	sadd.s32 @!p0 $0x100000, s0  }
0xc6: {  	[sflag:s0] =	ssyncadd.tile.s32 @!p0 $0x1;
	_ =	shalt  }
.Lfunc_end2:
_tile_overlayer_lowered:
.L_overlay_start_2:
0xc7: {  	(tag) =	ssettag $0x2  }
0xc8: {  	s0 =	rddreg [dreg:$0x0];
	s2 =	stileid.u32  }
0xc9: {  	s1 =	rddreg [dreg:$0x1];
	p0 =	sne.s32 s2, $0x0  }
0xca: {  	s3 =	rddreg [dreg:$0x2];
	[bflag:$0x3] =	sbarrier.arrive $0xFFFF;
	s2 =	simm.s32 @!p0 $0x1C05  }
0xcb: {  	[timem:s3], [sflag:s2] =	dma.local @!p0 [hbm:s0], s1  }
0xcc: {  	s0 =	simm.s32 @!p0 $0x5  }
0xcd: {  	_ =	swait.ge @!p0 [sflag:s0], s1  }
0xce: {  	s1 =	ssub.s32 @!p0 $0x0, s1;
	[sflag:s0] =	ssyncset.done @!p0 $0x0  }
0xcf: {  	[sflag:s0] =	ssyncadd.s32 @!p0 s1  }
0xd0: {  	[bflag:$0x3] =	sbarrier.arrive $0xFFFF  }
0xd1: {  	_ =	shalt  }

// kernel: kernel.16.cloned.1.call-start
scs
__scs_entry_jumppad:
0x0: {  	(pc) =	sbr.rel $0x88, $3  }
0x1: {  	(tag) =	ssettag $0x0;
	lr =	simm.s32 $0x1  }
0x2: {  	[smem:$0x3F92] =	sst lr;
	_ =	strace $0xD0000000  }
0x3: {  	_ = 	snop  }
0x4: {  	_ = 	snop  }
0x5: {  	_ = 	snop  }
0x6: {  	_ = 	snop  }
0x7: {  	_ = 	snop  }
__scs_overlays_trampoline_lowered:
0x8: {  	[smem:$0x3FA1] =	sst s0  }
0x9: {  	[smem:$0x3FA2] =	sst s1  }
0xa: {  	[smem:$0x3FA3] =	sst s2  }
0xb: {  	[smem:$0x3FA4] =	sst s3  }
0xc: {  	[smem:$0x3FA5] =	sst s4  }
0xd: {  	[smem:$0x3FA6] =	sst s5  }
0xe: {  	[smem:$0x3FA7] =	sst s6  }
0xf: {  	[smem:$0x3FA8] =	sst s7  }
0x10: {  	[smem:$0x3FA9] =	sst s8  }
0x11: {  	[smem:$0x3FAA] =	sst s9;
	s0 =	simm.s32 @!p0 $0x0  }
0x12: {  	s1 =	sld [smem:$0x3F90];
	s0 =	simm.s32 @p0 $0x1  }
0x13: {  	[smem:$0x3FAB] =	sst s0;
	s0 =	simm.s32 @!p1 $0x0  }
0x14: {  	s2 =	sld [smem:$0x3F8F];
	s0 =	simm.s32 @p1 $0x1  }
0x15: {  	[smem:$0x3FAC] =	sst s0;
	s0 =	simm.s32 @!p2 $0x0  }
0x16: {  	s3 =	sld [smem:$0x3FDB];
	s0 =	simm.s32 @p2 $0x1  }
0x17: {  	s4 =	simm.s32 $0x1BF5;
	[smem:$0x3FAE] =	sst s0  }
0x18: {  	s0 =	sld [smem:$0x3F91];
	_ =	swait.ge [sflag:s4], $0x0  }
0x19: {  	s7 =	sld [smem:$0x3F92]  }
0x1a: {  	s8 =	sadd.s32 $0xFFFFE003, lr  }
0x1b: {  	s9 =	sadd.s32 $0xFFFFFEF7, lr;
	s5 =	simm.s32 $0xFFFFFFFF;
	p2 =	slt.u32 s8, $0xFFFFF086  }
0x1c: {  	p1 =	slt.u32 s9, $0xF7A;
	s5 =	simm.s32 @!p2 $0x0  }
0x1d: {  	s5 =	simm.s32 @p1 $0x1;
	p0 =	seq.s32 s7, s2  }
0x1e: {  	s7 =	smul.u32 @!p0 $0xF7A, s2;
	p2 =	seq.s32 @!p0 s5, $0x0  }
0x1f: {  	s9 =	smul.u32 $0xF7A, s1;
	s8 =	simm.s32 @!p0 $0x1BF5;
	p2 =	por !p2, p0  }
0x20: {  	[sflag:s8] =	ssyncset.s32 @!p0 $0xFFFFF086;
	s6 =	sadd.s32 @!p0 s3, s7;
	s7 =	simm.s32 @!p0 $0x108  }
0x21: {  	s3 =	sadd.s32 s3, s9;
	s6 =	sadd.s32 @!p0 $0x88, s6;
	s7 =	simm.s32 @p2 $0x1082  }
0x22: {  	[simem:s7], [sflag:s8] =	dma.local @!p0 [hbm:s6], $0xF7A  }
0x23: {  	s9 =	sor.u32 $0xD0000000, s2;
	s6 =	simm.s32 $0x108;
	_ =	swait.ge @!p0 [sflag:s8], $0x0  }
0x24: {  	s3 =	sadd.s32 $0x88, s3;
	s6 =	simm.s32 @!p1 $0x1082;
	[sflag:s4] =	ssyncset.s32 $0xFFFFF086  }
0x25: {  	[simem:s6], [sflag:s4] =	dma.local [hbm:s3], $0xF7A  }
0x26: {  	[smem:$0x3F92] =	sst s1;
	(tag) =	ssettag s2;
	_ =	strace s9  }
0x27: {  	s1 =	sld [smem:$0x3FA2]  }
0x28: {  	s2 =	sld [smem:$0x3FA3]  }
0x29: {  	s4 =	sld [smem:$0x3FA5]  }
0x2a: {  	p0 =	seq.s32 s5, $0x0;
	s5 =	sld [smem:$0x3FA6]  }
0x2b: {  	s6 =	sld [smem:$0x3FA7]  }
0x2c: {  	s7 =	sld [smem:$0x3FA8]  }
0x2d: {  	s3 =	simm.s32 $0x108;
	s8 =	sld [smem:$0x3FA9]  }
0x2e: {  	s3 =	simm.s32 @!p0 $0x1082;
	s9 =	sld [smem:$0x3FAA]  }
0x2f: {  	lr =	sadd.s32 s0, s3;
	s0 =	sld [smem:$0x3FA1]  }
0x30: {  	s3 =	sld [smem:$0x3FA4]  }
0x31: {  	[smem:$0x3FAD] =	sst s10  }
0x32: {  	s10 =	sld [smem:$0x3FAB];
	_ =	sdelay $0x3  }
0x33: {  	p0 =	seq.s32 s10, $0x1;
	s10 =	sld [smem:$0x3FAD];
	_ =	sdelay $0x3  }
0x34: {  	[smem:$0x3FAD] =	sst s10  }
0x35: {  	s10 =	sld [smem:$0x3FAC];
	_ =	sdelay $0x3  }
0x36: {  	p1 =	seq.s32 s10, $0x1;
	s10 =	sld [smem:$0x3FAD];
	_ =	sdelay $0x3  }
0x37: {  	[smem:$0x3FAD] =	sst s10  }
0x38: {  	s10 =	sld [smem:$0x3FAE]  }
0x39: {  	_ = 	snop;
	(pc) =	sbr.ind lr, $3  }
0x3a: {  	_ = 	snop  }
0x3b: {  	_ = 	snop  }
0x3c: {  	p2 =	seq.s32 s10, $0x1;
	s10 =	sld [smem:$0x3FAD]  }
0x3d: {  	_ =	shalt  }
0x3e: {  	_ =	shalt  }
0x3f: {  	_ =	shalt  }
0x40: {  	_ =	shalt  }
0x41: {  	_ =	shalt  }
0x42: {  	_ =	shalt  }
0x43: {  	_ =	shalt  }
0x44: {  	_ =	shalt  }
0x45: {  	_ =	shalt  }
0x46: {  	_ =	shalt  }
0x47: {  	_ =	shalt  }
0x48: {  	_ =	shalt  }
0x49: {  	_ =	shalt  }
0x4a: {  	_ =	shalt  }
0x4b: {  	_ =	shalt  }
0x4c: {  	_ =	shalt  }
0x4d: {  	_ =	shalt  }
0x4e: {  	_ =	shalt  }
0x4f: {  	_ =	shalt  }
0x50: {  	_ =	shalt  }
0x51: {  	_ =	shalt  }
0x52: {  	_ =	shalt  }
0x53: {  	_ =	shalt  }
0x54: {  	_ =	shalt  }
0x55: {  	_ =	shalt  }
0x56: {  	_ =	shalt  }
0x57: {  	_ =	shalt  }
0x58: {  	_ =	shalt  }
0x59: {  	_ =	shalt  }
0x5a: {  	_ =	shalt  }
0x5b: {  	_ =	shalt  }
0x5c: {  	_ =	shalt  }
0x5d: {  	_ =	shalt  }
0x5e: {  	_ =	shalt  }
0x5f: {  	_ =	shalt  }
0x60: {  	_ =	shalt  }
0x61: {  	_ =	shalt  }
0x62: {  	_ =	shalt  }
0x63: {  	_ =	shalt  }
0x64: {  	_ =	shalt  }
0x65: {  	_ =	shalt  }
0x66: {  	_ =	shalt  }
0x67: {  	_ =	shalt  }
0x68: {  	_ =	shalt  }
0x69: {  	_ =	shalt  }
0x6a: {  	_ =	shalt  }
0x6b: {  	_ =	shalt  }
0x6c: {  	_ =	shalt  }
0x6d: {  	_ =	shalt  }
0x6e: {  	_ =	shalt  }
0x6f: {  	_ =	shalt  }
0x70: {  	_ =	shalt  }
0x71: {  	_ =	shalt  }
0x72: {  	_ =	shalt  }
0x73: {  	_ =	shalt  }
0x74: {  	_ =	shalt  }
0x75: {  	_ =	shalt  }
0x76: {  	_ =	shalt  }
0x77: {  	_ =	shalt  }
0x78: {  	_ =	shalt  }
0x79: {  	_ =	shalt  }
0x7a: {  	_ =	shalt  }
0x7b: {  	_ =	shalt  }
0x7c: {  	_ =	shalt  }
0x7d: {  	_ =	shalt  }
0x7e: {  	_ =	shalt  }
0x7f: {  	_ =	shalt  }
0x80: {  	_ =	shalt  }
0x81: {  	_ =	shalt  }
0x82: {  	_ =	shalt  }
0x83: {  	_ =	shalt  }
0x84: {  	_ =	shalt  }
0x85: {  	_ =	shalt  }
0x86: {  	_ =	shalt  }
0x87: {  	_ =	shalt  }
.Lfunc_end0:
.L_simem_size_0:
called_computation.2_lowered:
.L_overlay_start_0:
0x88: {  	s2 =	sld [smem:$0x3FD9]  }
0x89: {  	s3 =	sld [smem:$0x3FFE];
	_ =	sdelay $0x1  }
0x8a: {  	s1 =	srdreg.scid  }
0x8b: {  	s0 =	sand.u32 $0x1, s1  }
0x8c: {  	s17 =	sshll.u32 s0, $0xA;
	s2 =	sadd.s32 s3, s2  }
0x8d: {  	s2 =	sadd.s32 s2, s17  }
0x8e: {  	[smem:$0x3FB9] =	sst s2  }
0x8f: {  	_ = 	snop  }
0x90: {  	s2 =	sld [smem:$0x3FD0];
	(tm) =	ssettm $0x1  }
0x91: {  	s18 =	sld [smem:$0x3FFB];
	_ =	sdelay $0x3  }
0x92: {  	_ =	strace s18  }
0x93: {  	s3 =	sld [smem:$0x3FFC];
	_ =	sdelay $0x3  }
0x94: {  	_ =	strace s3  }
0x95: {  	s3 =	sld [smem:$0x3FFD];
	_ =	sdelay $0x3  }
0x96: {  	_ =	strace s3  }
0x97: {  	_ =	strace $0x8FFFFFFF  }
0x98: {  	s19 =	sld [smem:$0x3FDB];
	_ =	sdelay $0x1  }
0x99: {  	s4 =	simm.s32 $_scs_section_size  }
0x9a: {  	s5 =	simm.s32 $_size__tile_overlayer_lowered;
	s6 =	simm.s32 $_tile_overlayer_lowered  }
0x9b: {  	s22 =	simm.s32 $0x1BFF;
	s21 =	sshll.u32 s6, $0x1;
	s3 =	sadd.s32 s4, s19  }
0x9c: {  	s7 =	simm.s32 $0x0;
	s20 =	sshll.u32 s5, $0x1;
	s5 =	sadd.s32 s21, s3  }
0x9d: {  	[timem:s7], [sflag:s22] =	dma.local [hbm:s5], s20  }
0x9e: {  	_ =	swait.ge [sflag:s22], s20  }
0x9f: {  	s4 =	ssub.s32 $0x0, s20;
	[sflag:s22] =	ssyncset.done $0x0  }
0xa0: {  	[sflag:s22] =	ssyncadd.s32 s4;
	_ =	sdelay $0x1  }
0xa1: {  	s23 =	simm.s32 $0x1B8B  }
0xa2: {  	_ =	swait.ge [sflag:s23], $0x1  }
0xa3: {  	[sflag:s23] =	ssyncset.done $0x0  }
0xa4: {  	s25 =	simm.s32 $0x1B8E;
	s24 =	sld [smem:$0x3FFE];
	[sflag:s23] =	ssyncadd.s32 $0xFFFFFFFF  }
0xa5: {  	s26 =	simm.s32 $execute0_lowered;
	[smem:$0x3FD2] =	sst s25  }
0xa6: {  	s5 =	sshll.u32 s26, $0x1;
	_ =	strace $0x8000004C;
	[dreg:$0x1] =	wrdreg $0xFFFFFFFF  }
0xa7: {  	s28 =	simm.s32 $_size_execute0_lowered;
	s3 =	sadd.s32 s3, s5;
	[dreg:$0x0] =	wrdreg $0x0  }
0xa8: {  	s5 =	sshll.u32 s28, $0x1;
	[dreg:$0x2] =	wrdreg s3  }
0xa9: {  	[dreg:$0x3] =	wrdreg s5  }
0xaa: {  	[dreg:$0x4] =	wrdreg $0xC0  }
0xab: {  	_ =	task [dreg:s7], $0x5FFFF  }
0xac: {  	[dreg:$0x1] =	wrdreg $0xFFFFFFFF  }
0xad: {  	[dreg:$0x0] =	wrdreg $0x60  }
0xae: {  	[dreg:$0x2] =	wrdreg s2  }
0xaf: {  	[dreg:$0x3] =	wrdreg s24  }
0xb0: {  	[dreg:$0x4] =	wrdreg $0x82000  }
0xb1: {  	[dreg:$0x5] =	wrdreg $0x9  }
0xb2: {  	_ =	task.clear_ibuf [dreg:s7], $0x6FFFF;
	_ =	strace $0x9000004C  }
0xb3: {  	s29 =	simm.s32 $0x9;
	_ =	strace $0x8000004E  }
0xb4: {  	_ =	swait.ge [sflag:s29], $0x1  }
0xb5: {  	[sflag:s29] =	ssyncadd.s32 $0xFFFFFFFF  }
0xb6: {  	_ =	strace $0x9000004E  }
0xb7: {  	_ =	sfence  }
0xb8: {  	s30 =	sld [smem:$0x0];
	_ =	sdelay $0x2  }
0xb9: {  	s31 =	sshll.u32 s1, $0xD;
	s1 =	sshrl.u32 s1, $0x2  }
0xba: {  	s3 =	sand.u32 $0x4000, s31;
	s1 =	sadd.s32 s1, s30  }
0xbb: {  	s0 =	sor.u32 s3, s0;
	s1 =	sshll.u32 s1, $0x11  }
0xbc: {  	s0 =	sor.u32 s1, s0  }
0xbd: {  	s0 =	sadd.s32 $0x8F2B, s0  }
0xbe: {  	[sflag:s0] =	ssyncadd.remote.s32 $0x1  }
0xbf: {  	_ =	sfence.sel $0xFFFF  }
0xc0: {  	[dreg:$0x0] =	wrdreg $0xFFFFFFFF;
	(pc) =	sbr.abs _section_cstart, $3  }
0xc1: {  	[dreg:$0x1] =	wrdreg $0xFFFFFFFF  }
0xc2: {  	_ =	task.clear_ibuf [dreg:s7], $0x2FFFF;
	_ =	strace $0x9FFFFFFF  }
0xc3: {  	(tm) =	ssettm $0x7FFFFFFF  }
tec
execute0_lowered:
.L_overlay_start_1:
0x0: {  	(tag) =	ssettag $0x1  }
0x1: {  	s1 =	rddreg [dreg:$0x0]  }
0x2: {  	s0 =	rddreg [dreg:$0x1]  }
0x3: {  	s3 =	rddreg [dreg:$0x2];
	s4 =	simm.s32 $0x0;
	s23 =	stileid.u32  }
0x4: {  	s2 =	srdreg.scid;
	s28 =	simm.s32 $0x180;
	s29 =	simm.s32 $0x1  }
0x5: {  	s30 =	simm.s32 $0x7D;
	s31 =	simm.s32 $0x3;
	[smem:$0x7FF] =	sst s4  }
0x6: {  	s5 =	smul.u32 $0x4E000, s23;
	s6 =	sadd.s32 $0xE200, s0;
	s7 =	sadd.s32 $0x3800, s0  }
0x7: {  	s2 =	sand.u32 $0x1, s2;
	s0 =	sadd.s32 $0x18200, s0;
	s24 =	smul.u32 $0x2800, s23  }
0x8: {  	s11 =	sadd.s32 $0x138000, s3;
	p0 =	sne.s32 s23, $0xF;
	s16 =	smul.u32 $0x138800, s2  }
0x9: {  	s8 =	ssub.s32 $0x2, s2;
	s10 =	sshll.u32 s2, $0x4;
	s2 =	smul.u32 $0x28000, s2  }
0xa: {  	s5 =	sshrl.u32 s5, $0x2;
	s9 =	sshrl.u32 s8, $0x1;
	s17 =	sor.u32 s23, s10  }
0xb: {  	s5 =	sadd.s32 s5, s3;
	s8 =	ssub.s32 s8, s9;
	s9 =	smul.u32 $0x2800, s17  }
0xc: {  	_ =	strace $0x8000004D;
	s17 =	smul.u32 $0x13800, s23;
	s18 =	sadd.s32 $0x3C00, s5  }
0xd: {  	s2 =	sadd.s32 s24, s2;
	s19 =	sadd.s32 $0x7800, s5;
	[dreg:$0x4] =	wrdreg s18  }
0xe: {  	s23 =	simm.s32 $0x200;
	s20 =	sadd.s32 $0xB400, s5;
	[dreg:$0x5] =	wrdreg s19  }
0xf: {  	s24 =	simm.s32 $0x5;
	s21 =	sadd.s32 $0xF000, s5;
	[dreg:$0x6] =	wrdreg s20  }
0x10: {  	s22 =	sadd.s32 $0x12C00, s5;
	s25 =	sor.u32 $0x180, s2;
	[dreg:$0x7] =	wrdreg s21  }
0x11: {  	s2 =	sor.u32 $0x100, s2;
	[dreg:$0x8] =	wrdreg s22;
	s9 =	sshrl.u32 s9, $0x3  }
0x12: {  	s17 =	sadd.s32 s17, s16;
	s16 =	sshrl.u32 s16, $0x3;
	s26 =	sshrl.u32 s2, $0x3  }
0x13: {  	s2 =	simm.s32 $0x4200;
	s12 =	sadd.s32 s6, s9;
	s15 =	sor.u32 $0x10, s9  }
0x14: {  	s13 =	sadd.s32 s7, s9;
	s17 =	sshrl.u32 s17, $0x3;
	s18 =	sadd.s32 s0, s16  }
0x15: {  	s21 =	sadd.s32 s26, s7;
	s22 =	sadd.s32 s26, s6;
	s26 =	simm.s32 $0x80  }
0x16: {  	s14 =	sadd.s32 s6, s15;
	s15 =	sadd.s32 s7, s15;
	s16 =	sadd.s32 s0, s17  }
0x17: {  	s17 =	sadd.s32 $0x27000, s18;
	s18 =	smax.u32 s8, $0x1;
	s0 =	sshrl.u32 s25, $0x3  }
0x18: {  	s25 =	simm.s32 $0x100;
	s19 =	sadd.s32 s0, s7;
	s20 =	sadd.s32 s0, s6  }
0x19: {  	v0 =	vimm.f32 $0.0e+00;
	s0 =	simm.s32 $0x2;
	s6 =	simm.s32 $0x4;
	s7 =	simm.s32 $0x0  }
.LBB2_1:
0x1a: {  	s8 =	simm.s32 $0x0;
	s9 =	simm.s32 $0x200  }
.LBB2_2:
0x1b: {  	p1 =	sne.s32 s9, $0xF800;
	[tilespmem:s8+$0x270] =	vst v0  }
0x1c: {  	[tilespmem:s8+$0x200] =	vst v0  }
0x1d: {  	[tilespmem:s8+$0x210] =	vst v0  }
.Ltmp0:
0x1e: {  	[tilespmem:s8+$0x220] =	vst v0;
	(pc) =	sbr.rel @p1 .LBB2_2-.Ltmp0, $4  }
0x1f: {  	[tilespmem:s8+$0x230] =	vst v0  }
0x20: {  	[tilespmem:s8+$0x240] =	vst v0  }
0x21: {  	[tilespmem:s8+$0x250] =	vst v0  }
0x22: {  	[tilespmem:s8+$0x260] =	vst v0;
	s8 =	sshra.s32 s9, $0x2;
	s9 =	sadd.s32 $0x200, s9  }
0x23: {  	[tilespmem:s8+$0x270] =	vst v0  }
0x24: {  	[tilespmem:s8+$0x200] =	vst v0  }
0x25: {  	[tilespmem:s8+$0x210] =	vst v0  }
0x26: {  	[tilespmem:s8+$0x220] =	vst v0  }
0x27: {  	[tilespmem:s8+$0x230] =	vst v0  }
0x28: {  	[tilespmem:s8+$0x240] =	vst v0  }
0x29: {  	[tilespmem:s8+$0x250] =	vst v0  }
0x2a: {  	[tilespmem:s8+$0x260] =	vst v0  }
0x2b: {  	[spmem:s5] =	stream.linear.scatter [tilespmem:s23], [sflag:$0x5], $0x3C00, $0x38;
	[tilespmem:$0x1BA80] =	vst v63  }
0x2c: {  	_ =	swait.ge [sflag:s24], $0x3C00  }
0x2d: {  	[sflag:s24] =	ssyncset.done $0x0  }
0x2e: {  	s10 =	rddreg [dreg:$0x4];
	[sflag:s24] =	ssyncadd.s32 $0xFFFFC400  }
0x2f: {  	[spmem:s10] =	stream.linear.scatter [tilespmem:s23], [sflag:$0x5], $0x3C00, $0x38;
	[tilespmem:$0x1BA80] =	vst v63  }
0x30: {  	_ =	swait.ge [sflag:s24], $0x3C00  }
0x31: {  	[sflag:s24] =	ssyncset.done $0x0  }
0x32: {  	s9 =	rddreg [dreg:$0x5];
	[sflag:s24] =	ssyncadd.s32 $0xFFFFC400  }
0x33: {  	[spmem:s9] =	stream.linear.scatter [tilespmem:s23], [sflag:$0x5], $0x3C00, $0x38;
	[tilespmem:$0x1BA80] =	vst v63  }
0x34: {  	_ =	swait.ge [sflag:s24], $0x3C00  }
0x35: {  	[sflag:s24] =	ssyncset.done $0x0  }
0x36: {  	s10 =	rddreg [dreg:$0x6];
	[sflag:s24] =	ssyncadd.s32 $0xFFFFC400  }
0x37: {  	[spmem:s10] =	stream.linear.scatter [tilespmem:s23], [sflag:$0x5], $0x3C00, $0x38;
	[tilespmem:$0x1BA80] =	vst v63  }
0x38: {  	_ =	swait.ge [sflag:s24], $0x3C00  }
0x39: {  	[sflag:s24] =	ssyncset.done $0x0  }
0x3a: {  	s9 =	rddreg [dreg:$0x7];
	[sflag:s24] =	ssyncadd.s32 $0xFFFFC400  }
0x3b: {  	[spmem:s9] =	stream.linear.scatter [tilespmem:s23], [sflag:$0x5], $0x3C00, $0x38;
	[tilespmem:$0x1BA80] =	vst v63  }
0x3c: {  	_ =	swait.ge [sflag:s24], $0x3C00  }
0x3d: {  	[sflag:s24] =	ssyncset.done $0x0  }
0x3e: {  	s10 =	rddreg [dreg:$0x8];
	[sflag:s24] =	ssyncadd.s32 $0xFFFFC400  }
0x3f: {  	[spmem:s10] =	stream.linear.scatter [tilespmem:s23], [sflag:$0x5], $0xC00, $0x38;
	[tilespmem:$0x1BA80] =	vst v63  }
0x40: {  	_ =	swait.ge [sflag:s24], $0xC00  }
0x41: {  	[sflag:s24] =	ssyncset.done $0x0  }
0x42: {  	s8 =	simm.s32 @!p0 $0x200;
	[sflag:s24] =	ssyncadd.s32 $0xFFFFF400  }
0x43: {  	[spmem:s11] =	stream.linear.scatter @!p0 [tilespmem:s8], [sflag:$0x5], $0x800, $0x38;
	[tilespmem:$0x1BA80] =	vst v63  }
0x44: {  	s8 =	simm.s32 @!p0 $0x5  }
0x45: {  	_ =	swait.ge @!p0 [sflag:s8], $0x800  }
0x46: {  	[sflag:s8] =	ssyncset.done @!p0 $0x0  }
0x47: {  	[sflag:s8] =	ssyncadd.s32 @!p0 $0xFFFFF800  }
0x48: {  	s9 =	simm.s32 $0x0;
	[bflag:$0x0] =	sbarrier.arrive $0xFFFF  }
0x49: {  	[tilespmem:s9], [sflag:$0x1] =	stream.linear.gather [hbm4b:s12+s9], $0x80, $0x38;
	[tilespmem:$0x1BA80] =	vst v63  }
0x4a: {  	_ = 	snop  }
0x4b: {  	[tilespmem:s25], [sflag:$0x1] =	stream.linear.gather [hbm4b:s13+s9], $0x80, $0x38;
	[tilespmem:$0x1BA80] =	vst v63  }
0x4c: {  	_ = 	snop  }
0x4d: {  	[tilespmem:s26], [sflag:$0x2] =	stream.linear.gather [hbm4b:s14+s9], $0x80, $0x38;
	[tilespmem:$0x1BA80] =	vst v63  }
0x4e: {  	_ = 	snop  }
0x4f: {  	[tilespmem:s28], [sflag:$0x2] =	stream.linear.gather [hbm4b:s15+s9], $0x80, $0x38;
	[tilespmem:$0x1BA80] =	vst v63  }
0x50: {  	_ =	swait.ge [sflag:s29], $0x80  }
0x51: {  	[sflag:s29] =	ssyncset.done $0x0  }
0x52: {  	[sflag:s29] =	ssyncadd.s32 $0xFFFFFF80  }
0x53: {  	_ =	swait.ge [sflag:s29], $0x80  }
0x54: {  	[sflag:s29] =	ssyncset.done $0x0  }
0x55: {  	[sflag:s29] =	ssyncadd.s32 $0xFFFFFF80  }
0x56: {  	[tilespmem:s23], [sflag:$0x3] =	stream.indirect.gather [hbm4b:s1+s30], $0x80, s9, s30, $0xb8;
	[tilespmem:$0x1BA80] =	vst v63  }
0x57: {  	_ =	swait.ge [sflag:s31], $0x3E80  }
0x58: {  	[sflag:s31] =	ssyncset.done $0x0  }
0x59: {  	[sflag:s31] =	ssyncadd.s32 $0xFFFFC180  }
0x5a: {  	_ =	swait.ge [sflag:s0], $0x80  }
0x5b: {  	[sflag:s0] =	ssyncset.done $0x0  }
0x5c: {  	[sflag:s0] =	ssyncadd.s32 $0xFFFFFF80  }
0x5d: {  	_ =	swait.ge [sflag:s0], $0x80  }
0x5e: {  	[sflag:s0] =	ssyncset.done $0x0  }
0x5f: {  	[sflag:s0] =	ssyncadd.s32 $0xFFFFFF80  }
0x60: {  	[tilespmem:s2], [sflag:$0x4] =	stream.indirect.gather [hbm4b:s1+s30], $0x80, s26, s30, $0xb8;
	[tilespmem:$0x1BA80] =	vst v63  }
0x61: {  	_ = 	snop  }
0x62: {  	[spmem:s3] =	stream.indirect.scatter.add.f32 [tilespmem:s23], [sflag:$0x5], $0x80, s25, s30, $0xb8;
	[tilespmem:$0x1BA80] =	vst v63  }
0x63: {  	_ =	swait.ge [sflag:s24], $0x3E80  }
0x64: {  	[sflag:s24] =	ssyncset.done $0x0  }
0x65: {  	s10 =	sadd.s32 $0x0, s22;
	[sflag:s24] =	ssyncadd.s32 $0xFFFFC180  }
0x66: {  	[tilespmem:s4], [sflag:$0x1] =	stream.linear.gather [hbm4b:s10+s4], $0x80, $0x38;
	[tilespmem:$0x1BA80] =	vst v63  }
0x67: {  	s9 =	sadd.s32 $0x0, s21  }
0x68: {  	[tilespmem:s25], [sflag:$0x1] =	stream.linear.gather [hbm4b:s9+s4], $0x80, $0x38;
	[tilespmem:$0x1BA80] =	vst v63  }
0x69: {  	_ =	swait.ge [sflag:s6], $0x3E80  }
0x6a: {  	[sflag:s6] =	ssyncset.done $0x0  }
0x6b: {  	[sflag:s6] =	ssyncadd.s32 $0xFFFFC180  }
0x6c: {  	_ =	swait.ge [sflag:s29], $0x80  }
0x6d: {  	[sflag:s29] =	ssyncset.done $0x0  }
0x6e: {  	[sflag:s29] =	ssyncadd.s32 $0xFFFFFF80  }
0x6f: {  	_ =	swait.ge [sflag:s29], $0x80  }
0x70: {  	[sflag:s29] =	ssyncset.done $0x0  }
0x71: {  	[sflag:s29] =	ssyncadd.s32 $0xFFFFFF80  }
0x72: {  	[tilespmem:s23], [sflag:$0x3] =	stream.indirect.gather [hbm4b:s1+s30], $0x80, s4, s30, $0xb8;
	[tilespmem:$0x1BA80] =	vst v63  }
0x73: {  	_ = 	snop  }
0x74: {  	[spmem:s3] =	stream.indirect.scatter.add.f32 [tilespmem:s2], [sflag:$0x5], $0x80, s28, s30, $0xb8;
	[tilespmem:$0x1BA80] =	vst v63  }
0x75: {  	_ =	swait.ge [sflag:s24], $0x3E80  }
0x76: {  	s8 =	simm.s32 $0x20;
	[sflag:s24] =	ssyncset.done $0x0  }
0x77: {  	s10 =	sadd.s32 $0x0, s20;
	s9 =	sadd.s32 $0x0, s19;
	[sflag:s24] =	ssyncadd.s32 $0xFFFFC180  }
0x78: {  	[tilespmem:s26], [sflag:$0x2] =	stream.linear.gather [hbm4b:s10+s4], $0x80, $0x38;
	[tilespmem:$0x1BA80] =	vst v63  }
.LBB2_4:
0x79: {  	[tilespmem:s28], [sflag:$0x2] =	stream.linear.gather [hbm4b:s9+s4], $0x80, $0x38;
	[tilespmem:$0x1BA80] =	vst v63  }
0x7a: {  	s9 =	smov.u32 s8  }
0x7b: {  	p1 =	sne.s32 s8, $0x4C0;
	s8 =	sadd.s32 $0x20, s8;
	_ =	swait.ge [sflag:s31], $0x3E80  }
0x7c: {  	[sflag:s31] =	ssyncset.done $0x0  }
0x7d: {  	[sflag:s31] =	ssyncadd.s32 $0xFFFFC180  }
0x7e: {  	_ =	swait.ge [sflag:s0], $0x80  }
0x7f: {  	[sflag:s0] =	ssyncset.done $0x0  }
0x80: {  	[sflag:s0] =	ssyncadd.s32 $0xFFFFFF80  }
0x81: {  	_ =	swait.ge [sflag:s0], $0x80  }
0x82: {  	[sflag:s0] =	ssyncset.done $0x0  }
0x83: {  	[sflag:s0] =	ssyncadd.s32 $0xFFFFFF80  }
0x84: {  	[tilespmem:s2], [sflag:$0x4] =	stream.indirect.gather [hbm4b:s1+s30], $0x80, s26, s30, $0xb8;
	[tilespmem:$0x1BA80] =	vst v63  }
0x85: {  	_ = 	snop  }
0x86: {  	[spmem:s3] =	stream.indirect.scatter.add.f32 [tilespmem:s23], [sflag:$0x5], $0x80, s25, s30, $0xb8;
	[tilespmem:$0x1BA80] =	vst v63  }
0x87: {  	_ =	swait.ge [sflag:s24], $0x3E80  }
0x88: {  	[sflag:s24] =	ssyncset.done $0x0  }
0x89: {  	s10 =	sadd.s32 s9, s22;
	[sflag:s24] =	ssyncadd.s32 $0xFFFFC180  }
0x8a: {  	[tilespmem:s4], [sflag:$0x1] =	stream.linear.gather [hbm4b:s10+s4], $0x80, $0x38;
	[tilespmem:$0x1BA80] =	vst v63  }
0x8b: {  	s10 =	sadd.s32 s9, s21  }
0x8c: {  	[tilespmem:s25], [sflag:$0x1] =	stream.linear.gather [hbm4b:s10+s4], $0x80, $0x38;
	[tilespmem:$0x1BA80] =	vst v63  }
0x8d: {  	_ =	swait.ge [sflag:s6], $0x3E80  }
0x8e: {  	[sflag:s6] =	ssyncset.done $0x0  }
0x8f: {  	[sflag:s6] =	ssyncadd.s32 $0xFFFFC180  }
0x90: {  	_ =	swait.ge [sflag:s29], $0x80  }
0x91: {  	[sflag:s29] =	ssyncset.done $0x0  }
0x92: {  	[sflag:s29] =	ssyncadd.s32 $0xFFFFFF80  }
0x93: {  	_ =	swait.ge [sflag:s29], $0x80  }
0x94: {  	[sflag:s29] =	ssyncset.done $0x0  }
0x95: {  	[sflag:s29] =	ssyncadd.s32 $0xFFFFFF80  }
0x96: {  	[tilespmem:s23], [sflag:$0x3] =	stream.indirect.gather [hbm4b:s1+s30], $0x80, s4, s30, $0xb8;
	[tilespmem:$0x1BA80] =	vst v63  }
0x97: {  	_ = 	snop  }
0x98: {  	[spmem:s3] =	stream.indirect.scatter.add.f32 [tilespmem:s2], [sflag:$0x5], $0x80, s28, s30, $0xb8;
	[tilespmem:$0x1BA80] =	vst v63  }
.Ltmp1:
0x99: {  	_ =	swait.ge [sflag:s24], $0x3E80;
	(pc) =	sbr.rel @p1 .LBB2_4-.Ltmp1, $4  }
0x9a: {  	[sflag:s24] =	ssyncset.done $0x0  }
0x9b: {  	s10 =	sadd.s32 s9, s20;
	[sflag:s24] =	ssyncadd.s32 $0xFFFFC180  }
0x9c: {  	[tilespmem:s26], [sflag:$0x2] =	stream.linear.gather [hbm4b:s10+s4], $0x80, $0x38;
	[tilespmem:$0x1BA80] =	vst v63  }
0x9d: {  	s9 =	sadd.s32 s9, s19  }
0x9e: {  	[tilespmem:s28], [sflag:$0x2] =	stream.linear.gather [hbm4b:s9+s4], $0x80, $0x38;
	[tilespmem:$0x1BA80] =	vst v63  }
0x9f: {  	_ =	swait.ge [sflag:s31], $0x3E80  }
0xa0: {  	[sflag:s31] =	ssyncset.done $0x0  }
0xa1: {  	[sflag:s31] =	ssyncadd.s32 $0xFFFFC180  }
0xa2: {  	_ =	swait.ge [sflag:s0], $0x80  }
0xa3: {  	[sflag:s0] =	ssyncset.done $0x0  }
0xa4: {  	[sflag:s0] =	ssyncadd.s32 $0xFFFFFF80  }
0xa5: {  	_ =	swait.ge [sflag:s0], $0x80  }
0xa6: {  	[sflag:s0] =	ssyncset.done $0x0  }
0xa7: {  	[sflag:s0] =	ssyncadd.s32 $0xFFFFFF80  }
0xa8: {  	[tilespmem:s2], [sflag:$0x4] =	stream.indirect.gather [hbm4b:s1+s30], $0x80, s26, s30, $0xb8;
	[tilespmem:$0x1BA80] =	vst v63  }
0xa9: {  	_ = 	snop  }
0xaa: {  	[spmem:s3] =	stream.indirect.scatter.add.f32 [tilespmem:s23], [sflag:$0x5], $0x80, s25, s30, $0xb8;
	[tilespmem:$0x1BA80] =	vst v63  }
0xab: {  	_ =	swait.ge [sflag:s24], $0x3E80  }
0xac: {  	[sflag:s24] =	ssyncset.done $0x0  }
0xad: {  	[sflag:s24] =	ssyncadd.s32 $0xFFFFC180  }
0xae: {  	_ =	swait.ge [sflag:s6], $0x3E80  }
0xaf: {  	[sflag:s6] =	ssyncset.done $0x0  }
0xb0: {  	[sflag:s6] =	ssyncadd.s32 $0xFFFFC180  }
0xb1: {  	[spmem:s3] =	stream.indirect.scatter.add.f32 [tilespmem:s2], [sflag:$0x5], $0x80, s28, s30, $0xb8;
	[tilespmem:$0x1BA80] =	vst v63  }
0xb2: {  	_ =	swait.ge [sflag:s24], $0x3E80  }
0xb3: {  	s8 =	stileid.u32;
	[sflag:s24] =	ssyncset.done $0x0  }
0xb4: {  	s8 =	sshll.u32 s8, $0x6;
	[sflag:s24] =	ssyncadd.s32 $0xFFFFC180  }
0xb5: {  	s10 =	sshrl.u32 s5, $0x3;
	s8 =	sor.u32 $0x1C05, s8;
	[bflag:$0x0] =	sbarrier.arrive $0xFFFF  }
0xb6: {  	[hbm:s16], [sflag:s8] =	dma.local [spmem:s10], $0x2700  }
0xb7: {  	_ =	swait.ge [sflag:s24], $0x2700  }
0xb8: {  	s7 =	sadd.s32 $0x1, s7;
	[sflag:s24] =	ssyncset.done $0x0  }
0xb9: {  	s9 =	sshrl.u32 @!p0 s11, $0x3;
	p1 =	sne.s32 s7, s18;
	[sflag:s24] =	ssyncadd.s32 $0xFFFFD900  }
0xba: {  	[hbm:s17], [sflag:s8] =	dma.local @!p0 [spmem:s9], $0x100  }
.Ltmp2:
0xbb: {  	_ = 	snop;
	(pc) =	sbr.rel @p1 .LBB2_1-.Ltmp2, $4  }
0xbc: {  	s8 =	simm.s32 @!p0 $0x5  }
0xbd: {  	_ =	swait.ge @!p0 [sflag:s8], $0x100  }
0xbe: {  	[sflag:s8] =	ssyncset.done @!p0 $0x0  }
0xbf: {  	[sflag:s8] =	ssyncadd.s32 @!p0 $0xFFFFFF00  }
0xc0: {  	_ =	sfence.sel $0x180000  }
0xc1: {  	[bflag:$0x0] =	sbarrier.arrive $0xFFFF  }
0xc2: {  	_ =	strace $0x9000004D  }
0xc3: {  	s0 =	stileid.u32;
	[bflag:$0x2] =	sbarrier.arrive $0xFFFF  }
0xc4: {  	p0 =	sne.s32 s0, $0x0;
	s0 =	rddreg [dreg:$0x3]  }
0xc5: {  	s0 =	sadd.s32 @!p0 $0x100000, s0  }
0xc6: {  	[sflag:s0] =	ssyncadd.tile.s32 @!p0 $0x1;
	_ =	shalt  }
.Lfunc_end2:
_tile_overlayer_lowered:
.L_overlay_start_2:
0xc7: {  	(tag) =	ssettag $0x2  }
0xc8: {  	s0 =	rddreg [dreg:$0x0];
	s2 =	stileid.u32  }
0xc9: {  	s1 =	rddreg [dreg:$0x1];
	p0 =	sne.s32 s2, $0x0  }
0xca: {  	s3 =	rddreg [dreg:$0x2];
	[bflag:$0x3] =	sbarrier.arrive $0xFFFF;
	s2 =	simm.s32 @!p0 $0x1C05  }
0xcb: {  	[timem:s3], [sflag:s2] =	dma.local @!p0 [hbm:s0], s1  }
0xcc: {  	s0 =	simm.s32 @!p0 $0x5  }
0xcd: {  	_ =	swait.ge @!p0 [sflag:s0], s1  }
0xce: {  	s1 =	ssub.s32 @!p0 $0x0, s1;
	[sflag:s0] =	ssyncset.done @!p0 $0x0  }
0xcf: {  	[sflag:s0] =	ssyncadd.s32 @!p0 s1  }
0xd0: {  	[bflag:$0x3] =	sbarrier.arrive $0xFFFF  }
0xd1: {  	_ =	shalt  }

// kernel: kernel.19.cloned.1.call-start
scs
__scs_entry_jumppad:
0x0: {  	(pc) =	sbr.rel $0x88, $3  }
0x1: {  	(tag) =	ssettag $0x0;
	lr =	simm.s32 $0x1  }
0x2: {  	[smem:$0x3F92] =	sst lr;
	_ =	strace $0xD0000000  }
0x3: {  	_ = 	snop  }
0x4: {  	_ = 	snop  }
0x5: {  	_ = 	snop  }
0x6: {  	_ = 	snop  }
0x7: {  	_ = 	snop  }
__scs_overlays_trampoline_lowered:
0x8: {  	[smem:$0x3FA1] =	sst s0  }
0x9: {  	[smem:$0x3FA2] =	sst s1  }
0xa: {  	[smem:$0x3FA3] =	sst s2  }
0xb: {  	[smem:$0x3FA4] =	sst s3  }
0xc: {  	[smem:$0x3FA5] =	sst s4  }
0xd: {  	[smem:$0x3FA6] =	sst s5  }
0xe: {  	[smem:$0x3FA7] =	sst s6  }
0xf: {  	[smem:$0x3FA8] =	sst s7  }
0x10: {  	[smem:$0x3FA9] =	sst s8  }
0x11: {  	[smem:$0x3FAA] =	sst s9;
	s0 =	simm.s32 @!p0 $0x0  }
0x12: {  	s1 =	sld [smem:$0x3F90];
	s0 =	simm.s32 @p0 $0x1  }
0x13: {  	[smem:$0x3FAB] =	sst s0;
	s0 =	simm.s32 @!p1 $0x0  }
0x14: {  	s2 =	sld [smem:$0x3F8F];
	s0 =	simm.s32 @p1 $0x1  }
0x15: {  	[smem:$0x3FAC] =	sst s0;
	s0 =	simm.s32 @!p2 $0x0  }
0x16: {  	s3 =	sld [smem:$0x3FDB];
	s0 =	simm.s32 @p2 $0x1  }
0x17: {  	s4 =	simm.s32 $0x1BF5;
	[smem:$0x3FAE] =	sst s0  }
0x18: {  	s0 =	sld [smem:$0x3F91];
	_ =	swait.ge [sflag:s4], $0x0  }
0x19: {  	s7 =	sld [smem:$0x3F92]  }
0x1a: {  	s8 =	sadd.s32 $0xFFFFE003, lr  }
0x1b: {  	s9 =	sadd.s32 $0xFFFFFEF7, lr;
	s5 =	simm.s32 $0xFFFFFFFF;
	p2 =	slt.u32 s8, $0xFFFFF086  }
0x1c: {  	p1 =	slt.u32 s9, $0xF7A;
	s5 =	simm.s32 @!p2 $0x0  }
0x1d: {  	s5 =	simm.s32 @p1 $0x1;
	p0 =	seq.s32 s7, s2  }
0x1e: {  	s7 =	smul.u32 @!p0 $0xF7A, s2;
	p2 =	seq.s32 @!p0 s5, $0x0  }
0x1f: {  	s9 =	smul.u32 $0xF7A, s1;
	s8 =	simm.s32 @!p0 $0x1BF5;
	p2 =	por !p2, p0  }
0x20: {  	[sflag:s8] =	ssyncset.s32 @!p0 $0xFFFFF086;
	s6 =	sadd.s32 @!p0 s3, s7;
	s7 =	simm.s32 @!p0 $0x108  }
0x21: {  	s3 =	sadd.s32 s3, s9;
	s6 =	sadd.s32 @!p0 $0x88, s6;
	s7 =	simm.s32 @p2 $0x1082  }
0x22: {  	[simem:s7], [sflag:s8] =	dma.local @!p0 [hbm:s6], $0xF7A  }
0x23: {  	s9 =	sor.u32 $0xD0000000, s2;
	s6 =	simm.s32 $0x108;
	_ =	swait.ge @!p0 [sflag:s8], $0x0  }
0x24: {  	s3 =	sadd.s32 $0x88, s3;
	s6 =	simm.s32 @!p1 $0x1082;
	[sflag:s4] =	ssyncset.s32 $0xFFFFF086  }
0x25: {  	[simem:s6], [sflag:s4] =	dma.local [hbm:s3], $0xF7A  }
0x26: {  	[smem:$0x3F92] =	sst s1;
	(tag) =	ssettag s2;
	_ =	strace s9  }
0x27: {  	s1 =	sld [smem:$0x3FA2]  }
0x28: {  	s2 =	sld [smem:$0x3FA3]  }
0x29: {  	s4 =	sld [smem:$0x3FA5]  }
0x2a: {  	p0 =	seq.s32 s5, $0x0;
	s5 =	sld [smem:$0x3FA6]  }
0x2b: {  	s6 =	sld [smem:$0x3FA7]  }
0x2c: {  	s7 =	sld [smem:$0x3FA8]  }
0x2d: {  	s3 =	simm.s32 $0x108;
	s8 =	sld [smem:$0x3FA9]  }
0x2e: {  	s3 =	simm.s32 @!p0 $0x1082;
	s9 =	sld [smem:$0x3FAA]  }
0x2f: {  	lr =	sadd.s32 s0, s3;
	s0 =	sld [smem:$0x3FA1]  }
0x30: {  	s3 =	sld [smem:$0x3FA4]  }
0x31: {  	[smem:$0x3FAD] =	sst s10  }
0x32: {  	s10 =	sld [smem:$0x3FAB];
	_ =	sdelay $0x3  }
0x33: {  	p0 =	seq.s32 s10, $0x1;
	s10 =	sld [smem:$0x3FAD];
	_ =	sdelay $0x3  }
0x34: {  	[smem:$0x3FAD] =	sst s10  }
0x35: {  	s10 =	sld [smem:$0x3FAC];
	_ =	sdelay $0x3  }
0x36: {  	p1 =	seq.s32 s10, $0x1;
	s10 =	sld [smem:$0x3FAD];
	_ =	sdelay $0x3  }
0x37: {  	[smem:$0x3FAD] =	sst s10  }
0x38: {  	s10 =	sld [smem:$0x3FAE]  }
0x39: {  	_ = 	snop;
	(pc) =	sbr.ind lr, $3  }
0x3a: {  	_ = 	snop  }
0x3b: {  	_ = 	snop  }
0x3c: {  	p2 =	seq.s32 s10, $0x1;
	s10 =	sld [smem:$0x3FAD]  }
0x3d: {  	_ =	shalt  }
0x3e: {  	_ =	shalt  }
0x3f: {  	_ =	shalt  }
0x40: {  	_ =	shalt  }
0x41: {  	_ =	shalt  }
0x42: {  	_ =	shalt  }
0x43: {  	_ =	shalt  }
0x44: {  	_ =	shalt  }
0x45: {  	_ =	shalt  }
0x46: {  	_ =	shalt  }
0x47: {  	_ =	shalt  }
0x48: {  	_ =	shalt  }
0x49: {  	_ =	shalt  }
0x4a: {  	_ =	shalt  }
0x4b: {  	_ =	shalt  }
0x4c: {  	_ =	shalt  }
0x4d: {  	_ =	shalt  }
0x4e: {  	_ =	shalt  }
0x4f: {  	_ =	shalt  }
0x50: {  	_ =	shalt  }
0x51: {  	_ =	shalt  }
0x52: {  	_ =	shalt  }
0x53: {  	_ =	shalt  }
0x54: {  	_ =	shalt  }
0x55: {  	_ =	shalt  }
0x56: {  	_ =	shalt  }
0x57: {  	_ =	shalt  }
0x58: {  	_ =	shalt  }
0x59: {  	_ =	shalt  }
0x5a: {  	_ =	shalt  }
0x5b: {  	_ =	shalt  }
0x5c: {  	_ =	shalt  }
0x5d: {  	_ =	shalt  }
0x5e: {  	_ =	shalt  }
0x5f: {  	_ =	shalt  }
0x60: {  	_ =	shalt  }
0x61: {  	_ =	shalt  }
0x62: {  	_ =	shalt  }
0x63: {  	_ =	shalt  }
0x64: {  	_ =	shalt  }
0x65: {  	_ =	shalt  }
0x66: {  	_ =	shalt  }
0x67: {  	_ =	shalt  }
0x68: {  	_ =	shalt  }
0x69: {  	_ =	shalt  }
0x6a: {  	_ =	shalt  }
0x6b: {  	_ =	shalt  }
0x6c: {  	_ =	shalt  }
0x6d: {  	_ =	shalt  }
0x6e: {  	_ =	shalt  }
0x6f: {  	_ =	shalt  }
0x70: {  	_ =	shalt  }
0x71: {  	_ =	shalt  }
0x72: {  	_ =	shalt  }
0x73: {  	_ =	shalt  }
0x74: {  	_ =	shalt  }
0x75: {  	_ =	shalt  }
0x76: {  	_ =	shalt  }
0x77: {  	_ =	shalt  }
0x78: {  	_ =	shalt  }
0x79: {  	_ =	shalt  }
0x7a: {  	_ =	shalt  }
0x7b: {  	_ =	shalt  }
0x7c: {  	_ =	shalt  }
0x7d: {  	_ =	shalt  }
0x7e: {  	_ =	shalt  }
0x7f: {  	_ =	shalt  }
0x80: {  	_ =	shalt  }
0x81: {  	_ =	shalt  }
0x82: {  	_ =	shalt  }
0x83: {  	_ =	shalt  }
0x84: {  	_ =	shalt  }
0x85: {  	_ =	shalt  }
0x86: {  	_ =	shalt  }
0x87: {  	_ =	shalt  }
.Lfunc_end0:
.L_simem_size_0:
called_computation.3_lowered:
.L_overlay_start_0:
0x88: {  	s2 =	sld [smem:$0x3FD9]  }
0x89: {  	s3 =	sld [smem:$0x3FFE];
	_ =	sdelay $0x1  }
0x8a: {  	s1 =	srdreg.scid  }
0x8b: {  	s0 =	sand.u32 $0x1, s1  }
0x8c: {  	s17 =	sshll.u32 s0, $0xA;
	s2 =	sadd.s32 s3, s2  }
0x8d: {  	s2 =	sadd.s32 s2, s17  }
0x8e: {  	[smem:$0x3FB9] =	sst s2  }
0x8f: {  	_ = 	snop  }
0x90: {  	s2 =	sld [smem:$0x3FD0];
	(tm) =	ssettm $0x1  }
0x91: {  	s18 =	sld [smem:$0x3FFB];
	_ =	sdelay $0x3  }
0x92: {  	_ =	strace s18  }
0x93: {  	s3 =	sld [smem:$0x3FFC];
	_ =	sdelay $0x3  }
0x94: {  	_ =	strace s3  }
0x95: {  	s3 =	sld [smem:$0x3FFD];
	_ =	sdelay $0x3  }
0x96: {  	_ =	strace s3  }
0x97: {  	_ =	strace $0x8FFFFFFF  }
0x98: {  	s19 =	sld [smem:$0x3FDB];
	_ =	sdelay $0x1  }
0x99: {  	s4 =	simm.s32 $_scs_section_size  }
0x9a: {  	s5 =	simm.s32 $_size__tile_overlayer_lowered;
	s6 =	simm.s32 $_tile_overlayer_lowered  }
0x9b: {  	s22 =	simm.s32 $0x1BFF;
	s21 =	sshll.u32 s6, $0x1;
	s3 =	sadd.s32 s4, s19  }
0x9c: {  	s7 =	simm.s32 $0x0;
	s20 =	sshll.u32 s5, $0x1;
	s5 =	sadd.s32 s21, s3  }
0x9d: {  	[timem:s7], [sflag:s22] =	dma.local [hbm:s5], s20  }
0x9e: {  	_ =	swait.ge [sflag:s22], s20  }
0x9f: {  	s4 =	ssub.s32 $0x0, s20;
	[sflag:s22] =	ssyncset.done $0x0  }
0xa0: {  	[sflag:s22] =	ssyncadd.s32 s4;
	_ =	sdelay $0x1  }
0xa1: {  	s23 =	simm.s32 $0x1B8B  }
0xa2: {  	_ =	swait.ge [sflag:s23], $0x1  }
0xa3: {  	[sflag:s23] =	ssyncset.done $0x0  }
0xa4: {  	s25 =	simm.s32 $0x1B8E;
	s24 =	sld [smem:$0x3FFE];
	[sflag:s23] =	ssyncadd.s32 $0xFFFFFFFF  }
0xa5: {  	s26 =	simm.s32 $execute0_lowered;
	[smem:$0x3FD2] =	sst s25  }
0xa6: {  	s5 =	sshll.u32 s26, $0x1;
	_ =	strace $0x8000004F;
	[dreg:$0x1] =	wrdreg $0xFFFFFFFF  }
0xa7: {  	s28 =	simm.s32 $_size_execute0_lowered;
	s3 =	sadd.s32 s3, s5;
	[dreg:$0x0] =	wrdreg $0x0  }
0xa8: {  	s5 =	sshll.u32 s28, $0x1;
	[dreg:$0x2] =	wrdreg s3  }
0xa9: {  	[dreg:$0x3] =	wrdreg s5  }
0xaa: {  	[dreg:$0x4] =	wrdreg $0xC0  }
0xab: {  	_ =	task [dreg:s7], $0x5FFFF  }
0xac: {  	[dreg:$0x1] =	wrdreg $0xFFFFFFFF  }
0xad: {  	[dreg:$0x0] =	wrdreg $0x60  }
0xae: {  	[dreg:$0x2] =	wrdreg s2  }
0xaf: {  	[dreg:$0x3] =	wrdreg s24  }
0xb0: {  	[dreg:$0x4] =	wrdreg $0x82000  }
0xb1: {  	[dreg:$0x5] =	wrdreg $0x9  }
0xb2: {  	_ =	task.clear_ibuf [dreg:s7], $0x6FFFF;
	_ =	strace $0x9000004F  }
0xb3: {  	s29 =	simm.s32 $0x9;
	_ =	strace $0x80000051  }
0xb4: {  	_ =	swait.ge [sflag:s29], $0x1  }
0xb5: {  	[sflag:s29] =	ssyncadd.s32 $0xFFFFFFFF  }
0xb6: {  	_ =	strace $0x90000051  }
0xb7: {  	_ =	sfence  }
0xb8: {  	s30 =	sld [smem:$0x0];
	_ =	sdelay $0x2  }
0xb9: {  	s31 =	sshll.u32 s1, $0xD;
	s1 =	sshrl.u32 s1, $0x2  }
0xba: {  	s3 =	sand.u32 $0x4000, s31;
	s1 =	sadd.s32 s1, s30  }
0xbb: {  	s0 =	sor.u32 s3, s0;
	s1 =	sshll.u32 s1, $0x11  }
0xbc: {  	s0 =	sor.u32 s1, s0  }
0xbd: {  	s0 =	sadd.s32 $0x8F2B, s0  }
0xbe: {  	[sflag:s0] =	ssyncadd.remote.s32 $0x1  }
0xbf: {  	_ =	sfence.sel $0xFFFF  }
0xc0: {  	[dreg:$0x0] =	wrdreg $0xFFFFFFFF;
	(pc) =	sbr.abs _section_cstart, $3  }
0xc1: {  	[dreg:$0x1] =	wrdreg $0xFFFFFFFF  }
0xc2: {  	_ =	task.clear_ibuf [dreg:s7], $0x2FFFF;
	_ =	strace $0x9FFFFFFF  }
0xc3: {  	(tm) =	ssettm $0x7FFFFFFF  }
tec
execute0_lowered:
.L_overlay_start_1:
0x0: {  	(tag) =	ssettag $0x1  }
0x1: {  	s1 =	rddreg [dreg:$0x0]  }
0x2: {  	s0 =	rddreg [dreg:$0x1]  }
0x3: {  	s3 =	rddreg [dreg:$0x2];
	s4 =	simm.s32 $0x0;
	s23 =	stileid.u32  }
0x4: {  	s2 =	srdreg.scid;
	s28 =	simm.s32 $0x180;
	s29 =	simm.s32 $0x1  }
0x5: {  	s30 =	simm.s32 $0x7D;
	s31 =	simm.s32 $0x3;
	[smem:$0x7FF] =	sst s4  }
0x6: {  	s5 =	smul.u32 $0x4E000, s23;
	s6 =	sadd.s32 $0xE200, s0;
	s7 =	sadd.s32 $0x3800, s0  }
0x7: {  	s2 =	sand.u32 $0x1, s2;
	s0 =	sadd.s32 $0x18200, s0;
	s24 =	smul.u32 $0x2800, s23  }
0x8: {  	s11 =	sadd.s32 $0x138000, s3;
	p0 =	sne.s32 s23, $0xF;
	s16 =	smul.u32 $0x138800, s2  }
0x9: {  	s8 =	ssub.s32 $0x2, s2;
	s10 =	sshll.u32 s2, $0x4;
	s2 =	smul.u32 $0x28000, s2  }
0xa: {  	s5 =	sshrl.u32 s5, $0x2;
	s9 =	sshrl.u32 s8, $0x1;
	s17 =	sor.u32 s23, s10  }
0xb: {  	s5 =	sadd.s32 s5, s3;
	s8 =	ssub.s32 s8, s9;
	s9 =	smul.u32 $0x2800, s17  }
0xc: {  	_ =	strace $0x80000050;
	s17 =	smul.u32 $0x13800, s23;
	s18 =	sadd.s32 $0x3C00, s5  }
0xd: {  	s2 =	sadd.s32 s24, s2;
	s19 =	sadd.s32 $0x7800, s5;
	[dreg:$0x4] =	wrdreg s18  }
0xe: {  	s23 =	simm.s32 $0x200;
	s20 =	sadd.s32 $0xB400, s5;
	[dreg:$0x5] =	wrdreg s19  }
0xf: {  	s24 =	simm.s32 $0x5;
	s21 =	sadd.s32 $0xF000, s5;
	[dreg:$0x6] =	wrdreg s20  }
0x10: {  	s22 =	sadd.s32 $0x12C00, s5;
	s25 =	sor.u32 $0x180, s2;
	[dreg:$0x7] =	wrdreg s21  }
0x11: {  	s2 =	sor.u32 $0x100, s2;
	[dreg:$0x8] =	wrdreg s22;
	s9 =	sshrl.u32 s9, $0x3  }
0x12: {  	s17 =	sadd.s32 s17, s16;
	s16 =	sshrl.u32 s16, $0x3;
	s26 =	sshrl.u32 s2, $0x3  }
0x13: {  	s2 =	simm.s32 $0x4200;
	s12 =	sadd.s32 s6, s9;
	s15 =	sor.u32 $0x10, s9  }
0x14: {  	s13 =	sadd.s32 s7, s9;
	s17 =	sshrl.u32 s17, $0x3;
	s18 =	sadd.s32 s0, s16  }
0x15: {  	s21 =	sadd.s32 s26, s7;
	s22 =	sadd.s32 s26, s6;
	s26 =	simm.s32 $0x80  }
0x16: {  	s14 =	sadd.s32 s6, s15;
	s15 =	sadd.s32 s7, s15;
	s16 =	sadd.s32 s0, s17  }
0x17: {  	s17 =	sadd.s32 $0x27000, s18;
	s18 =	smax.u32 s8, $0x1;
	s0 =	sshrl.u32 s25, $0x3  }
0x18: {  	s25 =	simm.s32 $0x100;
	s19 =	sadd.s32 s0, s7;
	s20 =	sadd.s32 s0, s6  }
0x19: {  	v0 =	vimm.f32 $0.0e+00;
	s0 =	simm.s32 $0x2;
	s6 =	simm.s32 $0x4;
	s7 =	simm.s32 $0x0  }
.LBB2_1:
0x1a: {  	s8 =	simm.s32 $0x0;
	s9 =	simm.s32 $0x200  }
.LBB2_2:
0x1b: {  	p1 =	sne.s32 s9, $0xF800;
	[tilespmem:s8+$0x270] =	vst v0  }
0x1c: {  	[tilespmem:s8+$0x200] =	vst v0  }
0x1d: {  	[tilespmem:s8+$0x210] =	vst v0  }
.Ltmp0:
0x1e: {  	[tilespmem:s8+$0x220] =	vst v0;
	(pc) =	sbr.rel @p1 .LBB2_2-.Ltmp0, $4  }
0x1f: {  	[tilespmem:s8+$0x230] =	vst v0  }
0x20: {  	[tilespmem:s8+$0x240] =	vst v0  }
0x21: {  	[tilespmem:s8+$0x250] =	vst v0  }
0x22: {  	[tilespmem:s8+$0x260] =	vst v0;
	s8 =	sshra.s32 s9, $0x2;
	s9 =	sadd.s32 $0x200, s9  }
0x23: {  	[tilespmem:s8+$0x270] =	vst v0  }
0x24: {  	[tilespmem:s8+$0x200] =	vst v0  }
0x25: {  	[tilespmem:s8+$0x210] =	vst v0  }
0x26: {  	[tilespmem:s8+$0x220] =	vst v0  }
0x27: {  	[tilespmem:s8+$0x230] =	vst v0  }
0x28: {  	[tilespmem:s8+$0x240] =	vst v0  }
0x29: {  	[tilespmem:s8+$0x250] =	vst v0  }
0x2a: {  	[tilespmem:s8+$0x260] =	vst v0  }
0x2b: {  	[spmem:s5] =	stream.linear.scatter [tilespmem:s23], [sflag:$0x5], $0x3C00, $0x38;
	[tilespmem:$0x1BA80] =	vst v63  }
0x2c: {  	_ =	swait.ge [sflag:s24], $0x3C00  }
0x2d: {  	[sflag:s24] =	ssyncset.done $0x0  }
0x2e: {  	s10 =	rddreg [dreg:$0x4];
	[sflag:s24] =	ssyncadd.s32 $0xFFFFC400  }
0x2f: {  	[spmem:s10] =	stream.linear.scatter [tilespmem:s23], [sflag:$0x5], $0x3C00, $0x38;
	[tilespmem:$0x1BA80] =	vst v63  }
0x30: {  	_ =	swait.ge [sflag:s24], $0x3C00  }
0x31: {  	[sflag:s24] =	ssyncset.done $0x0  }
0x32: {  	s9 =	rddreg [dreg:$0x5];
	[sflag:s24] =	ssyncadd.s32 $0xFFFFC400  }
0x33: {  	[spmem:s9] =	stream.linear.scatter [tilespmem:s23], [sflag:$0x5], $0x3C00, $0x38;
	[tilespmem:$0x1BA80] =	vst v63  }
0x34: {  	_ =	swait.ge [sflag:s24], $0x3C00  }
0x35: {  	[sflag:s24] =	ssyncset.done $0x0  }
0x36: {  	s10 =	rddreg [dreg:$0x6];
	[sflag:s24] =	ssyncadd.s32 $0xFFFFC400  }
0x37: {  	[spmem:s10] =	stream.linear.scatter [tilespmem:s23], [sflag:$0x5], $0x3C00, $0x38;
	[tilespmem:$0x1BA80] =	vst v63  }
0x38: {  	_ =	swait.ge [sflag:s24], $0x3C00  }
0x39: {  	[sflag:s24] =	ssyncset.done $0x0  }
0x3a: {  	s9 =	rddreg [dreg:$0x7];
	[sflag:s24] =	ssyncadd.s32 $0xFFFFC400  }
0x3b: {  	[spmem:s9] =	stream.linear.scatter [tilespmem:s23], [sflag:$0x5], $0x3C00, $0x38;
	[tilespmem:$0x1BA80] =	vst v63  }
0x3c: {  	_ =	swait.ge [sflag:s24], $0x3C00  }
0x3d: {  	[sflag:s24] =	ssyncset.done $0x0  }
0x3e: {  	s10 =	rddreg [dreg:$0x8];
	[sflag:s24] =	ssyncadd.s32 $0xFFFFC400  }
0x3f: {  	[spmem:s10] =	stream.linear.scatter [tilespmem:s23], [sflag:$0x5], $0xC00, $0x38;
	[tilespmem:$0x1BA80] =	vst v63  }
0x40: {  	_ =	swait.ge [sflag:s24], $0xC00  }
0x41: {  	[sflag:s24] =	ssyncset.done $0x0  }
0x42: {  	s8 =	simm.s32 @!p0 $0x200;
	[sflag:s24] =	ssyncadd.s32 $0xFFFFF400  }
0x43: {  	[spmem:s11] =	stream.linear.scatter @!p0 [tilespmem:s8], [sflag:$0x5], $0x800, $0x38;
	[tilespmem:$0x1BA80] =	vst v63  }
0x44: {  	s8 =	simm.s32 @!p0 $0x5  }
0x45: {  	_ =	swait.ge @!p0 [sflag:s8], $0x800  }
0x46: {  	[sflag:s8] =	ssyncset.done @!p0 $0x0  }
0x47: {  	[sflag:s8] =	ssyncadd.s32 @!p0 $0xFFFFF800  }
0x48: {  	s9 =	simm.s32 $0x0;
	[bflag:$0x0] =	sbarrier.arrive $0xFFFF  }
0x49: {  	[tilespmem:s9], [sflag:$0x1] =	stream.linear.gather [hbm4b:s12+s9], $0x80, $0x38;
	[tilespmem:$0x1BA80] =	vst v63  }
0x4a: {  	_ = 	snop  }
0x4b: {  	[tilespmem:s25], [sflag:$0x1] =	stream.linear.gather [hbm4b:s13+s9], $0x80, $0x38;
	[tilespmem:$0x1BA80] =	vst v63  }
0x4c: {  	_ = 	snop  }
0x4d: {  	[tilespmem:s26], [sflag:$0x2] =	stream.linear.gather [hbm4b:s14+s9], $0x80, $0x38;
	[tilespmem:$0x1BA80] =	vst v63  }
0x4e: {  	_ = 	snop  }
0x4f: {  	[tilespmem:s28], [sflag:$0x2] =	stream.linear.gather [hbm4b:s15+s9], $0x80, $0x38;
	[tilespmem:$0x1BA80] =	vst v63  }
0x50: {  	_ =	swait.ge [sflag:s29], $0x80  }
0x51: {  	[sflag:s29] =	ssyncset.done $0x0  }
0x52: {  	[sflag:s29] =	ssyncadd.s32 $0xFFFFFF80  }
0x53: {  	_ =	swait.ge [sflag:s29], $0x80  }
0x54: {  	[sflag:s29] =	ssyncset.done $0x0  }
0x55: {  	[sflag:s29] =	ssyncadd.s32 $0xFFFFFF80  }
0x56: {  	[tilespmem:s23], [sflag:$0x3] =	stream.indirect.gather [hbm4b:s1+s30], $0x80, s9, s30, $0xb8;
	[tilespmem:$0x1BA80] =	vst v63  }
0x57: {  	_ =	swait.ge [sflag:s31], $0x3E80  }
0x58: {  	[sflag:s31] =	ssyncset.done $0x0  }
0x59: {  	[sflag:s31] =	ssyncadd.s32 $0xFFFFC180  }
0x5a: {  	_ =	swait.ge [sflag:s0], $0x80  }
0x5b: {  	[sflag:s0] =	ssyncset.done $0x0  }
0x5c: {  	[sflag:s0] =	ssyncadd.s32 $0xFFFFFF80  }
0x5d: {  	_ =	swait.ge [sflag:s0], $0x80  }
0x5e: {  	[sflag:s0] =	ssyncset.done $0x0  }
0x5f: {  	[sflag:s0] =	ssyncadd.s32 $0xFFFFFF80  }
0x60: {  	[tilespmem:s2], [sflag:$0x4] =	stream.indirect.gather [hbm4b:s1+s30], $0x80, s26, s30, $0xb8;
	[tilespmem:$0x1BA80] =	vst v63  }
0x61: {  	_ = 	snop  }
0x62: {  	[spmem:s3] =	stream.indirect.scatter.add.f32 [tilespmem:s23], [sflag:$0x5], $0x80, s25, s30, $0xb8;
	[tilespmem:$0x1BA80] =	vst v63  }
0x63: {  	_ =	swait.ge [sflag:s24], $0x3E80  }
0x64: {  	[sflag:s24] =	ssyncset.done $0x0  }
0x65: {  	s10 =	sadd.s32 $0x0, s22;
	[sflag:s24] =	ssyncadd.s32 $0xFFFFC180  }
0x66: {  	[tilespmem:s4], [sflag:$0x1] =	stream.linear.gather [hbm4b:s10+s4], $0x80, $0x38;
	[tilespmem:$0x1BA80] =	vst v63  }
0x67: {  	s9 =	sadd.s32 $0x0, s21  }
0x68: {  	[tilespmem:s25], [sflag:$0x1] =	stream.linear.gather [hbm4b:s9+s4], $0x80, $0x38;
	[tilespmem:$0x1BA80] =	vst v63  }
0x69: {  	_ =	swait.ge [sflag:s6], $0x3E80  }
0x6a: {  	[sflag:s6] =	ssyncset.done $0x0  }
0x6b: {  	[sflag:s6] =	ssyncadd.s32 $0xFFFFC180  }
0x6c: {  	_ =	swait.ge [sflag:s29], $0x80  }
0x6d: {  	[sflag:s29] =	ssyncset.done $0x0  }
0x6e: {  	[sflag:s29] =	ssyncadd.s32 $0xFFFFFF80  }
0x6f: {  	_ =	swait.ge [sflag:s29], $0x80  }
0x70: {  	[sflag:s29] =	ssyncset.done $0x0  }
0x71: {  	[sflag:s29] =	ssyncadd.s32 $0xFFFFFF80  }
0x72: {  	[tilespmem:s23], [sflag:$0x3] =	stream.indirect.gather [hbm4b:s1+s30], $0x80, s4, s30, $0xb8;
	[tilespmem:$0x1BA80] =	vst v63  }
0x73: {  	_ = 	snop  }
0x74: {  	[spmem:s3] =	stream.indirect.scatter.add.f32 [tilespmem:s2], [sflag:$0x5], $0x80, s28, s30, $0xb8;
	[tilespmem:$0x1BA80] =	vst v63  }
0x75: {  	_ =	swait.ge [sflag:s24], $0x3E80  }
0x76: {  	s8 =	simm.s32 $0x20;
	[sflag:s24] =	ssyncset.done $0x0  }
0x77: {  	s10 =	sadd.s32 $0x0, s20;
	s9 =	sadd.s32 $0x0, s19;
	[sflag:s24] =	ssyncadd.s32 $0xFFFFC180  }
0x78: {  	[tilespmem:s26], [sflag:$0x2] =	stream.linear.gather [hbm4b:s10+s4], $0x80, $0x38;
	[tilespmem:$0x1BA80] =	vst v63  }
.LBB2_4:
0x79: {  	[tilespmem:s28], [sflag:$0x2] =	stream.linear.gather [hbm4b:s9+s4], $0x80, $0x38;
	[tilespmem:$0x1BA80] =	vst v63  }
0x7a: {  	s9 =	smov.u32 s8  }
0x7b: {  	p1 =	sne.s32 s8, $0x4C0;
	s8 =	sadd.s32 $0x20, s8;
	_ =	swait.ge [sflag:s31], $0x3E80  }
0x7c: {  	[sflag:s31] =	ssyncset.done $0x0  }
0x7d: {  	[sflag:s31] =	ssyncadd.s32 $0xFFFFC180  }
0x7e: {  	_ =	swait.ge [sflag:s0], $0x80  }
0x7f: {  	[sflag:s0] =	ssyncset.done $0x0  }
0x80: {  	[sflag:s0] =	ssyncadd.s32 $0xFFFFFF80  }
0x81: {  	_ =	swait.ge [sflag:s0], $0x80  }
0x82: {  	[sflag:s0] =	ssyncset.done $0x0  }
0x83: {  	[sflag:s0] =	ssyncadd.s32 $0xFFFFFF80  }
0x84: {  	[tilespmem:s2], [sflag:$0x4] =	stream.indirect.gather [hbm4b:s1+s30], $0x80, s26, s30, $0xb8;
	[tilespmem:$0x1BA80] =	vst v63  }
0x85: {  	_ = 	snop  }
0x86: {  	[spmem:s3] =	stream.indirect.scatter.add.f32 [tilespmem:s23], [sflag:$0x5], $0x80, s25, s30, $0xb8;
	[tilespmem:$0x1BA80] =	vst v63  }
0x87: {  	_ =	swait.ge [sflag:s24], $0x3E80  }
0x88: {  	[sflag:s24] =	ssyncset.done $0x0  }
0x89: {  	s10 =	sadd.s32 s9, s22;
	[sflag:s24] =	ssyncadd.s32 $0xFFFFC180  }
0x8a: {  	[tilespmem:s4], [sflag:$0x1] =	stream.linear.gather [hbm4b:s10+s4], $0x80, $0x38;
	[tilespmem:$0x1BA80] =	vst v63  }
0x8b: {  	s10 =	sadd.s32 s9, s21  }
0x8c: {  	[tilespmem:s25], [sflag:$0x1] =	stream.linear.gather [hbm4b:s10+s4], $0x80, $0x38;
	[tilespmem:$0x1BA80] =	vst v63  }
0x8d: {  	_ =	swait.ge [sflag:s6], $0x3E80  }
0x8e: {  	[sflag:s6] =	ssyncset.done $0x0  }
0x8f: {  	[sflag:s6] =	ssyncadd.s32 $0xFFFFC180  }
0x90: {  	_ =	swait.ge [sflag:s29], $0x80  }
0x91: {  	[sflag:s29] =	ssyncset.done $0x0  }
0x92: {  	[sflag:s29] =	ssyncadd.s32 $0xFFFFFF80  }
0x93: {  	_ =	swait.ge [sflag:s29], $0x80  }
0x94: {  	[sflag:s29] =	ssyncset.done $0x0  }
0x95: {  	[sflag:s29] =	ssyncadd.s32 $0xFFFFFF80  }
0x96: {  	[tilespmem:s23], [sflag:$0x3] =	stream.indirect.gather [hbm4b:s1+s30], $0x80, s4, s30, $0xb8;
	[tilespmem:$0x1BA80] =	vst v63  }
0x97: {  	_ = 	snop  }
0x98: {  	[spmem:s3] =	stream.indirect.scatter.add.f32 [tilespmem:s2], [sflag:$0x5], $0x80, s28, s30, $0xb8;
	[tilespmem:$0x1BA80] =	vst v63  }
.Ltmp1:
0x99: {  	_ =	swait.ge [sflag:s24], $0x3E80;
	(pc) =	sbr.rel @p1 .LBB2_4-.Ltmp1, $4  }
0x9a: {  	[sflag:s24] =	ssyncset.done $0x0  }
0x9b: {  	s10 =	sadd.s32 s9, s20;
	[sflag:s24] =	ssyncadd.s32 $0xFFFFC180  }
0x9c: {  	[tilespmem:s26], [sflag:$0x2] =	stream.linear.gather [hbm4b:s10+s4], $0x80, $0x38;
	[tilespmem:$0x1BA80] =	vst v63  }
0x9d: {  	s9 =	sadd.s32 s9, s19  }
0x9e: {  	[tilespmem:s28], [sflag:$0x2] =	stream.linear.gather [hbm4b:s9+s4], $0x80, $0x38;
	[tilespmem:$0x1BA80] =	vst v63  }
0x9f: {  	_ =	swait.ge [sflag:s31], $0x3E80  }
0xa0: {  	[sflag:s31] =	ssyncset.done $0x0  }
0xa1: {  	[sflag:s31] =	ssyncadd.s32 $0xFFFFC180  }
0xa2: {  	_ =	swait.ge [sflag:s0], $0x80  }
0xa3: {  	[sflag:s0] =	ssyncset.done $0x0  }
0xa4: {  	[sflag:s0] =	ssyncadd.s32 $0xFFFFFF80  }
0xa5: {  	_ =	swait.ge [sflag:s0], $0x80  }
0xa6: {  	[sflag:s0] =	ssyncset.done $0x0  }
0xa7: {  	[sflag:s0] =	ssyncadd.s32 $0xFFFFFF80  }
0xa8: {  	[tilespmem:s2], [sflag:$0x4] =	stream.indirect.gather [hbm4b:s1+s30], $0x80, s26, s30, $0xb8;
	[tilespmem:$0x1BA80] =	vst v63  }
0xa9: {  	_ = 	snop  }
0xaa: {  	[spmem:s3] =	stream.indirect.scatter.add.f32 [tilespmem:s23], [sflag:$0x5], $0x80, s25, s30, $0xb8;
	[tilespmem:$0x1BA80] =	vst v63  }
0xab: {  	_ =	swait.ge [sflag:s24], $0x3E80  }
0xac: {  	[sflag:s24] =	ssyncset.done $0x0  }
0xad: {  	[sflag:s24] =	ssyncadd.s32 $0xFFFFC180  }
0xae: {  	_ =	swait.ge [sflag:s6], $0x3E80  }
0xaf: {  	[sflag:s6] =	ssyncset.done $0x0  }
0xb0: {  	[sflag:s6] =	ssyncadd.s32 $0xFFFFC180  }
0xb1: {  	[spmem:s3] =	stream.indirect.scatter.add.f32 [tilespmem:s2], [sflag:$0x5], $0x80, s28, s30, $0xb8;
	[tilespmem:$0x1BA80] =	vst v63  }
0xb2: {  	_ =	swait.ge [sflag:s24], $0x3E80  }
0xb3: {  	s8 =	stileid.u32;
	[sflag:s24] =	ssyncset.done $0x0  }
0xb4: {  	s8 =	sshll.u32 s8, $0x6;
	[sflag:s24] =	ssyncadd.s32 $0xFFFFC180  }
0xb5: {  	s10 =	sshrl.u32 s5, $0x3;
	s8 =	sor.u32 $0x1C05, s8;
	[bflag:$0x0] =	sbarrier.arrive $0xFFFF  }
0xb6: {  	[hbm:s16], [sflag:s8] =	dma.local [spmem:s10], $0x2700  }
0xb7: {  	_ =	swait.ge [sflag:s24], $0x2700  }
0xb8: {  	s7 =	sadd.s32 $0x1, s7;
	[sflag:s24] =	ssyncset.done $0x0  }
0xb9: {  	s9 =	sshrl.u32 @!p0 s11, $0x3;
	p1 =	sne.s32 s7, s18;
	[sflag:s24] =	ssyncadd.s32 $0xFFFFD900  }
0xba: {  	[hbm:s17], [sflag:s8] =	dma.local @!p0 [spmem:s9], $0x100  }
.Ltmp2:
0xbb: {  	_ = 	snop;
	(pc) =	sbr.rel @p1 .LBB2_1-.Ltmp2, $4  }
0xbc: {  	s8 =	simm.s32 @!p0 $0x5  }
0xbd: {  	_ =	swait.ge @!p0 [sflag:s8], $0x100  }
0xbe: {  	[sflag:s8] =	ssyncset.done @!p0 $0x0  }
0xbf: {  	[sflag:s8] =	ssyncadd.s32 @!p0 $0xFFFFFF00  }
0xc0: {  	_ =	sfence.sel $0x180000  }
0xc1: {  	[bflag:$0x0] =	sbarrier.arrive $0xFFFF  }
0xc2: {  	_ =	strace $0x90000050  }
0xc3: {  	s0 =	stileid.u32;
	[bflag:$0x2] =	sbarrier.arrive $0xFFFF  }
0xc4: {  	p0 =	sne.s32 s0, $0x0;
	s0 =	rddreg [dreg:$0x3]  }
0xc5: {  	s0 =	sadd.s32 @!p0 $0x100000, s0  }
0xc6: {  	[sflag:s0] =	ssyncadd.tile.s32 @!p0 $0x1;
	_ =	shalt  }
.Lfunc_end2:
_tile_overlayer_lowered:
.L_overlay_start_2:
0xc7: {  	(tag) =	ssettag $0x2  }
0xc8: {  	s0 =	rddreg [dreg:$0x0];
	s2 =	stileid.u32  }
0xc9: {  	s1 =	rddreg [dreg:$0x1];
	p0 =	sne.s32 s2, $0x0  }
0xca: {  	s3 =	rddreg [dreg:$0x2];
	[bflag:$0x3] =	sbarrier.arrive $0xFFFF;
	s2 =	simm.s32 @!p0 $0x1C05  }
0xcb: {  	[timem:s3], [sflag:s2] =	dma.local @!p0 [hbm:s0], s1  }
0xcc: {  	s0 =	simm.s32 @!p0 $0x5  }
0xcd: {  	_ =	swait.ge @!p0 [sflag:s0], s1  }
0xce: {  	s1 =	ssub.s32 @!p0 $0x0, s1;
	[sflag:s0] =	ssyncset.done @!p0 $0x0  }
0xcf: {  	[sflag:s0] =	ssyncadd.s32 @!p0 s1  }
0xd0: {  	[bflag:$0x3] =	sbarrier.arrive $0xFFFF  }
0xd1: {  	_ =	shalt  }

</sc_bundles>
